<compile_context>
chip_gen: v7x
topology: tpu7x:2x2x1
jax: 0.10.2.dev20260603
libtpu: 0.0.44.dev20260713+nightly
codegen_flags: <defaults>
</compile_context>

<pallas_src>
import jax
import jax.numpy as jnp
from jax import lax
from jax.experimental import pallas as pl
from jax.experimental.pallas import tpu as pltpu
from jax.experimental.pallas import tpu_sc as plsc

N = 10000
NP = 10240
E = 320000
CH = 64
NSUB = 16
CPT = 316
CHB = 64
CPWB = 158
EP = NSUB * CPT * CH
W = 128
STRIPE = NP // NSUB
F32 = jnp.float32
I32 = jnp.int32


def _k1_body(x_ref, wp_ref, we_ref, tt_ref):
    i = pl.program_id(0)
    xb = x_ref[...]
    tp = jnp.dot(xb, wp_ref[...], preferred_element_type=F32)
    te = jnp.dot(xb, we_ref[...], preferred_element_type=F32)
    nrows = xb.shape[0]
    t0 = jnp.concatenate([tp[:, :112], jnp.zeros((nrows, 16), F32)], axis=1)
    t1 = jnp.concatenate(
        [tp[:, 112:], te, jnp.ones((nrows, 1), F32),
         jnp.zeros((nrows, 47), F32)], axis=1)
    tt_ref[...] = jnp.where(i < NP // 1280, t0, t1)


def _build_tables(xp, w1p_w, w1e_w):
    blk = 1280
    nb = NP // blk
    return pl.pallas_call(
        _k1_body,
        grid=(2 * nb,),
        in_specs=[
            pl.BlockSpec((blk, 5), lambda i: (lax.rem(i, nb), 0)),
            pl.BlockSpec((5, 128), lambda i: (0, 0)),
            pl.BlockSpec((5, 64), lambda i: (0, 0)),
        ],
        out_specs=[
            pl.BlockSpec((blk, W), lambda i: (i, 0)),
        ],
        out_shape=[
            jax.ShapeDtypeStruct((2 * NP, W), F32),
        ],
    )(xp, w1p_w, w1e_w)


DCOL = 112


def _sca_body(tt, sd3, wmat, agg0_o, agg1_o,
              acc, rows_a, rows_b, sdv_a, sdv_b, wrow, wfull,
              sem_a, sem_b):
    c = lax.axis_index("c")
    s = lax.axis_index("s")
    zf = jnp.zeros((16,), F32)
    coff = c * NP

    def _zero_row(r, _):
        for j in range(W // 16):
            rows_a[r, pl.ds(j * 16, 16)] = zf
            wfull[r, pl.ds(j * 16, 16)] = zf
        return 0
    lax.fori_loop(0, CH, _zero_row, 0)

    def _zero_acc(j, _):
        r0 = s * STRIPE + j * CH
        pltpu.sync_copy(rows_a, acc.at[pl.ds(r0, CH)])
        return 0
    lax.fori_loop(0, STRIPE // CH, _zero_acc, 0)
    plsc.subcore_barrier()

    def _prep_fire(sdv, rows, sem, g):
        gidx = s * CPT + g
        pltpu.sync_copy(sd3.at[gidx], sdv)

        deg_mine = jnp.logical_xor(g >= CPT // 2, c == 0)

        @pl.when(deg_mine)
        def _deg():
            pltpu.sync_copy(wmat.at[pl.ds(gidx * CH, CH)], wrow)

            def _exp(r, _):
                for u in range(4):
                    wfull[r * 4 + u, pl.ds(DCOL, 16)] = wrow[r * 4 + u, :]
                return 0
            lax.fori_loop(0, CH // 4, _exp, 0)
            pltpu.sync_copy(wfull, acc.at[sdv.at[2]], add=True)

        for j in range(CH // 16):
            v = sdv[0, pl.ds(j * 16, 16)]
            sdv[0, pl.ds(j * 16, 16)] = v + coff
        pltpu.async_copy(tt.at[sdv.at[0]], rows, sem)

    def _finish(sdv, rows, sem):
        pltpu.make_async_copy(tt.at[sdv.at[0]], rows, sem).wait()
        pltpu.sync_copy(rows, acc.at[sdv.at[1]], add=True)

    _prep_fire(sdv_a, rows_a, sem_a, 0)

    def _blk(h, _):
        _prep_fire(sdv_b, rows_b, sem_b, 2 * h + 1)
        _finish(sdv_a, rows_a, sem_a)

        @pl.when(h + 1 < CPT // 2)
        def _next():
            _prep_fire(sdv_a, rows_a, sem_a, 2 * h + 2)

        _finish(sdv_b, rows_b, sem_b)
        return 0
    lax.fori_loop(0, CPT // 2, _blk, 0)
    plsc.subcore_barrier()

    def _flush(j, _):
        r0 = s * STRIPE + j * CH

        @pl.when(c == 0)
        def _f0():
            pltpu.sync_copy(acc.at[pl.ds(r0, CH)], agg0_o.at[pl.ds(r0, CH)])

        @pl.when(c == 1)
        def _f1():
            pltpu.sync_copy(acc.at[pl.ds(r0, CH)], agg1_o.at[pl.ds(r0, CH)])
        return 0
    lax.fori_loop(0, STRIPE // CH, _flush, 0)


def _run_sca(tt, sd3, wmat):
    mesh = plsc.VectorSubcoreMesh(core_axis_name="c", subcore_axis_name="s")
    f = pl.kernel(
        _sca_body, mesh=mesh,
        out_type=[
            jax.ShapeDtypeStruct((NP, W), F32),
            jax.ShapeDtypeStruct((NP, W), F32),
        ],
        scratch_types=[
            pltpu.VMEM_SHARED((NP, W), F32),
            pltpu.VMEM((CH, W), F32),
            pltpu.VMEM((CH, W), F32),
            pltpu.VMEM((3, CH), I32),
            pltpu.VMEM((3, CH), I32),
            pltpu.VMEM((CH, 16), F32),
            pltpu.VMEM((CH, W), F32),
            pltpu.SemaphoreType.DMA,
            pltpu.SemaphoreType.DMA,
        ],
    )
    return f(tt, sd3, wmat)


def _k2_body(a0_ref, a1_ref, x_ref, wpr_ref, bp_ref, wer_ref,
             be_ref, ds_ref, out_ref, ss_ref):
    i = pl.program_id(0)
    a0 = a0_ref[...]
    a1 = a1_ref[...]
    x = x_ref[...]
    cnt = a1[:, 80:81]
    deg = a0[:, DCOL:DCOL + 1] + a1[:, DCOL:DCOL + 1]
    cntc = jnp.maximum(cnt, 1.0)
    aggP = jnp.concatenate([a0[:, :112], a1[:, :16]], axis=1)
    mat_s = aggP / cntc + jnp.dot(x, wpr_ref[...], preferred_element_type=F32) \
        + bp_ref[...]
    m = jnp.max(mat_s, axis=1, keepdims=True)
    e = jnp.exp(mat_s - m)
    S = e / jnp.sum(e, axis=1, keepdims=True)
    mat_y = jnp.maximum(
        a1[:, 16:80] / cntc
        + jnp.dot(x, wer_ref[...], preferred_element_type=F32)
        + be_ref[...], 0.0)
    dinv = jnp.where(deg > 0.0, 1.0 / jnp.sqrt(jnp.maximum(deg, 1e-12)), 0.0)
    ds_ref[...] = dinv * S

    @pl.when(i == 0)
    def _init():
        out_ref[...] = jnp.zeros_like(out_ref)
        ss_ref[0, 0] = 0.0

    out_ref[...] += lax.dot_general(
        S, mat_y, (((0,), (0,)), ((), ())), preferred_element_type=F32)
    ss_ref[0, 0] += jnp.sum(S * S)


def _run_k2(agg0, agg1, xp, w1p_root, b1p, w1e_root, b1e):
    blk = 1000
    return pl.pallas_call(
        _k2_body,
        grid=(N // blk,),
        in_specs=[
            pl.BlockSpec((blk, W), lambda i: (i, 0)),
            pl.BlockSpec((blk, W), lambda i: (i, 0)),
            pl.BlockSpec((blk, 5), lambda i: (i, 0)),
            pl.BlockSpec((5, 128), lambda i: (0, 0)),
            pl.BlockSpec((1, 128), lambda i: (0, 0)),
            pl.BlockSpec((5, 64), lambda i: (0, 0)),
            pl.BlockSpec((1, 64), lambda i: (0, 0)),
        ],
        out_specs=[
            pl.BlockSpec((blk, 128), lambda i: (i, 0)),
            pl.BlockSpec((128, 64), lambda i: (0, 0)),
            pl.BlockSpec(memory_space=pltpu.SMEM),
        ],
        out_shape=[
            jax.ShapeDtypeStruct((NP, 128), F32),
            jax.ShapeDtypeStruct((128, 64), F32),
            jax.ShapeDtypeStruct((1, 1), F32),
        ],
    )(agg0, agg1, xp, w1p_root, b1p, w1e_root, b1e)


def _scb_body(ds, sd3, wmat, za_o, zb_o,
              zacc, rows_a, rows_b, sdv_a, sdv_b, wvm_a, wvm_b,
              sem_a, sem_b, ssem_a, ssem_b):
    c = lax.axis_index("c")
    s = lax.axis_index("s")
    zf = jnp.zeros((16,), F32)

    def _zero_row(r, _):
        for j in range(8):
            rows_a[r, pl.ds(j * 16, 16)] = zf
        return 0
    lax.fori_loop(0, CHB, _zero_row, 0)

    def _zero_acc(j, _):
        pltpu.sync_copy(rows_a, zacc.at[pl.ds(s * STRIPE + j * CHB, CHB)])
        return 0
    lax.fori_loop(0, STRIPE // CHB, _zero_acc, 0)
    plsc.subcore_barrier()

    wid = s * 2 + c

    def _prep_fire(sdv, wvm, rows, sem, gidx):
        pltpu.sync_copy(sd3.at[gidx], sdv)
        pltpu.sync_copy(wmat.at[pl.ds(gidx * CHB, CHB)], wvm)
        pltpu.async_copy(ds.at[sdv.at[1]], rows, sem)

    def _finish(sdv, wvm, rows, sem, ssem):
        pltpu.make_async_copy(ds.at[sdv.at[1]], rows, sem).wait()

        def _scale(t, _):
            for u in range(8):
                e = t * 8 + u
                spl = wvm[e, :]
                for k in range(8):
                    v = rows[e, pl.ds(k * 16, 16)]
                    rows[e, pl.ds(k * 16, 16)] = v * spl
            return 0
        lax.fori_loop(0, CHB // 8, _scale, 0)

        pltpu.async_copy(rows, zacc.at[sdv.at[0]], ssem, add=True)

    def _drain(sdv, rows, ssem):
        pltpu.make_async_copy(rows, zacc.at[sdv.at[0]], ssem).wait()

    g00 = wid * CPWB
    _prep_fire(sdv_a, wvm_a, rows_a, sem_a, g00)

    def _blk(h, _):
        g0 = g00 + 2 * h

        @pl.when(h > 0)
        def _db():
            _drain(sdv_b, rows_b, ssem_b)

        _prep_fire(sdv_b, wvm_b, rows_b, sem_b, g0 + 1)
        _finish(sdv_a, wvm_a, rows_a, sem_a, ssem_a)
        _finish(sdv_b, wvm_b, rows_b, sem_b, ssem_b)

        @pl.when(h + 1 < CPWB // 2)
        def _next():
            _drain(sdv_a, rows_a, ssem_a)
            _prep_fire(sdv_a, wvm_a, rows_a, sem_a, g0 + 2)

        return 0
    lax.fori_loop(0, CPWB // 2, _blk, 0)
    _drain(sdv_a, rows_a, ssem_a)
    _drain(sdv_b, rows_b, ssem_b)
    plsc.subcore_barrier()

    def _flush(j, _):
        r0 = s * STRIPE + j * CH

        @pl.when(c == 0)
        def _f0():
            pltpu.sync_copy(zacc.at[pl.ds(r0, CH)], za_o.at[pl.ds(r0, CH)])

        @pl.when(c == 1)
        def _f1():
            pltpu.sync_copy(zacc.at[pl.ds(r0, CH)], zb_o.at[pl.ds(r0, CH)])
        return 0
    lax.fori_loop(0, STRIPE // CH, _flush, 0)


def _run_scb(ds, sd3, wmat):
    mesh = plsc.VectorSubcoreMesh(core_axis_name="c", subcore_axis_name="s")
    f = pl.kernel(
        _scb_body, mesh=mesh,
        out_type=[
            jax.ShapeDtypeStruct((NP, 128), F32),
            jax.ShapeDtypeStruct((NP, 128), F32),
        ],
        scratch_types=[
            pltpu.VMEM_SHARED((NP, 128), F32),
            pltpu.VMEM((CHB, 128), F32),
            pltpu.VMEM((CHB, 128), F32),
            pltpu.VMEM((3, CHB), I32),
            pltpu.VMEM((3, CHB), I32),
            pltpu.VMEM((CHB, 16), F32),
            pltpu.VMEM((CHB, 16), F32),
            pltpu.SemaphoreType.DMA,
            pltpu.SemaphoreType.DMA,
            pltpu.SemaphoreType.DMA,
            pltpu.SemaphoreType.DMA,
        ],
    )
    return f(ds, sd3, wmat)


def _k3_body(ds_ref, za_ref, zb_ref, out_ref, ss_ref,
             w2ew_ref, w2er_ref, b2e_ref, l1w_ref, l1b_ref, l2w_ref,
             l2b_ref, logp_ref, reg_ref):
    i = pl.program_id(0)
    ng = pl.num_programs(0)

    @pl.when(i == 0)
    def _init():
        reg_ref[0, 0] = 0.0

    reg_ref[0, 0] += jnp.sum(ds_ref[...] * (za_ref[...] + zb_ref[...]))

    @pl.when(i == ng - 1)
    def _final():
        reg_ref[0, 0] = (ss_ref[0, 0] - reg_ref[0, 0]) / float(N)
        o = out_ref[...]
        t = jnp.dot(o, w2ew_ref[...], preferred_element_type=F32)
        me = jnp.sum(t, axis=0, keepdims=True) / 128.0
        my2 = jnp.maximum(
            me + jnp.dot(o, w2er_ref[...], preferred_element_type=F32)
            + b2e_ref[...], 0.0)
        out2 = jnp.sum(my2, axis=0, keepdims=True)
        h = jnp.maximum(
            jnp.dot(out2, l1w_ref[...], preferred_element_type=F32)
            + l1b_ref[...], 0.0)
        lg = jnp.dot(h, l2w_ref[...], preferred_element_type=F32) \
            + l2b_ref[...]
        m = jnp.max(lg)
        logp_ref[...] = lg - (m + jnp.log(jnp.sum(jnp.exp(lg - m))))


def _run_k3(ds, za, zb, out128, ss, w2e_w, w2e_root, b2e,
            lin1_w, lin1_b, lin2_w, lin2_b):
    blk = 1000
    return pl.pallas_call(
        _k3_body,
        grid=(N // blk,),
        in_specs=[
            pl.BlockSpec((blk, 128), lambda i: (i, 0)),
            pl.BlockSpec((blk, 128), lambda i: (i, 0)),
            pl.BlockSpec((blk, 128), lambda i: (i, 0)),
            pl.BlockSpec((128, 64), lambda i: (0, 0)),
            pl.BlockSpec(memory_space=pltpu.SMEM),
            pl.BlockSpec((64, 64), lambda i: (0, 0)),
            pl.BlockSpec((64, 64), lambda i: (0, 0)),
            pl.BlockSpec((1, 64), lambda i: (0, 0)),
            pl.BlockSpec((64, 256), lambda i: (0, 0)),
            pl.BlockSpec((1, 256), lambda i: (0, 0)),
            pl.BlockSpec((256, 8), lambda i: (0, 0)),
            pl.BlockSpec((1, 8), lambda i: (0, 0)),
        ],
        out_specs=[
            pl.BlockSpec((1, 8), lambda i: (0, 0)),
            pl.BlockSpec(memory_space=pltpu.SMEM),
        ],
        out_shape=[
            jax.ShapeDtypeStruct((1, 8), F32),
            jax.ShapeDtypeStruct((1, 1), F32),
        ],
    )(ds, za, zb, out128, ss, w2e_w, w2e_root, b2e,
      lin1_w, lin1_b, lin2_w, lin2_b)


def kernel(x, edge_index, edge_wht,
           w1p_w, w1p_root, w1p_b, w1e_w, w1e_root, w1e_b,
           w2p_w, w2p_root, w2p_b, w2e_w, w2e_root, w2e_b,
           lin1_w, lin1_b, lin2_w, lin2_b):
    src = edge_index[0]
    dst = edge_index[1]
    w = edge_wht.reshape(-1)
    pad = EP - E
    spread = (N + (jnp.arange(pad, dtype=I32) % (NP - N))).astype(I32)
    srcp = jnp.concatenate([src.astype(I32), spread])
    dstp = jnp.concatenate([dst.astype(I32), spread])
    wp = jnp.concatenate([w, jnp.zeros((pad,), F32)])
    wmat = jnp.broadcast_to(wp[:, None], (EP, 16)) * jnp.ones((EP, 16), F32)
    srcb = srcp.reshape(-1, CHB)
    dstb = dstp.reshape(-1, CHB)
    sd3 = jnp.stack([srcb, dstb, srcb], axis=1)
    xp = jnp.pad(x, ((0, NP - N), (0, 0)))

    (tt,) = _build_tables(xp, w1p_w, w1e_w)
    agg0, agg1 = _run_sca(tt, sd3, wmat)
    ds, out128, ss = _run_k2(
        agg0, agg1, xp, w1p_root, w1p_b.reshape(1, 128),
        w1e_root, w1e_b.reshape(1, 64))
    za, zb = _run_scb(ds, sd3, wmat)
    logp, reg = _run_k3(
        ds, za, zb, out128, ss, w2e_w, w2e_root,
        w2e_b.reshape(1, 64), lin1_w, lin1_b.reshape(1, 256),
        lin2_w, lin2_b.reshape(1, 8))
    return (logp, reg.reshape(()))

# --- scband reference (transcript-rebuilt; emitter-appended) ---
"""Pipeline reference for scband-gcnet-18030272709117 (READ-ONLY COPY).

The authoritative reference and input builder live on the scoring server;
editing this copy changes nothing except your own understanding.
"""

import jax, jax.numpy as jnp
import numpy as np

N = 10000
E = 320000
FIN = 5
FOU1 = 64
CLUS = 128
FOU2 = 64
HLIN = 256
OUTP = 8


def _glorot(k, shape):
    s = (6.0 / (shape[0] + shape[-1])) ** 0.5
    return jax.random.uniform(k, shape, minval=-s, maxval=s, dtype=jnp.float32)


def setup_inputs(seed: int = 0):
    key = jax.random.key(seed)
    ks = jax.random.split(key, 16)
    inp = {}
    inp['x'] = jax.random.normal(ks[0], (N, FIN), dtype=jnp.float32)
    inp['edge_index'] = jax.random.randint(ks[1], (2, E), 0, N)
    inp['edge_wht'] = jax.random.uniform(ks[2], (E, 1), minval=0.1, maxval=1.0, dtype=jnp.float32)
    inp['w1p_w'] = _glorot(ks[3], (FIN, CLUS)); inp['w1p_root'] = _glorot(ks[4], (FIN, CLUS)); inp['w1p_b'] = jnp.zeros((CLUS,), jnp.float32)
    inp['w1e_w'] = _glorot(ks[5], (FIN, FOU1)); inp['w1e_root'] = _glorot(ks[6], (FIN, FOU1)); inp['w1e_b'] = jnp.zeros((FOU1,), jnp.float32)
    inp['w2p_w'] = _glorot(ks[7], (FOU1, 1)); inp['w2p_root'] = _glorot(ks[8], (FOU1, 1)); inp['w2p_b'] = jnp.zeros((1,), jnp.float32)
    inp['w2e_w'] = _glorot(ks[9], (FOU1, FOU2)); inp['w2e_root'] = _glorot(ks[10], (FOU1, FOU2)); inp['w2e_b'] = jnp.zeros((FOU2,), jnp.float32)
    inp['lin1_w'] = _glorot(ks[11], (FOU2, HLIN)); inp['lin1_b'] = jnp.zeros((HLIN,), jnp.float32)
    inp['lin2_w'] = _glorot(ks[12], (HLIN, OUTP)); inp['lin2_b'] = jnp.zeros((OUTP,), jnp.float32)
    return inp


def _spline_conv_k1(x, src, dst, W, Wroot, b, n):
    # SplineConv with kernel_size=1: B-spline basis is identically 1 for the single
    # kernel weight, so message = x_j @ W[0]; default aggr='mean'; root weight + bias.
    msg = (x @ W)[src]
    agg = jax.ops.segment_sum(msg, dst, num_segments=n)
    cnt = jax.ops.segment_sum(jnp.ones((src.shape[0],), msg.dtype), dst, num_segments=n)
    agg = agg / jnp.maximum(cnt, 1.0)[:, None]
    return agg + x @ Wroot + b


def _forward(edge_index, x, edge_wht,
             w1p_w, w1p_root, w1p_b, w1e_w, w1e_root, w1e_b,
             w2p_w, w2p_root, w2p_b, w2e_w, w2e_root, w2e_b,
             lin1_w, lin1_b, lin2_w, lin2_b):
    src = edge_index[0]
    dst = edge_index[1]
    w = edge_wht.reshape(-1)
    n = x.shape[0]
    # pros_data: pseudo coords from spectral domain (first 3 feature columns)
    domain = x[:, :3]
    pc = domain[src] - domain[dst]
    pc = pc / (2.0 * jnp.max(jnp.abs(pc))) + 0.5  # unused by kernel_size=1 basis but computed faithfully
    # normalized-laplacian degree terms (scipy csgraph.laplacian, normed=True)
    deg = jax.ops.segment_sum(w, src, num_segments=n)
    dinv = jnp.where(deg > 0, 1.0 / jnp.sqrt(jnp.maximum(deg, 1e-12)), 0.0)
    # first GC block
    mat_s = _spline_conv_k1(x, src, dst, w1p_w, w1p_root, w1p_b, n)
    mat_y = jax.nn.relu(_spline_conv_k1(x, src, dst, w1e_w, w1e_root, w1e_b, n))
    # learn_pool (notlast=1)
    S = jax.nn.softmax(mat_s, axis=-1)
    out = S.T @ mat_y
    AS = jax.ops.segment_sum(w[:, None] * S[dst], src, num_segments=n)   # sparse A @ S
    out_adj = S.T @ AS
    DS = dinv[:, None] * S
    LS = S - dinv[:, None] * jax.ops.segment_sum(w[:, None] * DS[dst], src, num_segments=n)  # L @ S
    reg1 = jnp.sum(S * LS) / n  # trace(S^T L S) / nds
    out_domain = S.T @ domain
    c = out_adj.shape[0]
    # dense_to_sparse of the (fully dense after softmax) pooled adjacency -> all pairs
    ii, jj = jnp.meshgrid(jnp.arange(c), jnp.arange(c), indexing='ij')
    idx0 = ii.reshape(-1)
    idx1 = jj.reshape(-1)
    val = out_adj.reshape(-1)
    opc = out_domain[idx0] - out_domain[idx1]
    opc = opc / (2.0 * jnp.max(jnp.abs(opc))) + 0.5
    # second GC block on pooled graph
    mat_s2 = _spline_conv_k1(out, idx0, idx1, w2p_w, w2p_root, w2p_b, c)
    mat_y2 = jax.nn.relu(_spline_conv_k1(out, idx0, idx1, w2e_w, w2e_root, w2e_b, c))
    # learn_pool (notlast=0)
    S2 = jax.nn.softmax(mat_s2, axis=-1)  # softmax over dim of size 1 -> ones (faithful)
    out2 = S2.T @ mat_y2  # [1, FOU2]
    h = jax.nn.relu(out2 @ lin1_w + lin1_b)
    h = h @ lin2_w + lin2_b
    logp = jax.nn.log_softmax(h[0], axis=-1)[None, :]
    return (logp, reg1)


def reference(x, edge_index, edge_wht,
              w1p_w, w1p_root, w1p_b, w1e_w, w1e_root, w1e_b,
              w2p_w, w2p_root, w2p_b, w2e_w, w2e_root, w2e_b,
              lin1_w, lin1_b, lin2_w, lin2_b):
    return _forward(edge_index, x, edge_wht,
                    w1p_w, w1p_root, w1p_b, w1e_w, w1e_root, w1e_b,
                    w2p_w, w2p_root, w2p_b, w2e_w, w2e_root, w2e_b,
                    lin1_w, lin1_b, lin2_w, lin2_b)

if __name__ == "__main__":
    import jax
    _d = setup_inputs()
    print(jax.jit(kernel)(*tuple(_d.values())))

</pallas_src>

<mosaic_0001>
#map = affine_map<(d0, d1) -> (0, 0)>
#map1 = affine_map<(d0, d1) -> (0, 0, 0)>
module attributes {stable_mosaic.version = 14 : i64} {
  func.func @_scb_body(%arg0: i32, %arg1: i32, %arg2: memref<10240x128xf32, #tpu.memory_space<hbm>>, %arg3: memref<5056x3x64xi32, #tpu.memory_space<hbm>>, %arg4: memref<323584x16xf32, #tpu.memory_space<hbm>>, %arg5: memref<10240x128xf32, #tpu.memory_space<hbm>>, %arg6: memref<10240x128xf32, #tpu.memory_space<hbm>>, %arg7: memref<10240x128xf32, #tpu.memory_space<vmem_shared>>, %arg8: memref<64x128xf32, #tpu.memory_space<vmem>>, %arg9: memref<64x128xf32, #tpu.memory_space<vmem>>, %arg10: memref<3x64xi32, #tpu.memory_space<vmem>>, %arg11: memref<3x64xi32, #tpu.memory_space<vmem>>, %arg12: memref<64x16xf32, #tpu.memory_space<vmem>>, %arg13: memref<64x16xf32, #tpu.memory_space<vmem>>, %arg14: memref<!tpu.dma_semaphore, #tpu.memory_space<semaphore_mem>>, %arg15: memref<!tpu.dma_semaphore, #tpu.memory_space<semaphore_mem>>, %arg16: memref<!tpu.dma_semaphore, #tpu.memory_space<semaphore_mem>>, %arg17: memref<!tpu.dma_semaphore, #tpu.memory_space<semaphore_mem>>) attributes {dimension_semantics = [#tpu.dimension_semantics<core_parallel>, #tpu.dimension_semantics<subcore_parallel>], iteration_bounds = array<i64: 2, 16>, scalar_prefetch = 0 : i64, scratch_operands = 11 : i64, tpu.core_type = #tpu.core_type<sc_vector_subcore>, window_params = [{transform_indices = #map}, {transform_indices = #map1}, {transform_indices = #map}, {transform_indices = #map}, {transform_indices = #map}]} {
    %broadcast_in_dim3A = arith.constant 0.000000e+00 : f32
    %broadcast_in_dim3A_0 = vector.broadcast %broadcast_in_dim3A : f32 to vector<16xf32>
    %scan3A = arith.constant 0 : i32
    %scan3A_1 = arith.constant 0 : i32
    %scan3A_2 = arith.constant 64 : i32
    %scan3A_3 = arith.addi %scan3A_1, %scan3A_2 : i32
    %scan3A_4 = arith.constant 1 : i32
    %scan3A_5 = scf.for %scan3A_53 = %scan3A_1 to %scan3A_3 step %scan3A_4 iter_args(%scan3A_54 = %scan3A) -> (i32)  : i32 {
      %swap3A = arith.index_cast %scan3A_53 : i32 to index
      %swap3A_55 = arith.constant 0 : index
      %swap3A_56 = tpu.vector_load %arg8[%swap3A, %swap3A_55] {strides = array<i32>} : memref<64x128xf32, #tpu.memory_space<vmem>>, vector<1x16xf32>,
      %swap3A_57 = vector.shape_cast %swap3A_56 : vector<1x16xf32> to vector<16xf32>
      %swap3A_58 = vector.shape_cast %broadcast_in_dim3A_0 : vector<16xf32> to vector<1x16xf32>
      tpu.vector_store %arg8[%swap3A, %swap3A_55], %swap3A_58 {strides = array<i32>} : memref<64x128xf32, #tpu.memory_space<vmem>>, vector<1x16xf32>,
      %swap3A_59 = arith.index_cast %scan3A_53 : i32 to index
      %swap3A_60 = arith.constant 16 : index
      %swap3A_61 = tpu.vector_load %arg8[%swap3A_59, %swap3A_60] {strides = array<i32>} : memref<64x128xf32, #tpu.memory_space<vmem>>, vector<1x16xf32>,
      %swap3A_62 = vector.shape_cast %swap3A_61 : vector<1x16xf32> to vector<16xf32>
      %swap3A_63 = vector.shape_cast %broadcast_in_dim3A_0 : vector<16xf32> to vector<1x16xf32>
      tpu.vector_store %arg8[%swap3A_59, %swap3A_60], %swap3A_63 {strides = array<i32>} : memref<64x128xf32, #tpu.memory_space<vmem>>, vector<1x16xf32>,
      %swap3A_64 = arith.index_cast %scan3A_53 : i32 to index
      %swap3A_65 = arith.constant 32 : index
      %swap3A_66 = tpu.vector_load %arg8[%swap3A_64, %swap3A_65] {strides = array<i32>} : memref<64x128xf32, #tpu.memory_space<vmem>>, vector<1x16xf32>,
      %swap3A_67 = vector.shape_cast %swap3A_66 : vector<1x16xf32> to vector<16xf32>
      %swap3A_68 = vector.shape_cast %broadcast_in_dim3A_0 : vector<16xf32> to vector<1x16xf32>
      tpu.vector_store %arg8[%swap3A_64, %swap3A_65], %swap3A_68 {strides = array<i32>} : memref<64x128xf32, #tpu.memory_space<vmem>>, vector<1x16xf32>,
      %swap3A_69 = arith.index_cast %scan3A_53 : i32 to index
      %swap3A_70 = arith.constant 48 : index
      %swap3A_71 = tpu.vector_load %arg8[%swap3A_69, %swap3A_70] {strides = array<i32>} : memref<64x128xf32, #tpu.memory_space<vmem>>, vector<1x16xf32>,
      %swap3A_72 = vector.shape_cast %swap3A_71 : vector<1x16xf32> to vector<16xf32>
      %swap3A_73 = vector.shape_cast %broadcast_in_dim3A_0 : vector<16xf32> to vector<1x16xf32>
      tpu.vector_store %arg8[%swap3A_69, %swap3A_70], %swap3A_73 {strides = array<i32>} : memref<64x128xf32, #tpu.memory_space<vmem>>, vector<1x16xf32>,
      %swap3A_74 = arith.index_cast %scan3A_53 : i32 to index
      %swap3A_75 = arith.constant 64 : index
      %swap3A_76 = tpu.vector_load %arg8[%swap3A_74, %swap3A_75] {strides = array<i32>} : memref<64x128xf32, #tpu.memory_space<vmem>>, vector<1x16xf32>,
      %swap3A_77 = vector.shape_cast %swap3A_76 : vector<1x16xf32> to vector<16xf32>
      %swap3A_78 = vector.shape_cast %broadcast_in_dim3A_0 : vector<16xf32> to vector<1x16xf32>
      tpu.vector_store %arg8[%swap3A_74, %swap3A_75], %swap3A_78 {strides = array<i32>} : memref<64x128xf32, #tpu.memory_space<vmem>>, vector<1x16xf32>,
      %swap3A_79 = arith.index_cast %scan3A_53 : i32 to index
      %swap3A_80 = arith.constant 80 : index
      %swap3A_81 = tpu.vector_load %arg8[%swap3A_79, %swap3A_80] {strides = array<i32>} : memref<64x128xf32, #tpu.memory_space<vmem>>, vector<1x16xf32>,
      %swap3A_82 = vector.shape_cast %swap3A_81 : vector<1x16xf32> to vector<16xf32>
      %swap3A_83 = vector.shape_cast %broadcast_in_dim3A_0 : vector<16xf32> to vector<1x16xf32>
      tpu.vector_store %arg8[%swap3A_79, %swap3A_80], %swap3A_83 {strides = array<i32>} : memref<64x128xf32, #tpu.memory_space<vmem>>, vector<1x16xf32>,
      %swap3A_84 = arith.index_cast %scan3A_53 : i32 to index
      %swap3A_85 = arith.constant 96 : index
      %swap3A_86 = tpu.vector_load %arg8[%swap3A_84, %swap3A_85] {strides = array<i32>} : memref<64x128xf32, #tpu.memory_space<vmem>>, vector<1x16xf32>,
      %swap3A_87 = vector.shape_cast %swap3A_86 : vector<1x16xf32> to vector<16xf32>
      %swap3A_88 = vector.shape_cast %broadcast_in_dim3A_0 : vector<16xf32> to vector<1x16xf32>
      tpu.vector_store %arg8[%swap3A_84, %swap3A_85], %swap3A_88 {strides = array<i32>} : memref<64x128xf32, #tpu.memory_space<vmem>>, vector<1x16xf32>,
      %swap3A_89 = arith.index_cast %scan3A_53 : i32 to index
      %swap3A_90 = arith.constant 112 : index
      %swap3A_91 = tpu.vector_load %arg8[%swap3A_89, %swap3A_90] {strides = array<i32>} : memref<64x128xf32, #tpu.memory_space<vmem>>, vector<1x16xf32>,
      %swap3A_92 = vector.shape_cast %swap3A_91 : vector<1x16xf32> to vector<16xf32>
      %swap3A_93 = vector.shape_cast %broadcast_in_dim3A_0 : vector<16xf32> to vector<1x16xf32>
      tpu.vector_store %arg8[%swap3A_89, %swap3A_90], %swap3A_93 {strides = array<i32>} : memref<64x128xf32, #tpu.memory_space<vmem>>, vector<1x16xf32>,
      %scan3A_94 = arith.constant 0 : i32
      scf.yield %scan3A_94 : i32
    }
    %scan3A_6 = arith.constant 64 : i32
    %scan3A_7 = arith.constant 0 : i32
    %scan3A_8 = arith.constant 0 : i32
    %scan3A_9 = arith.constant 10 : i32
    %scan3A_10 = arith.addi %scan3A_8, %scan3A_9 : i32
    %scan3A_11 = arith.constant 1 : i32
    %scan3A_12 = scf.for %scan3A_53 = %scan3A_8 to %scan3A_10 step %scan3A_11 iter_args(%scan3A_54 = %scan3A_7) -> (i32)  : i32 {
      %mul3A_55 = arith.constant 640 : i32
      %mul3A_56 = arith.muli %arg1, %mul3A_55 : i32
      %mul3A_57 = arith.constant 64 : i32
      %mul3A_58 = arith.muli %scan3A_53, %mul3A_57 : i32
      %add3A_59 = arith.addi %mul3A_56, %mul3A_58 : i32
      "tpu.region"() ({
        %run_scoped3A = tpu.sem_alloc : memref<!tpu.dma_semaphore, #tpu.memory_space<semaphore_mem>>
        %dma_start3A_61 = arith.constant 0 : i32
        %dma_start3A_62 = tpu.memref_slice %arg7[%add3A_59, %dma_start3A_61] : memref<10240x128xf32, #tpu.memory_space<vmem_shared>> -> memref<64x128xf32, #tpu.memory_space<vmem_shared>>
        %dma_start3A_63 = arith.constant 0 : i32
        %dma_start3A_64 = tpu.memref_slice %arg7[%add3A_59, %dma_start3A_63] : memref<10240x128xf32, #tpu.memory_space<vmem_shared>> -> memref<64x128xf32, #tpu.memory_space<vmem_shared>>
        tpu.enqueue_dma source(%arg8 : memref<64x128xf32, #tpu.memory_space<vmem>>) target(%dma_start3A_64 : memref<64x128xf32, #tpu.memory_space<vmem_shared>>) target_semaphore(%run_scoped3A : memref<!tpu.dma_semaphore, #tpu.memory_space<semaphore_mem>>)
        %dma_wait3A_65 = arith.constant 0 : i32
        %dma_wait3A_66 = tpu.memref_slice %arg7[%add3A_59, %dma_wait3A_65] : memref<10240x128xf32, #tpu.memory_space<vmem_shared>> -> memref<64x128xf32, #tpu.memory_space<vmem_shared>>
        %dma_wait3A_67 = arith.constant 0 : i32
        %dma_wait3A_68 = tpu.memref_slice %arg7[%add3A_59, %dma_wait3A_67] : memref<10240x128xf32, #tpu.memory_space<vmem_shared>> -> memref<64x128xf32, #tpu.memory_space<vmem_shared>>
        tpu.wait_dma2 semaphore(%run_scoped3A : memref<!tpu.dma_semaphore, #tpu.memory_space<semaphore_mem>>) src(%arg8 : memref<64x128xf32, #tpu.memory_space<vmem>>) dst(%dma_wait3A_68 : memref<64x128xf32, #tpu.memory_space<vmem_shared>>)
        tpu.yield
      }) : () -> ()
      %scan3A_60 = arith.constant 0 : i32
      scf.yield %scan3A_60 : i32
    }
    %scan3A_13 = arith.constant 10 : i32
    %barrier3A = arith.constant 0 : index
    tpu.barrier barrier_id(%barrier3A)
    %mul3A = arith.constant 2 : i32
    %mul3A_14 = arith.muli %arg1, %mul3A : i32
    %add3A = arith.addi %mul3A_14, %arg0 : i32
    %mul3A_15 = arith.constant 158 : i32
    %mul3A_16 = arith.muli %add3A, %mul3A_15 : i32
    "tpu.region"() ({
      %run_scoped3A = tpu.sem_alloc : memref<!tpu.dma_semaphore, #tpu.memory_space<semaphore_mem>>
      %dma_start3A_53 = arith.constant 0 : i32
      %dma_start3A_54 = arith.constant 0 : i32
      %dma_start3A_55 = tpu.memref_slice %arg3[%mul3A_16, %dma_start3A_53, %dma_start3A_54] : memref<5056x3x64xi32, #tpu.memory_space<hbm>> -> memref<1x3x64xi32, #tpu.memory_space<hbm>>
      %dma_start3A_56 = tpu.memref_squeeze %dma_start3A_55 : memref<1x3x64xi32, #tpu.memory_space<hbm>> -> memref<3x64xi32, #tpu.memory_space<hbm>>
      %dma_start3A_57 = arith.constant 0 : i32
      %dma_start3A_58 = arith.constant 0 : i32
      %dma_start3A_59 = tpu.memref_slice %arg3[%mul3A_16, %dma_start3A_57, %dma_start3A_58] : memref<5056x3x64xi32, #tpu.memory_space<hbm>> -> memref<1x3x64xi32, #tpu.memory_space<hbm>>
      %dma_start3A_60 = tpu.memref_squeeze %dma_start3A_59 : memref<1x3x64xi32, #tpu.memory_space<hbm>> -> memref<3x64xi32, #tpu.memory_space<hbm>>
      tpu.enqueue_dma source(%dma_start3A_60 : memref<3x64xi32, #tpu.memory_space<hbm>>) target(%arg10 : memref<3x64xi32, #tpu.memory_space<vmem>>) target_semaphore(%run_scoped3A : memref<!tpu.dma_semaphore, #tpu.memory_space<semaphore_mem>>)
      %dma_wait3A_61 = arith.constant 0 : i32
      %dma_wait3A_62 = arith.constant 0 : i32
      %dma_wait3A_63 = tpu.memref_slice %arg3[%mul3A_16, %dma_wait3A_61, %dma_wait3A_62] : memref<5056x3x64xi32, #tpu.memory_space<hbm>> -> memref<1x3x64xi32, #tpu.memory_space<hbm>>
      %dma_wait3A_64 = tpu.memref_squeeze %dma_wait3A_63 : memref<1x3x64xi32, #tpu.memory_space<hbm>> -> memref<3x64xi32, #tpu.memory_space<hbm>>
      %dma_wait3A_65 = arith.constant 0 : i32
      %dma_wait3A_66 = arith.constant 0 : i32
      %dma_wait3A_67 = tpu.memref_slice %arg3[%mul3A_16, %dma_wait3A_65, %dma_wait3A_66] : memref<5056x3x64xi32, #tpu.memory_space<hbm>> -> memref<1x3x64xi32, #tpu.memory_space<hbm>>
      %dma_wait3A_68 = tpu.memref_squeeze %dma_wait3A_67 : memref<1x3x64xi32, #tpu.memory_space<hbm>> -> memref<3x64xi32, #tpu.memory_space<hbm>>
      tpu.wait_dma2 semaphore(%run_scoped3A : memref<!tpu.dma_semaphore, #tpu.memory_space<semaphore_mem>>) src(%dma_wait3A_68 : memref<3x64xi32, #tpu.memory_space<hbm>>) dst(%arg10 : memref<3x64xi32, #tpu.memory_space<vmem>>)
      tpu.yield
    }) : () -> ()
    %mul3A_17 = arith.constant 64 : i32
    %mul3A_18 = arith.muli %mul3A_16, %mul3A_17 : i32
    "tpu.region"() ({
      %run_scoped3A = tpu.sem_alloc : memref<!tpu.dma_semaphore, #tpu.memory_space<semaphore_mem>>
      %dma_start3A_53 = arith.constant 0 : i32
      %dma_start3A_54 = tpu.memref_slice %arg4[%mul3A_18, %dma_start3A_53] : memref<323584x16xf32, #tpu.memory_space<hbm>> -> memref<64x16xf32, #tpu.memory_space<hbm>>
      %dma_start3A_55 = arith.constant 0 : i32
      %dma_start3A_56 = tpu.memref_slice %arg4[%mul3A_18, %dma_start3A_55] : memref<323584x16xf32, #tpu.memory_space<hbm>> -> memref<64x16xf32, #tpu.memory_space<hbm>>
      tpu.enqueue_dma source(%dma_start3A_56 : memref<64x16xf32, #tpu.memory_space<hbm>>) target(%arg12 : memref<64x16xf32, #tpu.memory_space<vmem>>) target_semaphore(%run_scoped3A : memref<!tpu.dma_semaphore, #tpu.memory_space<semaphore_mem>>)
      %dma_wait3A_57 = arith.constant 0 : i32
      %dma_wait3A_58 = tpu.memref_slice %arg4[%mul3A_18, %dma_wait3A_57] : memref<323584x16xf32, #tpu.memory_space<hbm>> -> memref<64x16xf32, #tpu.memory_space<hbm>>
      %dma_wait3A_59 = arith.constant 0 : i32
      %dma_wait3A_60 = tpu.memref_slice %arg4[%mul3A_18, %dma_wait3A_59] : memref<323584x16xf32, #tpu.memory_space<hbm>> -> memref<64x16xf32, #tpu.memory_space<hbm>>
      tpu.wait_dma2 semaphore(%run_scoped3A : memref<!tpu.dma_semaphore, #tpu.memory_space<semaphore_mem>>) src(%dma_wait3A_60 : memref<64x16xf32, #tpu.memory_space<hbm>>) dst(%arg12 : memref<64x16xf32, #tpu.memory_space<vmem>>)
      tpu.yield
    }) : () -> ()
    %dma_start3A = arith.constant 1 : i32
    %dma_start3A_19 = arith.constant 0 : i32
    %dma_start3A_20 = tpu.memref_slice %arg10[%dma_start3A, %dma_start3A_19] : memref<3x64xi32, #tpu.memory_space<vmem>> -> memref<1x64xi32, #tpu.memory_space<vmem>>
    %dma_start3A_21 = tpu.memref_squeeze %dma_start3A_20 : memref<1x64xi32, #tpu.memory_space<vmem>> -> memref<64xi32, #tpu.memory_space<vmem>>
    %dma_start3A_22 = arith.constant 0 : i32
    %dma_start3A_23 = arith.constant 0 : i32
    %dma_start3A_24 = tpu.memref_slice %arg2[%dma_start3A_22, %dma_start3A_23] : memref<10240x128xf32, #tpu.memory_space<hbm>> -> memref<10240x128xf32, #tpu.memory_space<hbm>>
    tpu.enqueue_indirect_dma source(%dma_start3A_24 : memref<10240x128xf32, #tpu.memory_space<hbm>>) target(%arg8 : memref<64x128xf32, #tpu.memory_space<vmem>>) offsets(%dma_start3A_21 : memref<64xi32, #tpu.memory_space<vmem>>) semaphore(%arg14 : memref<!tpu.dma_semaphore, #tpu.memory_space<semaphore_mem>>)
    %scan3A_25 = arith.constant 0 : i32
    %scan3A_26 = arith.constant 0 : i32
    %scan3A_27 = arith.constant 79 : i32
    %scan3A_28 = arith.addi %scan3A_26, %scan3A_27 : i32
    %scan3A_29 = arith.constant 1 : i32
    %scan3A_30 = scf.for %scan3A_53 = %scan3A_26 to %scan3A_28 step %scan3A_29 iter_args(%scan3A_54 = %scan3A_25) -> (i32)  : i32 {
      %mul3A_55 = arith.constant 2 : i32
      %mul3A_56 = arith.muli %mul3A_55, %scan3A_53 : i32
      %add3A_57 = arith.addi %mul3A_16, %mul3A_56 : i32
      %gt3A = arith.constant 0 : i32
      %gt3A_58 = arith.cmpi sgt, %scan3A_53, %gt3A : i32
      %convert_element_type3A = arith.extui %gt3A_58 : i1 to i32
      %cond3A = arith.constant 0 : i32
      %cond3A_59 = arith.cmpi ne, %convert_element_type3A, %cond3A : i32
      scf.if %cond3A_59 {
        %dma_wait3A_120 = arith.constant 0 : i32
        %dma_wait3A_121 = arith.constant 0 : i32
        %dma_wait3A_122 = tpu.memref_slice %arg11[%dma_wait3A_120, %dma_wait3A_121] : memref<3x64xi32, #tpu.memory_space<vmem>> -> memref<1x64xi32, #tpu.memory_space<vmem>>
        %dma_wait3A_123 = tpu.memref_squeeze %dma_wait3A_122 : memref<1x64xi32, #tpu.memory_space<vmem>> -> memref<64xi32, #tpu.memory_space<vmem>>
        %dma_wait3A_124 = arith.constant 0 : i32
        %dma_wait3A_125 = arith.constant 0 : i32
        %dma_wait3A_126 = tpu.memref_slice %arg7[%dma_wait3A_124, %dma_wait3A_125] : memref<10240x128xf32, #tpu.memory_space<vmem_shared>> -> memref<10240x128xf32, #tpu.memory_space<vmem_shared>>
        tpu.wait_indirect_dma semaphore(%arg17 : memref<!tpu.dma_semaphore, #tpu.memory_space<semaphore_mem>>) src(%arg9 : memref<64x128xf32, #tpu.memory_space<vmem>>) dst(%dma_wait3A_126 : memref<10240x128xf32, #tpu.memory_space<vmem_shared>>)
      } else {
      }
      %add3A_60 = arith.constant 1 : i32
      %add3A_61 = arith.addi %add3A_57, %add3A_60 : i32
      "tpu.region"() ({
        %run_scoped3A = tpu.sem_alloc : memref<!tpu.dma_semaphore, #tpu.memory_space<semaphore_mem>>
        %dma_start3A_120 = arith.constant 0 : i32
        %dma_start3A_121 = arith.constant 0 : i32
        %dma_start3A_122 = tpu.memref_slice %arg3[%add3A_61, %dma_start3A_120, %dma_start3A_121] : memref<5056x3x64xi32, #tpu.memory_space<hbm>> -> memref<1x3x64xi32, #tpu.memory_space<hbm>>
        %dma_start3A_123 = tpu.memref_squeeze %dma_start3A_122 : memref<1x3x64xi32, #tpu.memory_space<hbm>> -> memref<3x64xi32, #tpu.memory_space<hbm>>
        %dma_start3A_124 = arith.constant 0 : i32
        %dma_start3A_125 = arith.constant 0 : i32
        %dma_start3A_126 = tpu.memref_slice %arg3[%add3A_61, %dma_start3A_124, %dma_start3A_125] : memref<5056x3x64xi32, #tpu.memory_space<hbm>> -> memref<1x3x64xi32, #tpu.memory_space<hbm>>
        %dma_start3A_127 = tpu.memref_squeeze %dma_start3A_126 : memref<1x3x64xi32, #tpu.memory_space<hbm>> -> memref<3x64xi32, #tpu.memory_space<hbm>>
        tpu.enqueue_dma source(%dma_start3A_127 : memref<3x64xi32, #tpu.memory_space<hbm>>) target(%arg11 : memref<3x64xi32, #tpu.memory_space<vmem>>) target_semaphore(%run_scoped3A : memref<!tpu.dma_semaphore, #tpu.memory_space<semaphore_mem>>)
        %dma_wait3A_128 = arith.constant 0 : i32
        %dma_wait3A_129 = arith.constant 0 : i32
        %dma_wait3A_130 = tpu.memref_slice %arg3[%add3A_61, %dma_wait3A_128, %dma_wait3A_129] : memref<5056x3x64xi32, #tpu.memory_space<hbm>> -> memref<1x3x64xi32, #tpu.memory_space<hbm>>
        %dma_wait3A_131 = tpu.memref_squeeze %dma_wait3A_130 : memref<1x3x64xi32, #tpu.memory_space<hbm>> -> memref<3x64xi32, #tpu.memory_space<hbm>>
        %dma_wait3A_132 = arith.constant 0 : i32
        %dma_wait3A_133 = arith.constant 0 : i32
        %dma_wait3A_134 = tpu.memref_slice %arg3[%add3A_61, %dma_wait3A_132, %dma_wait3A_133] : memref<5056x3x64xi32, #tpu.memory_space<hbm>> -> memref<1x3x64xi32, #tpu.memory_space<hbm>>
        %dma_wait3A_135 = tpu.memref_squeeze %dma_wait3A_134 : memref<1x3x64xi32, #tpu.memory_space<hbm>> -> memref<3x64xi32, #tpu.memory_space<hbm>>
        tpu.wait_dma2 semaphore(%run_scoped3A : memref<!tpu.dma_semaphore, #tpu.memory_space<semaphore_mem>>) src(%dma_wait3A_135 : memref<3x64xi32, #tpu.memory_space<hbm>>) dst(%arg11 : memref<3x64xi32, #tpu.memory_space<vmem>>)
        tpu.yield
      }) : () -> ()
      %mul3A_62 = arith.constant 64 : i32
      %mul3A_63 = arith.muli %add3A_61, %mul3A_62 : i32
      "tpu.region"() ({
        %run_scoped3A = tpu.sem_alloc : memref<!tpu.dma_semaphore, #tpu.memory_space<semaphore_mem>>
        %dma_start3A_120 = arith.constant 0 : i32
        %dma_start3A_121 = tpu.memref_slice %arg4[%mul3A_63, %dma_start3A_120] : memref<323584x16xf32, #tpu.memory_space<hbm>> -> memref<64x16xf32, #tpu.memory_space<hbm>>
        %dma_start3A_122 = arith.constant 0 : i32
        %dma_start3A_123 = tpu.memref_slice %arg4[%mul3A_63, %dma_start3A_122] : memref<323584x16xf32, #tpu.memory_space<hbm>> -> memref<64x16xf32, #tpu.memory_space<hbm>>
        tpu.enqueue_dma source(%dma_start3A_123 : memref<64x16xf32, #tpu.memory_space<hbm>>) target(%arg13 : memref<64x16xf32, #tpu.memory_space<vmem>>) target_semaphore(%run_scoped3A : memref<!tpu.dma_semaphore, #tpu.memory_space<semaphore_mem>>)
        %dma_wait3A_124 = arith.constant 0 : i32
        %dma_wait3A_125 = tpu.memref_slice %arg4[%mul3A_63, %dma_wait3A_124] : memref<323584x16xf32, #tpu.memory_space<hbm>> -> memref<64x16xf32, #tpu.memory_space<hbm>>
        %dma_wait3A_126 = arith.constant 0 : i32
        %dma_wait3A_127 = tpu.memref_slice %arg4[%mul3A_63, %dma_wait3A_126] : memref<323584x16xf32, #tpu.memory_space<hbm>> -> memref<64x16xf32, #tpu.memory_space<hbm>>
        tpu.wait_dma2 semaphore(%run_scoped3A : memref<!tpu.dma_semaphore, #tpu.memory_space<semaphore_mem>>) src(%dma_wait3A_127 : memref<64x16xf32, #tpu.memory_space<hbm>>) dst(%arg13 : memref<64x16xf32, #tpu.memory_space<vmem>>)
        tpu.yield
      }) : () -> ()
      %dma_start3A_64 = arith.constant 1 : i32
      %dma_start3A_65 = arith.constant 0 : i32
      %dma_start3A_66 = tpu.memref_slice %arg11[%dma_start3A_64, %dma_start3A_65] : memref<3x64xi32, #tpu.memory_space<vmem>> -> memref<1x64xi32, #tpu.memory_space<vmem>>
      %dma_start3A_67 = tpu.memref_squeeze %dma_start3A_66 : memref<1x64xi32, #tpu.memory_space<vmem>> -> memref<64xi32, #tpu.memory_space<vmem>>
      %dma_start3A_68 = arith.constant 0 : i32
      %dma_start3A_69 = arith.constant 0 : i32
      %dma_start3A_70 = tpu.memref_slice %arg2[%dma_start3A_68, %dma_start3A_69] : memref<10240x128xf32, #tpu.memory_space<hbm>> -> memref<10240x128xf32, #tpu.memory_space<hbm>>
      tpu.enqueue_indirect_dma source(%dma_start3A_70 : memref<10240x128xf32, #tpu.memory_space<hbm>>) target(%arg9 : memref<64x128xf32, #tpu.memory_space<vmem>>) offsets(%dma_start3A_67 : memref<64xi32, #tpu.memory_space<vmem>>) semaphore(%arg15 : memref<!tpu.dma_semaphore, #tpu.memory_space<semaphore_mem>>)
      %dma_wait3A_71 = arith.constant 1 : i32
      %dma_wait3A_72 = arith.constant 0 : i32
      %dma_wait3A_73 = tpu.memref_slice %arg10[%dma_wait3A_71, %dma_wait3A_72] : memref<3x64xi32, #tpu.memory_space<vmem>> -> memref<1x64xi32, #tpu.memory_space<vmem>>
      %dma_wait3A_74 = tpu.memref_squeeze %dma_wait3A_73 : memref<1x64xi32, #tpu.memory_space<vmem>> -> memref<64xi32, #tpu.memory_space<vmem>>
      %dma_wait3A_75 = arith.constant 0 : i32
      %dma_wait3A_76 = arith.constant 0 : i32
      %dma_wait3A_77 = tpu.memref_slice %arg2[%dma_wait3A_75, %dma_wait3A_76] : memref<10240x128xf32, #tpu.memory_space<hbm>> -> memref<10240x128xf32, #tpu.memory_space<hbm>>
      tpu.wait_indirect_dma semaphore(%arg14 : memref<!tpu.dma_semaphore, #tpu.memory_space<semaphore_mem>>) src(%dma_wait3A_77 : memref<10240x128xf32, #tpu.memory_space<hbm>>) dst(%arg8 : memref<64x128xf32, #tpu.memory_space<vmem>>)
      %scan3A_78 = arith.constant 0 : i32
      %scan3A_79 = arith.constant 0 : i32
      %scan3A_80 = arith.constant 8 : i32
      %scan3A_81 = arith.addi %scan3A_79, %scan3A_80 : i32
      %scan3A_82 = arith.constant 1 : i32
      %scan3A_83 = scf.for %scan3A_120 = %scan3A_79 to %scan3A_81 step %scan3A_82 iter_args(%scan3A_121 = %scan3A_78) -> (i32)  : i32 {
        %mul3A_122 = arith.constant 8 : i32
        %mul3A_123 = arith.muli %scan3A_120, %mul3A_122 : i32
        %add3A_124 = arith.constant 0 : i32
        %add3A_125 = arith.addi %mul3A_123, %add3A_124 : i32
        %get3A = arith.index_cast %add3A_125 : i32 to index
        %get3A_126 = arith.constant 0 : index
        %get3A_127 = tpu.vector_load %arg12[%get3A, %get3A_126] {strides = array<i32>} : memref<64x16xf32, #tpu.memory_space<vmem>>, vector<1x16xf32>,
        %get3A_128 = vector.shape_cast %get3A_127 : vector<1x16xf32> to vector<16xf32>
        %get3A_129 = arith.index_cast %add3A_125 : i32 to index
        %get3A_130 = arith.constant 0 : index
        %get3A_131 = tpu.vector_load %arg8[%get3A_129, %get3A_130] {strides = array<i32>} : memref<64x128xf32, #tpu.memory_space<vmem>>, vector<1x16xf32>,
        %get3A_132 = vector.shape_cast %get3A_131 : vector<1x16xf32> to vector<16xf32>
        %mul3A_133 = arith.mulf %get3A_132, %get3A_128 : vector<16xf32>
        %swap3A = arith.index_cast %add3A_125 : i32 to index
        %swap3A_134 = arith.constant 0 : index
        %swap3A_135 = tpu.vector_load %arg8[%swap3A, %swap3A_134] {strides = array<i32>} : memref<64x128xf32, #tpu.memory_space<vmem>>, vector<1x16xf32>,
        %swap3A_136 = vector.shape_cast %swap3A_135 : vector<1x16xf32> to vector<16xf32>
        %swap3A_137 = vector.shape_cast %mul3A_133 : vector<16xf32> to vector<1x16xf32>
        tpu.vector_store %arg8[%swap3A, %swap3A_134], %swap3A_137 {strides = array<i32>} : memref<64x128xf32, #tpu.memory_space<vmem>>, vector<1x16xf32>,
        %get3A_138 = arith.index_cast %add3A_125 : i32 to index
        %get3A_139 = arith.constant 16 : index
        %get3A_140 = tpu.vector_load %arg8[%get3A_138, %get3A_139] {strides = array<i32>} : memref<64x128xf32, #tpu.memory_space<vmem>>, vector<1x16xf32>,
        %get3A_141 = vector.shape_cast %get3A_140 : vector<1x16xf32> to vector<16xf32>
        %mul3A_142 = arith.mulf %get3A_141, %get3A_128 : vector<16xf32>
        %swap3A_143 = arith.index_cast %add3A_125 : i32 to index
        %swap3A_144 = arith.constant 16 : index
        %swap3A_145 = tpu.vector_load %arg8[%swap3A_143, %swap3A_144] {strides = array<i32>} : memref<64x128xf32, #tpu.memory_space<vmem>>, vector<1x16xf32>,
        %swap3A_146 = vector.shape_cast %swap3A_145 : vector<1x16xf32> to vector<16xf32>
        %swap3A_147 = vector.shape_cast %mul3A_142 : vector<16xf32> to vector<1x16xf32>
        tpu.vector_store %arg8[%swap3A_143, %swap3A_144], %swap3A_147 {strides = array<i32>} : memref<64x128xf32, #tpu.memory_space<vmem>>, vector<1x16xf32>,
        %get3A_148 = arith.index_cast %add3A_125 : i32 to index
        %get3A_149 = arith.constant 32 : index
        %get3A_150 = tpu.vector_load %arg8[%get3A_148, %get3A_149] {strides = array<i32>} : memref<64x128xf32, #tpu.memory_space<vmem>>, vector<1x16xf32>,
        %get3A_151 = vector.shape_cast %get3A_150 : vector<1x16xf32> to vector<16xf32>
        %mul3A_152 = arith.mulf %get3A_151, %get3A_128 : vector<16xf32>
        %swap3A_153 = arith.index_cast %add3A_125 : i32 to index
        %swap3A_154 = arith.constant 32 : index
        %swap3A_155 = tpu.vector_load %arg8[%swap3A_153, %swap3A_154] {strides = array<i32>} : memref<64x128xf32, #tpu.memory_space<vmem>>, vector<1x16xf32>,
        %swap3A_156 = vector.shape_cast %swap3A_155 : vector<1x16xf32> to vector<16xf32>
        %swap3A_157 = vector.shape_cast %mul3A_152 : vector<16xf32> to vector<1x16xf32>
        tpu.vector_store %arg8[%swap3A_153, %swap3A_154], %swap3A_157 {strides = array<i32>} : memref<64x128xf32, #tpu.memory_space<vmem>>, vector<1x16xf32>,
        %get3A_158 = arith.index_cast %add3A_125 : i32 to index
        %get3A_159 = arith.constant 48 : index
        %get3A_160 = tpu.vector_load %arg8[%get3A_158, %get3A_159] {strides = array<i32>} : memref<64x128xf32, #tpu.memory_space<vmem>>, vector<1x16xf32>,
        %get3A_161 = vector.shape_cast %get3A_160 : vector<1x16xf32> to vector<16xf32>
        %mul3A_162 = arith.mulf %get3A_161, %get3A_128 : vector<16xf32>
        %swap3A_163 = arith.index_cast %add3A_125 : i32 to index
        %swap3A_164 = arith.constant 48 : index
        %swap3A_165 = tpu.vector_load %arg8[%swap3A_163, %swap3A_164] {strides = array<i32>} : memref<64x128xf32, #tpu.memory_space<vmem>>, vector<1x16xf32>,
        %swap3A_166 = vector.shape_cast %swap3A_165 : vector<1x16xf32> to vector<16xf32>
        %swap3A_167 = vector.shape_cast %mul3A_162 : vector<16xf32> to vector<1x16xf32>
        tpu.vector_store %arg8[%swap3A_163, %swap3A_164], %swap3A_167 {strides = array<i32>} : memref<64x128xf32, #tpu.memory_space<vmem>>, vector<1x16xf32>,
        %get3A_168 = arith.index_cast %add3A_125 : i32 to index
        %get3A_169 = arith.constant 64 : index
        %get3A_170 = tpu.vector_load %arg8[%get3A_168, %get3A_169] {strides = array<i32>} : memref<64x128xf32, #tpu.memory_space<vmem>>, vector<1x16xf32>,
        %get3A_171 = vector.shape_cast %get3A_170 : vector<1x16xf32> to vector<16xf32>
        %mul3A_172 = arith.mulf %get3A_171, %get3A_128 : vector<16xf32>
        %swap3A_173 = arith.index_cast %add3A_125 : i32 to index
        %swap3A_174 = arith.constant 64 : index
        %swap3A_175 = tpu.vector_load %arg8[%swap3A_173, %swap3A_174] {strides = array<i32>} : memref<64x128xf32, #tpu.memory_space<vmem>>, vector<1x16xf32>,
        %swap3A_176 = vector.shape_cast %swap3A_175 : vector<1x16xf32> to vector<16xf32>
        %swap3A_177 = vector.shape_cast %mul3A_172 : vector<16xf32> to vector<1x16xf32>
        tpu.vector_store %arg8[%swap3A_173, %swap3A_174], %swap3A_177 {strides = array<i32>} : memref<64x128xf32, #tpu.memory_space<vmem>>, vector<1x16xf32>,
        %get3A_178 = arith.index_cast %add3A_125 : i32 to index
        %get3A_179 = arith.constant 80 : index
        %get3A_180 = tpu.vector_load %arg8[%get3A_178, %get3A_179] {strides = array<i32>} : memref<64x128xf32, #tpu.memory_space<vmem>>, vector<1x16xf32>,
        %get3A_181 = vector.shape_cast %get3A_180 : vector<1x16xf32> to vector<16xf32>
        %mul3A_182 = arith.mulf %get3A_181, %get3A_128 : vector<16xf32>
        %swap3A_183 = arith.index_cast %add3A_125 : i32 to index
        %swap3A_184 = arith.constant 80 : index
        %swap3A_185 = tpu.vector_load %arg8[%swap3A_183, %swap3A_184] {strides = array<i32>} : memref<64x128xf32, #tpu.memory_space<vmem>>, vector<1x16xf32>,
        %swap3A_186 = vector.shape_cast %swap3A_185 : vector<1x16xf32> to vector<16xf32>
        %swap3A_187 = vector.shape_cast %mul3A_182 : vector<16xf32> to vector<1x16xf32>
        tpu.vector_store %arg8[%swap3A_183, %swap3A_184], %swap3A_187 {strides = array<i32>} : memref<64x128xf32, #tpu.memory_space<vmem>>, vector<1x16xf32>,
        %get3A_188 = arith.index_cast %add3A_125 : i32 to index
        %get3A_189 = arith.constant 96 : index
        %get3A_190 = tpu.vector_load %arg8[%get3A_188, %get3A_189] {strides = array<i32>} : memref<64x128xf32, #tpu.memory_space<vmem>>, vector<1x16xf32>,
        %get3A_191 = vector.shape_cast %get3A_190 : vector<1x16xf32> to vector<16xf32>
        %mul3A_192 = arith.mulf %get3A_191, %get3A_128 : vector<16xf32>
        %swap3A_193 = arith.index_cast %add3A_125 : i32 to index
        %swap3A_194 = arith.constant 96 : index
        %swap3A_195 = tpu.vector_load %arg8[%swap3A_193, %swap3A_194] {strides = array<i32>} : memref<64x128xf32, #tpu.memory_space<vmem>>, vector<1x16xf32>,
        %swap3A_196 = vector.shape_cast %swap3A_195 : vector<1x16xf32> to vector<16xf32>
        %swap3A_197 = vector.shape_cast %mul3A_192 : vector<16xf32> to vector<1x16xf32>
        tpu.vector_store %arg8[%swap3A_193, %swap3A_194], %swap3A_197 {strides = array<i32>} : memref<64x128xf32, #tpu.memory_space<vmem>>, vector<1x16xf32>,
        %get3A_198 = arith.index_cast %add3A_125 : i32 to index
        %get3A_199 = arith.constant 112 : index
        %get3A_200 = tpu.vector_load %arg8[%get3A_198, %get3A_199] {strides = array<i32>} : memref<64x128xf32, #tpu.memory_space<vmem>>, vector<1x16xf32>,
        %get3A_201 = vector.shape_cast %get3A_200 : vector<1x16xf32> to vector<16xf32>
        %mul3A_202 = arith.mulf %get3A_201, %get3A_128 : vector<16xf32>
        %swap3A_203 = arith.index_cast %add3A_125 : i32 to index
        %swap3A_204 = arith.constant 112 : index
        %swap3A_205 = tpu.vector_load %arg8[%swap3A_203, %swap3A_204] {strides = array<i32>} : memref<64x128xf32, #tpu.memory_space<vmem>>, vector<1x16xf32>,
        %swap3A_206 = vector.shape_cast %swap3A_205 : vector<1x16xf32> to vector<16xf32>
        %swap3A_207 = vector.shape_cast %mul3A_202 : vector<16xf32> to vector<1x16xf32>
        tpu.vector_store %arg8[%swap3A_203, %swap3A_204], %swap3A_207 {strides = array<i32>} : memref<64x128xf32, #tpu.memory_space<vmem>>, vector<1x16xf32>,
        %mul3A_208 = arith.constant 8 : i32
        %mul3A_209 = arith.muli %scan3A_120, %mul3A_208 : i32
        %add3A_210 = arith.constant 1 : i32
        %add3A_211 = arith.addi %mul3A_209, %add3A_210 : i32
        %get3A_212 = arith.index_cast %add3A_211 : i32 to index
        %get3A_213 = arith.constant 0 : index
        %get3A_214 = tpu.vector_load %arg12[%get3A_212, %get3A_213] {strides = array<i32>} : memref<64x16xf32, #tpu.memory_space<vmem>>, vector<1x16xf32>,
        %get3A_215 = vector.shape_cast %get3A_214 : vector<1x16xf32> to vector<16xf32>
        %get3A_216 = arith.index_cast %add3A_211 : i32 to index
        %get3A_217 = arith.constant 0 : index
        %get3A_218 = tpu.vector_load %arg8[%get3A_216, %get3A_217] {strides = array<i32>} : memref<64x128xf32, #tpu.memory_space<vmem>>, vector<1x16xf32>,
        %get3A_219 = vector.shape_cast %get3A_218 : vector<1x16xf32> to vector<16xf32>
        %mul3A_220 = arith.mulf %get3A_219, %get3A_215 : vector<16xf32>
        %swap3A_221 = arith.index_cast %add3A_211 : i32 to index
        %swap3A_222 = arith.constant 0 : index
        %swap3A_223 = tpu.vector_load %arg8[%swap3A_221, %swap3A_222] {strides = array<i32>} : memref<64x128xf32, #tpu.memory_space<vmem>>, vector<1x16xf32>,
        %swap3A_224 = vector.shape_cast %swap3A_223 : vector<1x16xf32> to vector<16xf32>
        %swap3A_225 = vector.shape_cast %mul3A_220 : vector<16xf32> to vector<1x16xf32>
        tpu.vector_store %arg8[%swap3A_221, %swap3A_222], %swap3A_225 {strides = array<i32>} : memref<64x128xf32, #tpu.memory_space<vmem>>, vector<1x16xf32>,
        %get3A_226 = arith.index_cast %add3A_211 : i32 to index
        %get3A_227 = arith.constant 16 : index
        %get3A_228 = tpu.vector_load %arg8[%get3A_226, %get3A_227] {strides = array<i32>} : memref<64x128xf32, #tpu.memory_space<vmem>>, vector<1x16xf32>,
        %get3A_229 = vector.shape_cast %get3A_228 : vector<1x16xf32> to vector<16xf32>
        %mul3A_230 = arith.mulf %get3A_229, %get3A_215 : vector<16xf32>
        %swap3A_231 = arith.index_cast %add3A_211 : i32 to index
        %swap3A_232 = arith.constant 16 : index
        %swap3A_233 = tpu.vector_load %arg8[%swap3A_231, %swap3A_232] {strides = array<i32>} : memref<64x128xf32, #tpu.memory_space<vmem>>, vector<1x16xf32>,
        %swap3A_234 = vector.shape_cast %swap3A_233 : vector<1x16xf32> to vector<16xf32>
        %swap3A_235 = vector.shape_cast %mul3A_230 : vector<16xf32> to vector<1x16xf32>
        tpu.vector_store %arg8[%swap3A_231, %swap3A_232], %swap3A_235 {strides = array<i32>} : memref<64x128xf32, #tpu.memory_space<vmem>>, vector<1x16xf32>,
        %get3A_236 = arith.index_cast %add3A_211 : i32 to index
        %get3A_237 = arith.constant 32 : index
        %get3A_238 = tpu.vector_load %arg8[%get3A_236, %get3A_237] {strides = array<i32>} : memref<64x128xf32, #tpu.memory_space<vmem>>, vector<1x16xf32>,
        %get3A_239 = vector.shape_cast %get3A_238 : vector<1x16xf32> to vector<16xf32>
        %mul3A_240 = arith.mulf %get3A_239, %get3A_215 : vector<16xf32>
        %swap3A_241 = arith.index_cast %add3A_211 : i32 to index
        %swap3A_242 = arith.constant 32 : index
        %swap3A_243 = tpu.vector_load %arg8[%swap3A_241, %swap3A_242] {strides = array<i32>} : memref<64x128xf32, #tpu.memory_space<vmem>>, vector<1x16xf32>,
        %swap3A_244 = vector.shape_cast %swap3A_243 : vector<1x16xf32> to vector<16xf32>
        %swap3A_245 = vector.shape_cast %mul3A_240 : vector<16xf32> to vector<1x16xf32>
        tpu.vector_store %arg8[%swap3A_241, %swap3A_242], %swap3A_245 {strides = array<i32>} : memref<64x128xf32, #tpu.memory_space<vmem>>, vector<1x16xf32>,
        %get3A_246 = arith.index_cast %add3A_211 : i32 to index
        %get3A_247 = arith.constant 48 : index
        %get3A_248 = tpu.vector_load %arg8[%get3A_246, %get3A_247] {strides = array<i32>} : memref<64x128xf32, #tpu.memory_space<vmem>>, vector<1x16xf32>,
        %get3A_249 = vector.shape_cast %get3A_248 : vector<1x16xf32> to vector<16xf32>
        %mul3A_250 = arith.mulf %get3A_249, %get3A_215 : vector<16xf32>
        %swap3A_251 = arith.index_cast %add3A_211 : i32 to index
        %swap3A_252 = arith.constant 48 : index
        %swap3A_253 = tpu.vector_load %arg8[%swap3A_251, %swap3A_252] {strides = array<i32>} : memref<64x128xf32, #tpu.memory_space<vmem>>, vector<1x16xf32>,
        %swap3A_254 = vector.shape_cast %swap3A_253 : vector<1x16xf32> to vector<16xf32>
        %swap3A_255 = vector.shape_cast %mul3A_250 : vector<16xf32> to vector<1x16xf32>
        tpu.vector_store %arg8[%swap3A_251, %swap3A_252], %swap3A_255 {strides = array<i32>} : memref<64x128xf32, #tpu.memory_space<vmem>>, vector<1x16xf32>,
        %get3A_256 = arith.index_cast %add3A_211 : i32 to index
        %get3A_257 = arith.constant 64 : index
        %get3A_258 = tpu.vector_load %arg8[%get3A_256, %get3A_257] {strides = array<i32>} : memref<64x128xf32, #tpu.memory_space<vmem>>, vector<1x16xf32>,
        %get3A_259 = vector.shape_cast %get3A_258 : vector<1x16xf32> to vector<16xf32>
        %mul3A_260 = arith.mulf %get3A_259, %get3A_215 : vector<16xf32>
        %swap3A_261 = arith.index_cast %add3A_211 : i32 to index
        %swap3A_262 = arith.constant 64 : index
        %swap3A_263 = tpu.vector_load %arg8[%swap3A_261, %swap3A_262] {strides = array<i32>} : memref<64x128xf32, #tpu.memory_space<vmem>>, vector<1x16xf32>,
        %swap3A_264 = vector.shape_cast %swap3A_263 : vector<1x16xf32> to vector<16xf32>
        %swap3A_265 = vector.shape_cast %mul3A_260 : vector<16xf32> to vector<1x16xf32>
        tpu.vector_store %arg8[%swap3A_261, %swap3A_262], %swap3A_265 {strides = array<i32>} : memref<64x128xf32, #tpu.memory_space<vmem>>, vector<1x16xf32>,
        %get3A_266 = arith.index_cast %add3A_211 : i32 to index
        %get3A_267 = arith.constant 80 : index
        %get3A_268 = tpu.vector_load %arg8[%get3A_266, %get3A_267] {strides = array<i32>} : memref<64x128xf32, #tpu.memory_space<vmem>>, vector<1x16xf32>,
        %get3A_269 = vector.shape_cast %get3A_268 : vector<1x16xf32> to vector<16xf32>
        %mul3A_270 = arith.mulf %get3A_269, %get3A_215 : vector<16xf32>
        %swap3A_271 = arith.index_cast %add3A_211 : i32 to index
        %swap3A_272 = arith.constant 80 : index
        %swap3A_273 = tpu.vector_load %arg8[%swap3A_271, %swap3A_272] {strides = array<i32>} : memref<64x128xf32, #tpu.memory_space<vmem>>, vector<1x16xf32>,
        %swap3A_274 = vector.shape_cast %swap3A_273 : vector<1x16xf32> to vector<16xf32>
        %swap3A_275 = vector.shape_cast %mul3A_270 : vector<16xf32> to vector<1x16xf32>
        tpu.vector_store %arg8[%swap3A_271, %swap3A_272], %swap3A_275 {strides = array<i32>} : memref<64x128xf32, #tpu.memory_space<vmem>>, vector<1x16xf32>,
        %get3A_276 = arith.index_cast %add3A_211 : i32 to index
        %get3A_277 = arith.constant 96 : index
        %get3A_278 = tpu.vector_load %arg8[%get3A_276, %get3A_277] {strides = array<i32>} : memref<64x128xf32, #tpu.memory_space<vmem>>, vector<1x16xf32>,
        %get3A_279 = vector.shape_cast %get3A_278 : vector<1x16xf32> to vector<16xf32>
        %mul3A_280 = arith.mulf %get3A_279, %get3A_215 : vector<16xf32>
        %swap3A_281 = arith.index_cast %add3A_211 : i32 to index
        %swap3A_282 = arith.constant 96 : index
        %swap3A_283 = tpu.vector_load %arg8[%swap3A_281, %swap3A_282] {strides = array<i32>} : memref<64x128xf32, #tpu.memory_space<vmem>>, vector<1x16xf32>,
        %swap3A_284 = vector.shape_cast %swap3A_283 : vector<1x16xf32> to vector<16xf32>
        %swap3A_285 = vector.shape_cast %mul3A_280 : vector<16xf32> to vector<1x16xf32>
        tpu.vector_store %arg8[%swap3A_281, %swap3A_282], %swap3A_285 {strides = array<i32>} : memref<64x128xf32, #tpu.memory_space<vmem>>, vector<1x16xf32>,
        %get3A_286 = arith.index_cast %add3A_211 : i32 to index
        %get3A_287 = arith.constant 112 : index
        %get3A_288 = tpu.vector_load %arg8[%get3A_286, %get3A_287] {strides = array<i32>} : memref<64x128xf32, #tpu.memory_space<vmem>>, vector<1x16xf32>,
        %get3A_289 = vector.shape_cast %get3A_288 : vector<1x16xf32> to vector<16xf32>
        %mul3A_290 = arith.mulf %get3A_289, %get3A_215 : vector<16xf32>
        %swap3A_291 = arith.index_cast %add3A_211 : i32 to index
        %swap3A_292 = arith.constant 112 : index
        %swap3A_293 = tpu.vector_load %arg8[%swap3A_291, %swap3A_292] {strides = array<i32>} : memref<64x128xf32, #tpu.memory_space<vmem>>, vector<1x16xf32>,
        %swap3A_294 = vector.shape_cast %swap3A_293 : vector<1x16xf32> to vector<16xf32>
        %swap3A_295 = vector.shape_cast %mul3A_290 : vector<16xf32> to vector<1x16xf32>
        tpu.vector_store %arg8[%swap3A_291, %swap3A_292], %swap3A_295 {strides = array<i32>} : memref<64x128xf32, #tpu.memory_space<vmem>>, vector<1x16xf32>,
        %mul3A_296 = arith.constant 8 : i32
        %mul3A_297 = arith.muli %scan3A_120, %mul3A_296 : i32
        %add3A_298 = arith.constant 2 : i32
        %add3A_299 = arith.addi %mul3A_297, %add3A_298 : i32
        %get3A_300 = arith.index_cast %add3A_299 : i32 to index
        %get3A_301 = arith.constant 0 : index
        %get3A_302 = tpu.vector_load %arg12[%get3A_300, %get3A_301] {strides = array<i32>} : memref<64x16xf32, #tpu.memory_space<vmem>>, vector<1x16xf32>,
        %get3A_303 = vector.shape_cast %get3A_302 : vector<1x16xf32> to vector<16xf32>
        %get3A_304 = arith.index_cast %add3A_299 : i32 to index
        %get3A_305 = arith.constant 0 : index
        %get3A_306 = tpu.vector_load %arg8[%get3A_304, %get3A_305] {strides = array<i32>} : memref<64x128xf32, #tpu.memory_space<vmem>>, vector<1x16xf32>,
        %get3A_307 = vector.shape_cast %get3A_306 : vector<1x16xf32> to vector<16xf32>
        %mul3A_308 = arith.mulf %get3A_307, %get3A_303 : vector<16xf32>
        %swap3A_309 = arith.index_cast %add3A_299 : i32 to index
        %swap3A_310 = arith.constant 0 : index
        %swap3A_311 = tpu.vector_load %arg8[%swap3A_309, %swap3A_310] {strides = array<i32>} : memref<64x128xf32, #tpu.memory_space<vmem>>, vector<1x16xf32>,
        %swap3A_312 = vector.shape_cast %swap3A_311 : vector<1x16xf32> to vector<16xf32>
        %swap3A_313 = vector.shape_cast %mul3A_308 : vector<16xf32> to vector<1x16xf32>
        tpu.vector_store %arg8[%swap3A_309, %swap3A_310], %swap3A_313 {strides = array<i32>} : memref<64x128xf32, #tpu.memory_space<vmem>>, vector<1x16xf32>,
        %get3A_314 = arith.index_cast %add3A_299 : i32 to index
        %get3A_315 = arith.constant 16 : index
        %get3A_316 = tpu.vector_load %arg8[%get3A_314, %get3A_315] {strides = array<i32>} : memref<64x128xf32, #tpu.memory_space<vmem>>, vector<1x16xf32>,
        %get3A_317 = vector.shape_cast %get3A_316 : vector<1x16xf32> to vector<16xf32>
        %mul3A_318 = arith.mulf %get3A_317, %get3A_303 : vector<16xf32>
        %swap3A_319 = arith.index_cast %add3A_299 : i32 to index
        %swap3A_320 = arith.constant 16 : index
        %swap3A_321 = tpu.vector_load %arg8[%swap3A_319, %swap3A_320] {strides = array<i32>} : memref<64x128xf32, #tpu.memory_space<vmem>>, vector<1x16xf32>,
        %swap3A_322 = vector.shape_cast %swap3A_321 : vector<1x16xf32> to vector<16xf32>
        %swap3A_323 = vector.shape_cast %mul3A_318 : vector<16xf32> to vector<1x16xf32>
        tpu.vector_store %arg8[%swap3A_319, %swap3A_320], %swap3A_323 {strides = array<i32>} : memref<64x128xf32, #tpu.memory_space<vmem>>, vector<1x16xf32>,
        %get3A_324 = arith.index_cast %add3A_299 : i32 to index
        %get3A_325 = arith.constant 32 : index
        %get3A_326 = tpu.vector_load %arg8[%get3A_324, %get3A_325] {strides = array<i32>} : memref<64x128xf32, #tpu.memory_space<vmem>>, vector<1x16xf32>,
        %get3A_327 = vector.shape_cast %get3A_326 : vector<1x16xf32> to vector<16xf32>
        %mul3A_328 = arith.mulf %get3A_327, %get3A_303 : vector<16xf32>
        %swap3A_329 = arith.index_cast %add3A_299 : i32 to index
        %swap3A_330 = arith.constant 32 : index
        %swap3A_331 = tpu.vector_load %arg8[%swap3A_329, %swap3A_330] {strides = array<i32>} : memref<64x128xf32, #tpu.memory_space<vmem>>, vector<1x16xf32>,
        %swap3A_332 = vector.shape_cast %swap3A_331 : vector<1x16xf32> to vector<16xf32>
        %swap3A_333 = vector.shape_cast %mul3A_328 : vector<16xf32> to vector<1x16xf32>
        tpu.vector_store %arg8[%swap3A_329, %swap3A_330], %swap3A_333 {strides = array<i32>} : memref<64x128xf32, #tpu.memory_space<vmem>>, vector<1x16xf32>,
        %get3A_334 = arith.index_cast %add3A_299 : i32 to index
        %get3A_335 = arith.constant 48 : index
        %get3A_336 = tpu.vector_load %arg8[%get3A_334, %get3A_335] {strides = array<i32>} : memref<64x128xf32, #tpu.memory_space<vmem>>, vector<1x16xf32>,
        %get3A_337 = vector.shape_cast %get3A_336 : vector<1x16xf32> to vector<16xf32>
        %mul3A_338 = arith.mulf %get3A_337, %get3A_303 : vector<16xf32>
        %swap3A_339 = arith.index_cast %add3A_299 : i32 to index
        %swap3A_340 = arith.constant 48 : index
        %swap3A_341 = tpu.vector_load %arg8[%swap3A_339, %swap3A_340] {strides = array<i32>} : memref<64x128xf32, #tpu.memory_space<vmem>>, vector<1x16xf32>,
        %swap3A_342 = vector.shape_cast %swap3A_341 : vector<1x16xf32> to vector<16xf32>
        %swap3A_343 = vector.shape_cast %mul3A_338 : vector<16xf32> to vector<1x16xf32>
        tpu.vector_store %arg8[%swap3A_339, %swap3A_340], %swap3A_343 {strides = array<i32>} : memref<64x128xf32, #tpu.memory_space<vmem>>, vector<1x16xf32>,
        %get3A_344 = arith.index_cast %add3A_299 : i32 to index
        %get3A_345 = arith.constant 64 : index
        %get3A_346 = tpu.vector_load %arg8[%get3A_344, %get3A_345] {strides = array<i32>} : memref<64x128xf32, #tpu.memory_space<vmem>>, vector<1x16xf32>,
        %get3A_347 = vector.shape_cast %get3A_346 : vector<1x16xf32> to vector<16xf32>
        %mul3A_348 = arith.mulf %get3A_347, %get3A_303 : vector<16xf32>
        %swap3A_349 = arith.index_cast %add3A_299 : i32 to index
        %swap3A_350 = arith.constant 64 : index
        %swap3A_351 = tpu.vector_load %arg8[%swap3A_349, %swap3A_350] {strides = array<i32>} : memref<64x128xf32, #tpu.memory_space<vmem>>, vector<1x16xf32>,
        %swap3A_352 = vector.shape_cast %swap3A_351 : vector<1x16xf32> to vector<16xf32>
        %swap3A_353 = vector.shape_cast %mul3A_348 : vector<16xf32> to vector<1x16xf32>
        tpu.vector_store %arg8[%swap3A_349, %swap3A_350], %swap3A_353 {strides = array<i32>} : memref<64x128xf32, #tpu.memory_space<vmem>>, vector<1x16xf32>,
        %get3A_354 = arith.index_cast %add3A_299 : i32 to index
        %get3A_355 = arith.constant 80 : index
        %get3A_356 = tpu.vector_load %arg8[%get3A_354, %get3A_355] {strides = array<i32>} : memref<64x128xf32, #tpu.memory_space<vmem>>, vector<1x16xf32>,
        %get3A_357 = vector.shape_cast %get3A_356 : vector<1x16xf32> to vector<16xf32>
        %mul3A_358 = arith.mulf %get3A_357, %get3A_303 : vector<16xf32>
        %swap3A_359 = arith.index_cast %add3A_299 : i32 to index
        %swap3A_360 = arith.constant 80 : index
        %swap3A_361 = tpu.vector_load %arg8[%swap3A_359, %swap3A_360] {strides = array<i32>} : memref<64x128xf32, #tpu.memory_space<vmem>>, vector<1x16xf32>,
        %swap3A_362 = vector.shape_cast %swap3A_361 : vector<1x16xf32> to vector<16xf32>
        %swap3A_363 = vector.shape_cast %mul3A_358 : vector<16xf32> to vector<1x16xf32>
        tpu.vector_store %arg8[%swap3A_359, %swap3A_360], %swap3A_363 {strides = array<i32>} : memref<64x128xf32, #tpu.memory_space<vmem>>, vector<1x16xf32>,
        %get3A_364 = arith.index_cast %add3A_299 : i32 to index
        %get3A_365 = arith.constant 96 : index
        %get3A_366 = tpu.vector_load %arg8[%get3A_364, %get3A_365] {strides = array<i32>} : memref<64x128xf32, #tpu.memory_space<vmem>>, vector<1x16xf32>,
        %get3A_367 = vector.shape_cast %get3A_366 : vector<1x16xf32> to vector<16xf32>
        %mul3A_368 = arith.mulf %get3A_367, %get3A_303 : vector<16xf32>
        %swap3A_369 = arith.index_cast %add3A_299 : i32 to index
        %swap3A_370 = arith.constant 96 : index
        %swap3A_371 = tpu.vector_load %arg8[%swap3A_369, %swap3A_370] {strides = array<i32>} : memref<64x128xf32, #tpu.memory_space<vmem>>, vector<1x16xf32>,
        %swap3A_372 = vector.shape_cast %swap3A_371 : vector<1x16xf32> to vector<16xf32>
        %swap3A_373 = vector.shape_cast %mul3A_368 : vector<16xf32> to vector<1x16xf32>
        tpu.vector_store %arg8[%swap3A_369, %swap3A_370], %swap3A_373 {strides = array<i32>} : memref<64x128xf32, #tpu.memory_space<vmem>>, vector<1x16xf32>,
        %get3A_374 = arith.index_cast %add3A_299 : i32 to index
        %get3A_375 = arith.constant 112 : index
        %get3A_376 = tpu.vector_load %arg8[%get3A_374, %get3A_375] {strides = array<i32>} : memref<64x128xf32, #tpu.memory_space<vmem>>, vector<1x16xf32>,
        %get3A_377 = vector.shape_cast %get3A_376 : vector<1x16xf32> to vector<16xf32>
        %mul3A_378 = arith.mulf %get3A_377, %get3A_303 : vector<16xf32>
        %swap3A_379 = arith.index_cast %add3A_299 : i32 to index
        %swap3A_380 = arith.constant 112 : index
        %swap3A_381 = tpu.vector_load %arg8[%swap3A_379, %swap3A_380] {strides = array<i32>} : memref<64x128xf32, #tpu.memory_space<vmem>>, vector<1x16xf32>,
        %swap3A_382 = vector.shape_cast %swap3A_381 : vector<1x16xf32> to vector<16xf32>
        %swap3A_383 = vector.shape_cast %mul3A_378 : vector<16xf32> to vector<1x16xf32>
        tpu.vector_store %arg8[%swap3A_379, %swap3A_380], %swap3A_383 {strides = array<i32>} : memref<64x128xf32, #tpu.memory_space<vmem>>, vector<1x16xf32>,
        %mul3A_384 = arith.constant 8 : i32
        %mul3A_385 = arith.muli %scan3A_120, %mul3A_384 : i32
        %add3A_386 = arith.constant 3 : i32
        %add3A_387 = arith.addi %mul3A_385, %add3A_386 : i32
        %get3A_388 = arith.index_cast %add3A_387 : i32 to index
        %get3A_389 = arith.constant 0 : index
        %get3A_390 = tpu.vector_load %arg12[%get3A_388, %get3A_389] {strides = array<i32>} : memref<64x16xf32, #tpu.memory_space<vmem>>, vector<1x16xf32>,
        %get3A_391 = vector.shape_cast %get3A_390 : vector<1x16xf32> to vector<16xf32>
        %get3A_392 = arith.index_cast %add3A_387 : i32 to index
        %get3A_393 = arith.constant 0 : index
        %get3A_394 = tpu.vector_load %arg8[%get3A_392, %get3A_393] {strides = array<i32>} : memref<64x128xf32, #tpu.memory_space<vmem>>, vector<1x16xf32>,
        %get3A_395 = vector.shape_cast %get3A_394 : vector<1x16xf32> to vector<16xf32>
        %mul3A_396 = arith.mulf %get3A_395, %get3A_391 : vector<16xf32>
        %swap3A_397 = arith.index_cast %add3A_387 : i32 to index
        %swap3A_398 = arith.constant 0 : index
        %swap3A_399 = tpu.vector_load %arg8[%swap3A_397, %swap3A_398] {strides = array<i32>} : memref<64x128xf32, #tpu.memory_space<vmem>>, vector<1x16xf32>,
        %swap3A_400 = vector.shape_cast %swap3A_399 : vector<1x16xf32> to vector<16xf32>
        %swap3A_401 = vector.shape_cast %mul3A_396 : vector<16xf32> to vector<1x16xf32>
        tpu.vector_store %arg8[%swap3A_397, %swap3A_398], %swap3A_401 {strides = array<i32>} : memref<64x128xf32, #tpu.memory_space<vmem>>, vector<1x16xf32>,
        %get3A_402 = arith.index_cast %add3A_387 : i32 to index
        %get3A_403 = arith.constant 16 : index
        %get3A_404 = tpu.vector_load %arg8[%get3A_402, %get3A_403] {strides = array<i32>} : memref<64x128xf32, #tpu.memory_space<vmem>>, vector<1x16xf32>,
        %get3A_405 = vector.shape_cast %get3A_404 : vector<1x16xf32> to vector<16xf32>
        %mul3A_406 = arith.mulf %get3A_405, %get3A_391 : vector<16xf32>
        %swap3A_407 = arith.index_cast %add3A_387 : i32 to index
        %swap3A_408 = arith.constant 16 : index
        %swap3A_409 = tpu.vector_load %arg8[%swap3A_407, %swap3A_408] {strides = array<i32>} : memref<64x128xf32, #tpu.memory_space<vmem>>, vector<1x16xf32>,
        %swap3A_410 = vector.shape_cast %swap3A_409 : vector<1x16xf32> to vector<16xf32>
        %swap3A_411 = vector.shape_cast %mul3A_406 : vector<16xf32> to vector<1x16xf32>
        tpu.vector_store %arg8[%swap3A_407, %swap3A_408], %swap3A_411 {strides = array<i32>} : memref<64x128xf32, #tpu.memory_space<vmem>>, vector<1x16xf32>,
        %get3A_412 = arith.index_cast %add3A_387 : i32 to index
        %get3A_413 = arith.constant 32 : index
        %get3A_414 = tpu.vector_load %arg8[%get3A_412, %get3A_413] {strides = array<i32>} : memref<64x128xf32, #tpu.memory_space<vmem>>, vector<1x16xf32>,
        %get3A_415 = vector.shape_cast %get3A_414 : vector<1x16xf32> to vector<16xf32>
        %mul3A_416 = arith.mulf %get3A_415, %get3A_391 : vector<16xf32>
        %swap3A_417 = arith.index_cast %add3A_387 : i32 to index
        %swap3A_418 = arith.constant 32 : index
        %swap3A_419 = tpu.vector_load %arg8[%swap3A_417, %swap3A_418] {strides = array<i32>} : memref<64x128xf32, #tpu.memory_space<vmem>>, vector<1x16xf32>,
        %swap3A_420 = vector.shape_cast %swap3A_419 : vector<1x16xf32> to vector<16xf32>
        %swap3A_421 = vector.shape_cast %mul3A_416 : vector<16xf32> to vector<1x16xf32>
        tpu.vector_store %arg8[%swap3A_417, %swap3A_418], %swap3A_421 {strides = array<i32>} : memref<64x128xf32, #tpu.memory_space<vmem>>, vector<1x16xf32>,
        %get3A_422 = arith.index_cast %add3A_387 : i32 to index
        %get3A_423 = arith.constant 48 : index
        %get3A_424 = tpu.vector_load %arg8[%get3A_422, %get3A_423] {strides = array<i32>} : memref<64x128xf32, #tpu.memory_space<vmem>>, vector<1x16xf32>,
        %get3A_425 = vector.shape_cast %get3A_424 : vector<1x16xf32> to vector<16xf32>
        %mul3A_426 = arith.mulf %get3A_425, %get3A_391 : vector<16xf32>
        %swap3A_427 = arith.index_cast %add3A_387 : i32 to index
        %swap3A_428 = arith.constant 48 : index
        %swap3A_429 = tpu.vector_load %arg8[%swap3A_427, %swap3A_428] {strides = array<i32>} : memref<64x128xf32, #tpu.memory_space<vmem>>, vector<1x16xf32>,
        %swap3A_430 = vector.shape_cast %swap3A_429 : vector<1x16xf32> to vector<16xf32>
        %swap3A_431 = vector.shape_cast %mul3A_426 : vector<16xf32> to vector<1x16xf32>
        tpu.vector_store %arg8[%swap3A_427, %swap3A_428], %swap3A_431 {strides = array<i32>} : memref<64x128xf32, #tpu.memory_space<vmem>>, vector<1x16xf32>,
        %get3A_432 = arith.index_cast %add3A_387 : i32 to index
        %get3A_433 = arith.constant 64 : index
        %get3A_434 = tpu.vector_load %arg8[%get3A_432, %get3A_433] {strides = array<i32>} : memref<64x128xf32, #tpu.memory_space<vmem>>, vector<1x16xf32>,
        %get3A_435 = vector.shape_cast %get3A_434 : vector<1x16xf32> to vector<16xf32>
        %mul3A_436 = arith.mulf %get3A_435, %get3A_391 : vector<16xf32>
        %swap3A_437 = arith.index_cast %add3A_387 : i32 to index
        %swap3A_438 = arith.constant 64 : index
        %swap3A_439 = tpu.vector_load %arg8[%swap3A_437, %swap3A_438] {strides = array<i32>} : memref<64x128xf32, #tpu.memory_space<vmem>>, vector<1x16xf32>,
        %swap3A_440 = vector.shape_cast %swap3A_439 : vector<1x16xf32> to vector<16xf32>
        %swap3A_441 = vector.shape_cast %mul3A_436 : vector<16xf32> to vector<1x16xf32>
        tpu.vector_store %arg8[%swap3A_437, %swap3A_438], %swap3A_441 {strides = array<i32>} : memref<64x128xf32, #tpu.memory_space<vmem>>, vector<1x16xf32>,
        %get3A_442 = arith.index_cast %add3A_387 : i32 to index
        %get3A_443 = arith.constant 80 : index
        %get3A_444 = tpu.vector_load %arg8[%get3A_442, %get3A_443] {strides = array<i32>} : memref<64x128xf32, #tpu.memory_space<vmem>>, vector<1x16xf32>,
        %get3A_445 = vector.shape_cast %get3A_444 : vector<1x16xf32> to vector<16xf32>
        %mul3A_446 = arith.mulf %get3A_445, %get3A_391 : vector<16xf32>
        %swap3A_447 = arith.index_cast %add3A_387 : i32 to index
        %swap3A_448 = arith.constant 80 : index
        %swap3A_449 = tpu.vector_load %arg8[%swap3A_447, %swap3A_448] {strides = array<i32>} : memref<64x128xf32, #tpu.memory_space<vmem>>, vector<1x16xf32>,
        %swap3A_450 = vector.shape_cast %swap3A_449 : vector<1x16xf32> to vector<16xf32>
        %swap3A_451 = vector.shape_cast %mul3A_446 : vector<16xf32> to vector<1x16xf32>
        tpu.vector_store %arg8[%swap3A_447, %swap3A_448], %swap3A_451 {strides = array<i32>} : memref<64x128xf32, #tpu.memory_space<vmem>>, vector<1x16xf32>,
        %get3A_452 = arith.index_cast %add3A_387 : i32 to index
        %get3A_453 = arith.constant 96 : index
        %get3A_454 = tpu.vector_load %arg8[%get3A_452, %get3A_453] {strides = array<i32>} : memref<64x128xf32, #tpu.memory_space<vmem>>, vector<1x16xf32>,
        %get3A_455 = vector.shape_cast %get3A_454 : vector<1x16xf32> to vector<16xf32>
        %mul3A_456 = arith.mulf %get3A_455, %get3A_391 : vector<16xf32>
        %swap3A_457 = arith.index_cast %add3A_387 : i32 to index
        %swap3A_458 = arith.constant 96 : index
        %swap3A_459 = tpu.vector_load %arg8[%swap3A_457, %swap3A_458] {strides = array<i32>} : memref<64x128xf32, #tpu.memory_space<vmem>>, vector<1x16xf32>,
        %swap3A_460 = vector.shape_cast %swap3A_459 : vector<1x16xf32> to vector<16xf32>
        %swap3A_461 = vector.shape_cast %mul3A_456 : vector<16xf32> to vector<1x16xf32>
        tpu.vector_store %arg8[%swap3A_457, %swap3A_458], %swap3A_461 {strides = array<i32>} : memref<64x128xf32, #tpu.memory_space<vmem>>, vector<1x16xf32>,
        %get3A_462 = arith.index_cast %add3A_387 : i32 to index
        %get3A_463 = arith.constant 112 : index
        %get3A_464 = tpu.vector_load %arg8[%get3A_462, %get3A_463] {strides = array<i32>} : memref<64x128xf32, #tpu.memory_space<vmem>>, vector<1x16xf32>,
        %get3A_465 = vector.shape_cast %get3A_464 : vector<1x16xf32> to vector<16xf32>
        %mul3A_466 = arith.mulf %get3A_465, %get3A_391 : vector<16xf32>
        %swap3A_467 = arith.index_cast %add3A_387 : i32 to index
        %swap3A_468 = arith.constant 112 : index
        %swap3A_469 = tpu.vector_load %arg8[%swap3A_467, %swap3A_468] {strides = array<i32>} : memref<64x128xf32, #tpu.memory_space<vmem>>, vector<1x16xf32>,
        %swap3A_470 = vector.shape_cast %swap3A_469 : vector<1x16xf32> to vector<16xf32>
        %swap3A_471 = vector.shape_cast %mul3A_466 : vector<16xf32> to vector<1x16xf32>
        tpu.vector_store %arg8[%swap3A_467, %swap3A_468], %swap3A_471 {strides = array<i32>} : memref<64x128xf32, #tpu.memory_space<vmem>>, vector<1x16xf32>,
        %mul3A_472 = arith.constant 8 : i32
        %mul3A_473 = arith.muli %scan3A_120, %mul3A_472 : i32
        %add3A_474 = arith.constant 4 : i32
        %add3A_475 = arith.addi %mul3A_473, %add3A_474 : i32
        %get3A_476 = arith.index_cast %add3A_475 : i32 to index
        %get3A_477 = arith.constant 0 : index
        %get3A_478 = tpu.vector_load %arg12[%get3A_476, %get3A_477] {strides = array<i32>} : memref<64x16xf32, #tpu.memory_space<vmem>>, vector<1x16xf32>,
        %get3A_479 = vector.shape_cast %get3A_478 : vector<1x16xf32> to vector<16xf32>
        %get3A_480 = arith.index_cast %add3A_475 : i32 to index
        %get3A_481 = arith.constant 0 : index
        %get3A_482 = tpu.vector_load %arg8[%get3A_480, %get3A_481] {strides = array<i32>} : memref<64x128xf32, #tpu.memory_space<vmem>>, vector<1x16xf32>,
        %get3A_483 = vector.shape_cast %get3A_482 : vector<1x16xf32> to vector<16xf32>
        %mul3A_484 = arith.mulf %get3A_483, %get3A_479 : vector<16xf32>
        %swap3A_485 = arith.index_cast %add3A_475 : i32 to index
        %swap3A_486 = arith.constant 0 : index
        %swap3A_487 = tpu.vector_load %arg8[%swap3A_485, %swap3A_486] {strides = array<i32>} : memref<64x128xf32, #tpu.memory_space<vmem>>, vector<1x16xf32>,
        %swap3A_488 = vector.shape_cast %swap3A_487 : vector<1x16xf32> to vector<16xf32>
        %swap3A_489 = vector.shape_cast %mul3A_484 : vector<16xf32> to vector<1x16xf32>
        tpu.vector_store %arg8[%swap3A_485, %swap3A_486], %swap3A_489 {strides = array<i32>} : memref<64x128xf32, #tpu.memory_space<vmem>>, vector<1x16xf32>,
        %get3A_490 = arith.index_cast %add3A_475 : i32 to index
        %get3A_491 = arith.constant 16 : index
        %get3A_492 = tpu.vector_load %arg8[%get3A_490, %get3A_491] {strides = array<i32>} : memref<64x128xf32, #tpu.memory_space<vmem>>, vector<1x16xf32>,
        %get3A_493 = vector.shape_cast %get3A_492 : vector<1x16xf32> to vector<16xf32>
        %mul3A_494 = arith.mulf %get3A_493, %get3A_479 : vector<16xf32>
        %swap3A_495 = arith.index_cast %add3A_475 : i32 to index
        %swap3A_496 = arith.constant 16 : index
        %swap3A_497 = tpu.vector_load %arg8[%swap3A_495, %swap3A_496] {strides = array<i32>} : memref<64x128xf32, #tpu.memory_space<vmem>>, vector<1x16xf32>,
        %swap3A_498 = vector.shape_cast %swap3A_497 : vector<1x16xf32> to vector<16xf32>
        %swap3A_499 = vector.shape_cast %mul3A_494 : vector<16xf32> to vector<1x16xf32>
        tpu.vector_store %arg8[%swap3A_495, %swap3A_496], %swap3A_499 {strides = array<i32>} : memref<64x128xf32, #tpu.memory_space<vmem>>, vector<1x16xf32>,
        %get3A_500 = arith.index_cast %add3A_475 : i32 to index
        %get3A_501 = arith.constant 32 : index
        %get3A_502 = tpu.vector_load %arg8[%get3A_500, %get3A_501] {strides = array<i32>} : memref<64x128xf32, #tpu.memory_space<vmem>>, vector<1x16xf32>,
        %get3A_503 = vector.shape_cast %get3A_502 : vector<1x16xf32> to vector<16xf32>
        %mul3A_504 = arith.mulf %get3A_503, %get3A_479 : vector<16xf32>
        %swap3A_505 = arith.index_cast %add3A_475 : i32 to index
        %swap3A_506 = arith.constant 32 : index
        %swap3A_507 = tpu.vector_load %arg8[%swap3A_505, %swap3A_506] {strides = array<i32>} : memref<64x128xf32, #tpu.memory_space<vmem>>, vector<1x16xf32>,
        %swap3A_508 = vector.shape_cast %swap3A_507 : vector<1x16xf32> to vector<16xf32>
        %swap3A_509 = vector.shape_cast %mul3A_504 : vector<16xf32> to vector<1x16xf32>
        tpu.vector_store %arg8[%swap3A_505, %swap3A_506], %swap3A_509 {strides = array<i32>} : memref<64x128xf32, #tpu.memory_space<vmem>>, vector<1x16xf32>,
        %get3A_510 = arith.index_cast %add3A_475 : i32 to index
        %get3A_511 = arith.constant 48 : index
        %get3A_512 = tpu.vector_load %arg8[%get3A_510, %get3A_511] {strides = array<i32>} : memref<64x128xf32, #tpu.memory_space<vmem>>, vector<1x16xf32>,
        %get3A_513 = vector.shape_cast %get3A_512 : vector<1x16xf32> to vector<16xf32>
        %mul3A_514 = arith.mulf %get3A_513, %get3A_479 : vector<16xf32>
        %swap3A_515 = arith.index_cast %add3A_475 : i32 to index
        %swap3A_516 = arith.constant 48 : index
        %swap3A_517 = tpu.vector_load %arg8[%swap3A_515, %swap3A_516] {strides = array<i32>} : memref<64x128xf32, #tpu.memory_space<vmem>>, vector<1x16xf32>,
        %swap3A_518 = vector.shape_cast %swap3A_517 : vector<1x16xf32> to vector<16xf32>
        %swap3A_519 = vector.shape_cast %mul3A_514 : vector<16xf32> to vector<1x16xf32>
        tpu.vector_store %arg8[%swap3A_515, %swap3A_516], %swap3A_519 {strides = array<i32>} : memref<64x128xf32, #tpu.memory_space<vmem>>, vector<1x16xf32>,
        %get3A_520 = arith.index_cast %add3A_475 : i32 to index
        %get3A_521 = arith.constant 64 : index
        %get3A_522 = tpu.vector_load %arg8[%get3A_520, %get3A_521] {strides = array<i32>} : memref<64x128xf32, #tpu.memory_space<vmem>>, vector<1x16xf32>,
        %get3A_523 = vector.shape_cast %get3A_522 : vector<1x16xf32> to vector<16xf32>
        %mul3A_524 = arith.mulf %get3A_523, %get3A_479 : vector<16xf32>
        %swap3A_525 = arith.index_cast %add3A_475 : i32 to index
        %swap3A_526 = arith.constant 64 : index
        %swap3A_527 = tpu.vector_load %arg8[%swap3A_525, %swap3A_526] {strides = array<i32>} : memref<64x128xf32, #tpu.memory_space<vmem>>, vector<1x16xf32>,
        %swap3A_528 = vector.shape_cast %swap3A_527 : vector<1x16xf32> to vector<16xf32>
        %swap3A_529 = vector.shape_cast %mul3A_524 : vector<16xf32> to vector<1x16xf32>
        tpu.vector_store %arg8[%swap3A_525, %swap3A_526], %swap3A_529 {strides = array<i32>} : memref<64x128xf32, #tpu.memory_space<vmem>>, vector<1x16xf32>,
        %get3A_530 = arith.index_cast %add3A_475 : i32 to index
        %get3A_531 = arith.constant 80 : index
        %get3A_532 = tpu.vector_load %arg8[%get3A_530, %get3A_531] {strides = array<i32>} : memref<64x128xf32, #tpu.memory_space<vmem>>, vector<1x16xf32>,
        %get3A_533 = vector.shape_cast %get3A_532 : vector<1x16xf32> to vector<16xf32>
        %mul3A_534 = arith.mulf %get3A_533, %get3A_479 : vector<16xf32>
        %swap3A_535 = arith.index_cast %add3A_475 : i32 to index
        %swap3A_536 = arith.constant 80 : index
        %swap3A_537 = tpu.vector_load %arg8[%swap3A_535, %swap3A_536] {strides = array<i32>} : memref<64x128xf32, #tpu.memory_space<vmem>>, vector<1x16xf32>,
        %swap3A_538 = vector.shape_cast %swap3A_537 : vector<1x16xf32> to vector<16xf32>
        %swap3A_539 = vector.shape_cast %mul3A_534 : vector<16xf32> to vector<1x16xf32>
        tpu.vector_store %arg8[%swap3A_535, %swap3A_536], %swap3A_539 {strides = array<i32>} : memref<64x128xf32, #tpu.memory_space<vmem>>, vector<1x16xf32>,
        %get3A_540 = arith.index_cast %add3A_475 : i32 to index
        %get3A_541 = arith.constant 96 : index
        %get3A_542 = tpu.vector_load %arg8[%get3A_540, %get3A_541] {strides = array<i32>} : memref<64x128xf32, #tpu.memory_space<vmem>>, vector<1x16xf32>,
        %get3A_543 = vector.shape_cast %get3A_542 : vector<1x16xf32> to vector<16xf32>
        %mul3A_544 = arith.mulf %get3A_543, %get3A_479 : vector<16xf32>
        %swap3A_545 = arith.index_cast %add3A_475 : i32 to index
        %swap3A_546 = arith.constant 96 : index
        %swap3A_547 = tpu.vector_load %arg8[%swap3A_545, %swap3A_546] {strides = array<i32>} : memref<64x128xf32, #tpu.memory_space<vmem>>, vector<1x16xf32>,
        %swap3A_548 = vector.shape_cast %swap3A_547 : vector<1x16xf32> to vector<16xf32>
        %swap3A_549 = vector.shape_cast %mul3A_544 : vector<16xf32> to vector<1x16xf32>
        tpu.vector_store %arg8[%swap3A_545, %swap3A_546], %swap3A_549 {strides = array<i32>} : memref<64x128xf32, #tpu.memory_space<vmem>>, vector<1x16xf32>,
        %get3A_550 = arith.index_cast %add3A_475 : i32 to index
        %get3A_551 = arith.constant 112 : index
        %get3A_552 = tpu.vector_load %arg8[%get3A_550, %get3A_551] {strides = array<i32>} : memref<64x128xf32, #tpu.memory_space<vmem>>, vector<1x16xf32>,
        %get3A_553 = vector.shape_cast %get3A_552 : vector<1x16xf32> to vector<16xf32>
        %mul3A_554 = arith.mulf %get3A_553, %get3A_479 : vector<16xf32>
        %swap3A_555 = arith.index_cast %add3A_475 : i32 to index
        %swap3A_556 = arith.constant 112 : index
        %swap3A_557 = tpu.vector_load %arg8[%swap3A_555, %swap3A_556] {strides = array<i32>} : memref<64x128xf32, #tpu.memory_space<vmem>>, vector<1x16xf32>,
        %swap3A_558 = vector.shape_cast %swap3A_557 : vector<1x16xf32> to vector<16xf32>
        %swap3A_559 = vector.shape_cast %mul3A_554 : vector<16xf32> to vector<1x16xf32>
        tpu.vector_store %arg8[%swap3A_555, %swap3A_556], %swap3A_559 {strides = array<i32>} : memref<64x128xf32, #tpu.memory_space<vmem>>, vector<1x16xf32>,
        %mul3A_560 = arith.constant 8 : i32
        %mul3A_561 = arith.muli %scan3A_120, %mul3A_560 : i32
        %add3A_562 = arith.constant 5 : i32
        %add3A_563 = arith.addi %mul3A_561, %add3A_562 : i32
        %get3A_564 = arith.index_cast %add3A_563 : i32 to index
        %get3A_565 = arith.constant 0 : index
        %get3A_566 = tpu.vector_load %arg12[%get3A_564, %get3A_565] {strides = array<i32>} : memref<64x16xf32, #tpu.memory_space<vmem>>, vector<1x16xf32>,
        %get3A_567 = vector.shape_cast %get3A_566 : vector<1x16xf32> to vector<16xf32>
        %get3A_568 = arith.index_cast %add3A_563 : i32 to index
        %get3A_569 = arith.constant 0 : index
        %get3A_570 = tpu.vector_load %arg8[%get3A_568, %get3A_569] {strides = array<i32>} : memref<64x128xf32, #tpu.memory_space<vmem>>, vector<1x16xf32>,
        %get3A_571 = vector.shape_cast %get3A_570 : vector<1x16xf32> to vector<16xf32>
        %mul3A_572 = arith.mulf %get3A_571, %get3A_567 : vector<16xf32>
        %swap3A_573 = arith.index_cast %add3A_563 : i32 to index
        %swap3A_574 = arith.constant 0 : index
        %swap3A_575 = tpu.vector_load %arg8[%swap3A_573, %swap3A_574] {strides = array<i32>} : memref<64x128xf32, #tpu.memory_space<vmem>>, vector<1x16xf32>,
        %swap3A_576 = vector.shape_cast %swap3A_575 : vector<1x16xf32> to vector<16xf32>
        %swap3A_577 = vector.shape_cast %mul3A_572 : vector<16xf32> to vector<1x16xf32>
        tpu.vector_store %arg8[%swap3A_573, %swap3A_574], %swap3A_577 {strides = array<i32>} : memref<64x128xf32, #tpu.memory_space<vmem>>, vector<1x16xf32>,
        %get3A_578 = arith.index_cast %add3A_563 : i32 to index
        %get3A_579 = arith.constant 16 : index
        %get3A_580 = tpu.vector_load %arg8[%get3A_578, %get3A_579] {strides = array<i32>} : memref<64x128xf32, #tpu.memory_space<vmem>>, vector<1x16xf32>,
        %get3A_581 = vector.shape_cast %get3A_580 : vector<1x16xf32> to vector<16xf32>
        %mul3A_582 = arith.mulf %get3A_581, %get3A_567 : vector<16xf32>
        %swap3A_583 = arith.index_cast %add3A_563 : i32 to index
        %swap3A_584 = arith.constant 16 : index
        %swap3A_585 = tpu.vector_load %arg8[%swap3A_583, %swap3A_584] {strides = array<i32>} : memref<64x128xf32, #tpu.memory_space<vmem>>, vector<1x16xf32>,
        %swap3A_586 = vector.shape_cast %swap3A_585 : vector<1x16xf32> to vector<16xf32>
        %swap3A_587 = vector.shape_cast %mul3A_582 : vector<16xf32> to vector<1x16xf32>
        tpu.vector_store %arg8[%swap3A_583, %swap3A_584], %swap3A_587 {strides = array<i32>} : memref<64x128xf32, #tpu.memory_space<vmem>>, vector<1x16xf32>,
        %get3A_588 = arith.index_cast %add3A_563 : i32 to index
        %get3A_589 = arith.constant 32 : index
        %get3A_590 = tpu.vector_load %arg8[%get3A_588, %get3A_589] {strides = array<i32>} : memref<64x128xf32, #tpu.memory_space<vmem>>, vector<1x16xf32>,
        %get3A_591 = vector.shape_cast %get3A_590 : vector<1x16xf32> to vector<16xf32>
        %mul3A_592 = arith.mulf %get3A_591, %get3A_567 : vector<16xf32>
        %swap3A_593 = arith.index_cast %add3A_563 : i32 to index
        %swap3A_594 = arith.constant 32 : index
        %swap3A_595 = tpu.vector_load %arg8[%swap3A_593, %swap3A_594] {strides = array<i32>} : memref<64x128xf32, #tpu.memory_space<vmem>>, vector<1x16xf32>,
        %swap3A_596 = vector.shape_cast %swap3A_595 : vector<1x16xf32> to vector<16xf32>
        %swap3A_597 = vector.shape_cast %mul3A_592 : vector<16xf32> to vector<1x16xf32>
        tpu.vector_store %arg8[%swap3A_593, %swap3A_594], %swap3A_597 {strides = array<i32>} : memref<64x128xf32, #tpu.memory_space<vmem>>, vector<1x16xf32>,
        %get3A_598 = arith.index_cast %add3A_563 : i32 to index
        %get3A_599 = arith.constant 48 : index
        %get3A_600 = tpu.vector_load %arg8[%get3A_598, %get3A_599] {strides = array<i32>} : memref<64x128xf32, #tpu.memory_space<vmem>>, vector<1x16xf32>,
        %get3A_601 = vector.shape_cast %get3A_600 : vector<1x16xf32> to vector<16xf32>
        %mul3A_602 = arith.mulf %get3A_601, %get3A_567 : vector<16xf32>
        %swap3A_603 = arith.index_cast %add3A_563 : i32 to index
        %swap3A_604 = arith.constant 48 : index
        %swap3A_605 = tpu.vector_load %arg8[%swap3A_603, %swap3A_604] {strides = array<i32>} : memref<64x128xf32, #tpu.memory_space<vmem>>, vector<1x16xf32>,
        %swap3A_606 = vector.shape_cast %swap3A_605 : vector<1x16xf32> to vector<16xf32>
        %swap3A_607 = vector.shape_cast %mul3A_602 : vector<16xf32> to vector<1x16xf32>
        tpu.vector_store %arg8[%swap3A_603, %swap3A_604], %swap3A_607 {strides = array<i32>} : memref<64x128xf32, #tpu.memory_space<vmem>>, vector<1x16xf32>,
        %get3A_608 = arith.index_cast %add3A_563 : i32 to index
        %get3A_609 = arith.constant 64 : index
        %get3A_610 = tpu.vector_load %arg8[%get3A_608, %get3A_609] {strides = array<i32>} : memref<64x128xf32, #tpu.memory_space<vmem>>, vector<1x16xf32>,
        %get3A_611 = vector.shape_cast %get3A_610 : vector<1x16xf32> to vector<16xf32>
        %mul3A_612 = arith.mulf %get3A_611, %get3A_567 : vector<16xf32>
        %swap3A_613 = arith.index_cast %add3A_563 : i32 to index
        %swap3A_614 = arith.constant 64 : index
        %swap3A_615 = tpu.vector_load %arg8[%swap3A_613, %swap3A_614] {strides = array<i32>} : memref<64x128xf32, #tpu.memory_space<vmem>>, vector<1x16xf32>,
        %swap3A_616 = vector.shape_cast %swap3A_615 : vector<1x16xf32> to vector<16xf32>
        %swap3A_617 = vector.shape_cast %mul3A_612 : vector<16xf32> to vector<1x16xf32>
        tpu.vector_store %arg8[%swap3A_613, %swap3A_614], %swap3A_617 {strides = array<i32>} : memref<64x128xf32, #tpu.memory_space<vmem>>, vector<1x16xf32>,
        %get3A_618 = arith.index_cast %add3A_563 : i32 to index
        %get3A_619 = arith.constant 80 : index
        %get3A_620 = tpu.vector_load %arg8[%get3A_618, %get3A_619] {strides = array<i32>} : memref<64x128xf32, #tpu.memory_space<vmem>>, vector<1x16xf32>,
        %get3A_621 = vector.shape_cast %get3A_620 : vector<1x16xf32> to vector<16xf32>
        %mul3A_622 = arith.mulf %get3A_621, %get3A_567 : vector<16xf32>
        %swap3A_623 = arith.index_cast %add3A_563 : i32 to index
        %swap3A_624 = arith.constant 80 : index
        %swap3A_625 = tpu.vector_load %arg8[%swap3A_623, %swap3A_624] {strides = array<i32>} : memref<64x128xf32, #tpu.memory_space<vmem>>, vector<1x16xf32>,
        %swap3A_626 = vector.shape_cast %swap3A_625 : vector<1x16xf32> to vector<16xf32>
        %swap3A_627 = vector.shape_cast %mul3A_622 : vector<16xf32> to vector<1x16xf32>
        tpu.vector_store %arg8[%swap3A_623, %swap3A_624], %swap3A_627 {strides = array<i32>} : memref<64x128xf32, #tpu.memory_space<vmem>>, vector<1x16xf32>,
        %get3A_628 = arith.index_cast %add3A_563 : i32 to index
        %get3A_629 = arith.constant 96 : index
        %get3A_630 = tpu.vector_load %arg8[%get3A_628, %get3A_629] {strides = array<i32>} : memref<64x128xf32, #tpu.memory_space<vmem>>, vector<1x16xf32>,
        %get3A_631 = vector.shape_cast %get3A_630 : vector<1x16xf32> to vector<16xf32>
        %mul3A_632 = arith.mulf %get3A_631, %get3A_567 : vector<16xf32>
        %swap3A_633 = arith.index_cast %add3A_563 : i32 to index
        %swap3A_634 = arith.constant 96 : index
        %swap3A_635 = tpu.vector_load %arg8[%swap3A_633, %swap3A_634] {strides = array<i32>} : memref<64x128xf32, #tpu.memory_space<vmem>>, vector<1x16xf32>,
        %swap3A_636 = vector.shape_cast %swap3A_635 : vector<1x16xf32> to vector<16xf32>
        %swap3A_637 = vector.shape_cast %mul3A_632 : vector<16xf32> to vector<1x16xf32>
        tpu.vector_store %arg8[%swap3A_633, %swap3A_634], %swap3A_637 {strides = array<i32>} : memref<64x128xf32, #tpu.memory_space<vmem>>, vector<1x16xf32>,
        %get3A_638 = arith.index_cast %add3A_563 : i32 to index
        %get3A_639 = arith.constant 112 : index
        %get3A_640 = tpu.vector_load %arg8[%get3A_638, %get3A_639] {strides = array<i32>} : memref<64x128xf32, #tpu.memory_space<vmem>>, vector<1x16xf32>,
        %get3A_641 = vector.shape_cast %get3A_640 : vector<1x16xf32> to vector<16xf32>
        %mul3A_642 = arith.mulf %get3A_641, %get3A_567 : vector<16xf32>
        %swap3A_643 = arith.index_cast %add3A_563 : i32 to index
        %swap3A_644 = arith.constant 112 : index
        %swap3A_645 = tpu.vector_load %arg8[%swap3A_643, %swap3A_644] {strides = array<i32>} : memref<64x128xf32, #tpu.memory_space<vmem>>, vector<1x16xf32>,
        %swap3A_646 = vector.shape_cast %swap3A_645 : vector<1x16xf32> to vector<16xf32>
        %swap3A_647 = vector.shape_cast %mul3A_642 : vector<16xf32> to vector<1x16xf32>
        tpu.vector_store %arg8[%swap3A_643, %swap3A_644], %swap3A_647 {strides = array<i32>} : memref<64x128xf32, #tpu.memory_space<vmem>>, vector<1x16xf32>,
        %mul3A_648 = arith.constant 8 : i32
        %mul3A_649 = arith.muli %scan3A_120, %mul3A_648 : i32
        %add3A_650 = arith.constant 6 : i32
        %add3A_651 = arith.addi %mul3A_649, %add3A_650 : i32
        %get3A_652 = arith.index_cast %add3A_651 : i32 to index
        %get3A_653 = arith.constant 0 : index
        %get3A_654 = tpu.vector_load %arg12[%get3A_652, %get3A_653] {strides = array<i32>} : memref<64x16xf32, #tpu.memory_space<vmem>>, vector<1x16xf32>,
        %get3A_655 = vector.shape_cast %get3A_654 : vector<1x16xf32> to vector<16xf32>
        %get3A_656 = arith.index_cast %add3A_651 : i32 to index
        %get3A_657 = arith.constant 0 : index
        %get3A_658 = tpu.vector_load %arg8[%get3A_656, %get3A_657] {strides = array<i32>} : memref<64x128xf32, #tpu.memory_space<vmem>>, vector<1x16xf32>,
        %get3A_659 = vector.shape_cast %get3A_658 : vector<1x16xf32> to vector<16xf32>
        %mul3A_660 = arith.mulf %get3A_659, %get3A_655 : vector<16xf32>
        %swap3A_661 = arith.index_cast %add3A_651 : i32 to index
        %swap3A_662 = arith.constant 0 : index
        %swap3A_663 = tpu.vector_load %arg8[%swap3A_661, %swap3A_662] {strides = array<i32>} : memref<64x128xf32, #tpu.memory_space<vmem>>, vector<1x16xf32>,
        %swap3A_664 = vector.shape_cast %swap3A_663 : vector<1x16xf32> to vector<16xf32>
        %swap3A_665 = vector.shape_cast %mul3A_660 : vector<16xf32> to vector<1x16xf32>
        tpu.vector_store %arg8[%swap3A_661, %swap3A_662], %swap3A_665 {strides = array<i32>} : memref<64x128xf32, #tpu.memory_space<vmem>>, vector<1x16xf32>,
        %get3A_666 = arith.index_cast %add3A_651 : i32 to index
        %get3A_667 = arith.constant 16 : index
        %get3A_668 = tpu.vector_load %arg8[%get3A_666, %get3A_667] {strides = array<i32>} : memref<64x128xf32, #tpu.memory_space<vmem>>, vector<1x16xf32>,
        %get3A_669 = vector.shape_cast %get3A_668 : vector<1x16xf32> to vector<16xf32>
        %mul3A_670 = arith.mulf %get3A_669, %get3A_655 : vector<16xf32>
        %swap3A_671 = arith.index_cast %add3A_651 : i32 to index
        %swap3A_672 = arith.constant 16 : index
        %swap3A_673 = tpu.vector_load %arg8[%swap3A_671, %swap3A_672] {strides = array<i32>} : memref<64x128xf32, #tpu.memory_space<vmem>>, vector<1x16xf32>,
        %swap3A_674 = vector.shape_cast %swap3A_673 : vector<1x16xf32> to vector<16xf32>
        %swap3A_675 = vector.shape_cast %mul3A_670 : vector<16xf32> to vector<1x16xf32>
        tpu.vector_store %arg8[%swap3A_671, %swap3A_672], %swap3A_675 {strides = array<i32>} : memref<64x128xf32, #tpu.memory_space<vmem>>, vector<1x16xf32>,
        %get3A_676 = arith.index_cast %add3A_651 : i32 to index
        %get3A_677 = arith.constant 32 : index
        %get3A_678 = tpu.vector_load %arg8[%get3A_676, %get3A_677] {strides = array<i32>} : memref<64x128xf32, #tpu.memory_space<vmem>>, vector<1x16xf32>,
        %get3A_679 = vector.shape_cast %get3A_678 : vector<1x16xf32> to vector<16xf32>
        %mul3A_680 = arith.mulf %get3A_679, %get3A_655 : vector<16xf32>
        %swap3A_681 = arith.index_cast %add3A_651 : i32 to index
        %swap3A_682 = arith.constant 32 : index
        %swap3A_683 = tpu.vector_load %arg8[%swap3A_681, %swap3A_682] {strides = array<i32>} : memref<64x128xf32, #tpu.memory_space<vmem>>, vector<1x16xf32>,
        %swap3A_684 = vector.shape_cast %swap3A_683 : vector<1x16xf32> to vector<16xf32>
        %swap3A_685 = vector.shape_cast %mul3A_680 : vector<16xf32> to vector<1x16xf32>
        tpu.vector_store %arg8[%swap3A_681, %swap3A_682], %swap3A_685 {strides = array<i32>} : memref<64x128xf32, #tpu.memory_space<vmem>>, vector<1x16xf32>,
        %get3A_686 = arith.index_cast %add3A_651 : i32 to index
        %get3A_687 = arith.constant 48 : index
        %get3A_688 = tpu.vector_load %arg8[%get3A_686, %get3A_687] {strides = array<i32>} : memref<64x128xf32, #tpu.memory_space<vmem>>, vector<1x16xf32>,
        %get3A_689 = vector.shape_cast %get3A_688 : vector<1x16xf32> to vector<16xf32>
        %mul3A_690 = arith.mulf %get3A_689, %get3A_655 : vector<16xf32>
        %swap3A_691 = arith.index_cast %add3A_651 : i32 to index
        %swap3A_692 = arith.constant 48 : index
        %swap3A_693 = tpu.vector_load %arg8[%swap3A_691, %swap3A_692] {strides = array<i32>} : memref<64x128xf32, #tpu.memory_space<vmem>>, vector<1x16xf32>,
        %swap3A_694 = vector.shape_cast %swap3A_693 : vector<1x16xf32> to vector<16xf32>
        %swap3A_695 = vector.shape_cast %mul3A_690 : vector<16xf32> to vector<1x16xf32>
        tpu.vector_store %arg8[%swap3A_691, %swap3A_692], %swap3A_695 {strides = array<i32>} : memref<64x128xf32, #tpu.memory_space<vmem>>, vector<1x16xf32>,
        %get3A_696 = arith.index_cast %add3A_651 : i32 to index
        %get3A_697 = arith.constant 64 : index
        %get3A_698 = tpu.vector_load %arg8[%get3A_696, %get3A_697] {strides = array<i32>} : memref<64x128xf32, #tpu.memory_space<vmem>>, vector<1x16xf32>,
        %get3A_699 = vector.shape_cast %get3A_698 : vector<1x16xf32> to vector<16xf32>
        %mul3A_700 = arith.mulf %get3A_699, %get3A_655 : vector<16xf32>
        %swap3A_701 = arith.index_cast %add3A_651 : i32 to index
        %swap3A_702 = arith.constant 64 : index
        %swap3A_703 = tpu.vector_load %arg8[%swap3A_701, %swap3A_702] {strides = array<i32>} : memref<64x128xf32, #tpu.memory_space<vmem>>, vector<1x16xf32>,
        %swap3A_704 = vector.shape_cast %swap3A_703 : vector<1x16xf32> to vector<16xf32>
        %swap3A_705 = vector.shape_cast %mul3A_700 : vector<16xf32> to vector<1x16xf32>
        tpu.vector_store %arg8[%swap3A_701, %swap3A_702], %swap3A_705 {strides = array<i32>} : memref<64x128xf32, #tpu.memory_space<vmem>>, vector<1x16xf32>,
        %get3A_706 = arith.index_cast %add3A_651 : i32 to index
        %get3A_707 = arith.constant 80 : index
        %get3A_708 = tpu.vector_load %arg8[%get3A_706, %get3A_707] {strides = array<i32>} : memref<64x128xf32, #tpu.memory_space<vmem>>, vector<1x16xf32>,
        %get3A_709 = vector.shape_cast %get3A_708 : vector<1x16xf32> to vector<16xf32>
        %mul3A_710 = arith.mulf %get3A_709, %get3A_655 : vector<16xf32>
        %swap3A_711 = arith.index_cast %add3A_651 : i32 to index
        %swap3A_712 = arith.constant 80 : index
        %swap3A_713 = tpu.vector_load %arg8[%swap3A_711, %swap3A_712] {strides = array<i32>} : memref<64x128xf32, #tpu.memory_space<vmem>>, vector<1x16xf32>,
        %swap3A_714 = vector.shape_cast %swap3A_713 : vector<1x16xf32> to vector<16xf32>
        %swap3A_715 = vector.shape_cast %mul3A_710 : vector<16xf32> to vector<1x16xf32>
        tpu.vector_store %arg8[%swap3A_711, %swap3A_712], %swap3A_715 {strides = array<i32>} : memref<64x128xf32, #tpu.memory_space<vmem>>, vector<1x16xf32>,
        %get3A_716 = arith.index_cast %add3A_651 : i32 to index
        %get3A_717 = arith.constant 96 : index
        %get3A_718 = tpu.vector_load %arg8[%get3A_716, %get3A_717] {strides = array<i32>} : memref<64x128xf32, #tpu.memory_space<vmem>>, vector<1x16xf32>,
        %get3A_719 = vector.shape_cast %get3A_718 : vector<1x16xf32> to vector<16xf32>
        %mul3A_720 = arith.mulf %get3A_719, %get3A_655 : vector<16xf32>
        %swap3A_721 = arith.index_cast %add3A_651 : i32 to index
        %swap3A_722 = arith.constant 96 : index
        %swap3A_723 = tpu.vector_load %arg8[%swap3A_721, %swap3A_722] {strides = array<i32>} : memref<64x128xf32, #tpu.memory_space<vmem>>, vector<1x16xf32>,
        %swap3A_724 = vector.shape_cast %swap3A_723 : vector<1x16xf32> to vector<16xf32>
        %swap3A_725 = vector.shape_cast %mul3A_720 : vector<16xf32> to vector<1x16xf32>
        tpu.vector_store %arg8[%swap3A_721, %swap3A_722], %swap3A_725 {strides = array<i32>} : memref<64x128xf32, #tpu.memory_space<vmem>>, vector<1x16xf32>,
        %get3A_726 = arith.index_cast %add3A_651 : i32 to index
        %get3A_727 = arith.constant 112 : index
        %get3A_728 = tpu.vector_load %arg8[%get3A_726, %get3A_727] {strides = array<i32>} : memref<64x128xf32, #tpu.memory_space<vmem>>, vector<1x16xf32>,
        %get3A_729 = vector.shape_cast %get3A_728 : vector<1x16xf32> to vector<16xf32>
        %mul3A_730 = arith.mulf %get3A_729, %get3A_655 : vector<16xf32>
        %swap3A_731 = arith.index_cast %add3A_651 : i32 to index
        %swap3A_732 = arith.constant 112 : index
        %swap3A_733 = tpu.vector_load %arg8[%swap3A_731, %swap3A_732] {strides = array<i32>} : memref<64x128xf32, #tpu.memory_space<vmem>>, vector<1x16xf32>,
        %swap3A_734 = vector.shape_cast %swap3A_733 : vector<1x16xf32> to vector<16xf32>
        %swap3A_735 = vector.shape_cast %mul3A_730 : vector<16xf32> to vector<1x16xf32>
        tpu.vector_store %arg8[%swap3A_731, %swap3A_732], %swap3A_735 {strides = array<i32>} : memref<64x128xf32, #tpu.memory_space<vmem>>, vector<1x16xf32>,
        %mul3A_736 = arith.constant 8 : i32
        %mul3A_737 = arith.muli %scan3A_120, %mul3A_736 : i32
        %add3A_738 = arith.constant 7 : i32
        %add3A_739 = arith.addi %mul3A_737, %add3A_738 : i32
        %get3A_740 = arith.index_cast %add3A_739 : i32 to index
        %get3A_741 = arith.constant 0 : index
        %get3A_742 = tpu.vector_load %arg12[%get3A_740, %get3A_741] {strides = array<i32>} : memref<64x16xf32, #tpu.memory_space<vmem>>, vector<1x16xf32>,
        %get3A_743 = vector.shape_cast %get3A_742 : vector<1x16xf32> to vector<16xf32>
        %get3A_744 = arith.index_cast %add3A_739 : i32 to index
        %get3A_745 = arith.constant 0 : index
        %get3A_746 = tpu.vector_load %arg8[%get3A_744, %get3A_745] {strides = array<i32>} : memref<64x128xf32, #tpu.memory_space<vmem>>, vector<1x16xf32>,
        %get3A_747 = vector.shape_cast %get3A_746 : vector<1x16xf32> to vector<16xf32>
        %mul3A_748 = arith.mulf %get3A_747, %get3A_743 : vector<16xf32>
        %swap3A_749 = arith.index_cast %add3A_739 : i32 to index
        %swap3A_750 = arith.constant 0 : index
        %swap3A_751 = tpu.vector_load %arg8[%swap3A_749, %swap3A_750] {strides = array<i32>} : memref<64x128xf32, #tpu.memory_space<vmem>>, vector<1x16xf32>,
        %swap3A_752 = vector.shape_cast %swap3A_751 : vector<1x16xf32> to vector<16xf32>
        %swap3A_753 = vector.shape_cast %mul3A_748 : vector<16xf32> to vector<1x16xf32>
        tpu.vector_store %arg8[%swap3A_749, %swap3A_750], %swap3A_753 {strides = array<i32>} : memref<64x128xf32, #tpu.memory_space<vmem>>, vector<1x16xf32>,
        %get3A_754 = arith.index_cast %add3A_739 : i32 to index
        %get3A_755 = arith.constant 16 : index
        %get3A_756 = tpu.vector_load %arg8[%get3A_754, %get3A_755] {strides = array<i32>} : memref<64x128xf32, #tpu.memory_space<vmem>>, vector<1x16xf32>,
        %get3A_757 = vector.shape_cast %get3A_756 : vector<1x16xf32> to vector<16xf32>
        %mul3A_758 = arith.mulf %get3A_757, %get3A_743 : vector<16xf32>
        %swap3A_759 = arith.index_cast %add3A_739 : i32 to index
        %swap3A_760 = arith.constant 16 : index
        %swap3A_761 = tpu.vector_load %arg8[%swap3A_759, %swap3A_760] {strides = array<i32>} : memref<64x128xf32, #tpu.memory_space<vmem>>, vector<1x16xf32>,
        %swap3A_762 = vector.shape_cast %swap3A_761 : vector<1x16xf32> to vector<16xf32>
        %swap3A_763 = vector.shape_cast %mul3A_758 : vector<16xf32> to vector<1x16xf32>
        tpu.vector_store %arg8[%swap3A_759, %swap3A_760], %swap3A_763 {strides = array<i32>} : memref<64x128xf32, #tpu.memory_space<vmem>>, vector<1x16xf32>,
        %get3A_764 = arith.index_cast %add3A_739 : i32 to index
        %get3A_765 = arith.constant 32 : index
        %get3A_766 = tpu.vector_load %arg8[%get3A_764, %get3A_765] {strides = array<i32>} : memref<64x128xf32, #tpu.memory_space<vmem>>, vector<1x16xf32>,
        %get3A_767 = vector.shape_cast %get3A_766 : vector<1x16xf32> to vector<16xf32>
        %mul3A_768 = arith.mulf %get3A_767, %get3A_743 : vector<16xf32>
        %swap3A_769 = arith.index_cast %add3A_739 : i32 to index
        %swap3A_770 = arith.constant 32 : index
        %swap3A_771 = tpu.vector_load %arg8[%swap3A_769, %swap3A_770] {strides = array<i32>} : memref<64x128xf32, #tpu.memory_space<vmem>>, vector<1x16xf32>,
        %swap3A_772 = vector.shape_cast %swap3A_771 : vector<1x16xf32> to vector<16xf32>
        %swap3A_773 = vector.shape_cast %mul3A_768 : vector<16xf32> to vector<1x16xf32>
        tpu.vector_store %arg8[%swap3A_769, %swap3A_770], %swap3A_773 {strides = array<i32>} : memref<64x128xf32, #tpu.memory_space<vmem>>, vector<1x16xf32>,
        %get3A_774 = arith.index_cast %add3A_739 : i32 to index
        %get3A_775 = arith.constant 48 : index
        %get3A_776 = tpu.vector_load %arg8[%get3A_774, %get3A_775] {strides = array<i32>} : memref<64x128xf32, #tpu.memory_space<vmem>>, vector<1x16xf32>,
        %get3A_777 = vector.shape_cast %get3A_776 : vector<1x16xf32> to vector<16xf32>
        %mul3A_778 = arith.mulf %get3A_777, %get3A_743 : vector<16xf32>
        %swap3A_779 = arith.index_cast %add3A_739 : i32 to index
        %swap3A_780 = arith.constant 48 : index
        %swap3A_781 = tpu.vector_load %arg8[%swap3A_779, %swap3A_780] {strides = array<i32>} : memref<64x128xf32, #tpu.memory_space<vmem>>, vector<1x16xf32>,
        %swap3A_782 = vector.shape_cast %swap3A_781 : vector<1x16xf32> to vector<16xf32>
        %swap3A_783 = vector.shape_cast %mul3A_778 : vector<16xf32> to vector<1x16xf32>
        tpu.vector_store %arg8[%swap3A_779, %swap3A_780], %swap3A_783 {strides = array<i32>} : memref<64x128xf32, #tpu.memory_space<vmem>>, vector<1x16xf32>,
        %get3A_784 = arith.index_cast %add3A_739 : i32 to index
        %get3A_785 = arith.constant 64 : index
        %get3A_786 = tpu.vector_load %arg8[%get3A_784, %get3A_785] {strides = array<i32>} : memref<64x128xf32, #tpu.memory_space<vmem>>, vector<1x16xf32>,
        %get3A_787 = vector.shape_cast %get3A_786 : vector<1x16xf32> to vector<16xf32>
        %mul3A_788 = arith.mulf %get3A_787, %get3A_743 : vector<16xf32>
        %swap3A_789 = arith.index_cast %add3A_739 : i32 to index
        %swap3A_790 = arith.constant 64 : index
        %swap3A_791 = tpu.vector_load %arg8[%swap3A_789, %swap3A_790] {strides = array<i32>} : memref<64x128xf32, #tpu.memory_space<vmem>>, vector<1x16xf32>,
        %swap3A_792 = vector.shape_cast %swap3A_791 : vector<1x16xf32> to vector<16xf32>
        %swap3A_793 = vector.shape_cast %mul3A_788 : vector<16xf32> to vector<1x16xf32>
        tpu.vector_store %arg8[%swap3A_789, %swap3A_790], %swap3A_793 {strides = array<i32>} : memref<64x128xf32, #tpu.memory_space<vmem>>, vector<1x16xf32>,
        %get3A_794 = arith.index_cast %add3A_739 : i32 to index
        %get3A_795 = arith.constant 80 : index
        %get3A_796 = tpu.vector_load %arg8[%get3A_794, %get3A_795] {strides = array<i32>} : memref<64x128xf32, #tpu.memory_space<vmem>>, vector<1x16xf32>,
        %get3A_797 = vector.shape_cast %get3A_796 : vector<1x16xf32> to vector<16xf32>
        %mul3A_798 = arith.mulf %get3A_797, %get3A_743 : vector<16xf32>
        %swap3A_799 = arith.index_cast %add3A_739 : i32 to index
        %swap3A_800 = arith.constant 80 : index
        %swap3A_801 = tpu.vector_load %arg8[%swap3A_799, %swap3A_800] {strides = array<i32>} : memref<64x128xf32, #tpu.memory_space<vmem>>, vector<1x16xf32>,
        %swap3A_802 = vector.shape_cast %swap3A_801 : vector<1x16xf32> to vector<16xf32>
        %swap3A_803 = vector.shape_cast %mul3A_798 : vector<16xf32> to vector<1x16xf32>
        tpu.vector_store %arg8[%swap3A_799, %swap3A_800], %swap3A_803 {strides = array<i32>} : memref<64x128xf32, #tpu.memory_space<vmem>>, vector<1x16xf32>,
        %get3A_804 = arith.index_cast %add3A_739 : i32 to index
        %get3A_805 = arith.constant 96 : index
        %get3A_806 = tpu.vector_load %arg8[%get3A_804, %get3A_805] {strides = array<i32>} : memref<64x128xf32, #tpu.memory_space<vmem>>, vector<1x16xf32>,
        %get3A_807 = vector.shape_cast %get3A_806 : vector<1x16xf32> to vector<16xf32>
        %mul3A_808 = arith.mulf %get3A_807, %get3A_743 : vector<16xf32>
        %swap3A_809 = arith.index_cast %add3A_739 : i32 to index
        %swap3A_810 = arith.constant 96 : index
        %swap3A_811 = tpu.vector_load %arg8[%swap3A_809, %swap3A_810] {strides = array<i32>} : memref<64x128xf32, #tpu.memory_space<vmem>>, vector<1x16xf32>,
        %swap3A_812 = vector.shape_cast %swap3A_811 : vector<1x16xf32> to vector<16xf32>
        %swap3A_813 = vector.shape_cast %mul3A_808 : vector<16xf32> to vector<1x16xf32>
        tpu.vector_store %arg8[%swap3A_809, %swap3A_810], %swap3A_813 {strides = array<i32>} : memref<64x128xf32, #tpu.memory_space<vmem>>, vector<1x16xf32>,
        %get3A_814 = arith.index_cast %add3A_739 : i32 to index
        %get3A_815 = arith.constant 112 : index
        %get3A_816 = tpu.vector_load %arg8[%get3A_814, %get3A_815] {strides = array<i32>} : memref<64x128xf32, #tpu.memory_space<vmem>>, vector<1x16xf32>,
        %get3A_817 = vector.shape_cast %get3A_816 : vector<1x16xf32> to vector<16xf32>
        %mul3A_818 = arith.mulf %get3A_817, %get3A_743 : vector<16xf32>
        %swap3A_819 = arith.index_cast %add3A_739 : i32 to index
        %swap3A_820 = arith.constant 112 : index
        %swap3A_821 = tpu.vector_load %arg8[%swap3A_819, %swap3A_820] {strides = array<i32>} : memref<64x128xf32, #tpu.memory_space<vmem>>, vector<1x16xf32>,
        %swap3A_822 = vector.shape_cast %swap3A_821 : vector<1x16xf32> to vector<16xf32>
        %swap3A_823 = vector.shape_cast %mul3A_818 : vector<16xf32> to vector<1x16xf32>
        tpu.vector_store %arg8[%swap3A_819, %swap3A_820], %swap3A_823 {strides = array<i32>} : memref<64x128xf32, #tpu.memory_space<vmem>>, vector<1x16xf32>,
        %scan3A_824 = arith.constant 0 : i32
        scf.yield %scan3A_824 : i32
      }
      %scan3A_84 = arith.constant 8 : i32
      %dma_start3A_85 = arith.constant 0 : i32
      %dma_start3A_86 = arith.constant 0 : i32
      %dma_start3A_87 = tpu.memref_slice %arg10[%dma_start3A_85, %dma_start3A_86] : memref<3x64xi32, #tpu.memory_space<vmem>> -> memref<1x64xi32, #tpu.memory_space<vmem>>
      %dma_start3A_88 = tpu.memref_squeeze %dma_start3A_87 : memref<1x64xi32, #tpu.memory_space<vmem>> -> memref<64xi32, #tpu.memory_space<vmem>>
      %dma_start3A_89 = arith.constant 0 : i32
      %dma_start3A_90 = arith.constant 0 : i32
      %dma_start3A_91 = tpu.memref_slice %arg7[%dma_start3A_89, %dma_start3A_90] : memref<10240x128xf32, #tpu.memory_space<vmem_shared>> -> memref<10240x128xf32, #tpu.memory_space<vmem_shared>>
      tpu.enqueue_indirect_dma source(%arg8 : memref<64x128xf32, #tpu.memory_space<vmem>>) target(%dma_start3A_91 : memref<10240x128xf32, #tpu.memory_space<vmem_shared>>) offsets(%dma_start3A_88 : memref<64xi32, #tpu.memory_space<vmem>>) semaphore(%arg16 : memref<!tpu.dma_semaphore, #tpu.memory_space<semaphore_mem>>) {add = true}
      %dma_wait3A_92 = arith.constant 1 : i32
      %dma_wait3A_93 = arith.constant 0 : i32
      %dma_wait3A_94 = tpu.memref_slice %arg11[%dma_wait3A_92, %dma_wait3A_93] : memref<3x64xi32, #tpu.memory_space<vmem>> -> memref<1x64xi32, #tpu.memory_space<vmem>>
      %dma_wait3A_95 = tpu.memref_squeeze %dma_wait3A_94 : memref<1x64xi32, #tpu.memory_space<vmem>> -> memref<64xi32, #tpu.memory_space<vmem>>
      %dma_wait3A_96 = arith.constant 0 : i32
      %dma_wait3A_97 = arith.constant 0 : i32
      %dma_wait3A_98 = tpu.memref_slice %arg2[%dma_wait3A_96, %dma_wait3A_97] : memref<10240x128xf32, #tpu.memory_space<hbm>> -> memref<10240x128xf32, #tpu.memory_space<hbm>>
      tpu.wait_indirect_dma semaphore(%arg15 : memref<!tpu.dma_semaphore, #tpu.memory_space<semaphore_mem>>) src(%dma_wait3A_98 : memref<10240x128xf32, #tpu.memory_space<hbm>>) dst(%arg9 : memref<64x128xf32, #tpu.memory_space<vmem>>)
      %scan3A_99 = arith.constant 0 : i32
      %scan3A_100 = arith.constant 0 : i32
      %scan3A_101 = arith.constant 8 : i32
      %scan3A_102 = arith.addi %scan3A_100, %scan3A_101 : i32
      %scan3A_103 = arith.constant 1 : i32
      %scan3A_104 = scf.for %scan3A_120 = %scan3A_100 to %scan3A_102 step %scan3A_103 iter_args(%scan3A_121 = %scan3A_99) -> (i32)  : i32 {
        %mul3A_122 = arith.constant 8 : i32
        %mul3A_123 = arith.muli %scan3A_120, %mul3A_122 : i32
        %add3A_124 = arith.constant 0 : i32
        %add3A_125 = arith.addi %mul3A_123, %add3A_124 : i32
        %get3A = arith.index_cast %add3A_125 : i32 to index
        %get3A_126 = arith.constant 0 : index
        %get3A_127 = tpu.vector_load %arg13[%get3A, %get3A_126] {strides = array<i32>} : memref<64x16xf32, #tpu.memory_space<vmem>>, vector<1x16xf32>,
        %get3A_128 = vector.shape_cast %get3A_127 : vector<1x16xf32> to vector<16xf32>
        %get3A_129 = arith.index_cast %add3A_125 : i32 to index
        %get3A_130 = arith.constant 0 : index
        %get3A_131 = tpu.vector_load %arg9[%get3A_129, %get3A_130] {strides = array<i32>} : memref<64x128xf32, #tpu.memory_space<vmem>>, vector<1x16xf32>,
        %get3A_132 = vector.shape_cast %get3A_131 : vector<1x16xf32> to vector<16xf32>
        %mul3A_133 = arith.mulf %get3A_132, %get3A_128 : vector<16xf32>
        %swap3A = arith.index_cast %add3A_125 : i32 to index
        %swap3A_134 = arith.constant 0 : index
        %swap3A_135 = tpu.vector_load %arg9[%swap3A, %swap3A_134] {strides = array<i32>} : memref<64x128xf32, #tpu.memory_space<vmem>>, vector<1x16xf32>,
        %swap3A_136 = vector.shape_cast %swap3A_135 : vector<1x16xf32> to vector<16xf32>
        %swap3A_137 = vector.shape_cast %mul3A_133 : vector<16xf32> to vector<1x16xf32>
        tpu.vector_store %arg9[%swap3A, %swap3A_134], %swap3A_137 {strides = array<i32>} : memref<64x128xf32, #tpu.memory_space<vmem>>, vector<1x16xf32>,
        %get3A_138 = arith.index_cast %add3A_125 : i32 to index
        %get3A_139 = arith.constant 16 : index
        %get3A_140 = tpu.vector_load %arg9[%get3A_138, %get3A_139] {strides = array<i32>} : memref<64x128xf32, #tpu.memory_space<vmem>>, vector<1x16xf32>,
        %get3A_141 = vector.shape_cast %get3A_140 : vector<1x16xf32> to vector<16xf32>
        %mul3A_142 = arith.mulf %get3A_141, %get3A_128 : vector<16xf32>
        %swap3A_143 = arith.index_cast %add3A_125 : i32 to index
        %swap3A_144 = arith.constant 16 : index
        %swap3A_145 = tpu.vector_load %arg9[%swap3A_143, %swap3A_144] {strides = array<i32>} : memref<64x128xf32, #tpu.memory_space<vmem>>, vector<1x16xf32>,
        %swap3A_146 = vector.shape_cast %swap3A_145 : vector<1x16xf32> to vector<16xf32>
        %swap3A_147 = vector.shape_cast %mul3A_142 : vector<16xf32> to vector<1x16xf32>
        tpu.vector_store %arg9[%swap3A_143, %swap3A_144], %swap3A_147 {strides = array<i32>} : memref<64x128xf32, #tpu.memory_space<vmem>>, vector<1x16xf32>,
        %get3A_148 = arith.index_cast %add3A_125 : i32 to index
        %get3A_149 = arith.constant 32 : index
        %get3A_150 = tpu.vector_load %arg9[%get3A_148, %get3A_149] {strides = array<i32>} : memref<64x128xf32, #tpu.memory_space<vmem>>, vector<1x16xf32>,
        %get3A_151 = vector.shape_cast %get3A_150 : vector<1x16xf32> to vector<16xf32>
        %mul3A_152 = arith.mulf %get3A_151, %get3A_128 : vector<16xf32>
        %swap3A_153 = arith.index_cast %add3A_125 : i32 to index
        %swap3A_154 = arith.constant 32 : index
        %swap3A_155 = tpu.vector_load %arg9[%swap3A_153, %swap3A_154] {strides = array<i32>} : memref<64x128xf32, #tpu.memory_space<vmem>>, vector<1x16xf32>,
        %swap3A_156 = vector.shape_cast %swap3A_155 : vector<1x16xf32> to vector<16xf32>
        %swap3A_157 = vector.shape_cast %mul3A_152 : vector<16xf32> to vector<1x16xf32>
        tpu.vector_store %arg9[%swap3A_153, %swap3A_154], %swap3A_157 {strides = array<i32>} : memref<64x128xf32, #tpu.memory_space<vmem>>, vector<1x16xf32>,
        %get3A_158 = arith.index_cast %add3A_125 : i32 to index
        %get3A_159 = arith.constant 48 : index
        %get3A_160 = tpu.vector_load %arg9[%get3A_158, %get3A_159] {strides = array<i32>} : memref<64x128xf32, #tpu.memory_space<vmem>>, vector<1x16xf32>,
        %get3A_161 = vector.shape_cast %get3A_160 : vector<1x16xf32> to vector<16xf32>
        %mul3A_162 = arith.mulf %get3A_161, %get3A_128 : vector<16xf32>
        %swap3A_163 = arith.index_cast %add3A_125 : i32 to index
        %swap3A_164 = arith.constant 48 : index
        %swap3A_165 = tpu.vector_load %arg9[%swap3A_163, %swap3A_164] {strides = array<i32>} : memref<64x128xf32, #tpu.memory_space<vmem>>, vector<1x16xf32>,
        %swap3A_166 = vector.shape_cast %swap3A_165 : vector<1x16xf32> to vector<16xf32>
        %swap3A_167 = vector.shape_cast %mul3A_162 : vector<16xf32> to vector<1x16xf32>
        tpu.vector_store %arg9[%swap3A_163, %swap3A_164], %swap3A_167 {strides = array<i32>} : memref<64x128xf32, #tpu.memory_space<vmem>>, vector<1x16xf32>,
        %get3A_168 = arith.index_cast %add3A_125 : i32 to index
        %get3A_169 = arith.constant 64 : index
        %get3A_170 = tpu.vector_load %arg9[%get3A_168, %get3A_169] {strides = array<i32>} : memref<64x128xf32, #tpu.memory_space<vmem>>, vector<1x16xf32>,
        %get3A_171 = vector.shape_cast %get3A_170 : vector<1x16xf32> to vector<16xf32>
        %mul3A_172 = arith.mulf %get3A_171, %get3A_128 : vector<16xf32>
        %swap3A_173 = arith.index_cast %add3A_125 : i32 to index
        %swap3A_174 = arith.constant 64 : index
        %swap3A_175 = tpu.vector_load %arg9[%swap3A_173, %swap3A_174] {strides = array<i32>} : memref<64x128xf32, #tpu.memory_space<vmem>>, vector<1x16xf32>,
        %swap3A_176 = vector.shape_cast %swap3A_175 : vector<1x16xf32> to vector<16xf32>
        %swap3A_177 = vector.shape_cast %mul3A_172 : vector<16xf32> to vector<1x16xf32>
        tpu.vector_store %arg9[%swap3A_173, %swap3A_174], %swap3A_177 {strides = array<i32>} : memref<64x128xf32, #tpu.memory_space<vmem>>, vector<1x16xf32>,
        %get3A_178 = arith.index_cast %add3A_125 : i32 to index
        %get3A_179 = arith.constant 80 : index
        %get3A_180 = tpu.vector_load %arg9[%get3A_178, %get3A_179] {strides = array<i32>} : memref<64x128xf32, #tpu.memory_space<vmem>>, vector<1x16xf32>,
        %get3A_181 = vector.shape_cast %get3A_180 : vector<1x16xf32> to vector<16xf32>
        %mul3A_182 = arith.mulf %get3A_181, %get3A_128 : vector<16xf32>
        %swap3A_183 = arith.index_cast %add3A_125 : i32 to index
        %swap3A_184 = arith.constant 80 : index
        %swap3A_185 = tpu.vector_load %arg9[%swap3A_183, %swap3A_184] {strides = array<i32>} : memref<64x128xf32, #tpu.memory_space<vmem>>, vector<1x16xf32>,
        %swap3A_186 = vector.shape_cast %swap3A_185 : vector<1x16xf32> to vector<16xf32>
        %swap3A_187 = vector.shape_cast %mul3A_182 : vector<16xf32> to vector<1x16xf32>
        tpu.vector_store %arg9[%swap3A_183, %swap3A_184], %swap3A_187 {strides = array<i32>} : memref<64x128xf32, #tpu.memory_space<vmem>>, vector<1x16xf32>,
        %get3A_188 = arith.index_cast %add3A_125 : i32 to index
        %get3A_189 = arith.constant 96 : index
        %get3A_190 = tpu.vector_load %arg9[%get3A_188, %get3A_189] {strides = array<i32>} : memref<64x128xf32, #tpu.memory_space<vmem>>, vector<1x16xf32>,
        %get3A_191 = vector.shape_cast %get3A_190 : vector<1x16xf32> to vector<16xf32>
        %mul3A_192 = arith.mulf %get3A_191, %get3A_128 : vector<16xf32>
        %swap3A_193 = arith.index_cast %add3A_125 : i32 to index
        %swap3A_194 = arith.constant 96 : index
        %swap3A_195 = tpu.vector_load %arg9[%swap3A_193, %swap3A_194] {strides = array<i32>} : memref<64x128xf32, #tpu.memory_space<vmem>>, vector<1x16xf32>,
        %swap3A_196 = vector.shape_cast %swap3A_195 : vector<1x16xf32> to vector<16xf32>
        %swap3A_197 = vector.shape_cast %mul3A_192 : vector<16xf32> to vector<1x16xf32>
        tpu.vector_store %arg9[%swap3A_193, %swap3A_194], %swap3A_197 {strides = array<i32>} : memref<64x128xf32, #tpu.memory_space<vmem>>, vector<1x16xf32>,
        %get3A_198 = arith.index_cast %add3A_125 : i32 to index
        %get3A_199 = arith.constant 112 : index
        %get3A_200 = tpu.vector_load %arg9[%get3A_198, %get3A_199] {strides = array<i32>} : memref<64x128xf32, #tpu.memory_space<vmem>>, vector<1x16xf32>,
        %get3A_201 = vector.shape_cast %get3A_200 : vector<1x16xf32> to vector<16xf32>
        %mul3A_202 = arith.mulf %get3A_201, %get3A_128 : vector<16xf32>
        %swap3A_203 = arith.index_cast %add3A_125 : i32 to index
        %swap3A_204 = arith.constant 112 : index
        %swap3A_205 = tpu.vector_load %arg9[%swap3A_203, %swap3A_204] {strides = array<i32>} : memref<64x128xf32, #tpu.memory_space<vmem>>, vector<1x16xf32>,
        %swap3A_206 = vector.shape_cast %swap3A_205 : vector<1x16xf32> to vector<16xf32>
        %swap3A_207 = vector.shape_cast %mul3A_202 : vector<16xf32> to vector<1x16xf32>
        tpu.vector_store %arg9[%swap3A_203, %swap3A_204], %swap3A_207 {strides = array<i32>} : memref<64x128xf32, #tpu.memory_space<vmem>>, vector<1x16xf32>,
        %mul3A_208 = arith.constant 8 : i32
        %mul3A_209 = arith.muli %scan3A_120, %mul3A_208 : i32
        %add3A_210 = arith.constant 1 : i32
        %add3A_211 = arith.addi %mul3A_209, %add3A_210 : i32
        %get3A_212 = arith.index_cast %add3A_211 : i32 to index
        %get3A_213 = arith.constant 0 : index
        %get3A_214 = tpu.vector_load %arg13[%get3A_212, %get3A_213] {strides = array<i32>} : memref<64x16xf32, #tpu.memory_space<vmem>>, vector<1x16xf32>,
        %get3A_215 = vector.shape_cast %get3A_214 : vector<1x16xf32> to vector<16xf32>
        %get3A_216 = arith.index_cast %add3A_211 : i32 to index
        %get3A_217 = arith.constant 0 : index
        %get3A_218 = tpu.vector_load %arg9[%get3A_216, %get3A_217] {strides = array<i32>} : memref<64x128xf32, #tpu.memory_space<vmem>>, vector<1x16xf32>,
        %get3A_219 = vector.shape_cast %get3A_218 : vector<1x16xf32> to vector<16xf32>
        %mul3A_220 = arith.mulf %get3A_219, %get3A_215 : vector<16xf32>
        %swap3A_221 = arith.index_cast %add3A_211 : i32 to index
        %swap3A_222 = arith.constant 0 : index
        %swap3A_223 = tpu.vector_load %arg9[%swap3A_221, %swap3A_222] {strides = array<i32>} : memref<64x128xf32, #tpu.memory_space<vmem>>, vector<1x16xf32>,
        %swap3A_224 = vector.shape_cast %swap3A_223 : vector<1x16xf32> to vector<16xf32>
        %swap3A_225 = vector.shape_cast %mul3A_220 : vector<16xf32> to vector<1x16xf32>
        tpu.vector_store %arg9[%swap3A_221, %swap3A_222], %swap3A_225 {strides = array<i32>} : memref<64x128xf32, #tpu.memory_space<vmem>>, vector<1x16xf32>,
        %get3A_226 = arith.index_cast %add3A_211 : i32 to index
        %get3A_227 = arith.constant 16 : index
        %get3A_228 = tpu.vector_load %arg9[%get3A_226, %get3A_227] {strides = array<i32>} : memref<64x128xf32, #tpu.memory_space<vmem>>, vector<1x16xf32>,
        %get3A_229 = vector.shape_cast %get3A_228 : vector<1x16xf32> to vector<16xf32>
        %mul3A_230 = arith.mulf %get3A_229, %get3A_215 : vector<16xf32>
        %swap3A_231 = arith.index_cast %add3A_211 : i32 to index
        %swap3A_232 = arith.constant 16 : index
        %swap3A_233 = tpu.vector_load %arg9[%swap3A_231, %swap3A_232] {strides = array<i32>} : memref<64x128xf32, #tpu.memory_space<vmem>>, vector<1x16xf32>,
        %swap3A_234 = vector.shape_cast %swap3A_233 : vector<1x16xf32> to vector<16xf32>
        %swap3A_235 = vector.shape_cast %mul3A_230 : vector<16xf32> to vector<1x16xf32>
        tpu.vector_store %arg9[%swap3A_231, %swap3A_232], %swap3A_235 {strides = array<i32>} : memref<64x128xf32, #tpu.memory_space<vmem>>, vector<1x16xf32>,
        %get3A_236 = arith.index_cast %add3A_211 : i32 to index
        %get3A_237 = arith.constant 32 : index
        %get3A_238 = tpu.vector_load %arg9[%get3A_236, %get3A_237] {strides = array<i32>} : memref<64x128xf32, #tpu.memory_space<vmem>>, vector<1x16xf32>,
        %get3A_239 = vector.shape_cast %get3A_238 : vector<1x16xf32> to vector<16xf32>
        %mul3A_240 = arith.mulf %get3A_239, %get3A_215 : vector<16xf32>
        %swap3A_241 = arith.index_cast %add3A_211 : i32 to index
        %swap3A_242 = arith.constant 32 : index
        %swap3A_243 = tpu.vector_load %arg9[%swap3A_241, %swap3A_242] {strides = array<i32>} : memref<64x128xf32, #tpu.memory_space<vmem>>, vector<1x16xf32>,
        %swap3A_244 = vector.shape_cast %swap3A_243 : vector<1x16xf32> to vector<16xf32>
        %swap3A_245 = vector.shape_cast %mul3A_240 : vector<16xf32> to vector<1x16xf32>
        tpu.vector_store %arg9[%swap3A_241, %swap3A_242], %swap3A_245 {strides = array<i32>} : memref<64x128xf32, #tpu.memory_space<vmem>>, vector<1x16xf32>,
        %get3A_246 = arith.index_cast %add3A_211 : i32 to index
        %get3A_247 = arith.constant 48 : index
        %get3A_248 = tpu.vector_load %arg9[%get3A_246, %get3A_247] {strides = array<i32>} : memref<64x128xf32, #tpu.memory_space<vmem>>, vector<1x16xf32>,
        %get3A_249 = vector.shape_cast %get3A_248 : vector<1x16xf32> to vector<16xf32>
        %mul3A_250 = arith.mulf %get3A_249, %get3A_215 : vector<16xf32>
        %swap3A_251 = arith.index_cast %add3A_211 : i32 to index
        %swap3A_252 = arith.constant 48 : index
        %swap3A_253 = tpu.vector_load %arg9[%swap3A_251, %swap3A_252] {strides = array<i32>} : memref<64x128xf32, #tpu.memory_space<vmem>>, vector<1x16xf32>,
        %swap3A_254 = vector.shape_cast %swap3A_253 : vector<1x16xf32> to vector<16xf32>
        %swap3A_255 = vector.shape_cast %mul3A_250 : vector<16xf32> to vector<1x16xf32>
        tpu.vector_store %arg9[%swap3A_251, %swap3A_252], %swap3A_255 {strides = array<i32>} : memref<64x128xf32, #tpu.memory_space<vmem>>, vector<1x16xf32>,
        %get3A_256 = arith.index_cast %add3A_211 : i32 to index
        %get3A_257 = arith.constant 64 : index
        %get3A_258 = tpu.vector_load %arg9[%get3A_256, %get3A_257] {strides = array<i32>} : memref<64x128xf32, #tpu.memory_space<vmem>>, vector<1x16xf32>,
        %get3A_259 = vector.shape_cast %get3A_258 : vector<1x16xf32> to vector<16xf32>
        %mul3A_260 = arith.mulf %get3A_259, %get3A_215 : vector<16xf32>
        %swap3A_261 = arith.index_cast %add3A_211 : i32 to index
        %swap3A_262 = arith.constant 64 : index
        %swap3A_263 = tpu.vector_load %arg9[%swap3A_261, %swap3A_262] {strides = array<i32>} : memref<64x128xf32, #tpu.memory_space<vmem>>, vector<1x16xf32>,
        %swap3A_264 = vector.shape_cast %swap3A_263 : vector<1x16xf32> to vector<16xf32>
        %swap3A_265 = vector.shape_cast %mul3A_260 : vector<16xf32> to vector<1x16xf32>
        tpu.vector_store %arg9[%swap3A_261, %swap3A_262], %swap3A_265 {strides = array<i32>} : memref<64x128xf32, #tpu.memory_space<vmem>>, vector<1x16xf32>,
        %get3A_266 = arith.index_cast %add3A_211 : i32 to index
        %get3A_267 = arith.constant 80 : index
        %get3A_268 = tpu.vector_load %arg9[%get3A_266, %get3A_267] {strides = array<i32>} : memref<64x128xf32, #tpu.memory_space<vmem>>, vector<1x16xf32>,
        %get3A_269 = vector.shape_cast %get3A_268 : vector<1x16xf32> to vector<16xf32>
        %mul3A_270 = arith.mulf %get3A_269, %get3A_215 : vector<16xf32>
        %swap3A_271 = arith.index_cast %add3A_211 : i32 to index
        %swap3A_272 = arith.constant 80 : index
        %swap3A_273 = tpu.vector_load %arg9[%swap3A_271, %swap3A_272] {strides = array<i32>} : memref<64x128xf32, #tpu.memory_space<vmem>>, vector<1x16xf32>,
        %swap3A_274 = vector.shape_cast %swap3A_273 : vector<1x16xf32> to vector<16xf32>
        %swap3A_275 = vector.shape_cast %mul3A_270 : vector<16xf32> to vector<1x16xf32>
        tpu.vector_store %arg9[%swap3A_271, %swap3A_272], %swap3A_275 {strides = array<i32>} : memref<64x128xf32, #tpu.memory_space<vmem>>, vector<1x16xf32>,
        %get3A_276 = arith.index_cast %add3A_211 : i32 to index
        %get3A_277 = arith.constant 96 : index
        %get3A_278 = tpu.vector_load %arg9[%get3A_276, %get3A_277] {strides = array<i32>} : memref<64x128xf32, #tpu.memory_space<vmem>>, vector<1x16xf32>,
        %get3A_279 = vector.shape_cast %get3A_278 : vector<1x16xf32> to vector<16xf32>
        %mul3A_280 = arith.mulf %get3A_279, %get3A_215 : vector<16xf32>
        %swap3A_281 = arith.index_cast %add3A_211 : i32 to index
        %swap3A_282 = arith.constant 96 : index
        %swap3A_283 = tpu.vector_load %arg9[%swap3A_281, %swap3A_282] {strides = array<i32>} : memref<64x128xf32, #tpu.memory_space<vmem>>, vector<1x16xf32>,
        %swap3A_284 = vector.shape_cast %swap3A_283 : vector<1x16xf32> to vector<16xf32>
        %swap3A_285 = vector.shape_cast %mul3A_280 : vector<16xf32> to vector<1x16xf32>
        tpu.vector_store %arg9[%swap3A_281, %swap3A_282], %swap3A_285 {strides = array<i32>} : memref<64x128xf32, #tpu.memory_space<vmem>>, vector<1x16xf32>,
        %get3A_286 = arith.index_cast %add3A_211 : i32 to index
        %get3A_287 = arith.constant 112 : index
        %get3A_288 = tpu.vector_load %arg9[%get3A_286, %get3A_287] {strides = array<i32>} : memref<64x128xf32, #tpu.memory_space<vmem>>, vector<1x16xf32>,
        %get3A_289 = vector.shape_cast %get3A_288 : vector<1x16xf32> to vector<16xf32>
        %mul3A_290 = arith.mulf %get3A_289, %get3A_215 : vector<16xf32>
        %swap3A_291 = arith.index_cast %add3A_211 : i32 to index
        %swap3A_292 = arith.constant 112 : index
        %swap3A_293 = tpu.vector_load %arg9[%swap3A_291, %swap3A_292] {strides = array<i32>} : memref<64x128xf32, #tpu.memory_space<vmem>>, vector<1x16xf32>,
        %swap3A_294 = vector.shape_cast %swap3A_293 : vector<1x16xf32> to vector<16xf32>
        %swap3A_295 = vector.shape_cast %mul3A_290 : vector<16xf32> to vector<1x16xf32>
        tpu.vector_store %arg9[%swap3A_291, %swap3A_292], %swap3A_295 {strides = array<i32>} : memref<64x128xf32, #tpu.memory_space<vmem>>, vector<1x16xf32>,
        %mul3A_296 = arith.constant 8 : i32
        %mul3A_297 = arith.muli %scan3A_120, %mul3A_296 : i32
        %add3A_298 = arith.constant 2 : i32
        %add3A_299 = arith.addi %mul3A_297, %add3A_298 : i32
        %get3A_300 = arith.index_cast %add3A_299 : i32 to index
        %get3A_301 = arith.constant 0 : index
        %get3A_302 = tpu.vector_load %arg13[%get3A_300, %get3A_301] {strides = array<i32>} : memref<64x16xf32, #tpu.memory_space<vmem>>, vector<1x16xf32>,
        %get3A_303 = vector.shape_cast %get3A_302 : vector<1x16xf32> to vector<16xf32>
        %get3A_304 = arith.index_cast %add3A_299 : i32 to index
        %get3A_305 = arith.constant 0 : index
        %get3A_306 = tpu.vector_load %arg9[%get3A_304, %get3A_305] {strides = array<i32>} : memref<64x128xf32, #tpu.memory_space<vmem>>, vector<1x16xf32>,
        %get3A_307 = vector.shape_cast %get3A_306 : vector<1x16xf32> to vector<16xf32>
        %mul3A_308 = arith.mulf %get3A_307, %get3A_303 : vector<16xf32>
        %swap3A_309 = arith.index_cast %add3A_299 : i32 to index
        %swap3A_310 = arith.constant 0 : index
        %swap3A_311 = tpu.vector_load %arg9[%swap3A_309, %swap3A_310] {strides = array<i32>} : memref<64x128xf32, #tpu.memory_space<vmem>>, vector<1x16xf32>,
        %swap3A_312 = vector.shape_cast %swap3A_311 : vector<1x16xf32> to vector<16xf32>
        %swap3A_313 = vector.shape_cast %mul3A_308 : vector<16xf32> to vector<1x16xf32>
        tpu.vector_store %arg9[%swap3A_309, %swap3A_310], %swap3A_313 {strides = array<i32>} : memref<64x128xf32, #tpu.memory_space<vmem>>, vector<1x16xf32>,
        %get3A_314 = arith.index_cast %add3A_299 : i32 to index
        %get3A_315 = arith.constant 16 : index
        %get3A_316 = tpu.vector_load %arg9[%get3A_314, %get3A_315] {strides = array<i32>} : memref<64x128xf32, #tpu.memory_space<vmem>>, vector<1x16xf32>,
        %get3A_317 = vector.shape_cast %get3A_316 : vector<1x16xf32> to vector<16xf32>
        %mul3A_318 = arith.mulf %get3A_317, %get3A_303 : vector<16xf32>
        %swap3A_319 = arith.index_cast %add3A_299 : i32 to index
        %swap3A_320 = arith.constant 16 : index
        %swap3A_321 = tpu.vector_load %arg9[%swap3A_319, %swap3A_320] {strides = array<i32>} : memref<64x128xf32, #tpu.memory_space<vmem>>, vector<1x16xf32>,
        %swap3A_322 = vector.shape_cast %swap3A_321 : vector<1x16xf32> to vector<16xf32>
        %swap3A_323 = vector.shape_cast %mul3A_318 : vector<16xf32> to vector<1x16xf32>
        tpu.vector_store %arg9[%swap3A_319, %swap3A_320], %swap3A_323 {strides = array<i32>} : memref<64x128xf32, #tpu.memory_space<vmem>>, vector<1x16xf32>,
        %get3A_324 = arith.index_cast %add3A_299 : i32 to index
        %get3A_325 = arith.constant 32 : index
        %get3A_326 = tpu.vector_load %arg9[%get3A_324, %get3A_325] {strides = array<i32>} : memref<64x128xf32, #tpu.memory_space<vmem>>, vector<1x16xf32>,
        %get3A_327 = vector.shape_cast %get3A_326 : vector<1x16xf32> to vector<16xf32>
        %mul3A_328 = arith.mulf %get3A_327, %get3A_303 : vector<16xf32>
        %swap3A_329 = arith.index_cast %add3A_299 : i32 to index
        %swap3A_330 = arith.constant 32 : index
        %swap3A_331 = tpu.vector_load %arg9[%swap3A_329, %swap3A_330] {strides = array<i32>} : memref<64x128xf32, #tpu.memory_space<vmem>>, vector<1x16xf32>,
        %swap3A_332 = vector.shape_cast %swap3A_331 : vector<1x16xf32> to vector<16xf32>
        %swap3A_333 = vector.shape_cast %mul3A_328 : vector<16xf32> to vector<1x16xf32>
        tpu.vector_store %arg9[%swap3A_329, %swap3A_330], %swap3A_333 {strides = array<i32>} : memref<64x128xf32, #tpu.memory_space<vmem>>, vector<1x16xf32>,
        %get3A_334 = arith.index_cast %add3A_299 : i32 to index
        %get3A_335 = arith.constant 48 : index
        %get3A_336 = tpu.vector_load %arg9[%get3A_334, %get3A_335] {strides = array<i32>} : memref<64x128xf32, #tpu.memory_space<vmem>>, vector<1x16xf32>,
        %get3A_337 = vector.shape_cast %get3A_336 : vector<1x16xf32> to vector<16xf32>
        %mul3A_338 = arith.mulf %get3A_337, %get3A_303 : vector<16xf32>
        %swap3A_339 = arith.index_cast %add3A_299 : i32 to index
        %swap3A_340 = arith.constant 48 : index
        %swap3A_341 = tpu.vector_load %arg9[%swap3A_339, %swap3A_340] {strides = array<i32>} : memref<64x128xf32, #tpu.memory_space<vmem>>, vector<1x16xf32>,
        %swap3A_342 = vector.shape_cast %swap3A_341 : vector<1x16xf32> to vector<16xf32>
        %swap3A_343 = vector.shape_cast %mul3A_338 : vector<16xf32> to vector<1x16xf32>
        tpu.vector_store %arg9[%swap3A_339, %swap3A_340], %swap3A_343 {strides = array<i32>} : memref<64x128xf32, #tpu.memory_space<vmem>>, vector<1x16xf32>,
        %get3A_344 = arith.index_cast %add3A_299 : i32 to index
        %get3A_345 = arith.constant 64 : index
        %get3A_346 = tpu.vector_load %arg9[%get3A_344, %get3A_345] {strides = array<i32>} : memref<64x128xf32, #tpu.memory_space<vmem>>, vector<1x16xf32>,
        %get3A_347 = vector.shape_cast %get3A_346 : vector<1x16xf32> to vector<16xf32>
        %mul3A_348 = arith.mulf %get3A_347, %get3A_303 : vector<16xf32>
        %swap3A_349 = arith.index_cast %add3A_299 : i32 to index
        %swap3A_350 = arith.constant 64 : index
        %swap3A_351 = tpu.vector_load %arg9[%swap3A_349, %swap3A_350] {strides = array<i32>} : memref<64x128xf32, #tpu.memory_space<vmem>>, vector<1x16xf32>,
        %swap3A_352 = vector.shape_cast %swap3A_351 : vector<1x16xf32> to vector<16xf32>
        %swap3A_353 = vector.shape_cast %mul3A_348 : vector<16xf32> to vector<1x16xf32>
        tpu.vector_store %arg9[%swap3A_349, %swap3A_350], %swap3A_353 {strides = array<i32>} : memref<64x128xf32, #tpu.memory_space<vmem>>, vector<1x16xf32>,
        %get3A_354 = arith.index_cast %add3A_299 : i32 to index
        %get3A_355 = arith.constant 80 : index
        %get3A_356 = tpu.vector_load %arg9[%get3A_354, %get3A_355] {strides = array<i32>} : memref<64x128xf32, #tpu.memory_space<vmem>>, vector<1x16xf32>,
        %get3A_357 = vector.shape_cast %get3A_356 : vector<1x16xf32> to vector<16xf32>
        %mul3A_358 = arith.mulf %get3A_357, %get3A_303 : vector<16xf32>
        %swap3A_359 = arith.index_cast %add3A_299 : i32 to index
        %swap3A_360 = arith.constant 80 : index
        %swap3A_361 = tpu.vector_load %arg9[%swap3A_359, %swap3A_360] {strides = array<i32>} : memref<64x128xf32, #tpu.memory_space<vmem>>, vector<1x16xf32>,
        %swap3A_362 = vector.shape_cast %swap3A_361 : vector<1x16xf32> to vector<16xf32>
        %swap3A_363 = vector.shape_cast %mul3A_358 : vector<16xf32> to vector<1x16xf32>
        tpu.vector_store %arg9[%swap3A_359, %swap3A_360], %swap3A_363 {strides = array<i32>} : memref<64x128xf32, #tpu.memory_space<vmem>>, vector<1x16xf32>,
        %get3A_364 = arith.index_cast %add3A_299 : i32 to index
        %get3A_365 = arith.constant 96 : index
        %get3A_366 = tpu.vector_load %arg9[%get3A_364, %get3A_365] {strides = array<i32>} : memref<64x128xf32, #tpu.memory_space<vmem>>, vector<1x16xf32>,
        %get3A_367 = vector.shape_cast %get3A_366 : vector<1x16xf32> to vector<16xf32>
        %mul3A_368 = arith.mulf %get3A_367, %get3A_303 : vector<16xf32>
        %swap3A_369 = arith.index_cast %add3A_299 : i32 to index
        %swap3A_370 = arith.constant 96 : index
        %swap3A_371 = tpu.vector_load %arg9[%swap3A_369, %swap3A_370] {strides = array<i32>} : memref<64x128xf32, #tpu.memory_space<vmem>>, vector<1x16xf32>,
        %swap3A_372 = vector.shape_cast %swap3A_371 : vector<1x16xf32> to vector<16xf32>
        %swap3A_373 = vector.shape_cast %mul3A_368 : vector<16xf32> to vector<1x16xf32>
        tpu.vector_store %arg9[%swap3A_369, %swap3A_370], %swap3A_373 {strides = array<i32>} : memref<64x128xf32, #tpu.memory_space<vmem>>, vector<1x16xf32>,
        %get3A_374 = arith.index_cast %add3A_299 : i32 to index
        %get3A_375 = arith.constant 112 : index
        %get3A_376 = tpu.vector_load %arg9[%get3A_374, %get3A_375] {strides = array<i32>} : memref<64x128xf32, #tpu.memory_space<vmem>>, vector<1x16xf32>,
        %get3A_377 = vector.shape_cast %get3A_376 : vector<1x16xf32> to vector<16xf32>
        %mul3A_378 = arith.mulf %get3A_377, %get3A_303 : vector<16xf32>
        %swap3A_379 = arith.index_cast %add3A_299 : i32 to index
        %swap3A_380 = arith.constant 112 : index
        %swap3A_381 = tpu.vector_load %arg9[%swap3A_379, %swap3A_380] {strides = array<i32>} : memref<64x128xf32, #tpu.memory_space<vmem>>, vector<1x16xf32>,
        %swap3A_382 = vector.shape_cast %swap3A_381 : vector<1x16xf32> to vector<16xf32>
        %swap3A_383 = vector.shape_cast %mul3A_378 : vector<16xf32> to vector<1x16xf32>
        tpu.vector_store %arg9[%swap3A_379, %swap3A_380], %swap3A_383 {strides = array<i32>} : memref<64x128xf32, #tpu.memory_space<vmem>>, vector<1x16xf32>,
        %mul3A_384 = arith.constant 8 : i32
        %mul3A_385 = arith.muli %scan3A_120, %mul3A_384 : i32
        %add3A_386 = arith.constant 3 : i32
        %add3A_387 = arith.addi %mul3A_385, %add3A_386 : i32
        %get3A_388 = arith.index_cast %add3A_387 : i32 to index
        %get3A_389 = arith.constant 0 : index
        %get3A_390 = tpu.vector_load %arg13[%get3A_388, %get3A_389] {strides = array<i32>} : memref<64x16xf32, #tpu.memory_space<vmem>>, vector<1x16xf32>,
        %get3A_391 = vector.shape_cast %get3A_390 : vector<1x16xf32> to vector<16xf32>
        %get3A_392 = arith.index_cast %add3A_387 : i32 to index
        %get3A_393 = arith.constant 0 : index
        %get3A_394 = tpu.vector_load %arg9[%get3A_392, %get3A_393] {strides = array<i32>} : memref<64x128xf32, #tpu.memory_space<vmem>>, vector<1x16xf32>,
        %get3A_395 = vector.shape_cast %get3A_394 : vector<1x16xf32> to vector<16xf32>
        %mul3A_396 = arith.mulf %get3A_395, %get3A_391 : vector<16xf32>
        %swap3A_397 = arith.index_cast %add3A_387 : i32 to index
        %swap3A_398 = arith.constant 0 : index
        %swap3A_399 = tpu.vector_load %arg9[%swap3A_397, %swap3A_398] {strides = array<i32>} : memref<64x128xf32, #tpu.memory_space<vmem>>, vector<1x16xf32>,
        %swap3A_400 = vector.shape_cast %swap3A_399 : vector<1x16xf32> to vector<16xf32>
        %swap3A_401 = vector.shape_cast %mul3A_396 : vector<16xf32> to vector<1x16xf32>
        tpu.vector_store %arg9[%swap3A_397, %swap3A_398], %swap3A_401 {strides = array<i32>} : memref<64x128xf32, #tpu.memory_space<vmem>>, vector<1x16xf32>,
        %get3A_402 = arith.index_cast %add3A_387 : i32 to index
        %get3A_403 = arith.constant 16 : index
        %get3A_404 = tpu.vector_load %arg9[%get3A_402, %get3A_403] {strides = array<i32>} : memref<64x128xf32, #tpu.memory_space<vmem>>, vector<1x16xf32>,
        %get3A_405 = vector.shape_cast %get3A_404 : vector<1x16xf32> to vector<16xf32>
        %mul3A_406 = arith.mulf %get3A_405, %get3A_391 : vector<16xf32>
        %swap3A_407 = arith.index_cast %add3A_387 : i32 to index
        %swap3A_408 = arith.constant 16 : index
        %swap3A_409 = tpu.vector_load %arg9[%swap3A_407, %swap3A_408] {strides = array<i32>} : memref<64x128xf32, #tpu.memory_space<vmem>>, vector<1x16xf32>,
        %swap3A_410 = vector.shape_cast %swap3A_409 : vector<1x16xf32> to vector<16xf32>
        %swap3A_411 = vector.shape_cast %mul3A_406 : vector<16xf32> to vector<1x16xf32>
        tpu.vector_store %arg9[%swap3A_407, %swap3A_408], %swap3A_411 {strides = array<i32>} : memref<64x128xf32, #tpu.memory_space<vmem>>, vector<1x16xf32>,
        %get3A_412 = arith.index_cast %add3A_387 : i32 to index
        %get3A_413 = arith.constant 32 : index
        %get3A_414 = tpu.vector_load %arg9[%get3A_412, %get3A_413] {strides = array<i32>} : memref<64x128xf32, #tpu.memory_space<vmem>>, vector<1x16xf32>,
        %get3A_415 = vector.shape_cast %get3A_414 : vector<1x16xf32> to vector<16xf32>
        %mul3A_416 = arith.mulf %get3A_415, %get3A_391 : vector<16xf32>
        %swap3A_417 = arith.index_cast %add3A_387 : i32 to index
        %swap3A_418 = arith.constant 32 : index
        %swap3A_419 = tpu.vector_load %arg9[%swap3A_417, %swap3A_418] {strides = array<i32>} : memref<64x128xf32, #tpu.memory_space<vmem>>, vector<1x16xf32>,
        %swap3A_420 = vector.shape_cast %swap3A_419 : vector<1x16xf32> to vector<16xf32>
        %swap3A_421 = vector.shape_cast %mul3A_416 : vector<16xf32> to vector<1x16xf32>
        tpu.vector_store %arg9[%swap3A_417, %swap3A_418], %swap3A_421 {strides = array<i32>} : memref<64x128xf32, #tpu.memory_space<vmem>>, vector<1x16xf32>,
        %get3A_422 = arith.index_cast %add3A_387 : i32 to index
        %get3A_423 = arith.constant 48 : index
        %get3A_424 = tpu.vector_load %arg9[%get3A_422, %get3A_423] {strides = array<i32>} : memref<64x128xf32, #tpu.memory_space<vmem>>, vector<1x16xf32>,
        %get3A_425 = vector.shape_cast %get3A_424 : vector<1x16xf32> to vector<16xf32>
        %mul3A_426 = arith.mulf %get3A_425, %get3A_391 : vector<16xf32>
        %swap3A_427 = arith.index_cast %add3A_387 : i32 to index
        %swap3A_428 = arith.constant 48 : index
        %swap3A_429 = tpu.vector_load %arg9[%swap3A_427, %swap3A_428] {strides = array<i32>} : memref<64x128xf32, #tpu.memory_space<vmem>>, vector<1x16xf32>,
        %swap3A_430 = vector.shape_cast %swap3A_429 : vector<1x16xf32> to vector<16xf32>
        %swap3A_431 = vector.shape_cast %mul3A_426 : vector<16xf32> to vector<1x16xf32>
        tpu.vector_store %arg9[%swap3A_427, %swap3A_428], %swap3A_431 {strides = array<i32>} : memref<64x128xf32, #tpu.memory_space<vmem>>, vector<1x16xf32>,
        %get3A_432 = arith.index_cast %add3A_387 : i32 to index
        %get3A_433 = arith.constant 64 : index
        %get3A_434 = tpu.vector_load %arg9[%get3A_432, %get3A_433] {strides = array<i32>} : memref<64x128xf32, #tpu.memory_space<vmem>>, vector<1x16xf32>,
        %get3A_435 = vector.shape_cast %get3A_434 : vector<1x16xf32> to vector<16xf32>
        %mul3A_436 = arith.mulf %get3A_435, %get3A_391 : vector<16xf32>
        %swap3A_437 = arith.index_cast %add3A_387 : i32 to index
        %swap3A_438 = arith.constant 64 : index
        %swap3A_439 = tpu.vector_load %arg9[%swap3A_437, %swap3A_438] {strides = array<i32>} : memref<64x128xf32, #tpu.memory_space<vmem>>, vector<1x16xf32>,
        %swap3A_440 = vector.shape_cast %swap3A_439 : vector<1x16xf32> to vector<16xf32>
        %swap3A_441 = vector.shape_cast %mul3A_436 : vector<16xf32> to vector<1x16xf32>
        tpu.vector_store %arg9[%swap3A_437, %swap3A_438], %swap3A_441 {strides = array<i32>} : memref<64x128xf32, #tpu.memory_space<vmem>>, vector<1x16xf32>,
        %get3A_442 = arith.index_cast %add3A_387 : i32 to index
        %get3A_443 = arith.constant 80 : index
        %get3A_444 = tpu.vector_load %arg9[%get3A_442, %get3A_443] {strides = array<i32>} : memref<64x128xf32, #tpu.memory_space<vmem>>, vector<1x16xf32>,
        %get3A_445 = vector.shape_cast %get3A_444 : vector<1x16xf32> to vector<16xf32>
        %mul3A_446 = arith.mulf %get3A_445, %get3A_391 : vector<16xf32>
        %swap3A_447 = arith.index_cast %add3A_387 : i32 to index
        %swap3A_448 = arith.constant 80 : index
        %swap3A_449 = tpu.vector_load %arg9[%swap3A_447, %swap3A_448] {strides = array<i32>} : memref<64x128xf32, #tpu.memory_space<vmem>>, vector<1x16xf32>,
        %swap3A_450 = vector.shape_cast %swap3A_449 : vector<1x16xf32> to vector<16xf32>
        %swap3A_451 = vector.shape_cast %mul3A_446 : vector<16xf32> to vector<1x16xf32>
        tpu.vector_store %arg9[%swap3A_447, %swap3A_448], %swap3A_451 {strides = array<i32>} : memref<64x128xf32, #tpu.memory_space<vmem>>, vector<1x16xf32>,
        %get3A_452 = arith.index_cast %add3A_387 : i32 to index
        %get3A_453 = arith.constant 96 : index
        %get3A_454 = tpu.vector_load %arg9[%get3A_452, %get3A_453] {strides = array<i32>} : memref<64x128xf32, #tpu.memory_space<vmem>>, vector<1x16xf32>,
        %get3A_455 = vector.shape_cast %get3A_454 : vector<1x16xf32> to vector<16xf32>
        %mul3A_456 = arith.mulf %get3A_455, %get3A_391 : vector<16xf32>
        %swap3A_457 = arith.index_cast %add3A_387 : i32 to index
        %swap3A_458 = arith.constant 96 : index
        %swap3A_459 = tpu.vector_load %arg9[%swap3A_457, %swap3A_458] {strides = array<i32>} : memref<64x128xf32, #tpu.memory_space<vmem>>, vector<1x16xf32>,
        %swap3A_460 = vector.shape_cast %swap3A_459 : vector<1x16xf32> to vector<16xf32>
        %swap3A_461 = vector.shape_cast %mul3A_456 : vector<16xf32> to vector<1x16xf32>
        tpu.vector_store %arg9[%swap3A_457, %swap3A_458], %swap3A_461 {strides = array<i32>} : memref<64x128xf32, #tpu.memory_space<vmem>>, vector<1x16xf32>,
        %get3A_462 = arith.index_cast %add3A_387 : i32 to index
        %get3A_463 = arith.constant 112 : index
        %get3A_464 = tpu.vector_load %arg9[%get3A_462, %get3A_463] {strides = array<i32>} : memref<64x128xf32, #tpu.memory_space<vmem>>, vector<1x16xf32>,
        %get3A_465 = vector.shape_cast %get3A_464 : vector<1x16xf32> to vector<16xf32>
        %mul3A_466 = arith.mulf %get3A_465, %get3A_391 : vector<16xf32>
        %swap3A_467 = arith.index_cast %add3A_387 : i32 to index
        %swap3A_468 = arith.constant 112 : index
        %swap3A_469 = tpu.vector_load %arg9[%swap3A_467, %swap3A_468] {strides = array<i32>} : memref<64x128xf32, #tpu.memory_space<vmem>>, vector<1x16xf32>,
        %swap3A_470 = vector.shape_cast %swap3A_469 : vector<1x16xf32> to vector<16xf32>
        %swap3A_471 = vector.shape_cast %mul3A_466 : vector<16xf32> to vector<1x16xf32>
        tpu.vector_store %arg9[%swap3A_467, %swap3A_468], %swap3A_471 {strides = array<i32>} : memref<64x128xf32, #tpu.memory_space<vmem>>, vector<1x16xf32>,
        %mul3A_472 = arith.constant 8 : i32
        %mul3A_473 = arith.muli %scan3A_120, %mul3A_472 : i32
        %add3A_474 = arith.constant 4 : i32
        %add3A_475 = arith.addi %mul3A_473, %add3A_474 : i32
        %get3A_476 = arith.index_cast %add3A_475 : i32 to index
        %get3A_477 = arith.constant 0 : index
        %get3A_478 = tpu.vector_load %arg13[%get3A_476, %get3A_477] {strides = array<i32>} : memref<64x16xf32, #tpu.memory_space<vmem>>, vector<1x16xf32>,
        %get3A_479 = vector.shape_cast %get3A_478 : vector<1x16xf32> to vector<16xf32>
        %get3A_480 = arith.index_cast %add3A_475 : i32 to index
        %get3A_481 = arith.constant 0 : index
        %get3A_482 = tpu.vector_load %arg9[%get3A_480, %get3A_481] {strides = array<i32>} : memref<64x128xf32, #tpu.memory_space<vmem>>, vector<1x16xf32>,
        %get3A_483 = vector.shape_cast %get3A_482 : vector<1x16xf32> to vector<16xf32>
        %mul3A_484 = arith.mulf %get3A_483, %get3A_479 : vector<16xf32>
        %swap3A_485 = arith.index_cast %add3A_475 : i32 to index
        %swap3A_486 = arith.constant 0 : index
        %swap3A_487 = tpu.vector_load %arg9[%swap3A_485, %swap3A_486] {strides = array<i32>} : memref<64x128xf32, #tpu.memory_space<vmem>>, vector<1x16xf32>,
        %swap3A_488 = vector.shape_cast %swap3A_487 : vector<1x16xf32> to vector<16xf32>
        %swap3A_489 = vector.shape_cast %mul3A_484 : vector<16xf32> to vector<1x16xf32>
        tpu.vector_store %arg9[%swap3A_485, %swap3A_486], %swap3A_489 {strides = array<i32>} : memref<64x128xf32, #tpu.memory_space<vmem>>, vector<1x16xf32>,
        %get3A_490 = arith.index_cast %add3A_475 : i32 to index
        %get3A_491 = arith.constant 16 : index
        %get3A_492 = tpu.vector_load %arg9[%get3A_490, %get3A_491] {strides = array<i32>} : memref<64x128xf32, #tpu.memory_space<vmem>>, vector<1x16xf32>,
        %get3A_493 = vector.shape_cast %get3A_492 : vector<1x16xf32> to vector<16xf32>
        %mul3A_494 = arith.mulf %get3A_493, %get3A_479 : vector<16xf32>
        %swap3A_495 = arith.index_cast %add3A_475 : i32 to index
        %swap3A_496 = arith.constant 16 : index
        %swap3A_497 = tpu.vector_load %arg9[%swap3A_495, %swap3A_496] {strides = array<i32>} : memref<64x128xf32, #tpu.memory_space<vmem>>, vector<1x16xf32>,
        %swap3A_498 = vector.shape_cast %swap3A_497 : vector<1x16xf32> to vector<16xf32>
        %swap3A_499 = vector.shape_cast %mul3A_494 : vector<16xf32> to vector<1x16xf32>
        tpu.vector_store %arg9[%swap3A_495, %swap3A_496], %swap3A_499 {strides = array<i32>} : memref<64x128xf32, #tpu.memory_space<vmem>>, vector<1x16xf32>,
        %get3A_500 = arith.index_cast %add3A_475 : i32 to index
        %get3A_501 = arith.constant 32 : index
        %get3A_502 = tpu.vector_load %arg9[%get3A_500, %get3A_501] {strides = array<i32>} : memref<64x128xf32, #tpu.memory_space<vmem>>, vector<1x16xf32>,
        %get3A_503 = vector.shape_cast %get3A_502 : vector<1x16xf32> to vector<16xf32>
        %mul3A_504 = arith.mulf %get3A_503, %get3A_479 : vector<16xf32>
        %swap3A_505 = arith.index_cast %add3A_475 : i32 to index
        %swap3A_506 = arith.constant 32 : index
        %swap3A_507 = tpu.vector_load %arg9[%swap3A_505, %swap3A_506] {strides = array<i32>} : memref<64x128xf32, #tpu.memory_space<vmem>>, vector<1x16xf32>,
        %swap3A_508 = vector.shape_cast %swap3A_507 : vector<1x16xf32> to vector<16xf32>
        %swap3A_509 = vector.shape_cast %mul3A_504 : vector<16xf32> to vector<1x16xf32>
        tpu.vector_store %arg9[%swap3A_505, %swap3A_506], %swap3A_509 {strides = array<i32>} : memref<64x128xf32, #tpu.memory_space<vmem>>, vector<1x16xf32>,
        %get3A_510 = arith.index_cast %add3A_475 : i32 to index
        %get3A_511 = arith.constant 48 : index
        %get3A_512 = tpu.vector_load %arg9[%get3A_510, %get3A_511] {strides = array<i32>} : memref<64x128xf32, #tpu.memory_space<vmem>>, vector<1x16xf32>,
        %get3A_513 = vector.shape_cast %get3A_512 : vector<1x16xf32> to vector<16xf32>
        %mul3A_514 = arith.mulf %get3A_513, %get3A_479 : vector<16xf32>
        %swap3A_515 = arith.index_cast %add3A_475 : i32 to index
        %swap3A_516 = arith.constant 48 : index
        %swap3A_517 = tpu.vector_load %arg9[%swap3A_515, %swap3A_516] {strides = array<i32>} : memref<64x128xf32, #tpu.memory_space<vmem>>, vector<1x16xf32>,
        %swap3A_518 = vector.shape_cast %swap3A_517 : vector<1x16xf32> to vector<16xf32>
        %swap3A_519 = vector.shape_cast %mul3A_514 : vector<16xf32> to vector<1x16xf32>
        tpu.vector_store %arg9[%swap3A_515, %swap3A_516], %swap3A_519 {strides = array<i32>} : memref<64x128xf32, #tpu.memory_space<vmem>>, vector<1x16xf32>,
        %get3A_520 = arith.index_cast %add3A_475 : i32 to index
        %get3A_521 = arith.constant 64 : index
        %get3A_522 = tpu.vector_load %arg9[%get3A_520, %get3A_521] {strides = array<i32>} : memref<64x128xf32, #tpu.memory_space<vmem>>, vector<1x16xf32>,
        %get3A_523 = vector.shape_cast %get3A_522 : vector<1x16xf32> to vector<16xf32>
        %mul3A_524 = arith.mulf %get3A_523, %get3A_479 : vector<16xf32>
        %swap3A_525 = arith.index_cast %add3A_475 : i32 to index
        %swap3A_526 = arith.constant 64 : index
        %swap3A_527 = tpu.vector_load %arg9[%swap3A_525, %swap3A_526] {strides = array<i32>} : memref<64x128xf32, #tpu.memory_space<vmem>>, vector<1x16xf32>,
        %swap3A_528 = vector.shape_cast %swap3A_527 : vector<1x16xf32> to vector<16xf32>
        %swap3A_529 = vector.shape_cast %mul3A_524 : vector<16xf32> to vector<1x16xf32>
        tpu.vector_store %arg9[%swap3A_525, %swap3A_526], %swap3A_529 {strides = array<i32>} : memref<64x128xf32, #tpu.memory_space<vmem>>, vector<1x16xf32>,
        %get3A_530 = arith.index_cast %add3A_475 : i32 to index
        %get3A_531 = arith.constant 80 : index
        %get3A_532 = tpu.vector_load %arg9[%get3A_530, %get3A_531] {strides = array<i32>} : memref<64x128xf32, #tpu.memory_space<vmem>>, vector<1x16xf32>,
        %get3A_533 = vector.shape_cast %get3A_532 : vector<1x16xf32> to vector<16xf32>
        %mul3A_534 = arith.mulf %get3A_533, %get3A_479 : vector<16xf32>
        %swap3A_535 = arith.index_cast %add3A_475 : i32 to index
        %swap3A_536 = arith.constant 80 : index
        %swap3A_537 = tpu.vector_load %arg9[%swap3A_535, %swap3A_536] {strides = array<i32>} : memref<64x128xf32, #tpu.memory_space<vmem>>, vector<1x16xf32>,
        %swap3A_538 = vector.shape_cast %swap3A_537 : vector<1x16xf32> to vector<16xf32>
        %swap3A_539 = vector.shape_cast %mul3A_534 : vector<16xf32> to vector<1x16xf32>
        tpu.vector_store %arg9[%swap3A_535, %swap3A_536], %swap3A_539 {strides = array<i32>} : memref<64x128xf32, #tpu.memory_space<vmem>>, vector<1x16xf32>,
        %get3A_540 = arith.index_cast %add3A_475 : i32 to index
        %get3A_541 = arith.constant 96 : index
        %get3A_542 = tpu.vector_load %arg9[%get3A_540, %get3A_541] {strides = array<i32>} : memref<64x128xf32, #tpu.memory_space<vmem>>, vector<1x16xf32>,
        %get3A_543 = vector.shape_cast %get3A_542 : vector<1x16xf32> to vector<16xf32>
        %mul3A_544 = arith.mulf %get3A_543, %get3A_479 : vector<16xf32>
        %swap3A_545 = arith.index_cast %add3A_475 : i32 to index
        %swap3A_546 = arith.constant 96 : index
        %swap3A_547 = tpu.vector_load %arg9[%swap3A_545, %swap3A_546] {strides = array<i32>} : memref<64x128xf32, #tpu.memory_space<vmem>>, vector<1x16xf32>,
        %swap3A_548 = vector.shape_cast %swap3A_547 : vector<1x16xf32> to vector<16xf32>
        %swap3A_549 = vector.shape_cast %mul3A_544 : vector<16xf32> to vector<1x16xf32>
        tpu.vector_store %arg9[%swap3A_545, %swap3A_546], %swap3A_549 {strides = array<i32>} : memref<64x128xf32, #tpu.memory_space<vmem>>, vector<1x16xf32>,
        %get3A_550 = arith.index_cast %add3A_475 : i32 to index
        %get3A_551 = arith.constant 112 : index
        %get3A_552 = tpu.vector_load %arg9[%get3A_550, %get3A_551] {strides = array<i32>} : memref<64x128xf32, #tpu.memory_space<vmem>>, vector<1x16xf32>,
        %get3A_553 = vector.shape_cast %get3A_552 : vector<1x16xf32> to vector<16xf32>
        %mul3A_554 = arith.mulf %get3A_553, %get3A_479 : vector<16xf32>
        %swap3A_555 = arith.index_cast %add3A_475 : i32 to index
        %swap3A_556 = arith.constant 112 : index
        %swap3A_557 = tpu.vector_load %arg9[%swap3A_555, %swap3A_556] {strides = array<i32>} : memref<64x128xf32, #tpu.memory_space<vmem>>, vector<1x16xf32>,
        %swap3A_558 = vector.shape_cast %swap3A_557 : vector<1x16xf32> to vector<16xf32>
        %swap3A_559 = vector.shape_cast %mul3A_554 : vector<16xf32> to vector<1x16xf32>
        tpu.vector_store %arg9[%swap3A_555, %swap3A_556], %swap3A_559 {strides = array<i32>} : memref<64x128xf32, #tpu.memory_space<vmem>>, vector<1x16xf32>,
        %mul3A_560 = arith.constant 8 : i32
        %mul3A_561 = arith.muli %scan3A_120, %mul3A_560 : i32
        %add3A_562 = arith.constant 5 : i32
        %add3A_563 = arith.addi %mul3A_561, %add3A_562 : i32
        %get3A_564 = arith.index_cast %add3A_563 : i32 to index
        %get3A_565 = arith.constant 0 : index
        %get3A_566 = tpu.vector_load %arg13[%get3A_564, %get3A_565] {strides = array<i32>} : memref<64x16xf32, #tpu.memory_space<vmem>>, vector<1x16xf32>,
        %get3A_567 = vector.shape_cast %get3A_566 : vector<1x16xf32> to vector<16xf32>
        %get3A_568 = arith.index_cast %add3A_563 : i32 to index
        %get3A_569 = arith.constant 0 : index
        %get3A_570 = tpu.vector_load %arg9[%get3A_568, %get3A_569] {strides = array<i32>} : memref<64x128xf32, #tpu.memory_space<vmem>>, vector<1x16xf32>,
        %get3A_571 = vector.shape_cast %get3A_570 : vector<1x16xf32> to vector<16xf32>
        %mul3A_572 = arith.mulf %get3A_571, %get3A_567 : vector<16xf32>
        %swap3A_573 = arith.index_cast %add3A_563 : i32 to index
        %swap3A_574 = arith.constant 0 : index
        %swap3A_575 = tpu.vector_load %arg9[%swap3A_573, %swap3A_574] {strides = array<i32>} : memref<64x128xf32, #tpu.memory_space<vmem>>, vector<1x16xf32>,
        %swap3A_576 = vector.shape_cast %swap3A_575 : vector<1x16xf32> to vector<16xf32>
        %swap3A_577 = vector.shape_cast %mul3A_572 : vector<16xf32> to vector<1x16xf32>
        tpu.vector_store %arg9[%swap3A_573, %swap3A_574], %swap3A_577 {strides = array<i32>} : memref<64x128xf32, #tpu.memory_space<vmem>>, vector<1x16xf32>,
        %get3A_578 = arith.index_cast %add3A_563 : i32 to index
        %get3A_579 = arith.constant 16 : index
        %get3A_580 = tpu.vector_load %arg9[%get3A_578, %get3A_579] {strides = array<i32>} : memref<64x128xf32, #tpu.memory_space<vmem>>, vector<1x16xf32>,
        %get3A_581 = vector.shape_cast %get3A_580 : vector<1x16xf32> to vector<16xf32>
        %mul3A_582 = arith.mulf %get3A_581, %get3A_567 : vector<16xf32>
        %swap3A_583 = arith.index_cast %add3A_563 : i32 to index
        %swap3A_584 = arith.constant 16 : index
        %swap3A_585 = tpu.vector_load %arg9[%swap3A_583, %swap3A_584] {strides = array<i32>} : memref<64x128xf32, #tpu.memory_space<vmem>>, vector<1x16xf32>,
        %swap3A_586 = vector.shape_cast %swap3A_585 : vector<1x16xf32> to vector<16xf32>
        %swap3A_587 = vector.shape_cast %mul3A_582 : vector<16xf32> to vector<1x16xf32>
        tpu.vector_store %arg9[%swap3A_583, %swap3A_584], %swap3A_587 {strides = array<i32>} : memref<64x128xf32, #tpu.memory_space<vmem>>, vector<1x16xf32>,
        %get3A_588 = arith.index_cast %add3A_563 : i32 to index
        %get3A_589 = arith.constant 32 : index
        %get3A_590 = tpu.vector_load %arg9[%get3A_588, %get3A_589] {strides = array<i32>} : memref<64x128xf32, #tpu.memory_space<vmem>>, vector<1x16xf32>,
        %get3A_591 = vector.shape_cast %get3A_590 : vector<1x16xf32> to vector<16xf32>
        %mul3A_592 = arith.mulf %get3A_591, %get3A_567 : vector<16xf32>
        %swap3A_593 = arith.index_cast %add3A_563 : i32 to index
        %swap3A_594 = arith.constant 32 : index
        %swap3A_595 = tpu.vector_load %arg9[%swap3A_593, %swap3A_594] {strides = array<i32>} : memref<64x128xf32, #tpu.memory_space<vmem>>, vector<1x16xf32>,
        %swap3A_596 = vector.shape_cast %swap3A_595 : vector<1x16xf32> to vector<16xf32>
        %swap3A_597 = vector.shape_cast %mul3A_592 : vector<16xf32> to vector<1x16xf32>
        tpu.vector_store %arg9[%swap3A_593, %swap3A_594], %swap3A_597 {strides = array<i32>} : memref<64x128xf32, #tpu.memory_space<vmem>>, vector<1x16xf32>,
        %get3A_598 = arith.index_cast %add3A_563 : i32 to index
        %get3A_599 = arith.constant 48 : index
        %get3A_600 = tpu.vector_load %arg9[%get3A_598, %get3A_599] {strides = array<i32>} : memref<64x128xf32, #tpu.memory_space<vmem>>, vector<1x16xf32>,
        %get3A_601 = vector.shape_cast %get3A_600 : vector<1x16xf32> to vector<16xf32>
        %mul3A_602 = arith.mulf %get3A_601, %get3A_567 : vector<16xf32>
        %swap3A_603 = arith.index_cast %add3A_563 : i32 to index
        %swap3A_604 = arith.constant 48 : index
        %swap3A_605 = tpu.vector_load %arg9[%swap3A_603, %swap3A_604] {strides = array<i32>} : memref<64x128xf32, #tpu.memory_space<vmem>>, vector<1x16xf32>,
        %swap3A_606 = vector.shape_cast %swap3A_605 : vector<1x16xf32> to vector<16xf32>
        %swap3A_607 = vector.shape_cast %mul3A_602 : vector<16xf32> to vector<1x16xf32>
        tpu.vector_store %arg9[%swap3A_603, %swap3A_604], %swap3A_607 {strides = array<i32>} : memref<64x128xf32, #tpu.memory_space<vmem>>, vector<1x16xf32>,
        %get3A_608 = arith.index_cast %add3A_563 : i32 to index
        %get3A_609 = arith.constant 64 : index
        %get3A_610 = tpu.vector_load %arg9[%get3A_608, %get3A_609] {strides = array<i32>} : memref<64x128xf32, #tpu.memory_space<vmem>>, vector<1x16xf32>,
        %get3A_611 = vector.shape_cast %get3A_610 : vector<1x16xf32> to vector<16xf32>
        %mul3A_612 = arith.mulf %get3A_611, %get3A_567 : vector<16xf32>
        %swap3A_613 = arith.index_cast %add3A_563 : i32 to index
        %swap3A_614 = arith.constant 64 : index
        %swap3A_615 = tpu.vector_load %arg9[%swap3A_613, %swap3A_614] {strides = array<i32>} : memref<64x128xf32, #tpu.memory_space<vmem>>, vector<1x16xf32>,
        %swap3A_616 = vector.shape_cast %swap3A_615 : vector<1x16xf32> to vector<16xf32>
        %swap3A_617 = vector.shape_cast %mul3A_612 : vector<16xf32> to vector<1x16xf32>
        tpu.vector_store %arg9[%swap3A_613, %swap3A_614], %swap3A_617 {strides = array<i32>} : memref<64x128xf32, #tpu.memory_space<vmem>>, vector<1x16xf32>,
        %get3A_618 = arith.index_cast %add3A_563 : i32 to index
        %get3A_619 = arith.constant 80 : index
        %get3A_620 = tpu.vector_load %arg9[%get3A_618, %get3A_619] {strides = array<i32>} : memref<64x128xf32, #tpu.memory_space<vmem>>, vector<1x16xf32>,
        %get3A_621 = vector.shape_cast %get3A_620 : vector<1x16xf32> to vector<16xf32>
        %mul3A_622 = arith.mulf %get3A_621, %get3A_567 : vector<16xf32>
        %swap3A_623 = arith.index_cast %add3A_563 : i32 to index
        %swap3A_624 = arith.constant 80 : index
        %swap3A_625 = tpu.vector_load %arg9[%swap3A_623, %swap3A_624] {strides = array<i32>} : memref<64x128xf32, #tpu.memory_space<vmem>>, vector<1x16xf32>,
        %swap3A_626 = vector.shape_cast %swap3A_625 : vector<1x16xf32> to vector<16xf32>
        %swap3A_627 = vector.shape_cast %mul3A_622 : vector<16xf32> to vector<1x16xf32>
        tpu.vector_store %arg9[%swap3A_623, %swap3A_624], %swap3A_627 {strides = array<i32>} : memref<64x128xf32, #tpu.memory_space<vmem>>, vector<1x16xf32>,
        %get3A_628 = arith.index_cast %add3A_563 : i32 to index
        %get3A_629 = arith.constant 96 : index
        %get3A_630 = tpu.vector_load %arg9[%get3A_628, %get3A_629] {strides = array<i32>} : memref<64x128xf32, #tpu.memory_space<vmem>>, vector<1x16xf32>,
        %get3A_631 = vector.shape_cast %get3A_630 : vector<1x16xf32> to vector<16xf32>
        %mul3A_632 = arith.mulf %get3A_631, %get3A_567 : vector<16xf32>
        %swap3A_633 = arith.index_cast %add3A_563 : i32 to index
        %swap3A_634 = arith.constant 96 : index
        %swap3A_635 = tpu.vector_load %arg9[%swap3A_633, %swap3A_634] {strides = array<i32>} : memref<64x128xf32, #tpu.memory_space<vmem>>, vector<1x16xf32>,
        %swap3A_636 = vector.shape_cast %swap3A_635 : vector<1x16xf32> to vector<16xf32>
        %swap3A_637 = vector.shape_cast %mul3A_632 : vector<16xf32> to vector<1x16xf32>
        tpu.vector_store %arg9[%swap3A_633, %swap3A_634], %swap3A_637 {strides = array<i32>} : memref<64x128xf32, #tpu.memory_space<vmem>>, vector<1x16xf32>,
        %get3A_638 = arith.index_cast %add3A_563 : i32 to index
        %get3A_639 = arith.constant 112 : index
        %get3A_640 = tpu.vector_load %arg9[%get3A_638, %get3A_639] {strides = array<i32>} : memref<64x128xf32, #tpu.memory_space<vmem>>, vector<1x16xf32>,
        %get3A_641 = vector.shape_cast %get3A_640 : vector<1x16xf32> to vector<16xf32>
        %mul3A_642 = arith.mulf %get3A_641, %get3A_567 : vector<16xf32>
        %swap3A_643 = arith.index_cast %add3A_563 : i32 to index
        %swap3A_644 = arith.constant 112 : index
        %swap3A_645 = tpu.vector_load %arg9[%swap3A_643, %swap3A_644] {strides = array<i32>} : memref<64x128xf32, #tpu.memory_space<vmem>>, vector<1x16xf32>,
        %swap3A_646 = vector.shape_cast %swap3A_645 : vector<1x16xf32> to vector<16xf32>
        %swap3A_647 = vector.shape_cast %mul3A_642 : vector<16xf32> to vector<1x16xf32>
        tpu.vector_store %arg9[%swap3A_643, %swap3A_644], %swap3A_647 {strides = array<i32>} : memref<64x128xf32, #tpu.memory_space<vmem>>, vector<1x16xf32>,
        %mul3A_648 = arith.constant 8 : i32
        %mul3A_649 = arith.muli %scan3A_120, %mul3A_648 : i32
        %add3A_650 = arith.constant 6 : i32
        %add3A_651 = arith.addi %mul3A_649, %add3A_650 : i32
        %get3A_652 = arith.index_cast %add3A_651 : i32 to index
        %get3A_653 = arith.constant 0 : index
        %get3A_654 = tpu.vector_load %arg13[%get3A_652, %get3A_653] {strides = array<i32>} : memref<64x16xf32, #tpu.memory_space<vmem>>, vector<1x16xf32>,
        %get3A_655 = vector.shape_cast %get3A_654 : vector<1x16xf32> to vector<16xf32>
        %get3A_656 = arith.index_cast %add3A_651 : i32 to index
        %get3A_657 = arith.constant 0 : index
        %get3A_658 = tpu.vector_load %arg9[%get3A_656, %get3A_657] {strides = array<i32>} : memref<64x128xf32, #tpu.memory_space<vmem>>, vector<1x16xf32>,
        %get3A_659 = vector.shape_cast %get3A_658 : vector<1x16xf32> to vector<16xf32>
        %mul3A_660 = arith.mulf %get3A_659, %get3A_655 : vector<16xf32>
        %swap3A_661 = arith.index_cast %add3A_651 : i32 to index
        %swap3A_662 = arith.constant 0 : index
        %swap3A_663 = tpu.vector_load %arg9[%swap3A_661, %swap3A_662] {strides = array<i32>} : memref<64x128xf32, #tpu.memory_space<vmem>>, vector<1x16xf32>,
        %swap3A_664 = vector.shape_cast %swap3A_663 : vector<1x16xf32> to vector<16xf32>
        %swap3A_665 = vector.shape_cast %mul3A_660 : vector<16xf32> to vector<1x16xf32>
        tpu.vector_store %arg9[%swap3A_661, %swap3A_662], %swap3A_665 {strides = array<i32>} : memref<64x128xf32, #tpu.memory_space<vmem>>, vector<1x16xf32>,
        %get3A_666 = arith.index_cast %add3A_651 : i32 to index
        %get3A_667 = arith.constant 16 : index
        %get3A_668 = tpu.vector_load %arg9[%get3A_666, %get3A_667] {strides = array<i32>} : memref<64x128xf32, #tpu.memory_space<vmem>>, vector<1x16xf32>,
        %get3A_669 = vector.shape_cast %get3A_668 : vector<1x16xf32> to vector<16xf32>
        %mul3A_670 = arith.mulf %get3A_669, %get3A_655 : vector<16xf32>
        %swap3A_671 = arith.index_cast %add3A_651 : i32 to index
        %swap3A_672 = arith.constant 16 : index
        %swap3A_673 = tpu.vector_load %arg9[%swap3A_671, %swap3A_672] {strides = array<i32>} : memref<64x128xf32, #tpu.memory_space<vmem>>, vector<1x16xf32>,
        %swap3A_674 = vector.shape_cast %swap3A_673 : vector<1x16xf32> to vector<16xf32>
        %swap3A_675 = vector.shape_cast %mul3A_670 : vector<16xf32> to vector<1x16xf32>
        tpu.vector_store %arg9[%swap3A_671, %swap3A_672], %swap3A_675 {strides = array<i32>} : memref<64x128xf32, #tpu.memory_space<vmem>>, vector<1x16xf32>,
        %get3A_676 = arith.index_cast %add3A_651 : i32 to index
        %get3A_677 = arith.constant 32 : index
        %get3A_678 = tpu.vector_load %arg9[%get3A_676, %get3A_677] {strides = array<i32>} : memref<64x128xf32, #tpu.memory_space<vmem>>, vector<1x16xf32>,
        %get3A_679 = vector.shape_cast %get3A_678 : vector<1x16xf32> to vector<16xf32>
        %mul3A_680 = arith.mulf %get3A_679, %get3A_655 : vector<16xf32>
        %swap3A_681 = arith.index_cast %add3A_651 : i32 to index
        %swap3A_682 = arith.constant 32 : index
        %swap3A_683 = tpu.vector_load %arg9[%swap3A_681, %swap3A_682] {strides = array<i32>} : memref<64x128xf32, #tpu.memory_space<vmem>>, vector<1x16xf32>,
        %swap3A_684 = vector.shape_cast %swap3A_683 : vector<1x16xf32> to vector<16xf32>
        %swap3A_685 = vector.shape_cast %mul3A_680 : vector<16xf32> to vector<1x16xf32>
        tpu.vector_store %arg9[%swap3A_681, %swap3A_682], %swap3A_685 {strides = array<i32>} : memref<64x128xf32, #tpu.memory_space<vmem>>, vector<1x16xf32>,
        %get3A_686 = arith.index_cast %add3A_651 : i32 to index
        %get3A_687 = arith.constant 48 : index
        %get3A_688 = tpu.vector_load %arg9[%get3A_686, %get3A_687] {strides = array<i32>} : memref<64x128xf32, #tpu.memory_space<vmem>>, vector<1x16xf32>,
        %get3A_689 = vector.shape_cast %get3A_688 : vector<1x16xf32> to vector<16xf32>
        %mul3A_690 = arith.mulf %get3A_689, %get3A_655 : vector<16xf32>
        %swap3A_691 = arith.index_cast %add3A_651 : i32 to index
        %swap3A_692 = arith.constant 48 : index
        %swap3A_693 = tpu.vector_load %arg9[%swap3A_691, %swap3A_692] {strides = array<i32>} : memref<64x128xf32, #tpu.memory_space<vmem>>, vector<1x16xf32>,
        %swap3A_694 = vector.shape_cast %swap3A_693 : vector<1x16xf32> to vector<16xf32>
        %swap3A_695 = vector.shape_cast %mul3A_690 : vector<16xf32> to vector<1x16xf32>
        tpu.vector_store %arg9[%swap3A_691, %swap3A_692], %swap3A_695 {strides = array<i32>} : memref<64x128xf32, #tpu.memory_space<vmem>>, vector<1x16xf32>,
        %get3A_696 = arith.index_cast %add3A_651 : i32 to index
        %get3A_697 = arith.constant 64 : index
        %get3A_698 = tpu.vector_load %arg9[%get3A_696, %get3A_697] {strides = array<i32>} : memref<64x128xf32, #tpu.memory_space<vmem>>, vector<1x16xf32>,
        %get3A_699 = vector.shape_cast %get3A_698 : vector<1x16xf32> to vector<16xf32>
        %mul3A_700 = arith.mulf %get3A_699, %get3A_655 : vector<16xf32>
        %swap3A_701 = arith.index_cast %add3A_651 : i32 to index
        %swap3A_702 = arith.constant 64 : index
        %swap3A_703 = tpu.vector_load %arg9[%swap3A_701, %swap3A_702] {strides = array<i32>} : memref<64x128xf32, #tpu.memory_space<vmem>>, vector<1x16xf32>,
        %swap3A_704 = vector.shape_cast %swap3A_703 : vector<1x16xf32> to vector<16xf32>
        %swap3A_705 = vector.shape_cast %mul3A_700 : vector<16xf32> to vector<1x16xf32>
        tpu.vector_store %arg9[%swap3A_701, %swap3A_702], %swap3A_705 {strides = array<i32>} : memref<64x128xf32, #tpu.memory_space<vmem>>, vector<1x16xf32>,
        %get3A_706 = arith.index_cast %add3A_651 : i32 to index
        %get3A_707 = arith.constant 80 : index
        %get3A_708 = tpu.vector_load %arg9[%get3A_706, %get3A_707] {strides = array<i32>} : memref<64x128xf32, #tpu.memory_space<vmem>>, vector<1x16xf32>,
        %get3A_709 = vector.shape_cast %get3A_708 : vector<1x16xf32> to vector<16xf32>
        %mul3A_710 = arith.mulf %get3A_709, %get3A_655 : vector<16xf32>
        %swap3A_711 = arith.index_cast %add3A_651 : i32 to index
        %swap3A_712 = arith.constant 80 : index
        %swap3A_713 = tpu.vector_load %arg9[%swap3A_711, %swap3A_712] {strides = array<i32>} : memref<64x128xf32, #tpu.memory_space<vmem>>, vector<1x16xf32>,
        %swap3A_714 = vector.shape_cast %swap3A_713 : vector<1x16xf32> to vector<16xf32>
        %swap3A_715 = vector.shape_cast %mul3A_710 : vector<16xf32> to vector<1x16xf32>
        tpu.vector_store %arg9[%swap3A_711, %swap3A_712], %swap3A_715 {strides = array<i32>} : memref<64x128xf32, #tpu.memory_space<vmem>>, vector<1x16xf32>,
        %get3A_716 = arith.index_cast %add3A_651 : i32 to index
        %get3A_717 = arith.constant 96 : index
        %get3A_718 = tpu.vector_load %arg9[%get3A_716, %get3A_717] {strides = array<i32>} : memref<64x128xf32, #tpu.memory_space<vmem>>, vector<1x16xf32>,
        %get3A_719 = vector.shape_cast %get3A_718 : vector<1x16xf32> to vector<16xf32>
        %mul3A_720 = arith.mulf %get3A_719, %get3A_655 : vector<16xf32>
        %swap3A_721 = arith.index_cast %add3A_651 : i32 to index
        %swap3A_722 = arith.constant 96 : index
        %swap3A_723 = tpu.vector_load %arg9[%swap3A_721, %swap3A_722] {strides = array<i32>} : memref<64x128xf32, #tpu.memory_space<vmem>>, vector<1x16xf32>,
        %swap3A_724 = vector.shape_cast %swap3A_723 : vector<1x16xf32> to vector<16xf32>
        %swap3A_725 = vector.shape_cast %mul3A_720 : vector<16xf32> to vector<1x16xf32>
        tpu.vector_store %arg9[%swap3A_721, %swap3A_722], %swap3A_725 {strides = array<i32>} : memref<64x128xf32, #tpu.memory_space<vmem>>, vector<1x16xf32>,
        %get3A_726 = arith.index_cast %add3A_651 : i32 to index
        %get3A_727 = arith.constant 112 : index
        %get3A_728 = tpu.vector_load %arg9[%get3A_726, %get3A_727] {strides = array<i32>} : memref<64x128xf32, #tpu.memory_space<vmem>>, vector<1x16xf32>,
        %get3A_729 = vector.shape_cast %get3A_728 : vector<1x16xf32> to vector<16xf32>
        %mul3A_730 = arith.mulf %get3A_729, %get3A_655 : vector<16xf32>
        %swap3A_731 = arith.index_cast %add3A_651 : i32 to index
        %swap3A_732 = arith.constant 112 : index
        %swap3A_733 = tpu.vector_load %arg9[%swap3A_731, %swap3A_732] {strides = array<i32>} : memref<64x128xf32, #tpu.memory_space<vmem>>, vector<1x16xf32>,
        %swap3A_734 = vector.shape_cast %swap3A_733 : vector<1x16xf32> to vector<16xf32>
        %swap3A_735 = vector.shape_cast %mul3A_730 : vector<16xf32> to vector<1x16xf32>
        tpu.vector_store %arg9[%swap3A_731, %swap3A_732], %swap3A_735 {strides = array<i32>} : memref<64x128xf32, #tpu.memory_space<vmem>>, vector<1x16xf32>,
        %mul3A_736 = arith.constant 8 : i32
        %mul3A_737 = arith.muli %scan3A_120, %mul3A_736 : i32
        %add3A_738 = arith.constant 7 : i32
        %add3A_739 = arith.addi %mul3A_737, %add3A_738 : i32
        %get3A_740 = arith.index_cast %add3A_739 : i32 to index
        %get3A_741 = arith.constant 0 : index
        %get3A_742 = tpu.vector_load %arg13[%get3A_740, %get3A_741] {strides = array<i32>} : memref<64x16xf32, #tpu.memory_space<vmem>>, vector<1x16xf32>,
        %get3A_743 = vector.shape_cast %get3A_742 : vector<1x16xf32> to vector<16xf32>
        %get3A_744 = arith.index_cast %add3A_739 : i32 to index
        %get3A_745 = arith.constant 0 : index
        %get3A_746 = tpu.vector_load %arg9[%get3A_744, %get3A_745] {strides = array<i32>} : memref<64x128xf32, #tpu.memory_space<vmem>>, vector<1x16xf32>,
        %get3A_747 = vector.shape_cast %get3A_746 : vector<1x16xf32> to vector<16xf32>
        %mul3A_748 = arith.mulf %get3A_747, %get3A_743 : vector<16xf32>
        %swap3A_749 = arith.index_cast %add3A_739 : i32 to index
        %swap3A_750 = arith.constant 0 : index
        %swap3A_751 = tpu.vector_load %arg9[%swap3A_749, %swap3A_750] {strides = array<i32>} : memref<64x128xf32, #tpu.memory_space<vmem>>, vector<1x16xf32>,
        %swap3A_752 = vector.shape_cast %swap3A_751 : vector<1x16xf32> to vector<16xf32>
        %swap3A_753 = vector.shape_cast %mul3A_748 : vector<16xf32> to vector<1x16xf32>
        tpu.vector_store %arg9[%swap3A_749, %swap3A_750], %swap3A_753 {strides = array<i32>} : memref<64x128xf32, #tpu.memory_space<vmem>>, vector<1x16xf32>,
        %get3A_754 = arith.index_cast %add3A_739 : i32 to index
        %get3A_755 = arith.constant 16 : index
        %get3A_756 = tpu.vector_load %arg9[%get3A_754, %get3A_755] {strides = array<i32>} : memref<64x128xf32, #tpu.memory_space<vmem>>, vector<1x16xf32>,
        %get3A_757 = vector.shape_cast %get3A_756 : vector<1x16xf32> to vector<16xf32>
        %mul3A_758 = arith.mulf %get3A_757, %get3A_743 : vector<16xf32>
        %swap3A_759 = arith.index_cast %add3A_739 : i32 to index
        %swap3A_760 = arith.constant 16 : index
        %swap3A_761 = tpu.vector_load %arg9[%swap3A_759, %swap3A_760] {strides = array<i32>} : memref<64x128xf32, #tpu.memory_space<vmem>>, vector<1x16xf32>,
        %swap3A_762 = vector.shape_cast %swap3A_761 : vector<1x16xf32> to vector<16xf32>
        %swap3A_763 = vector.shape_cast %mul3A_758 : vector<16xf32> to vector<1x16xf32>
        tpu.vector_store %arg9[%swap3A_759, %swap3A_760], %swap3A_763 {strides = array<i32>} : memref<64x128xf32, #tpu.memory_space<vmem>>, vector<1x16xf32>,
        %get3A_764 = arith.index_cast %add3A_739 : i32 to index
        %get3A_765 = arith.constant 32 : index
        %get3A_766 = tpu.vector_load %arg9[%get3A_764, %get3A_765] {strides = array<i32>} : memref<64x128xf32, #tpu.memory_space<vmem>>, vector<1x16xf32>,
        %get3A_767 = vector.shape_cast %get3A_766 : vector<1x16xf32> to vector<16xf32>
        %mul3A_768 = arith.mulf %get3A_767, %get3A_743 : vector<16xf32>
        %swap3A_769 = arith.index_cast %add3A_739 : i32 to index
        %swap3A_770 = arith.constant 32 : index
        %swap3A_771 = tpu.vector_load %arg9[%swap3A_769, %swap3A_770] {strides = array<i32>} : memref<64x128xf32, #tpu.memory_space<vmem>>, vector<1x16xf32>,
        %swap3A_772 = vector.shape_cast %swap3A_771 : vector<1x16xf32> to vector<16xf32>
        %swap3A_773 = vector.shape_cast %mul3A_768 : vector<16xf32> to vector<1x16xf32>
        tpu.vector_store %arg9[%swap3A_769, %swap3A_770], %swap3A_773 {strides = array<i32>} : memref<64x128xf32, #tpu.memory_space<vmem>>, vector<1x16xf32>,
        %get3A_774 = arith.index_cast %add3A_739 : i32 to index
        %get3A_775 = arith.constant 48 : index
        %get3A_776 = tpu.vector_load %arg9[%get3A_774, %get3A_775] {strides = array<i32>} : memref<64x128xf32, #tpu.memory_space<vmem>>, vector<1x16xf32>,
        %get3A_777 = vector.shape_cast %get3A_776 : vector<1x16xf32> to vector<16xf32>
        %mul3A_778 = arith.mulf %get3A_777, %get3A_743 : vector<16xf32>
        %swap3A_779 = arith.index_cast %add3A_739 : i32 to index
        %swap3A_780 = arith.constant 48 : index
        %swap3A_781 = tpu.vector_load %arg9[%swap3A_779, %swap3A_780] {strides = array<i32>} : memref<64x128xf32, #tpu.memory_space<vmem>>, vector<1x16xf32>,
        %swap3A_782 = vector.shape_cast %swap3A_781 : vector<1x16xf32> to vector<16xf32>
        %swap3A_783 = vector.shape_cast %mul3A_778 : vector<16xf32> to vector<1x16xf32>
        tpu.vector_store %arg9[%swap3A_779, %swap3A_780], %swap3A_783 {strides = array<i32>} : memref<64x128xf32, #tpu.memory_space<vmem>>, vector<1x16xf32>,
        %get3A_784 = arith.index_cast %add3A_739 : i32 to index
        %get3A_785 = arith.constant 64 : index
        %get3A_786 = tpu.vector_load %arg9[%get3A_784, %get3A_785] {strides = array<i32>} : memref<64x128xf32, #tpu.memory_space<vmem>>, vector<1x16xf32>,
        %get3A_787 = vector.shape_cast %get3A_786 : vector<1x16xf32> to vector<16xf32>
        %mul3A_788 = arith.mulf %get3A_787, %get3A_743 : vector<16xf32>
        %swap3A_789 = arith.index_cast %add3A_739 : i32 to index
        %swap3A_790 = arith.constant 64 : index
        %swap3A_791 = tpu.vector_load %arg9[%swap3A_789, %swap3A_790] {strides = array<i32>} : memref<64x128xf32, #tpu.memory_space<vmem>>, vector<1x16xf32>,
        %swap3A_792 = vector.shape_cast %swap3A_791 : vector<1x16xf32> to vector<16xf32>
        %swap3A_793 = vector.shape_cast %mul3A_788 : vector<16xf32> to vector<1x16xf32>
        tpu.vector_store %arg9[%swap3A_789, %swap3A_790], %swap3A_793 {strides = array<i32>} : memref<64x128xf32, #tpu.memory_space<vmem>>, vector<1x16xf32>,
        %get3A_794 = arith.index_cast %add3A_739 : i32 to index
        %get3A_795 = arith.constant 80 : index
        %get3A_796 = tpu.vector_load %arg9[%get3A_794, %get3A_795] {strides = array<i32>} : memref<64x128xf32, #tpu.memory_space<vmem>>, vector<1x16xf32>,
        %get3A_797 = vector.shape_cast %get3A_796 : vector<1x16xf32> to vector<16xf32>
        %mul3A_798 = arith.mulf %get3A_797, %get3A_743 : vector<16xf32>
        %swap3A_799 = arith.index_cast %add3A_739 : i32 to index
        %swap3A_800 = arith.constant 80 : index
        %swap3A_801 = tpu.vector_load %arg9[%swap3A_799, %swap3A_800] {strides = array<i32>} : memref<64x128xf32, #tpu.memory_space<vmem>>, vector<1x16xf32>,
        %swap3A_802 = vector.shape_cast %swap3A_801 : vector<1x16xf32> to vector<16xf32>
        %swap3A_803 = vector.shape_cast %mul3A_798 : vector<16xf32> to vector<1x16xf32>
        tpu.vector_store %arg9[%swap3A_799, %swap3A_800], %swap3A_803 {strides = array<i32>} : memref<64x128xf32, #tpu.memory_space<vmem>>, vector<1x16xf32>,
        %get3A_804 = arith.index_cast %add3A_739 : i32 to index
        %get3A_805 = arith.constant 96 : index
        %get3A_806 = tpu.vector_load %arg9[%get3A_804, %get3A_805] {strides = array<i32>} : memref<64x128xf32, #tpu.memory_space<vmem>>, vector<1x16xf32>,
        %get3A_807 = vector.shape_cast %get3A_806 : vector<1x16xf32> to vector<16xf32>
        %mul3A_808 = arith.mulf %get3A_807, %get3A_743 : vector<16xf32>
        %swap3A_809 = arith.index_cast %add3A_739 : i32 to index
        %swap3A_810 = arith.constant 96 : index
        %swap3A_811 = tpu.vector_load %arg9[%swap3A_809, %swap3A_810] {strides = array<i32>} : memref<64x128xf32, #tpu.memory_space<vmem>>, vector<1x16xf32>,
        %swap3A_812 = vector.shape_cast %swap3A_811 : vector<1x16xf32> to vector<16xf32>
        %swap3A_813 = vector.shape_cast %mul3A_808 : vector<16xf32> to vector<1x16xf32>
        tpu.vector_store %arg9[%swap3A_809, %swap3A_810], %swap3A_813 {strides = array<i32>} : memref<64x128xf32, #tpu.memory_space<vmem>>, vector<1x16xf32>,
        %get3A_814 = arith.index_cast %add3A_739 : i32 to index
        %get3A_815 = arith.constant 112 : index
        %get3A_816 = tpu.vector_load %arg9[%get3A_814, %get3A_815] {strides = array<i32>} : memref<64x128xf32, #tpu.memory_space<vmem>>, vector<1x16xf32>,
        %get3A_817 = vector.shape_cast %get3A_816 : vector<1x16xf32> to vector<16xf32>
        %mul3A_818 = arith.mulf %get3A_817, %get3A_743 : vector<16xf32>
        %swap3A_819 = arith.index_cast %add3A_739 : i32 to index
        %swap3A_820 = arith.constant 112 : index
        %swap3A_821 = tpu.vector_load %arg9[%swap3A_819, %swap3A_820] {strides = array<i32>} : memref<64x128xf32, #tpu.memory_space<vmem>>, vector<1x16xf32>,
        %swap3A_822 = vector.shape_cast %swap3A_821 : vector<1x16xf32> to vector<16xf32>
        %swap3A_823 = vector.shape_cast %mul3A_818 : vector<16xf32> to vector<1x16xf32>
        tpu.vector_store %arg9[%swap3A_819, %swap3A_820], %swap3A_823 {strides = array<i32>} : memref<64x128xf32, #tpu.memory_space<vmem>>, vector<1x16xf32>,
        %scan3A_824 = arith.constant 0 : i32
        scf.yield %scan3A_824 : i32
      }
      %scan3A_105 = arith.constant 8 : i32
      %dma_start3A_106 = arith.constant 0 : i32
      %dma_start3A_107 = arith.constant 0 : i32
      %dma_start3A_108 = tpu.memref_slice %arg11[%dma_start3A_106, %dma_start3A_107] : memref<3x64xi32, #tpu.memory_space<vmem>> -> memref<1x64xi32, #tpu.memory_space<vmem>>
      %dma_start3A_109 = tpu.memref_squeeze %dma_start3A_108 : memref<1x64xi32, #tpu.memory_space<vmem>> -> memref<64xi32, #tpu.memory_space<vmem>>
      %dma_start3A_110 = arith.constant 0 : i32
      %dma_start3A_111 = arith.constant 0 : i32
      %dma_start3A_112 = tpu.memref_slice %arg7[%dma_start3A_110, %dma_start3A_111] : memref<10240x128xf32, #tpu.memory_space<vmem_shared>> -> memref<10240x128xf32, #tpu.memory_space<vmem_shared>>
      tpu.enqueue_indirect_dma source(%arg9 : memref<64x128xf32, #tpu.memory_space<vmem>>) target(%dma_start3A_112 : memref<10240x128xf32, #tpu.memory_space<vmem_shared>>) offsets(%dma_start3A_109 : memref<64xi32, #tpu.memory_space<vmem>>) semaphore(%arg17 : memref<!tpu.dma_semaphore, #tpu.memory_space<semaphore_mem>>) {add = true}
      %add3A_113 = arith.constant 1 : i32
      %add3A_114 = arith.addi %scan3A_53, %add3A_113 : i32
      %lt3A = arith.constant 79 : i32
      %lt3A_115 = arith.cmpi slt, %add3A_114, %lt3A : i32
      %convert_element_type3A_116 = arith.extui %lt3A_115 : i1 to i32
      %cond3A_117 = arith.constant 0 : i32
      %cond3A_118 = arith.cmpi ne, %convert_element_type3A_116, %cond3A_117 : i32
      scf.if %cond3A_118 {
        %dma_wait3A_120 = arith.constant 0 : i32
        %dma_wait3A_121 = arith.constant 0 : i32
        %dma_wait3A_122 = tpu.memref_slice %arg10[%dma_wait3A_120, %dma_wait3A_121] : memref<3x64xi32, #tpu.memory_space<vmem>> -> memref<1x64xi32, #tpu.memory_space<vmem>>
        %dma_wait3A_123 = tpu.memref_squeeze %dma_wait3A_122 : memref<1x64xi32, #tpu.memory_space<vmem>> -> memref<64xi32, #tpu.memory_space<vmem>>
        %dma_wait3A_124 = arith.constant 0 : i32
        %dma_wait3A_125 = arith.constant 0 : i32
        %dma_wait3A_126 = tpu.memref_slice %arg7[%dma_wait3A_124, %dma_wait3A_125] : memref<10240x128xf32, #tpu.memory_space<vmem_shared>> -> memref<10240x128xf32, #tpu.memory_space<vmem_shared>>
        tpu.wait_indirect_dma semaphore(%arg16 : memref<!tpu.dma_semaphore, #tpu.memory_space<semaphore_mem>>) src(%arg8 : memref<64x128xf32, #tpu.memory_space<vmem>>) dst(%dma_wait3A_126 : memref<10240x128xf32, #tpu.memory_space<vmem_shared>>)
        %add3A_127 = arith.constant 2 : i32
        %add3A_128 = arith.addi %add3A_57, %add3A_127 : i32
        "tpu.region"() ({
          %run_scoped3A = tpu.sem_alloc : memref<!tpu.dma_semaphore, #tpu.memory_space<semaphore_mem>>
          %dma_start3A_138 = arith.constant 0 : i32
          %dma_start3A_139 = arith.constant 0 : i32
          %dma_start3A_140 = tpu.memref_slice %arg3[%add3A_128, %dma_start3A_138, %dma_start3A_139] : memref<5056x3x64xi32, #tpu.memory_space<hbm>> -> memref<1x3x64xi32, #tpu.memory_space<hbm>>
          %dma_start3A_141 = tpu.memref_squeeze %dma_start3A_140 : memref<1x3x64xi32, #tpu.memory_space<hbm>> -> memref<3x64xi32, #tpu.memory_space<hbm>>
          %dma_start3A_142 = arith.constant 0 : i32
          %dma_start3A_143 = arith.constant 0 : i32
          %dma_start3A_144 = tpu.memref_slice %arg3[%add3A_128, %dma_start3A_142, %dma_start3A_143] : memref<5056x3x64xi32, #tpu.memory_space<hbm>> -> memref<1x3x64xi32, #tpu.memory_space<hbm>>
          %dma_start3A_145 = tpu.memref_squeeze %dma_start3A_144 : memref<1x3x64xi32, #tpu.memory_space<hbm>> -> memref<3x64xi32, #tpu.memory_space<hbm>>
          tpu.enqueue_dma source(%dma_start3A_145 : memref<3x64xi32, #tpu.memory_space<hbm>>) target(%arg10 : memref<3x64xi32, #tpu.memory_space<vmem>>) target_semaphore(%run_scoped3A : memref<!tpu.dma_semaphore, #tpu.memory_space<semaphore_mem>>)
          %dma_wait3A_146 = arith.constant 0 : i32
          %dma_wait3A_147 = arith.constant 0 : i32
          %dma_wait3A_148 = tpu.memref_slice %arg3[%add3A_128, %dma_wait3A_146, %dma_wait3A_147] : memref<5056x3x64xi32, #tpu.memory_space<hbm>> -> memref<1x3x64xi32, #tpu.memory_space<hbm>>
          %dma_wait3A_149 = tpu.memref_squeeze %dma_wait3A_148 : memref<1x3x64xi32, #tpu.memory_space<hbm>> -> memref<3x64xi32, #tpu.memory_space<hbm>>
          %dma_wait3A_150 = arith.constant 0 : i32
          %dma_wait3A_151 = arith.constant 0 : i32
          %dma_wait3A_152 = tpu.memref_slice %arg3[%add3A_128, %dma_wait3A_150, %dma_wait3A_151] : memref<5056x3x64xi32, #tpu.memory_space<hbm>> -> memref<1x3x64xi32, #tpu.memory_space<hbm>>
          %dma_wait3A_153 = tpu.memref_squeeze %dma_wait3A_152 : memref<1x3x64xi32, #tpu.memory_space<hbm>> -> memref<3x64xi32, #tpu.memory_space<hbm>>
          tpu.wait_dma2 semaphore(%run_scoped3A : memref<!tpu.dma_semaphore, #tpu.memory_space<semaphore_mem>>) src(%dma_wait3A_153 : memref<3x64xi32, #tpu.memory_space<hbm>>) dst(%arg10 : memref<3x64xi32, #tpu.memory_space<vmem>>)
          tpu.yield
        }) : () -> ()
        %mul3A_129 = arith.constant 64 : i32
        %mul3A_130 = arith.muli %add3A_128, %mul3A_129 : i32
        "tpu.region"() ({
          %run_scoped3A = tpu.sem_alloc : memref<!tpu.dma_semaphore, #tpu.memory_space<semaphore_mem>>
          %dma_start3A_138 = arith.constant 0 : i32
          %dma_start3A_139 = tpu.memref_slice %arg4[%mul3A_130, %dma_start3A_138] : memref<323584x16xf32, #tpu.memory_space<hbm>> -> memref<64x16xf32, #tpu.memory_space<hbm>>
          %dma_start3A_140 = arith.constant 0 : i32
          %dma_start3A_141 = tpu.memref_slice %arg4[%mul3A_130, %dma_start3A_140] : memref<323584x16xf32, #tpu.memory_space<hbm>> -> memref<64x16xf32, #tpu.memory_space<hbm>>
          tpu.enqueue_dma source(%dma_start3A_141 : memref<64x16xf32, #tpu.memory_space<hbm>>) target(%arg12 : memref<64x16xf32, #tpu.memory_space<vmem>>) target_semaphore(%run_scoped3A : memref<!tpu.dma_semaphore, #tpu.memory_space<semaphore_mem>>)
          %dma_wait3A_142 = arith.constant 0 : i32
          %dma_wait3A_143 = tpu.memref_slice %arg4[%mul3A_130, %dma_wait3A_142] : memref<323584x16xf32, #tpu.memory_space<hbm>> -> memref<64x16xf32, #tpu.memory_space<hbm>>
          %dma_wait3A_144 = arith.constant 0 : i32
          %dma_wait3A_145 = tpu.memref_slice %arg4[%mul3A_130, %dma_wait3A_144] : memref<323584x16xf32, #tpu.memory_space<hbm>> -> memref<64x16xf32, #tpu.memory_space<hbm>>
          tpu.wait_dma2 semaphore(%run_scoped3A : memref<!tpu.dma_semaphore, #tpu.memory_space<semaphore_mem>>) src(%dma_wait3A_145 : memref<64x16xf32, #tpu.memory_space<hbm>>) dst(%arg12 : memref<64x16xf32, #tpu.memory_space<vmem>>)
          tpu.yield
        }) : () -> ()
        %dma_start3A_131 = arith.constant 1 : i32
        %dma_start3A_132 = arith.constant 0 : i32
        %dma_start3A_133 = tpu.memref_slice %arg10[%dma_start3A_131, %dma_start3A_132] : memref<3x64xi32, #tpu.memory_space<vmem>> -> memref<1x64xi32, #tpu.memory_space<vmem>>
        %dma_start3A_134 = tpu.memref_squeeze %dma_start3A_133 : memref<1x64xi32, #tpu.memory_space<vmem>> -> memref<64xi32, #tpu.memory_space<vmem>>
        %dma_start3A_135 = arith.constant 0 : i32
        %dma_start3A_136 = arith.constant 0 : i32
        %dma_start3A_137 = tpu.memref_slice %arg2[%dma_start3A_135, %dma_start3A_136] : memref<10240x128xf32, #tpu.memory_space<hbm>> -> memref<10240x128xf32, #tpu.memory_space<hbm>>
        tpu.enqueue_indirect_dma source(%dma_start3A_137 : memref<10240x128xf32, #tpu.memory_space<hbm>>) target(%arg8 : memref<64x128xf32, #tpu.memory_space<vmem>>) offsets(%dma_start3A_134 : memref<64xi32, #tpu.memory_space<vmem>>) semaphore(%arg14 : memref<!tpu.dma_semaphore, #tpu.memory_space<semaphore_mem>>)
      } else {
      }
      %scan3A_119 = arith.constant 0 : i32
      scf.yield %scan3A_119 : i32
    }
    %scan3A_31 = arith.constant 79 : i32
    %dma_wait3A = arith.constant 0 : i32
    %dma_wait3A_32 = arith.constant 0 : i32
    %dma_wait3A_33 = tpu.memref_slice %arg10[%dma_wait3A, %dma_wait3A_32] : memref<3x64xi32, #tpu.memory_space<vmem>> -> memref<1x64xi32, #tpu.memory_space<vmem>>
    %dma_wait3A_34 = tpu.memref_squeeze %dma_wait3A_33 : memref<1x64xi32, #tpu.memory_space<vmem>> -> memref<64xi32, #tpu.memory_space<vmem>>
    %dma_wait3A_35 = arith.constant 0 : i32
    %dma_wait3A_36 = arith.constant 0 : i32
    %dma_wait3A_37 = tpu.memref_slice %arg7[%dma_wait3A_35, %dma_wait3A_36] : memref<10240x128xf32, #tpu.memory_space<vmem_shared>> -> memref<10240x128xf32, #tpu.memory_space<vmem_shared>>
    tpu.wait_indirect_dma semaphore(%arg16 : memref<!tpu.dma_semaphore, #tpu.memory_space<semaphore_mem>>) src(%arg8 : memref<64x128xf32, #tpu.memory_space<vmem>>) dst(%dma_wait3A_37 : memref<10240x128xf32, #tpu.memory_space<vmem_shared>>)
    %dma_wait3A_38 = arith.constant 0 : i32
    %dma_wait3A_39 = arith.constant 0 : i32
    %dma_wait3A_40 = tpu.memref_slice %arg11[%dma_wait3A_38, %dma_wait3A_39] : memref<3x64xi32, #tpu.memory_space<vmem>> -> memref<1x64xi32, #tpu.memory_space<vmem>>
    %dma_wait3A_41 = tpu.memref_squeeze %dma_wait3A_40 : memref<1x64xi32, #tpu.memory_space<vmem>> -> memref<64xi32, #tpu.memory_space<vmem>>
    %dma_wait3A_42 = arith.constant 0 : i32
    %dma_wait3A_43 = arith.constant 0 : i32
    %dma_wait3A_44 = tpu.memref_slice %arg7[%dma_wait3A_42, %dma_wait3A_43] : memref<10240x128xf32, #tpu.memory_space<vmem_shared>> -> memref<10240x128xf32, #tpu.memory_space<vmem_shared>>
    tpu.wait_indirect_dma semaphore(%arg17 : memref<!tpu.dma_semaphore, #tpu.memory_space<semaphore_mem>>) src(%arg9 : memref<64x128xf32, #tpu.memory_space<vmem>>) dst(%dma_wait3A_44 : memref<10240x128xf32, #tpu.memory_space<vmem_shared>>)
    %barrier3A_45 = arith.constant 0 : index
    tpu.barrier barrier_id(%barrier3A_45)
    %scan3A_46 = arith.constant 0 : i32
    %scan3A_47 = arith.constant 0 : i32
    %scan3A_48 = arith.constant 10 : i32
    %scan3A_49 = arith.addi %scan3A_47, %scan3A_48 : i32
    %scan3A_50 = arith.constant 1 : i32
    %scan3A_51 = scf.for %scan3A_53 = %scan3A_47 to %scan3A_49 step %scan3A_50 iter_args(%scan3A_54 = %scan3A_46) -> (i32)  : i32 {
      %mul3A_55 = arith.constant 640 : i32
      %mul3A_56 = arith.muli %arg1, %mul3A_55 : i32
      %mul3A_57 = arith.constant 64 : i32
      %mul3A_58 = arith.muli %scan3A_53, %mul3A_57 : i32
      %add3A_59 = arith.addi %mul3A_56, %mul3A_58 : i32
      %eq3A = arith.constant 0 : i32
      %eq3A_60 = arith.cmpi eq, %arg0, %eq3A : i32
      %convert_element_type3A = arith.extui %eq3A_60 : i1 to i32
      %cond3A = arith.constant 0 : i32
      %cond3A_61 = arith.cmpi ne, %convert_element_type3A, %cond3A : i32
      scf.if %cond3A_61 {
        "tpu.region"() ({
          %run_scoped3A = tpu.sem_alloc : memref<!tpu.dma_semaphore, #tpu.memory_space<semaphore_mem>>
          %dma_start3A_68 = arith.constant 0 : i32
          %dma_start3A_69 = tpu.memref_slice %arg5[%add3A_59, %dma_start3A_68] : memref<10240x128xf32, #tpu.memory_space<hbm>> -> memref<64x128xf32, #tpu.memory_space<hbm>>
          %dma_start3A_70 = arith.constant 0 : i32
          %dma_start3A_71 = tpu.memref_slice %arg7[%add3A_59, %dma_start3A_70] : memref<10240x128xf32, #tpu.memory_space<vmem_shared>> -> memref<64x128xf32, #tpu.memory_space<vmem_shared>>
          tpu.enqueue_dma source(%dma_start3A_71 : memref<64x128xf32, #tpu.memory_space<vmem_shared>>) target(%dma_start3A_69 : memref<64x128xf32, #tpu.memory_space<hbm>>) target_semaphore(%run_scoped3A : memref<!tpu.dma_semaphore, #tpu.memory_space<semaphore_mem>>)
          %dma_wait3A_72 = arith.constant 0 : i32
          %dma_wait3A_73 = tpu.memref_slice %arg5[%add3A_59, %dma_wait3A_72] : memref<10240x128xf32, #tpu.memory_space<hbm>> -> memref<64x128xf32, #tpu.memory_space<hbm>>
          %dma_wait3A_74 = arith.constant 0 : i32
          %dma_wait3A_75 = tpu.memref_slice %arg7[%add3A_59, %dma_wait3A_74] : memref<10240x128xf32, #tpu.memory_space<vmem_shared>> -> memref<64x128xf32, #tpu.memory_space<vmem_shared>>
          tpu.wait_dma2 semaphore(%run_scoped3A : memref<!tpu.dma_semaphore, #tpu.memory_space<semaphore_mem>>) src(%dma_wait3A_75 : memref<64x128xf32, #tpu.memory_space<vmem_shared>>) dst(%dma_wait3A_73 : memref<64x128xf32, #tpu.memory_space<hbm>>)
          tpu.yield
        }) : () -> ()
      } else {
      }
      %eq3A_62 = arith.constant 1 : i32
      %eq3A_63 = arith.cmpi eq, %arg0, %eq3A_62 : i32
      %convert_element_type3A_64 = arith.extui %eq3A_63 : i1 to i32
      %cond3A_65 = arith.constant 0 : i32
      %cond3A_66 = arith.cmpi ne, %convert_element_type3A_64, %cond3A_65 : i32
      scf.if %cond3A_66 {
        "tpu.region"() ({
          %run_scoped3A = tpu.sem_alloc : memref<!tpu.dma_semaphore, #tpu.memory_space<semaphore_mem>>
          %dma_start3A_68 = arith.constant 0 : i32
          %dma_start3A_69 = tpu.memref_slice %arg6[%add3A_59, %dma_start3A_68] : memref<10240x128xf32, #tpu.memory_space<hbm>> -> memref<64x128xf32, #tpu.memory_space<hbm>>
          %dma_start3A_70 = arith.constant 0 : i32
          %dma_start3A_71 = tpu.memref_slice %arg7[%add3A_59, %dma_start3A_70] : memref<10240x128xf32, #tpu.memory_space<vmem_shared>> -> memref<64x128xf32, #tpu.memory_space<vmem_shared>>
          tpu.enqueue_dma source(%dma_start3A_71 : memref<64x128xf32, #tpu.memory_space<vmem_shared>>) target(%dma_start3A_69 : memref<64x128xf32, #tpu.memory_space<hbm>>) target_semaphore(%run_scoped3A : memref<!tpu.dma_semaphore, #tpu.memory_space<semaphore_mem>>)
          %dma_wait3A_72 = arith.constant 0 : i32
          %dma_wait3A_73 = tpu.memref_slice %arg6[%add3A_59, %dma_wait3A_72] : memref<10240x128xf32, #tpu.memory_space<hbm>> -> memref<64x128xf32, #tpu.memory_space<hbm>>
          %dma_wait3A_74 = arith.constant 0 : i32
          %dma_wait3A_75 = tpu.memref_slice %arg7[%add3A_59, %dma_wait3A_74] : memref<10240x128xf32, #tpu.memory_space<vmem_shared>> -> memref<64x128xf32, #tpu.memory_space<vmem_shared>>
          tpu.wait_dma2 semaphore(%run_scoped3A : memref<!tpu.dma_semaphore, #tpu.memory_space<semaphore_mem>>) src(%dma_wait3A_75 : memref<64x128xf32, #tpu.memory_space<vmem_shared>>) dst(%dma_wait3A_73 : memref<64x128xf32, #tpu.memory_space<hbm>>)
          tpu.yield
        }) : () -> ()
      } else {
      }
      %scan3A_67 = arith.constant 0 : i32
      scf.yield %scan3A_67 : i32
    }
    %scan3A_52 = arith.constant 10 : i32
    return
  }
}

#map = affine_map<(d0, d1) -> (0, 0)>
#map1 = affine_map<(d0, d1) -> (0, 0, 0)>
module attributes {stable_mosaic.version = 14 : i64} {
  func.func @_sca_body(%arg0: i32, %arg1: i32, %arg2: memref<20480x128xf32, #tpu.memory_space<hbm>>, %arg3: memref<5056x3x64xi32, #tpu.memory_space<hbm>>, %arg4: memref<323584x16xf32, #tpu.memory_space<hbm>>, %arg5: memref<10240x128xf32, #tpu.memory_space<hbm>>, %arg6: memref<10240x128xf32, #tpu.memory_space<hbm>>, %arg7: memref<10240x128xf32, #tpu.memory_space<vmem_shared>>, %arg8: memref<64x128xf32, #tpu.memory_space<vmem>>, %arg9: memref<64x128xf32, #tpu.memory_space<vmem>>, %arg10: memref<3x64xi32, #tpu.memory_space<vmem>>, %arg11: memref<3x64xi32, #tpu.memory_space<vmem>>, %arg12: memref<64x16xf32, #tpu.memory_space<vmem>>, %arg13: memref<64x128xf32, #tpu.memory_space<vmem>>, %arg14: memref<!tpu.dma_semaphore, #tpu.memory_space<semaphore_mem>>, %arg15: memref<!tpu.dma_semaphore, #tpu.memory_space<semaphore_mem>>) attributes {dimension_semantics = [#tpu.dimension_semantics<core_parallel>, #tpu.dimension_semantics<subcore_parallel>], iteration_bounds = array<i64: 2, 16>, scalar_prefetch = 0 : i64, scratch_operands = 9 : i64, tpu.core_type = #tpu.core_type<sc_vector_subcore>, window_params = [{transform_indices = #map}, {transform_indices = #map1}, {transform_indices = #map}, {transform_indices = #map}, {transform_indices = #map}]} {
    %broadcast_in_dim3A = arith.constant 0.000000e+00 : f32
    %broadcast_in_dim3A_0 = vector.broadcast %broadcast_in_dim3A : f32 to vector<16xf32>
    %mul3A = arith.constant 10240 : i32
    %mul3A_1 = arith.muli %arg0, %mul3A : i32
    %scan3A = arith.constant 0 : i32
    %scan3A_2 = arith.constant 0 : i32
    %scan3A_3 = arith.constant 64 : i32
    %scan3A_4 = arith.addi %scan3A_2, %scan3A_3 : i32
    %scan3A_5 = arith.constant 1 : i32
    %scan3A_6 = scf.for %scan3A_92 = %scan3A_2 to %scan3A_4 step %scan3A_5 iter_args(%scan3A_93 = %scan3A) -> (i32)  : i32 {
      %swap3A_94 = arith.index_cast %scan3A_92 : i32 to index
      %swap3A_95 = arith.constant 0 : index
      %swap3A_96 = tpu.vector_load %arg8[%swap3A_94, %swap3A_95] {strides = array<i32>} : memref<64x128xf32, #tpu.memory_space<vmem>>, vector<1x16xf32>,
      %swap3A_97 = vector.shape_cast %swap3A_96 : vector<1x16xf32> to vector<16xf32>
      %swap3A_98 = vector.shape_cast %broadcast_in_dim3A_0 : vector<16xf32> to vector<1x16xf32>
      tpu.vector_store %arg8[%swap3A_94, %swap3A_95], %swap3A_98 {strides = array<i32>} : memref<64x128xf32, #tpu.memory_space<vmem>>, vector<1x16xf32>,
      %swap3A_99 = arith.index_cast %scan3A_92 : i32 to index
      %swap3A_100 = arith.constant 0 : index
      %swap3A_101 = tpu.vector_load %arg13[%swap3A_99, %swap3A_100] {strides = array<i32>} : memref<64x128xf32, #tpu.memory_space<vmem>>, vector<1x16xf32>,
      %swap3A_102 = vector.shape_cast %swap3A_101 : vector<1x16xf32> to vector<16xf32>
      %swap3A_103 = vector.shape_cast %broadcast_in_dim3A_0 : vector<16xf32> to vector<1x16xf32>
      tpu.vector_store %arg13[%swap3A_99, %swap3A_100], %swap3A_103 {strides = array<i32>} : memref<64x128xf32, #tpu.memory_space<vmem>>, vector<1x16xf32>,
      %swap3A_104 = arith.index_cast %scan3A_92 : i32 to index
      %swap3A_105 = arith.constant 16 : index
      %swap3A_106 = tpu.vector_load %arg8[%swap3A_104, %swap3A_105] {strides = array<i32>} : memref<64x128xf32, #tpu.memory_space<vmem>>, vector<1x16xf32>,
      %swap3A_107 = vector.shape_cast %swap3A_106 : vector<1x16xf32> to vector<16xf32>
      %swap3A_108 = vector.shape_cast %broadcast_in_dim3A_0 : vector<16xf32> to vector<1x16xf32>
      tpu.vector_store %arg8[%swap3A_104, %swap3A_105], %swap3A_108 {strides = array<i32>} : memref<64x128xf32, #tpu.memory_space<vmem>>, vector<1x16xf32>,
      %swap3A_109 = arith.index_cast %scan3A_92 : i32 to index
      %swap3A_110 = arith.constant 16 : index
      %swap3A_111 = tpu.vector_load %arg13[%swap3A_109, %swap3A_110] {strides = array<i32>} : memref<64x128xf32, #tpu.memory_space<vmem>>, vector<1x16xf32>,
      %swap3A_112 = vector.shape_cast %swap3A_111 : vector<1x16xf32> to vector<16xf32>
      %swap3A_113 = vector.shape_cast %broadcast_in_dim3A_0 : vector<16xf32> to vector<1x16xf32>
      tpu.vector_store %arg13[%swap3A_109, %swap3A_110], %swap3A_113 {strides = array<i32>} : memref<64x128xf32, #tpu.memory_space<vmem>>, vector<1x16xf32>,
      %swap3A_114 = arith.index_cast %scan3A_92 : i32 to index
      %swap3A_115 = arith.constant 32 : index
      %swap3A_116 = tpu.vector_load %arg8[%swap3A_114, %swap3A_115] {strides = array<i32>} : memref<64x128xf32, #tpu.memory_space<vmem>>, vector<1x16xf32>,
      %swap3A_117 = vector.shape_cast %swap3A_116 : vector<1x16xf32> to vector<16xf32>
      %swap3A_118 = vector.shape_cast %broadcast_in_dim3A_0 : vector<16xf32> to vector<1x16xf32>
      tpu.vector_store %arg8[%swap3A_114, %swap3A_115], %swap3A_118 {strides = array<i32>} : memref<64x128xf32, #tpu.memory_space<vmem>>, vector<1x16xf32>,
      %swap3A_119 = arith.index_cast %scan3A_92 : i32 to index
      %swap3A_120 = arith.constant 32 : index
      %swap3A_121 = tpu.vector_load %arg13[%swap3A_119, %swap3A_120] {strides = array<i32>} : memref<64x128xf32, #tpu.memory_space<vmem>>, vector<1x16xf32>,
      %swap3A_122 = vector.shape_cast %swap3A_121 : vector<1x16xf32> to vector<16xf32>
      %swap3A_123 = vector.shape_cast %broadcast_in_dim3A_0 : vector<16xf32> to vector<1x16xf32>
      tpu.vector_store %arg13[%swap3A_119, %swap3A_120], %swap3A_123 {strides = array<i32>} : memref<64x128xf32, #tpu.memory_space<vmem>>, vector<1x16xf32>,
      %swap3A_124 = arith.index_cast %scan3A_92 : i32 to index
      %swap3A_125 = arith.constant 48 : index
      %swap3A_126 = tpu.vector_load %arg8[%swap3A_124, %swap3A_125] {strides = array<i32>} : memref<64x128xf32, #tpu.memory_space<vmem>>, vector<1x16xf32>,
      %swap3A_127 = vector.shape_cast %swap3A_126 : vector<1x16xf32> to vector<16xf32>
      %swap3A_128 = vector.shape_cast %broadcast_in_dim3A_0 : vector<16xf32> to vector<1x16xf32>
      tpu.vector_store %arg8[%swap3A_124, %swap3A_125], %swap3A_128 {strides = array<i32>} : memref<64x128xf32, #tpu.memory_space<vmem>>, vector<1x16xf32>,
      %swap3A_129 = arith.index_cast %scan3A_92 : i32 to index
      %swap3A_130 = arith.constant 48 : index
      %swap3A_131 = tpu.vector_load %arg13[%swap3A_129, %swap3A_130] {strides = array<i32>} : memref<64x128xf32, #tpu.memory_space<vmem>>, vector<1x16xf32>,
      %swap3A_132 = vector.shape_cast %swap3A_131 : vector<1x16xf32> to vector<16xf32>
      %swap3A_133 = vector.shape_cast %broadcast_in_dim3A_0 : vector<16xf32> to vector<1x16xf32>
      tpu.vector_store %arg13[%swap3A_129, %swap3A_130], %swap3A_133 {strides = array<i32>} : memref<64x128xf32, #tpu.memory_space<vmem>>, vector<1x16xf32>,
      %swap3A_134 = arith.index_cast %scan3A_92 : i32 to index
      %swap3A_135 = arith.constant 64 : index
      %swap3A_136 = tpu.vector_load %arg8[%swap3A_134, %swap3A_135] {strides = array<i32>} : memref<64x128xf32, #tpu.memory_space<vmem>>, vector<1x16xf32>,
      %swap3A_137 = vector.shape_cast %swap3A_136 : vector<1x16xf32> to vector<16xf32>
      %swap3A_138 = vector.shape_cast %broadcast_in_dim3A_0 : vector<16xf32> to vector<1x16xf32>
      tpu.vector_store %arg8[%swap3A_134, %swap3A_135], %swap3A_138 {strides = array<i32>} : memref<64x128xf32, #tpu.memory_space<vmem>>, vector<1x16xf32>,
      %swap3A_139 = arith.index_cast %scan3A_92 : i32 to index
      %swap3A_140 = arith.constant 64 : index
      %swap3A_141 = tpu.vector_load %arg13[%swap3A_139, %swap3A_140] {strides = array<i32>} : memref<64x128xf32, #tpu.memory_space<vmem>>, vector<1x16xf32>,
      %swap3A_142 = vector.shape_cast %swap3A_141 : vector<1x16xf32> to vector<16xf32>
      %swap3A_143 = vector.shape_cast %broadcast_in_dim3A_0 : vector<16xf32> to vector<1x16xf32>
      tpu.vector_store %arg13[%swap3A_139, %swap3A_140], %swap3A_143 {strides = array<i32>} : memref<64x128xf32, #tpu.memory_space<vmem>>, vector<1x16xf32>,
      %swap3A_144 = arith.index_cast %scan3A_92 : i32 to index
      %swap3A_145 = arith.constant 80 : index
      %swap3A_146 = tpu.vector_load %arg8[%swap3A_144, %swap3A_145] {strides = array<i32>} : memref<64x128xf32, #tpu.memory_space<vmem>>, vector<1x16xf32>,
      %swap3A_147 = vector.shape_cast %swap3A_146 : vector<1x16xf32> to vector<16xf32>
      %swap3A_148 = vector.shape_cast %broadcast_in_dim3A_0 : vector<16xf32> to vector<1x16xf32>
      tpu.vector_store %arg8[%swap3A_144, %swap3A_145], %swap3A_148 {strides = array<i32>} : memref<64x128xf32, #tpu.memory_space<vmem>>, vector<1x16xf32>,
      %swap3A_149 = arith.index_cast %scan3A_92 : i32 to index
      %swap3A_150 = arith.constant 80 : index
      %swap3A_151 = tpu.vector_load %arg13[%swap3A_149, %swap3A_150] {strides = array<i32>} : memref<64x128xf32, #tpu.memory_space<vmem>>, vector<1x16xf32>,
      %swap3A_152 = vector.shape_cast %swap3A_151 : vector<1x16xf32> to vector<16xf32>
      %swap3A_153 = vector.shape_cast %broadcast_in_dim3A_0 : vector<16xf32> to vector<1x16xf32>
      tpu.vector_store %arg13[%swap3A_149, %swap3A_150], %swap3A_153 {strides = array<i32>} : memref<64x128xf32, #tpu.memory_space<vmem>>, vector<1x16xf32>,
      %swap3A_154 = arith.index_cast %scan3A_92 : i32 to index
      %swap3A_155 = arith.constant 96 : index
      %swap3A_156 = tpu.vector_load %arg8[%swap3A_154, %swap3A_155] {strides = array<i32>} : memref<64x128xf32, #tpu.memory_space<vmem>>, vector<1x16xf32>,
      %swap3A_157 = vector.shape_cast %swap3A_156 : vector<1x16xf32> to vector<16xf32>
      %swap3A_158 = vector.shape_cast %broadcast_in_dim3A_0 : vector<16xf32> to vector<1x16xf32>
      tpu.vector_store %arg8[%swap3A_154, %swap3A_155], %swap3A_158 {strides = array<i32>} : memref<64x128xf32, #tpu.memory_space<vmem>>, vector<1x16xf32>,
      %swap3A_159 = arith.index_cast %scan3A_92 : i32 to index
      %swap3A_160 = arith.constant 96 : index
      %swap3A_161 = tpu.vector_load %arg13[%swap3A_159, %swap3A_160] {strides = array<i32>} : memref<64x128xf32, #tpu.memory_space<vmem>>, vector<1x16xf32>,
      %swap3A_162 = vector.shape_cast %swap3A_161 : vector<1x16xf32> to vector<16xf32>
      %swap3A_163 = vector.shape_cast %broadcast_in_dim3A_0 : vector<16xf32> to vector<1x16xf32>
      tpu.vector_store %arg13[%swap3A_159, %swap3A_160], %swap3A_163 {strides = array<i32>} : memref<64x128xf32, #tpu.memory_space<vmem>>, vector<1x16xf32>,
      %swap3A_164 = arith.index_cast %scan3A_92 : i32 to index
      %swap3A_165 = arith.constant 112 : index
      %swap3A_166 = tpu.vector_load %arg8[%swap3A_164, %swap3A_165] {strides = array<i32>} : memref<64x128xf32, #tpu.memory_space<vmem>>, vector<1x16xf32>,
      %swap3A_167 = vector.shape_cast %swap3A_166 : vector<1x16xf32> to vector<16xf32>
      %swap3A_168 = vector.shape_cast %broadcast_in_dim3A_0 : vector<16xf32> to vector<1x16xf32>
      tpu.vector_store %arg8[%swap3A_164, %swap3A_165], %swap3A_168 {strides = array<i32>} : memref<64x128xf32, #tpu.memory_space<vmem>>, vector<1x16xf32>,
      %swap3A_169 = arith.index_cast %scan3A_92 : i32 to index
      %swap3A_170 = arith.constant 112 : index
      %swap3A_171 = tpu.vector_load %arg13[%swap3A_169, %swap3A_170] {strides = array<i32>} : memref<64x128xf32, #tpu.memory_space<vmem>>, vector<1x16xf32>,
      %swap3A_172 = vector.shape_cast %swap3A_171 : vector<1x16xf32> to vector<16xf32>
      %swap3A_173 = vector.shape_cast %broadcast_in_dim3A_0 : vector<16xf32> to vector<1x16xf32>
      tpu.vector_store %arg13[%swap3A_169, %swap3A_170], %swap3A_173 {strides = array<i32>} : memref<64x128xf32, #tpu.memory_space<vmem>>, vector<1x16xf32>,
      %scan3A_174 = arith.constant 0 : i32
      scf.yield %scan3A_174 : i32
    }
    %scan3A_7 = arith.constant 64 : i32
    %scan3A_8 = arith.constant 0 : i32
    %scan3A_9 = arith.constant 0 : i32
    %scan3A_10 = arith.constant 10 : i32
    %scan3A_11 = arith.addi %scan3A_9, %scan3A_10 : i32
    %scan3A_12 = arith.constant 1 : i32
    %scan3A_13 = scf.for %scan3A_92 = %scan3A_9 to %scan3A_11 step %scan3A_12 iter_args(%scan3A_93 = %scan3A_8) -> (i32)  : i32 {
      %mul3A_94 = arith.constant 640 : i32
      %mul3A_95 = arith.muli %arg1, %mul3A_94 : i32
      %mul3A_96 = arith.constant 64 : i32
      %mul3A_97 = arith.muli %scan3A_92, %mul3A_96 : i32
      %add3A_98 = arith.addi %mul3A_95, %mul3A_97 : i32
      "tpu.region"() ({
        %run_scoped3A = tpu.sem_alloc : memref<!tpu.dma_semaphore, #tpu.memory_space<semaphore_mem>>
        %dma_start3A_100 = arith.constant 0 : i32
        %dma_start3A_101 = tpu.memref_slice %arg7[%add3A_98, %dma_start3A_100] : memref<10240x128xf32, #tpu.memory_space<vmem_shared>> -> memref<64x128xf32, #tpu.memory_space<vmem_shared>>
        %dma_start3A_102 = arith.constant 0 : i32
        %dma_start3A_103 = tpu.memref_slice %arg7[%add3A_98, %dma_start3A_102] : memref<10240x128xf32, #tpu.memory_space<vmem_shared>> -> memref<64x128xf32, #tpu.memory_space<vmem_shared>>
        tpu.enqueue_dma source(%arg8 : memref<64x128xf32, #tpu.memory_space<vmem>>) target(%dma_start3A_103 : memref<64x128xf32, #tpu.memory_space<vmem_shared>>) target_semaphore(%run_scoped3A : memref<!tpu.dma_semaphore, #tpu.memory_space<semaphore_mem>>)
        %dma_wait3A = arith.constant 0 : i32
        %dma_wait3A_104 = tpu.memref_slice %arg7[%add3A_98, %dma_wait3A] : memref<10240x128xf32, #tpu.memory_space<vmem_shared>> -> memref<64x128xf32, #tpu.memory_space<vmem_shared>>
        %dma_wait3A_105 = arith.constant 0 : i32
        %dma_wait3A_106 = tpu.memref_slice %arg7[%add3A_98, %dma_wait3A_105] : memref<10240x128xf32, #tpu.memory_space<vmem_shared>> -> memref<64x128xf32, #tpu.memory_space<vmem_shared>>
        tpu.wait_dma2 semaphore(%run_scoped3A : memref<!tpu.dma_semaphore, #tpu.memory_space<semaphore_mem>>) src(%arg8 : memref<64x128xf32, #tpu.memory_space<vmem>>) dst(%dma_wait3A_106 : memref<64x128xf32, #tpu.memory_space<vmem_shared>>)
        tpu.yield
      }) : () -> ()
      %scan3A_99 = arith.constant 0 : i32
      scf.yield %scan3A_99 : i32
    }
    %scan3A_14 = arith.constant 10 : i32
    %barrier3A = arith.constant 0 : index
    tpu.barrier barrier_id(%barrier3A)
    %mul3A_15 = arith.constant 316 : i32
    %mul3A_16 = arith.muli %arg1, %mul3A_15 : i32
    %add3A = arith.constant 0 : i32
    %add3A_17 = arith.addi %mul3A_16, %add3A : i32
    "tpu.region"() ({
      %run_scoped3A = tpu.sem_alloc : memref<!tpu.dma_semaphore, #tpu.memory_space<semaphore_mem>>
      %dma_start3A_92 = arith.constant 0 : i32
      %dma_start3A_93 = arith.constant 0 : i32
      %dma_start3A_94 = tpu.memref_slice %arg3[%add3A_17, %dma_start3A_92, %dma_start3A_93] : memref<5056x3x64xi32, #tpu.memory_space<hbm>> -> memref<1x3x64xi32, #tpu.memory_space<hbm>>
      %dma_start3A_95 = tpu.memref_squeeze %dma_start3A_94 : memref<1x3x64xi32, #tpu.memory_space<hbm>> -> memref<3x64xi32, #tpu.memory_space<hbm>>
      %dma_start3A_96 = arith.constant 0 : i32
      %dma_start3A_97 = arith.constant 0 : i32
      %dma_start3A_98 = tpu.memref_slice %arg3[%add3A_17, %dma_start3A_96, %dma_start3A_97] : memref<5056x3x64xi32, #tpu.memory_space<hbm>> -> memref<1x3x64xi32, #tpu.memory_space<hbm>>
      %dma_start3A_99 = tpu.memref_squeeze %dma_start3A_98 : memref<1x3x64xi32, #tpu.memory_space<hbm>> -> memref<3x64xi32, #tpu.memory_space<hbm>>
      tpu.enqueue_dma source(%dma_start3A_99 : memref<3x64xi32, #tpu.memory_space<hbm>>) target(%arg10 : memref<3x64xi32, #tpu.memory_space<vmem>>) target_semaphore(%run_scoped3A : memref<!tpu.dma_semaphore, #tpu.memory_space<semaphore_mem>>)
      %dma_wait3A = arith.constant 0 : i32
      %dma_wait3A_100 = arith.constant 0 : i32
      %dma_wait3A_101 = tpu.memref_slice %arg3[%add3A_17, %dma_wait3A, %dma_wait3A_100] : memref<5056x3x64xi32, #tpu.memory_space<hbm>> -> memref<1x3x64xi32, #tpu.memory_space<hbm>>
      %dma_wait3A_102 = tpu.memref_squeeze %dma_wait3A_101 : memref<1x3x64xi32, #tpu.memory_space<hbm>> -> memref<3x64xi32, #tpu.memory_space<hbm>>
      %dma_wait3A_103 = arith.constant 0 : i32
      %dma_wait3A_104 = arith.constant 0 : i32
      %dma_wait3A_105 = tpu.memref_slice %arg3[%add3A_17, %dma_wait3A_103, %dma_wait3A_104] : memref<5056x3x64xi32, #tpu.memory_space<hbm>> -> memref<1x3x64xi32, #tpu.memory_space<hbm>>
      %dma_wait3A_106 = tpu.memref_squeeze %dma_wait3A_105 : memref<1x3x64xi32, #tpu.memory_space<hbm>> -> memref<3x64xi32, #tpu.memory_space<hbm>>
      tpu.wait_dma2 semaphore(%run_scoped3A : memref<!tpu.dma_semaphore, #tpu.memory_space<semaphore_mem>>) src(%dma_wait3A_106 : memref<3x64xi32, #tpu.memory_space<hbm>>) dst(%arg10 : memref<3x64xi32, #tpu.memory_space<vmem>>)
      tpu.yield
    }) : () -> ()
    %eq3A = arith.constant 0 : i32
    %eq3A_18 = arith.cmpi eq, %arg0, %eq3A : i32
    %xor3A = arith.constant false
    %xor3A_19 = arith.xori %xor3A, %eq3A_18 : i1
    %convert_element_type3A = arith.extui %xor3A_19 : i1 to i32
    %cond3A = arith.constant 0 : i32
    %cond3A_20 = arith.cmpi ne, %convert_element_type3A, %cond3A : i32
    scf.if %cond3A_20 {
      %mul3A_92 = arith.constant 64 : i32
      %mul3A_93 = arith.muli %add3A_17, %mul3A_92 : i32
      "tpu.region"() ({
        %run_scoped3A_101 = tpu.sem_alloc : memref<!tpu.dma_semaphore, #tpu.memory_space<semaphore_mem>>
        %dma_start3A_102 = arith.constant 0 : i32
        %dma_start3A_103 = tpu.memref_slice %arg4[%mul3A_93, %dma_start3A_102] : memref<323584x16xf32, #tpu.memory_space<hbm>> -> memref<64x16xf32, #tpu.memory_space<hbm>>
        %dma_start3A_104 = arith.constant 0 : i32
        %dma_start3A_105 = tpu.memref_slice %arg4[%mul3A_93, %dma_start3A_104] : memref<323584x16xf32, #tpu.memory_space<hbm>> -> memref<64x16xf32, #tpu.memory_space<hbm>>
        tpu.enqueue_dma source(%dma_start3A_105 : memref<64x16xf32, #tpu.memory_space<hbm>>) target(%arg12 : memref<64x16xf32, #tpu.memory_space<vmem>>) target_semaphore(%run_scoped3A_101 : memref<!tpu.dma_semaphore, #tpu.memory_space<semaphore_mem>>)
        %dma_wait3A = arith.constant 0 : i32
        %dma_wait3A_106 = tpu.memref_slice %arg4[%mul3A_93, %dma_wait3A] : memref<323584x16xf32, #tpu.memory_space<hbm>> -> memref<64x16xf32, #tpu.memory_space<hbm>>
        %dma_wait3A_107 = arith.constant 0 : i32
        %dma_wait3A_108 = tpu.memref_slice %arg4[%mul3A_93, %dma_wait3A_107] : memref<323584x16xf32, #tpu.memory_space<hbm>> -> memref<64x16xf32, #tpu.memory_space<hbm>>
        tpu.wait_dma2 semaphore(%run_scoped3A_101 : memref<!tpu.dma_semaphore, #tpu.memory_space<semaphore_mem>>) src(%dma_wait3A_108 : memref<64x16xf32, #tpu.memory_space<hbm>>) dst(%arg12 : memref<64x16xf32, #tpu.memory_space<vmem>>)
        tpu.yield
      }) : () -> ()
      %scan3A_94 = arith.constant 0 : i32
      %scan3A_95 = arith.constant 0 : i32
      %scan3A_96 = arith.constant 16 : i32
      %scan3A_97 = arith.addi %scan3A_95, %scan3A_96 : i32
      %scan3A_98 = arith.constant 1 : i32
      %scan3A_99 = scf.for %scan3A_101 = %scan3A_95 to %scan3A_97 step %scan3A_98 iter_args(%scan3A_102 = %scan3A_94) -> (i32)  : i32 {
        %mul3A_103 = arith.constant 4 : i32
        %mul3A_104 = arith.muli %scan3A_101, %mul3A_103 : i32
        %add3A_105 = arith.constant 0 : i32
        %add3A_106 = arith.addi %mul3A_104, %add3A_105 : i32
        %get3A_107 = arith.index_cast %add3A_106 : i32 to index
        %get3A_108 = arith.constant 0 : index
        %get3A_109 = tpu.vector_load %arg12[%get3A_107, %get3A_108] {strides = array<i32>} : memref<64x16xf32, #tpu.memory_space<vmem>>, vector<1x16xf32>,
        %get3A_110 = vector.shape_cast %get3A_109 : vector<1x16xf32> to vector<16xf32>
        %mul3A_111 = arith.constant 4 : i32
        %mul3A_112 = arith.muli %scan3A_101, %mul3A_111 : i32
        %add3A_113 = arith.constant 0 : i32
        %add3A_114 = arith.addi %mul3A_112, %add3A_113 : i32
        %swap3A_115 = arith.index_cast %add3A_114 : i32 to index
        %swap3A_116 = arith.constant 112 : index
        %swap3A_117 = tpu.vector_load %arg13[%swap3A_115, %swap3A_116] {strides = array<i32>} : memref<64x128xf32, #tpu.memory_space<vmem>>, vector<1x16xf32>,
        %swap3A_118 = vector.shape_cast %swap3A_117 : vector<1x16xf32> to vector<16xf32>
        %swap3A_119 = vector.shape_cast %get3A_110 : vector<16xf32> to vector<1x16xf32>
        tpu.vector_store %arg13[%swap3A_115, %swap3A_116], %swap3A_119 {strides = array<i32>} : memref<64x128xf32, #tpu.memory_space<vmem>>, vector<1x16xf32>,
        %mul3A_120 = arith.constant 4 : i32
        %mul3A_121 = arith.muli %scan3A_101, %mul3A_120 : i32
        %add3A_122 = arith.constant 1 : i32
        %add3A_123 = arith.addi %mul3A_121, %add3A_122 : i32
        %get3A_124 = arith.index_cast %add3A_123 : i32 to index
        %get3A_125 = arith.constant 0 : index
        %get3A_126 = tpu.vector_load %arg12[%get3A_124, %get3A_125] {strides = array<i32>} : memref<64x16xf32, #tpu.memory_space<vmem>>, vector<1x16xf32>,
        %get3A_127 = vector.shape_cast %get3A_126 : vector<1x16xf32> to vector<16xf32>
        %mul3A_128 = arith.constant 4 : i32
        %mul3A_129 = arith.muli %scan3A_101, %mul3A_128 : i32
        %add3A_130 = arith.constant 1 : i32
        %add3A_131 = arith.addi %mul3A_129, %add3A_130 : i32
        %swap3A_132 = arith.index_cast %add3A_131 : i32 to index
        %swap3A_133 = arith.constant 112 : index
        %swap3A_134 = tpu.vector_load %arg13[%swap3A_132, %swap3A_133] {strides = array<i32>} : memref<64x128xf32, #tpu.memory_space<vmem>>, vector<1x16xf32>,
        %swap3A_135 = vector.shape_cast %swap3A_134 : vector<1x16xf32> to vector<16xf32>
        %swap3A_136 = vector.shape_cast %get3A_127 : vector<16xf32> to vector<1x16xf32>
        tpu.vector_store %arg13[%swap3A_132, %swap3A_133], %swap3A_136 {strides = array<i32>} : memref<64x128xf32, #tpu.memory_space<vmem>>, vector<1x16xf32>,
        %mul3A_137 = arith.constant 4 : i32
        %mul3A_138 = arith.muli %scan3A_101, %mul3A_137 : i32
        %add3A_139 = arith.constant 2 : i32
        %add3A_140 = arith.addi %mul3A_138, %add3A_139 : i32
        %get3A_141 = arith.index_cast %add3A_140 : i32 to index
        %get3A_142 = arith.constant 0 : index
        %get3A_143 = tpu.vector_load %arg12[%get3A_141, %get3A_142] {strides = array<i32>} : memref<64x16xf32, #tpu.memory_space<vmem>>, vector<1x16xf32>,
        %get3A_144 = vector.shape_cast %get3A_143 : vector<1x16xf32> to vector<16xf32>
        %mul3A_145 = arith.constant 4 : i32
        %mul3A_146 = arith.muli %scan3A_101, %mul3A_145 : i32
        %add3A_147 = arith.constant 2 : i32
        %add3A_148 = arith.addi %mul3A_146, %add3A_147 : i32
        %swap3A_149 = arith.index_cast %add3A_148 : i32 to index
        %swap3A_150 = arith.constant 112 : index
        %swap3A_151 = tpu.vector_load %arg13[%swap3A_149, %swap3A_150] {strides = array<i32>} : memref<64x128xf32, #tpu.memory_space<vmem>>, vector<1x16xf32>,
        %swap3A_152 = vector.shape_cast %swap3A_151 : vector<1x16xf32> to vector<16xf32>
        %swap3A_153 = vector.shape_cast %get3A_144 : vector<16xf32> to vector<1x16xf32>
        tpu.vector_store %arg13[%swap3A_149, %swap3A_150], %swap3A_153 {strides = array<i32>} : memref<64x128xf32, #tpu.memory_space<vmem>>, vector<1x16xf32>,
        %mul3A_154 = arith.constant 4 : i32
        %mul3A_155 = arith.muli %scan3A_101, %mul3A_154 : i32
        %add3A_156 = arith.constant 3 : i32
        %add3A_157 = arith.addi %mul3A_155, %add3A_156 : i32
        %get3A_158 = arith.index_cast %add3A_157 : i32 to index
        %get3A_159 = arith.constant 0 : index
        %get3A_160 = tpu.vector_load %arg12[%get3A_158, %get3A_159] {strides = array<i32>} : memref<64x16xf32, #tpu.memory_space<vmem>>, vector<1x16xf32>,
        %get3A_161 = vector.shape_cast %get3A_160 : vector<1x16xf32> to vector<16xf32>
        %mul3A_162 = arith.constant 4 : i32
        %mul3A_163 = arith.muli %scan3A_101, %mul3A_162 : i32
        %add3A_164 = arith.constant 3 : i32
        %add3A_165 = arith.addi %mul3A_163, %add3A_164 : i32
        %swap3A_166 = arith.index_cast %add3A_165 : i32 to index
        %swap3A_167 = arith.constant 112 : index
        %swap3A_168 = tpu.vector_load %arg13[%swap3A_166, %swap3A_167] {strides = array<i32>} : memref<64x128xf32, #tpu.memory_space<vmem>>, vector<1x16xf32>,
        %swap3A_169 = vector.shape_cast %swap3A_168 : vector<1x16xf32> to vector<16xf32>
        %swap3A_170 = vector.shape_cast %get3A_161 : vector<16xf32> to vector<1x16xf32>
        tpu.vector_store %arg13[%swap3A_166, %swap3A_167], %swap3A_170 {strides = array<i32>} : memref<64x128xf32, #tpu.memory_space<vmem>>, vector<1x16xf32>,
        %scan3A_171 = arith.constant 0 : i32
        scf.yield %scan3A_171 : i32
      }
      %scan3A_100 = arith.constant 16 : i32
      %run_scoped3A = arith.constant 2 : i32
      "tpu.region"() ({
        %run_scoped3A_101 = tpu.sem_alloc : memref<!tpu.dma_semaphore, #tpu.memory_space<semaphore_mem>>
        %dma_start3A_102 = arith.constant 0 : i32
        %dma_start3A_103 = tpu.memref_slice %arg10[%run_scoped3A, %dma_start3A_102] : memref<3x64xi32, #tpu.memory_space<vmem>> -> memref<1x64xi32, #tpu.memory_space<vmem>>
        %dma_start3A_104 = tpu.memref_squeeze %dma_start3A_103 : memref<1x64xi32, #tpu.memory_space<vmem>> -> memref<64xi32, #tpu.memory_space<vmem>>
        %dma_start3A_105 = arith.constant 0 : i32
        %dma_start3A_106 = arith.constant 0 : i32
        %dma_start3A_107 = tpu.memref_slice %arg7[%dma_start3A_105, %dma_start3A_106] : memref<10240x128xf32, #tpu.memory_space<vmem_shared>> -> memref<10240x128xf32, #tpu.memory_space<vmem_shared>>
        tpu.enqueue_indirect_dma source(%arg13 : memref<64x128xf32, #tpu.memory_space<vmem>>) target(%dma_start3A_107 : memref<10240x128xf32, #tpu.memory_space<vmem_shared>>) offsets(%dma_start3A_104 : memref<64xi32, #tpu.memory_space<vmem>>) semaphore(%run_scoped3A_101 : memref<!tpu.dma_semaphore, #tpu.memory_space<semaphore_mem>>) {add = true}
        %dma_wait3A = arith.constant 0 : i32
        %dma_wait3A_108 = tpu.memref_slice %arg10[%run_scoped3A, %dma_wait3A] : memref<3x64xi32, #tpu.memory_space<vmem>> -> memref<1x64xi32, #tpu.memory_space<vmem>>
        %dma_wait3A_109 = tpu.memref_squeeze %dma_wait3A_108 : memref<1x64xi32, #tpu.memory_space<vmem>> -> memref<64xi32, #tpu.memory_space<vmem>>
        %dma_wait3A_110 = arith.constant 0 : i32
        %dma_wait3A_111 = arith.constant 0 : i32
        %dma_wait3A_112 = tpu.memref_slice %arg7[%dma_wait3A_110, %dma_wait3A_111] : memref<10240x128xf32, #tpu.memory_space<vmem_shared>> -> memref<10240x128xf32, #tpu.memory_space<vmem_shared>>
        tpu.wait_indirect_dma semaphore(%run_scoped3A_101 : memref<!tpu.dma_semaphore, #tpu.memory_space<semaphore_mem>>) src(%arg13 : memref<64x128xf32, #tpu.memory_space<vmem>>) dst(%dma_wait3A_112 : memref<10240x128xf32, #tpu.memory_space<vmem_shared>>)
        tpu.yield
      }) : () -> ()
    } else {
    }
    %get3A = arith.constant 0 : i32
    %get3A_21 = arith.index_cast %get3A : i32 to index
    %get3A_22 = arith.constant 0 : index
    %get3A_23 = tpu.vector_load %arg10[%get3A_21, %get3A_22] {strides = array<i32>} : memref<3x64xi32, #tpu.memory_space<vmem>>, vector<1x16xi32>,
    %get3A_24 = vector.shape_cast %get3A_23 : vector<1x16xi32> to vector<16xi32>
    %add3A_25 = vector.broadcast %mul3A_1 : i32 to vector<16xi32>
    %add3A_26 = arith.addi %get3A_24, %add3A_25 : vector<16xi32>
    %swap3A = arith.constant 0 : i32
    %swap3A_27 = arith.index_cast %swap3A : i32 to index
    %swap3A_28 = arith.constant 0 : index
    %swap3A_29 = tpu.vector_load %arg10[%swap3A_27, %swap3A_28] {strides = array<i32>} : memref<3x64xi32, #tpu.memory_space<vmem>>, vector<1x16xi32>,
    %swap3A_30 = vector.shape_cast %swap3A_29 : vector<1x16xi32> to vector<16xi32>
    %swap3A_31 = vector.shape_cast %add3A_26 : vector<16xi32> to vector<1x16xi32>
    tpu.vector_store %arg10[%swap3A_27, %swap3A_28], %swap3A_31 {strides = array<i32>} : memref<3x64xi32, #tpu.memory_space<vmem>>, vector<1x16xi32>,
    %get3A_32 = arith.constant 0 : i32
    %get3A_33 = arith.index_cast %get3A_32 : i32 to index
    %get3A_34 = arith.constant 16 : index
    %get3A_35 = tpu.vector_load %arg10[%get3A_33, %get3A_34] {strides = array<i32>} : memref<3x64xi32, #tpu.memory_space<vmem>>, vector<1x16xi32>,
    %get3A_36 = vector.shape_cast %get3A_35 : vector<1x16xi32> to vector<16xi32>
    %add3A_37 = vector.broadcast %mul3A_1 : i32 to vector<16xi32>
    %add3A_38 = arith.addi %get3A_36, %add3A_37 : vector<16xi32>
    %swap3A_39 = arith.constant 0 : i32
    %swap3A_40 = arith.index_cast %swap3A_39 : i32 to index
    %swap3A_41 = arith.constant 16 : index
    %swap3A_42 = tpu.vector_load %arg10[%swap3A_40, %swap3A_41] {strides = array<i32>} : memref<3x64xi32, #tpu.memory_space<vmem>>, vector<1x16xi32>,
    %swap3A_43 = vector.shape_cast %swap3A_42 : vector<1x16xi32> to vector<16xi32>
    %swap3A_44 = vector.shape_cast %add3A_38 : vector<16xi32> to vector<1x16xi32>
    tpu.vector_store %arg10[%swap3A_40, %swap3A_41], %swap3A_44 {strides = array<i32>} : memref<3x64xi32, #tpu.memory_space<vmem>>, vector<1x16xi32>,
    %get3A_45 = arith.constant 0 : i32
    %get3A_46 = arith.index_cast %get3A_45 : i32 to index
    %get3A_47 = arith.constant 32 : index
    %get3A_48 = tpu.vector_load %arg10[%get3A_46, %get3A_47] {strides = array<i32>} : memref<3x64xi32, #tpu.memory_space<vmem>>, vector<1x16xi32>,
    %get3A_49 = vector.shape_cast %get3A_48 : vector<1x16xi32> to vector<16xi32>
    %add3A_50 = vector.broadcast %mul3A_1 : i32 to vector<16xi32>
    %add3A_51 = arith.addi %get3A_49, %add3A_50 : vector<16xi32>
    %swap3A_52 = arith.constant 0 : i32
    %swap3A_53 = arith.index_cast %swap3A_52 : i32 to index
    %swap3A_54 = arith.constant 32 : index
    %swap3A_55 = tpu.vector_load %arg10[%swap3A_53, %swap3A_54] {strides = array<i32>} : memref<3x64xi32, #tpu.memory_space<vmem>>, vector<1x16xi32>,
    %swap3A_56 = vector.shape_cast %swap3A_55 : vector<1x16xi32> to vector<16xi32>
    %swap3A_57 = vector.shape_cast %add3A_51 : vector<16xi32> to vector<1x16xi32>
    tpu.vector_store %arg10[%swap3A_53, %swap3A_54], %swap3A_57 {strides = array<i32>} : memref<3x64xi32, #tpu.memory_space<vmem>>, vector<1x16xi32>,
    %get3A_58 = arith.constant 0 : i32
    %get3A_59 = arith.index_cast %get3A_58 : i32 to index
    %get3A_60 = arith.constant 48 : index
    %get3A_61 = tpu.vector_load %arg10[%get3A_59, %get3A_60] {strides = array<i32>} : memref<3x64xi32, #tpu.memory_space<vmem>>, vector<1x16xi32>,
    %get3A_62 = vector.shape_cast %get3A_61 : vector<1x16xi32> to vector<16xi32>
    %add3A_63 = vector.broadcast %mul3A_1 : i32 to vector<16xi32>
    %add3A_64 = arith.addi %get3A_62, %add3A_63 : vector<16xi32>
    %swap3A_65 = arith.constant 0 : i32
    %swap3A_66 = arith.index_cast %swap3A_65 : i32 to index
    %swap3A_67 = arith.constant 48 : index
    %swap3A_68 = tpu.vector_load %arg10[%swap3A_66, %swap3A_67] {strides = array<i32>} : memref<3x64xi32, #tpu.memory_space<vmem>>, vector<1x16xi32>,
    %swap3A_69 = vector.shape_cast %swap3A_68 : vector<1x16xi32> to vector<16xi32>
    %swap3A_70 = vector.shape_cast %add3A_64 : vector<16xi32> to vector<1x16xi32>
    tpu.vector_store %arg10[%swap3A_66, %swap3A_67], %swap3A_70 {strides = array<i32>} : memref<3x64xi32, #tpu.memory_space<vmem>>, vector<1x16xi32>,
    %dma_start3A = arith.constant 0 : i32
    %dma_start3A_71 = arith.constant 0 : i32
    %dma_start3A_72 = tpu.memref_slice %arg10[%dma_start3A, %dma_start3A_71] : memref<3x64xi32, #tpu.memory_space<vmem>> -> memref<1x64xi32, #tpu.memory_space<vmem>>
    %dma_start3A_73 = tpu.memref_squeeze %dma_start3A_72 : memref<1x64xi32, #tpu.memory_space<vmem>> -> memref<64xi32, #tpu.memory_space<vmem>>
    %dma_start3A_74 = arith.constant 0 : i32
    %dma_start3A_75 = arith.constant 0 : i32
    %dma_start3A_76 = tpu.memref_slice %arg2[%dma_start3A_74, %dma_start3A_75] : memref<20480x128xf32, #tpu.memory_space<hbm>> -> memref<20480x128xf32, #tpu.memory_space<hbm>>
    tpu.enqueue_indirect_dma source(%dma_start3A_76 : memref<20480x128xf32, #tpu.memory_space<hbm>>) target(%arg8 : memref<64x128xf32, #tpu.memory_space<vmem>>) offsets(%dma_start3A_73 : memref<64xi32, #tpu.memory_space<vmem>>) semaphore(%arg14 : memref<!tpu.dma_semaphore, #tpu.memory_space<semaphore_mem>>)
    %scan3A_77 = arith.constant 0 : i32
    %scan3A_78 = arith.constant 0 : i32
    %scan3A_79 = arith.constant 158 : i32
    %scan3A_80 = arith.addi %scan3A_78, %scan3A_79 : i32
    %scan3A_81 = arith.constant 1 : i32
    %scan3A_82 = scf.for %scan3A_92 = %scan3A_78 to %scan3A_80 step %scan3A_81 iter_args(%scan3A_93 = %scan3A_77) -> (i32)  : i32 {
      %mul3A_94 = arith.constant 2 : i32
      %mul3A_95 = arith.muli %mul3A_94, %scan3A_92 : i32
      %add3A_96 = arith.constant 1 : i32
      %add3A_97 = arith.addi %mul3A_95, %add3A_96 : i32
      %mul3A_98 = arith.constant 316 : i32
      %mul3A_99 = arith.muli %arg1, %mul3A_98 : i32
      %add3A_100 = arith.addi %mul3A_99, %add3A_97 : i32
      "tpu.region"() ({
        %run_scoped3A_188 = tpu.sem_alloc : memref<!tpu.dma_semaphore, #tpu.memory_space<semaphore_mem>>
        %dma_start3A_189 = arith.constant 0 : i32
        %dma_start3A_190 = arith.constant 0 : i32
        %dma_start3A_191 = tpu.memref_slice %arg3[%add3A_100, %dma_start3A_189, %dma_start3A_190] : memref<5056x3x64xi32, #tpu.memory_space<hbm>> -> memref<1x3x64xi32, #tpu.memory_space<hbm>>
        %dma_start3A_192 = tpu.memref_squeeze %dma_start3A_191 : memref<1x3x64xi32, #tpu.memory_space<hbm>> -> memref<3x64xi32, #tpu.memory_space<hbm>>
        %dma_start3A_193 = arith.constant 0 : i32
        %dma_start3A_194 = arith.constant 0 : i32
        %dma_start3A_195 = tpu.memref_slice %arg3[%add3A_100, %dma_start3A_193, %dma_start3A_194] : memref<5056x3x64xi32, #tpu.memory_space<hbm>> -> memref<1x3x64xi32, #tpu.memory_space<hbm>>
        %dma_start3A_196 = tpu.memref_squeeze %dma_start3A_195 : memref<1x3x64xi32, #tpu.memory_space<hbm>> -> memref<3x64xi32, #tpu.memory_space<hbm>>
        tpu.enqueue_dma source(%dma_start3A_196 : memref<3x64xi32, #tpu.memory_space<hbm>>) target(%arg11 : memref<3x64xi32, #tpu.memory_space<vmem>>) target_semaphore(%run_scoped3A_188 : memref<!tpu.dma_semaphore, #tpu.memory_space<semaphore_mem>>)
        %dma_wait3A_197 = arith.constant 0 : i32
        %dma_wait3A_198 = arith.constant 0 : i32
        %dma_wait3A_199 = tpu.memref_slice %arg3[%add3A_100, %dma_wait3A_197, %dma_wait3A_198] : memref<5056x3x64xi32, #tpu.memory_space<hbm>> -> memref<1x3x64xi32, #tpu.memory_space<hbm>>
        %dma_wait3A_200 = tpu.memref_squeeze %dma_wait3A_199 : memref<1x3x64xi32, #tpu.memory_space<hbm>> -> memref<3x64xi32, #tpu.memory_space<hbm>>
        %dma_wait3A_201 = arith.constant 0 : i32
        %dma_wait3A_202 = arith.constant 0 : i32
        %dma_wait3A_203 = tpu.memref_slice %arg3[%add3A_100, %dma_wait3A_201, %dma_wait3A_202] : memref<5056x3x64xi32, #tpu.memory_space<hbm>> -> memref<1x3x64xi32, #tpu.memory_space<hbm>>
        %dma_wait3A_204 = tpu.memref_squeeze %dma_wait3A_203 : memref<1x3x64xi32, #tpu.memory_space<hbm>> -> memref<3x64xi32, #tpu.memory_space<hbm>>
        tpu.wait_dma2 semaphore(%run_scoped3A_188 : memref<!tpu.dma_semaphore, #tpu.memory_space<semaphore_mem>>) src(%dma_wait3A_204 : memref<3x64xi32, #tpu.memory_space<hbm>>) dst(%arg11 : memref<3x64xi32, #tpu.memory_space<vmem>>)
        tpu.yield
      }) : () -> ()
      %ge3A = arith.constant 158 : i32
      %ge3A_101 = arith.cmpi sge, %add3A_97, %ge3A : i32
      %eq3A_102 = arith.constant 0 : i32
      %eq3A_103 = arith.cmpi eq, %arg0, %eq3A_102 : i32
      %xor3A_104 = arith.xori %ge3A_101, %eq3A_103 : i1
      %convert_element_type3A_105 = arith.extui %xor3A_104 : i1 to i32
      %cond3A_106 = arith.constant 0 : i32
      %cond3A_107 = arith.cmpi ne, %convert_element_type3A_105, %cond3A_106 : i32
      scf.if %cond3A_107 {
        %mul3A_188 = arith.constant 64 : i32
        %mul3A_189 = arith.muli %add3A_100, %mul3A_188 : i32
        "tpu.region"() ({
          %run_scoped3A_198 = tpu.sem_alloc : memref<!tpu.dma_semaphore, #tpu.memory_space<semaphore_mem>>
          %dma_start3A_199 = arith.constant 0 : i32
          %dma_start3A_200 = tpu.memref_slice %arg4[%mul3A_189, %dma_start3A_199] : memref<323584x16xf32, #tpu.memory_space<hbm>> -> memref<64x16xf32, #tpu.memory_space<hbm>>
          %dma_start3A_201 = arith.constant 0 : i32
          %dma_start3A_202 = tpu.memref_slice %arg4[%mul3A_189, %dma_start3A_201] : memref<323584x16xf32, #tpu.memory_space<hbm>> -> memref<64x16xf32, #tpu.memory_space<hbm>>
          tpu.enqueue_dma source(%dma_start3A_202 : memref<64x16xf32, #tpu.memory_space<hbm>>) target(%arg12 : memref<64x16xf32, #tpu.memory_space<vmem>>) target_semaphore(%run_scoped3A_198 : memref<!tpu.dma_semaphore, #tpu.memory_space<semaphore_mem>>)
          %dma_wait3A_203 = arith.constant 0 : i32
          %dma_wait3A_204 = tpu.memref_slice %arg4[%mul3A_189, %dma_wait3A_203] : memref<323584x16xf32, #tpu.memory_space<hbm>> -> memref<64x16xf32, #tpu.memory_space<hbm>>
          %dma_wait3A_205 = arith.constant 0 : i32
          %dma_wait3A_206 = tpu.memref_slice %arg4[%mul3A_189, %dma_wait3A_205] : memref<323584x16xf32, #tpu.memory_space<hbm>> -> memref<64x16xf32, #tpu.memory_space<hbm>>
          tpu.wait_dma2 semaphore(%run_scoped3A_198 : memref<!tpu.dma_semaphore, #tpu.memory_space<semaphore_mem>>) src(%dma_wait3A_206 : memref<64x16xf32, #tpu.memory_space<hbm>>) dst(%arg12 : memref<64x16xf32, #tpu.memory_space<vmem>>)
          tpu.yield
        }) : () -> ()
        %scan3A_190 = arith.constant 0 : i32
        %scan3A_191 = arith.constant 0 : i32
        %scan3A_192 = arith.constant 16 : i32
        %scan3A_193 = arith.addi %scan3A_191, %scan3A_192 : i32
        %scan3A_194 = arith.constant 1 : i32
        %scan3A_195 = scf.for %scan3A_198 = %scan3A_191 to %scan3A_193 step %scan3A_194 iter_args(%scan3A_199 = %scan3A_190) -> (i32)  : i32 {
          %mul3A_200 = arith.constant 4 : i32
          %mul3A_201 = arith.muli %scan3A_198, %mul3A_200 : i32
          %add3A_202 = arith.constant 0 : i32
          %add3A_203 = arith.addi %mul3A_201, %add3A_202 : i32
          %get3A_204 = arith.index_cast %add3A_203 : i32 to index
          %get3A_205 = arith.constant 0 : index
          %get3A_206 = tpu.vector_load %arg12[%get3A_204, %get3A_205] {strides = array<i32>} : memref<64x16xf32, #tpu.memory_space<vmem>>, vector<1x16xf32>,
          %get3A_207 = vector.shape_cast %get3A_206 : vector<1x16xf32> to vector<16xf32>
          %mul3A_208 = arith.constant 4 : i32
          %mul3A_209 = arith.muli %scan3A_198, %mul3A_208 : i32
          %add3A_210 = arith.constant 0 : i32
          %add3A_211 = arith.addi %mul3A_209, %add3A_210 : i32
          %swap3A_212 = arith.index_cast %add3A_211 : i32 to index
          %swap3A_213 = arith.constant 112 : index
          %swap3A_214 = tpu.vector_load %arg13[%swap3A_212, %swap3A_213] {strides = array<i32>} : memref<64x128xf32, #tpu.memory_space<vmem>>, vector<1x16xf32>,
          %swap3A_215 = vector.shape_cast %swap3A_214 : vector<1x16xf32> to vector<16xf32>
          %swap3A_216 = vector.shape_cast %get3A_207 : vector<16xf32> to vector<1x16xf32>
          tpu.vector_store %arg13[%swap3A_212, %swap3A_213], %swap3A_216 {strides = array<i32>} : memref<64x128xf32, #tpu.memory_space<vmem>>, vector<1x16xf32>,
          %mul3A_217 = arith.constant 4 : i32
          %mul3A_218 = arith.muli %scan3A_198, %mul3A_217 : i32
          %add3A_219 = arith.constant 1 : i32
          %add3A_220 = arith.addi %mul3A_218, %add3A_219 : i32
          %get3A_221 = arith.index_cast %add3A_220 : i32 to index
          %get3A_222 = arith.constant 0 : index
          %get3A_223 = tpu.vector_load %arg12[%get3A_221, %get3A_222] {strides = array<i32>} : memref<64x16xf32, #tpu.memory_space<vmem>>, vector<1x16xf32>,
          %get3A_224 = vector.shape_cast %get3A_223 : vector<1x16xf32> to vector<16xf32>
          %mul3A_225 = arith.constant 4 : i32
          %mul3A_226 = arith.muli %scan3A_198, %mul3A_225 : i32
          %add3A_227 = arith.constant 1 : i32
          %add3A_228 = arith.addi %mul3A_226, %add3A_227 : i32
          %swap3A_229 = arith.index_cast %add3A_228 : i32 to index
          %swap3A_230 = arith.constant 112 : index
          %swap3A_231 = tpu.vector_load %arg13[%swap3A_229, %swap3A_230] {strides = array<i32>} : memref<64x128xf32, #tpu.memory_space<vmem>>, vector<1x16xf32>,
          %swap3A_232 = vector.shape_cast %swap3A_231 : vector<1x16xf32> to vector<16xf32>
          %swap3A_233 = vector.shape_cast %get3A_224 : vector<16xf32> to vector<1x16xf32>
          tpu.vector_store %arg13[%swap3A_229, %swap3A_230], %swap3A_233 {strides = array<i32>} : memref<64x128xf32, #tpu.memory_space<vmem>>, vector<1x16xf32>,
          %mul3A_234 = arith.constant 4 : i32
          %mul3A_235 = arith.muli %scan3A_198, %mul3A_234 : i32
          %add3A_236 = arith.constant 2 : i32
          %add3A_237 = arith.addi %mul3A_235, %add3A_236 : i32
          %get3A_238 = arith.index_cast %add3A_237 : i32 to index
          %get3A_239 = arith.constant 0 : index
          %get3A_240 = tpu.vector_load %arg12[%get3A_238, %get3A_239] {strides = array<i32>} : memref<64x16xf32, #tpu.memory_space<vmem>>, vector<1x16xf32>,
          %get3A_241 = vector.shape_cast %get3A_240 : vector<1x16xf32> to vector<16xf32>
          %mul3A_242 = arith.constant 4 : i32
          %mul3A_243 = arith.muli %scan3A_198, %mul3A_242 : i32
          %add3A_244 = arith.constant 2 : i32
          %add3A_245 = arith.addi %mul3A_243, %add3A_244 : i32
          %swap3A_246 = arith.index_cast %add3A_245 : i32 to index
          %swap3A_247 = arith.constant 112 : index
          %swap3A_248 = tpu.vector_load %arg13[%swap3A_246, %swap3A_247] {strides = array<i32>} : memref<64x128xf32, #tpu.memory_space<vmem>>, vector<1x16xf32>,
          %swap3A_249 = vector.shape_cast %swap3A_248 : vector<1x16xf32> to vector<16xf32>
          %swap3A_250 = vector.shape_cast %get3A_241 : vector<16xf32> to vector<1x16xf32>
          tpu.vector_store %arg13[%swap3A_246, %swap3A_247], %swap3A_250 {strides = array<i32>} : memref<64x128xf32, #tpu.memory_space<vmem>>, vector<1x16xf32>,
          %mul3A_251 = arith.constant 4 : i32
          %mul3A_252 = arith.muli %scan3A_198, %mul3A_251 : i32
          %add3A_253 = arith.constant 3 : i32
          %add3A_254 = arith.addi %mul3A_252, %add3A_253 : i32
          %get3A_255 = arith.index_cast %add3A_254 : i32 to index
          %get3A_256 = arith.constant 0 : index
          %get3A_257 = tpu.vector_load %arg12[%get3A_255, %get3A_256] {strides = array<i32>} : memref<64x16xf32, #tpu.memory_space<vmem>>, vector<1x16xf32>,
          %get3A_258 = vector.shape_cast %get3A_257 : vector<1x16xf32> to vector<16xf32>
          %mul3A_259 = arith.constant 4 : i32
          %mul3A_260 = arith.muli %scan3A_198, %mul3A_259 : i32
          %add3A_261 = arith.constant 3 : i32
          %add3A_262 = arith.addi %mul3A_260, %add3A_261 : i32
          %swap3A_263 = arith.index_cast %add3A_262 : i32 to index
          %swap3A_264 = arith.constant 112 : index
          %swap3A_265 = tpu.vector_load %arg13[%swap3A_263, %swap3A_264] {strides = array<i32>} : memref<64x128xf32, #tpu.memory_space<vmem>>, vector<1x16xf32>,
          %swap3A_266 = vector.shape_cast %swap3A_265 : vector<1x16xf32> to vector<16xf32>
          %swap3A_267 = vector.shape_cast %get3A_258 : vector<16xf32> to vector<1x16xf32>
          tpu.vector_store %arg13[%swap3A_263, %swap3A_264], %swap3A_267 {strides = array<i32>} : memref<64x128xf32, #tpu.memory_space<vmem>>, vector<1x16xf32>,
          %scan3A_268 = arith.constant 0 : i32
          scf.yield %scan3A_268 : i32
        }
        %scan3A_196 = arith.constant 16 : i32
        %run_scoped3A_197 = arith.constant 2 : i32
        "tpu.region"() ({
          %run_scoped3A_198 = tpu.sem_alloc : memref<!tpu.dma_semaphore, #tpu.memory_space<semaphore_mem>>
          %dma_start3A_199 = arith.constant 0 : i32
          %dma_start3A_200 = tpu.memref_slice %arg11[%run_scoped3A_197, %dma_start3A_199] : memref<3x64xi32, #tpu.memory_space<vmem>> -> memref<1x64xi32, #tpu.memory_space<vmem>>
          %dma_start3A_201 = tpu.memref_squeeze %dma_start3A_200 : memref<1x64xi32, #tpu.memory_space<vmem>> -> memref<64xi32, #tpu.memory_space<vmem>>
          %dma_start3A_202 = arith.constant 0 : i32
          %dma_start3A_203 = arith.constant 0 : i32
          %dma_start3A_204 = tpu.memref_slice %arg7[%dma_start3A_202, %dma_start3A_203] : memref<10240x128xf32, #tpu.memory_space<vmem_shared>> -> memref<10240x128xf32, #tpu.memory_space<vmem_shared>>
          tpu.enqueue_indirect_dma source(%arg13 : memref<64x128xf32, #tpu.memory_space<vmem>>) target(%dma_start3A_204 : memref<10240x128xf32, #tpu.memory_space<vmem_shared>>) offsets(%dma_start3A_201 : memref<64xi32, #tpu.memory_space<vmem>>) semaphore(%run_scoped3A_198 : memref<!tpu.dma_semaphore, #tpu.memory_space<semaphore_mem>>) {add = true}
          %dma_wait3A_205 = arith.constant 0 : i32
          %dma_wait3A_206 = tpu.memref_slice %arg11[%run_scoped3A_197, %dma_wait3A_205] : memref<3x64xi32, #tpu.memory_space<vmem>> -> memref<1x64xi32, #tpu.memory_space<vmem>>
          %dma_wait3A_207 = tpu.memref_squeeze %dma_wait3A_206 : memref<1x64xi32, #tpu.memory_space<vmem>> -> memref<64xi32, #tpu.memory_space<vmem>>
          %dma_wait3A_208 = arith.constant 0 : i32
          %dma_wait3A_209 = arith.constant 0 : i32
          %dma_wait3A_210 = tpu.memref_slice %arg7[%dma_wait3A_208, %dma_wait3A_209] : memref<10240x128xf32, #tpu.memory_space<vmem_shared>> -> memref<10240x128xf32, #tpu.memory_space<vmem_shared>>
          tpu.wait_indirect_dma semaphore(%run_scoped3A_198 : memref<!tpu.dma_semaphore, #tpu.memory_space<semaphore_mem>>) src(%arg13 : memref<64x128xf32, #tpu.memory_space<vmem>>) dst(%dma_wait3A_210 : memref<10240x128xf32, #tpu.memory_space<vmem_shared>>)
          tpu.yield
        }) : () -> ()
      } else {
      }
      %get3A_108 = arith.constant 0 : i32
      %get3A_109 = arith.index_cast %get3A_108 : i32 to index
      %get3A_110 = arith.constant 0 : index
      %get3A_111 = tpu.vector_load %arg11[%get3A_109, %get3A_110] {strides = array<i32>} : memref<3x64xi32, #tpu.memory_space<vmem>>, vector<1x16xi32>,
      %get3A_112 = vector.shape_cast %get3A_111 : vector<1x16xi32> to vector<16xi32>
      %add3A_113 = vector.broadcast %mul3A_1 : i32 to vector<16xi32>
      %add3A_114 = arith.addi %get3A_112, %add3A_113 : vector<16xi32>
      %swap3A_115 = arith.constant 0 : i32
      %swap3A_116 = arith.index_cast %swap3A_115 : i32 to index
      %swap3A_117 = arith.constant 0 : index
      %swap3A_118 = tpu.vector_load %arg11[%swap3A_116, %swap3A_117] {strides = array<i32>} : memref<3x64xi32, #tpu.memory_space<vmem>>, vector<1x16xi32>,
      %swap3A_119 = vector.shape_cast %swap3A_118 : vector<1x16xi32> to vector<16xi32>
      %swap3A_120 = vector.shape_cast %add3A_114 : vector<16xi32> to vector<1x16xi32>
      tpu.vector_store %arg11[%swap3A_116, %swap3A_117], %swap3A_120 {strides = array<i32>} : memref<3x64xi32, #tpu.memory_space<vmem>>, vector<1x16xi32>,
      %get3A_121 = arith.constant 0 : i32
      %get3A_122 = arith.index_cast %get3A_121 : i32 to index
      %get3A_123 = arith.constant 16 : index
      %get3A_124 = tpu.vector_load %arg11[%get3A_122, %get3A_123] {strides = array<i32>} : memref<3x64xi32, #tpu.memory_space<vmem>>, vector<1x16xi32>,
      %get3A_125 = vector.shape_cast %get3A_124 : vector<1x16xi32> to vector<16xi32>
      %add3A_126 = vector.broadcast %mul3A_1 : i32 to vector<16xi32>
      %add3A_127 = arith.addi %get3A_125, %add3A_126 : vector<16xi32>
      %swap3A_128 = arith.constant 0 : i32
      %swap3A_129 = arith.index_cast %swap3A_128 : i32 to index
      %swap3A_130 = arith.constant 16 : index
      %swap3A_131 = tpu.vector_load %arg11[%swap3A_129, %swap3A_130] {strides = array<i32>} : memref<3x64xi32, #tpu.memory_space<vmem>>, vector<1x16xi32>,
      %swap3A_132 = vector.shape_cast %swap3A_131 : vector<1x16xi32> to vector<16xi32>
      %swap3A_133 = vector.shape_cast %add3A_127 : vector<16xi32> to vector<1x16xi32>
      tpu.vector_store %arg11[%swap3A_129, %swap3A_130], %swap3A_133 {strides = array<i32>} : memref<3x64xi32, #tpu.memory_space<vmem>>, vector<1x16xi32>,
      %get3A_134 = arith.constant 0 : i32
      %get3A_135 = arith.index_cast %get3A_134 : i32 to index
      %get3A_136 = arith.constant 32 : index
      %get3A_137 = tpu.vector_load %arg11[%get3A_135, %get3A_136] {strides = array<i32>} : memref<3x64xi32, #tpu.memory_space<vmem>>, vector<1x16xi32>,
      %get3A_138 = vector.shape_cast %get3A_137 : vector<1x16xi32> to vector<16xi32>
      %add3A_139 = vector.broadcast %mul3A_1 : i32 to vector<16xi32>
      %add3A_140 = arith.addi %get3A_138, %add3A_139 : vector<16xi32>
      %swap3A_141 = arith.constant 0 : i32
      %swap3A_142 = arith.index_cast %swap3A_141 : i32 to index
      %swap3A_143 = arith.constant 32 : index
      %swap3A_144 = tpu.vector_load %arg11[%swap3A_142, %swap3A_143] {strides = array<i32>} : memref<3x64xi32, #tpu.memory_space<vmem>>, vector<1x16xi32>,
      %swap3A_145 = vector.shape_cast %swap3A_144 : vector<1x16xi32> to vector<16xi32>
      %swap3A_146 = vector.shape_cast %add3A_140 : vector<16xi32> to vector<1x16xi32>
      tpu.vector_store %arg11[%swap3A_142, %swap3A_143], %swap3A_146 {strides = array<i32>} : memref<3x64xi32, #tpu.memory_space<vmem>>, vector<1x16xi32>,
      %get3A_147 = arith.constant 0 : i32
      %get3A_148 = arith.index_cast %get3A_147 : i32 to index
      %get3A_149 = arith.constant 48 : index
      %get3A_150 = tpu.vector_load %arg11[%get3A_148, %get3A_149] {strides = array<i32>} : memref<3x64xi32, #tpu.memory_space<vmem>>, vector<1x16xi32>,
      %get3A_151 = vector.shape_cast %get3A_150 : vector<1x16xi32> to vector<16xi32>
      %add3A_152 = vector.broadcast %mul3A_1 : i32 to vector<16xi32>
      %add3A_153 = arith.addi %get3A_151, %add3A_152 : vector<16xi32>
      %swap3A_154 = arith.constant 0 : i32
      %swap3A_155 = arith.index_cast %swap3A_154 : i32 to index
      %swap3A_156 = arith.constant 48 : index
      %swap3A_157 = tpu.vector_load %arg11[%swap3A_155, %swap3A_156] {strides = array<i32>} : memref<3x64xi32, #tpu.memory_space<vmem>>, vector<1x16xi32>,
      %swap3A_158 = vector.shape_cast %swap3A_157 : vector<1x16xi32> to vector<16xi32>
      %swap3A_159 = vector.shape_cast %add3A_153 : vector<16xi32> to vector<1x16xi32>
      tpu.vector_store %arg11[%swap3A_155, %swap3A_156], %swap3A_159 {strides = array<i32>} : memref<3x64xi32, #tpu.memory_space<vmem>>, vector<1x16xi32>,
      %dma_start3A_160 = arith.constant 0 : i32
      %dma_start3A_161 = arith.constant 0 : i32
      %dma_start3A_162 = tpu.memref_slice %arg11[%dma_start3A_160, %dma_start3A_161] : memref<3x64xi32, #tpu.memory_space<vmem>> -> memref<1x64xi32, #tpu.memory_space<vmem>>
      %dma_start3A_163 = tpu.memref_squeeze %dma_start3A_162 : memref<1x64xi32, #tpu.memory_space<vmem>> -> memref<64xi32, #tpu.memory_space<vmem>>
      %dma_start3A_164 = arith.constant 0 : i32
      %dma_start3A_165 = arith.constant 0 : i32
      %dma_start3A_166 = tpu.memref_slice %arg2[%dma_start3A_164, %dma_start3A_165] : memref<20480x128xf32, #tpu.memory_space<hbm>> -> memref<20480x128xf32, #tpu.memory_space<hbm>>
      tpu.enqueue_indirect_dma source(%dma_start3A_166 : memref<20480x128xf32, #tpu.memory_space<hbm>>) target(%arg9 : memref<64x128xf32, #tpu.memory_space<vmem>>) offsets(%dma_start3A_163 : memref<64xi32, #tpu.memory_space<vmem>>) semaphore(%arg15 : memref<!tpu.dma_semaphore, #tpu.memory_space<semaphore_mem>>)
      %dma_wait3A = arith.constant 0 : i32
      %dma_wait3A_167 = arith.constant 0 : i32
      %dma_wait3A_168 = tpu.memref_slice %arg10[%dma_wait3A, %dma_wait3A_167] : memref<3x64xi32, #tpu.memory_space<vmem>> -> memref<1x64xi32, #tpu.memory_space<vmem>>
      %dma_wait3A_169 = tpu.memref_squeeze %dma_wait3A_168 : memref<1x64xi32, #tpu.memory_space<vmem>> -> memref<64xi32, #tpu.memory_space<vmem>>
      %dma_wait3A_170 = arith.constant 0 : i32
      %dma_wait3A_171 = arith.constant 0 : i32
      %dma_wait3A_172 = tpu.memref_slice %arg2[%dma_wait3A_170, %dma_wait3A_171] : memref<20480x128xf32, #tpu.memory_space<hbm>> -> memref<20480x128xf32, #tpu.memory_space<hbm>>
      tpu.wait_indirect_dma semaphore(%arg14 : memref<!tpu.dma_semaphore, #tpu.memory_space<semaphore_mem>>) src(%dma_wait3A_172 : memref<20480x128xf32, #tpu.memory_space<hbm>>) dst(%arg8 : memref<64x128xf32, #tpu.memory_space<vmem>>)
      %run_scoped3A = arith.constant 1 : i32
      "tpu.region"() ({
        %run_scoped3A_188 = tpu.sem_alloc : memref<!tpu.dma_semaphore, #tpu.memory_space<semaphore_mem>>
        %dma_start3A_189 = arith.constant 0 : i32
        %dma_start3A_190 = tpu.memref_slice %arg10[%run_scoped3A, %dma_start3A_189] : memref<3x64xi32, #tpu.memory_space<vmem>> -> memref<1x64xi32, #tpu.memory_space<vmem>>
        %dma_start3A_191 = tpu.memref_squeeze %dma_start3A_190 : memref<1x64xi32, #tpu.memory_space<vmem>> -> memref<64xi32, #tpu.memory_space<vmem>>
        %dma_start3A_192 = arith.constant 0 : i32
        %dma_start3A_193 = arith.constant 0 : i32
        %dma_start3A_194 = tpu.memref_slice %arg7[%dma_start3A_192, %dma_start3A_193] : memref<10240x128xf32, #tpu.memory_space<vmem_shared>> -> memref<10240x128xf32, #tpu.memory_space<vmem_shared>>
        tpu.enqueue_indirect_dma source(%arg8 : memref<64x128xf32, #tpu.memory_space<vmem>>) target(%dma_start3A_194 : memref<10240x128xf32, #tpu.memory_space<vmem_shared>>) offsets(%dma_start3A_191 : memref<64xi32, #tpu.memory_space<vmem>>) semaphore(%run_scoped3A_188 : memref<!tpu.dma_semaphore, #tpu.memory_space<semaphore_mem>>) {add = true}
        %dma_wait3A_195 = arith.constant 0 : i32
        %dma_wait3A_196 = tpu.memref_slice %arg10[%run_scoped3A, %dma_wait3A_195] : memref<3x64xi32, #tpu.memory_space<vmem>> -> memref<1x64xi32, #tpu.memory_space<vmem>>
        %dma_wait3A_197 = tpu.memref_squeeze %dma_wait3A_196 : memref<1x64xi32, #tpu.memory_space<vmem>> -> memref<64xi32, #tpu.memory_space<vmem>>
        %dma_wait3A_198 = arith.constant 0 : i32
        %dma_wait3A_199 = arith.constant 0 : i32
        %dma_wait3A_200 = tpu.memref_slice %arg7[%dma_wait3A_198, %dma_wait3A_199] : memref<10240x128xf32, #tpu.memory_space<vmem_shared>> -> memref<10240x128xf32, #tpu.memory_space<vmem_shared>>
        tpu.wait_indirect_dma semaphore(%run_scoped3A_188 : memref<!tpu.dma_semaphore, #tpu.memory_space<semaphore_mem>>) src(%arg8 : memref<64x128xf32, #tpu.memory_space<vmem>>) dst(%dma_wait3A_200 : memref<10240x128xf32, #tpu.memory_space<vmem_shared>>)
        tpu.yield
      }) : () -> ()
      %add3A_173 = arith.constant 1 : i32
      %add3A_174 = arith.addi %scan3A_92, %add3A_173 : i32
      %lt3A = arith.constant 158 : i32
      %lt3A_175 = arith.cmpi slt, %add3A_174, %lt3A : i32
      %convert_element_type3A_176 = arith.extui %lt3A_175 : i1 to i32
      %cond3A_177 = arith.constant 0 : i32
      %cond3A_178 = arith.cmpi ne, %convert_element_type3A_176, %cond3A_177 : i32
      scf.if %cond3A_178 {
        %mul3A_188 = arith.constant 2 : i32
        %mul3A_189 = arith.muli %mul3A_188, %scan3A_92 : i32
        %add3A_190 = arith.constant 2 : i32
        %add3A_191 = arith.addi %mul3A_189, %add3A_190 : i32
        %mul3A_192 = arith.constant 316 : i32
        %mul3A_193 = arith.muli %arg1, %mul3A_192 : i32
        %add3A_194 = arith.addi %mul3A_193, %add3A_191 : i32
        "tpu.region"() ({
          %run_scoped3A_262 = tpu.sem_alloc : memref<!tpu.dma_semaphore, #tpu.memory_space<semaphore_mem>>
          %dma_start3A_263 = arith.constant 0 : i32
          %dma_start3A_264 = arith.constant 0 : i32
          %dma_start3A_265 = tpu.memref_slice %arg3[%add3A_194, %dma_start3A_263, %dma_start3A_264] : memref<5056x3x64xi32, #tpu.memory_space<hbm>> -> memref<1x3x64xi32, #tpu.memory_space<hbm>>
          %dma_start3A_266 = tpu.memref_squeeze %dma_start3A_265 : memref<1x3x64xi32, #tpu.memory_space<hbm>> -> memref<3x64xi32, #tpu.memory_space<hbm>>
          %dma_start3A_267 = arith.constant 0 : i32
          %dma_start3A_268 = arith.constant 0 : i32
          %dma_start3A_269 = tpu.memref_slice %arg3[%add3A_194, %dma_start3A_267, %dma_start3A_268] : memref<5056x3x64xi32, #tpu.memory_space<hbm>> -> memref<1x3x64xi32, #tpu.memory_space<hbm>>
          %dma_start3A_270 = tpu.memref_squeeze %dma_start3A_269 : memref<1x3x64xi32, #tpu.memory_space<hbm>> -> memref<3x64xi32, #tpu.memory_space<hbm>>
          tpu.enqueue_dma source(%dma_start3A_270 : memref<3x64xi32, #tpu.memory_space<hbm>>) target(%arg10 : memref<3x64xi32, #tpu.memory_space<vmem>>) target_semaphore(%run_scoped3A_262 : memref<!tpu.dma_semaphore, #tpu.memory_space<semaphore_mem>>)
          %dma_wait3A_271 = arith.constant 0 : i32
          %dma_wait3A_272 = arith.constant 0 : i32
          %dma_wait3A_273 = tpu.memref_slice %arg3[%add3A_194, %dma_wait3A_271, %dma_wait3A_272] : memref<5056x3x64xi32, #tpu.memory_space<hbm>> -> memref<1x3x64xi32, #tpu.memory_space<hbm>>
          %dma_wait3A_274 = tpu.memref_squeeze %dma_wait3A_273 : memref<1x3x64xi32, #tpu.memory_space<hbm>> -> memref<3x64xi32, #tpu.memory_space<hbm>>
          %dma_wait3A_275 = arith.constant 0 : i32
          %dma_wait3A_276 = arith.constant 0 : i32
          %dma_wait3A_277 = tpu.memref_slice %arg3[%add3A_194, %dma_wait3A_275, %dma_wait3A_276] : memref<5056x3x64xi32, #tpu.memory_space<hbm>> -> memref<1x3x64xi32, #tpu.memory_space<hbm>>
          %dma_wait3A_278 = tpu.memref_squeeze %dma_wait3A_277 : memref<1x3x64xi32, #tpu.memory_space<hbm>> -> memref<3x64xi32, #tpu.memory_space<hbm>>
          tpu.wait_dma2 semaphore(%run_scoped3A_262 : memref<!tpu.dma_semaphore, #tpu.memory_space<semaphore_mem>>) src(%dma_wait3A_278 : memref<3x64xi32, #tpu.memory_space<hbm>>) dst(%arg10 : memref<3x64xi32, #tpu.memory_space<vmem>>)
          tpu.yield
        }) : () -> ()
        %ge3A_195 = arith.constant 158 : i32
        %ge3A_196 = arith.cmpi sge, %add3A_191, %ge3A_195 : i32
        %eq3A_197 = arith.constant 0 : i32
        %eq3A_198 = arith.cmpi eq, %arg0, %eq3A_197 : i32
        %xor3A_199 = arith.xori %ge3A_196, %eq3A_198 : i1
        %convert_element_type3A_200 = arith.extui %xor3A_199 : i1 to i32
        %cond3A_201 = arith.constant 0 : i32
        %cond3A_202 = arith.cmpi ne, %convert_element_type3A_200, %cond3A_201 : i32
        scf.if %cond3A_202 {
          %mul3A_262 = arith.constant 64 : i32
          %mul3A_263 = arith.muli %add3A_194, %mul3A_262 : i32
          "tpu.region"() ({
            %run_scoped3A_272 = tpu.sem_alloc : memref<!tpu.dma_semaphore, #tpu.memory_space<semaphore_mem>>
            %dma_start3A_273 = arith.constant 0 : i32
            %dma_start3A_274 = tpu.memref_slice %arg4[%mul3A_263, %dma_start3A_273] : memref<323584x16xf32, #tpu.memory_space<hbm>> -> memref<64x16xf32, #tpu.memory_space<hbm>>
            %dma_start3A_275 = arith.constant 0 : i32
            %dma_start3A_276 = tpu.memref_slice %arg4[%mul3A_263, %dma_start3A_275] : memref<323584x16xf32, #tpu.memory_space<hbm>> -> memref<64x16xf32, #tpu.memory_space<hbm>>
            tpu.enqueue_dma source(%dma_start3A_276 : memref<64x16xf32, #tpu.memory_space<hbm>>) target(%arg12 : memref<64x16xf32, #tpu.memory_space<vmem>>) target_semaphore(%run_scoped3A_272 : memref<!tpu.dma_semaphore, #tpu.memory_space<semaphore_mem>>)
            %dma_wait3A_277 = arith.constant 0 : i32
            %dma_wait3A_278 = tpu.memref_slice %arg4[%mul3A_263, %dma_wait3A_277] : memref<323584x16xf32, #tpu.memory_space<hbm>> -> memref<64x16xf32, #tpu.memory_space<hbm>>
            %dma_wait3A_279 = arith.constant 0 : i32
            %dma_wait3A_280 = tpu.memref_slice %arg4[%mul3A_263, %dma_wait3A_279] : memref<323584x16xf32, #tpu.memory_space<hbm>> -> memref<64x16xf32, #tpu.memory_space<hbm>>
            tpu.wait_dma2 semaphore(%run_scoped3A_272 : memref<!tpu.dma_semaphore, #tpu.memory_space<semaphore_mem>>) src(%dma_wait3A_280 : memref<64x16xf32, #tpu.memory_space<hbm>>) dst(%arg12 : memref<64x16xf32, #tpu.memory_space<vmem>>)
            tpu.yield
          }) : () -> ()
          %scan3A_264 = arith.constant 0 : i32
          %scan3A_265 = arith.constant 0 : i32
          %scan3A_266 = arith.constant 16 : i32
          %scan3A_267 = arith.addi %scan3A_265, %scan3A_266 : i32
          %scan3A_268 = arith.constant 1 : i32
          %scan3A_269 = scf.for %scan3A_272 = %scan3A_265 to %scan3A_267 step %scan3A_268 iter_args(%scan3A_273 = %scan3A_264) -> (i32)  : i32 {
            %mul3A_274 = arith.constant 4 : i32
            %mul3A_275 = arith.muli %scan3A_272, %mul3A_274 : i32
            %add3A_276 = arith.constant 0 : i32
            %add3A_277 = arith.addi %mul3A_275, %add3A_276 : i32
            %get3A_278 = arith.index_cast %add3A_277 : i32 to index
            %get3A_279 = arith.constant 0 : index
            %get3A_280 = tpu.vector_load %arg12[%get3A_278, %get3A_279] {strides = array<i32>} : memref<64x16xf32, #tpu.memory_space<vmem>>, vector<1x16xf32>,
            %get3A_281 = vector.shape_cast %get3A_280 : vector<1x16xf32> to vector<16xf32>
            %mul3A_282 = arith.constant 4 : i32
            %mul3A_283 = arith.muli %scan3A_272, %mul3A_282 : i32
            %add3A_284 = arith.constant 0 : i32
            %add3A_285 = arith.addi %mul3A_283, %add3A_284 : i32
            %swap3A_286 = arith.index_cast %add3A_285 : i32 to index
            %swap3A_287 = arith.constant 112 : index
            %swap3A_288 = tpu.vector_load %arg13[%swap3A_286, %swap3A_287] {strides = array<i32>} : memref<64x128xf32, #tpu.memory_space<vmem>>, vector<1x16xf32>,
            %swap3A_289 = vector.shape_cast %swap3A_288 : vector<1x16xf32> to vector<16xf32>
            %swap3A_290 = vector.shape_cast %get3A_281 : vector<16xf32> to vector<1x16xf32>
            tpu.vector_store %arg13[%swap3A_286, %swap3A_287], %swap3A_290 {strides = array<i32>} : memref<64x128xf32, #tpu.memory_space<vmem>>, vector<1x16xf32>,
            %mul3A_291 = arith.constant 4 : i32
            %mul3A_292 = arith.muli %scan3A_272, %mul3A_291 : i32
            %add3A_293 = arith.constant 1 : i32
            %add3A_294 = arith.addi %mul3A_292, %add3A_293 : i32
            %get3A_295 = arith.index_cast %add3A_294 : i32 to index
            %get3A_296 = arith.constant 0 : index
            %get3A_297 = tpu.vector_load %arg12[%get3A_295, %get3A_296] {strides = array<i32>} : memref<64x16xf32, #tpu.memory_space<vmem>>, vector<1x16xf32>,
            %get3A_298 = vector.shape_cast %get3A_297 : vector<1x16xf32> to vector<16xf32>
            %mul3A_299 = arith.constant 4 : i32
            %mul3A_300 = arith.muli %scan3A_272, %mul3A_299 : i32
            %add3A_301 = arith.constant 1 : i32
            %add3A_302 = arith.addi %mul3A_300, %add3A_301 : i32
            %swap3A_303 = arith.index_cast %add3A_302 : i32 to index
            %swap3A_304 = arith.constant 112 : index
            %swap3A_305 = tpu.vector_load %arg13[%swap3A_303, %swap3A_304] {strides = array<i32>} : memref<64x128xf32, #tpu.memory_space<vmem>>, vector<1x16xf32>,
            %swap3A_306 = vector.shape_cast %swap3A_305 : vector<1x16xf32> to vector<16xf32>
            %swap3A_307 = vector.shape_cast %get3A_298 : vector<16xf32> to vector<1x16xf32>
            tpu.vector_store %arg13[%swap3A_303, %swap3A_304], %swap3A_307 {strides = array<i32>} : memref<64x128xf32, #tpu.memory_space<vmem>>, vector<1x16xf32>,
            %mul3A_308 = arith.constant 4 : i32
            %mul3A_309 = arith.muli %scan3A_272, %mul3A_308 : i32
            %add3A_310 = arith.constant 2 : i32
            %add3A_311 = arith.addi %mul3A_309, %add3A_310 : i32
            %get3A_312 = arith.index_cast %add3A_311 : i32 to index
            %get3A_313 = arith.constant 0 : index
            %get3A_314 = tpu.vector_load %arg12[%get3A_312, %get3A_313] {strides = array<i32>} : memref<64x16xf32, #tpu.memory_space<vmem>>, vector<1x16xf32>,
            %get3A_315 = vector.shape_cast %get3A_314 : vector<1x16xf32> to vector<16xf32>
            %mul3A_316 = arith.constant 4 : i32
            %mul3A_317 = arith.muli %scan3A_272, %mul3A_316 : i32
            %add3A_318 = arith.constant 2 : i32
            %add3A_319 = arith.addi %mul3A_317, %add3A_318 : i32
            %swap3A_320 = arith.index_cast %add3A_319 : i32 to index
            %swap3A_321 = arith.constant 112 : index
            %swap3A_322 = tpu.vector_load %arg13[%swap3A_320, %swap3A_321] {strides = array<i32>} : memref<64x128xf32, #tpu.memory_space<vmem>>, vector<1x16xf32>,
            %swap3A_323 = vector.shape_cast %swap3A_322 : vector<1x16xf32> to vector<16xf32>
            %swap3A_324 = vector.shape_cast %get3A_315 : vector<16xf32> to vector<1x16xf32>
            tpu.vector_store %arg13[%swap3A_320, %swap3A_321], %swap3A_324 {strides = array<i32>} : memref<64x128xf32, #tpu.memory_space<vmem>>, vector<1x16xf32>,
            %mul3A_325 = arith.constant 4 : i32
            %mul3A_326 = arith.muli %scan3A_272, %mul3A_325 : i32
            %add3A_327 = arith.constant 3 : i32
            %add3A_328 = arith.addi %mul3A_326, %add3A_327 : i32
            %get3A_329 = arith.index_cast %add3A_328 : i32 to index
            %get3A_330 = arith.constant 0 : index
            %get3A_331 = tpu.vector_load %arg12[%get3A_329, %get3A_330] {strides = array<i32>} : memref<64x16xf32, #tpu.memory_space<vmem>>, vector<1x16xf32>,
            %get3A_332 = vector.shape_cast %get3A_331 : vector<1x16xf32> to vector<16xf32>
            %mul3A_333 = arith.constant 4 : i32
            %mul3A_334 = arith.muli %scan3A_272, %mul3A_333 : i32
            %add3A_335 = arith.constant 3 : i32
            %add3A_336 = arith.addi %mul3A_334, %add3A_335 : i32
            %swap3A_337 = arith.index_cast %add3A_336 : i32 to index
            %swap3A_338 = arith.constant 112 : index
            %swap3A_339 = tpu.vector_load %arg13[%swap3A_337, %swap3A_338] {strides = array<i32>} : memref<64x128xf32, #tpu.memory_space<vmem>>, vector<1x16xf32>,
            %swap3A_340 = vector.shape_cast %swap3A_339 : vector<1x16xf32> to vector<16xf32>
            %swap3A_341 = vector.shape_cast %get3A_332 : vector<16xf32> to vector<1x16xf32>
            tpu.vector_store %arg13[%swap3A_337, %swap3A_338], %swap3A_341 {strides = array<i32>} : memref<64x128xf32, #tpu.memory_space<vmem>>, vector<1x16xf32>,
            %scan3A_342 = arith.constant 0 : i32
            scf.yield %scan3A_342 : i32
          }
          %scan3A_270 = arith.constant 16 : i32
          %run_scoped3A_271 = arith.constant 2 : i32
          "tpu.region"() ({
            %run_scoped3A_272 = tpu.sem_alloc : memref<!tpu.dma_semaphore, #tpu.memory_space<semaphore_mem>>
            %dma_start3A_273 = arith.constant 0 : i32
            %dma_start3A_274 = tpu.memref_slice %arg10[%run_scoped3A_271, %dma_start3A_273] : memref<3x64xi32, #tpu.memory_space<vmem>> -> memref<1x64xi32, #tpu.memory_space<vmem>>
            %dma_start3A_275 = tpu.memref_squeeze %dma_start3A_274 : memref<1x64xi32, #tpu.memory_space<vmem>> -> memref<64xi32, #tpu.memory_space<vmem>>
            %dma_start3A_276 = arith.constant 0 : i32
            %dma_start3A_277 = arith.constant 0 : i32
            %dma_start3A_278 = tpu.memref_slice %arg7[%dma_start3A_276, %dma_start3A_277] : memref<10240x128xf32, #tpu.memory_space<vmem_shared>> -> memref<10240x128xf32, #tpu.memory_space<vmem_shared>>
            tpu.enqueue_indirect_dma source(%arg13 : memref<64x128xf32, #tpu.memory_space<vmem>>) target(%dma_start3A_278 : memref<10240x128xf32, #tpu.memory_space<vmem_shared>>) offsets(%dma_start3A_275 : memref<64xi32, #tpu.memory_space<vmem>>) semaphore(%run_scoped3A_272 : memref<!tpu.dma_semaphore, #tpu.memory_space<semaphore_mem>>) {add = true}
            %dma_wait3A_279 = arith.constant 0 : i32
            %dma_wait3A_280 = tpu.memref_slice %arg10[%run_scoped3A_271, %dma_wait3A_279] : memref<3x64xi32, #tpu.memory_space<vmem>> -> memref<1x64xi32, #tpu.memory_space<vmem>>
            %dma_wait3A_281 = tpu.memref_squeeze %dma_wait3A_280 : memref<1x64xi32, #tpu.memory_space<vmem>> -> memref<64xi32, #tpu.memory_space<vmem>>
            %dma_wait3A_282 = arith.constant 0 : i32
            %dma_wait3A_283 = arith.constant 0 : i32
            %dma_wait3A_284 = tpu.memref_slice %arg7[%dma_wait3A_282, %dma_wait3A_283] : memref<10240x128xf32, #tpu.memory_space<vmem_shared>> -> memref<10240x128xf32, #tpu.memory_space<vmem_shared>>
            tpu.wait_indirect_dma semaphore(%run_scoped3A_272 : memref<!tpu.dma_semaphore, #tpu.memory_space<semaphore_mem>>) src(%arg13 : memref<64x128xf32, #tpu.memory_space<vmem>>) dst(%dma_wait3A_284 : memref<10240x128xf32, #tpu.memory_space<vmem_shared>>)
            tpu.yield
          }) : () -> ()
        } else {
        }
        %get3A_203 = arith.constant 0 : i32
        %get3A_204 = arith.index_cast %get3A_203 : i32 to index
        %get3A_205 = arith.constant 0 : index
        %get3A_206 = tpu.vector_load %arg10[%get3A_204, %get3A_205] {strides = array<i32>} : memref<3x64xi32, #tpu.memory_space<vmem>>, vector<1x16xi32>,
        %get3A_207 = vector.shape_cast %get3A_206 : vector<1x16xi32> to vector<16xi32>
        %add3A_208 = vector.broadcast %mul3A_1 : i32 to vector<16xi32>
        %add3A_209 = arith.addi %get3A_207, %add3A_208 : vector<16xi32>
        %swap3A_210 = arith.constant 0 : i32
        %swap3A_211 = arith.index_cast %swap3A_210 : i32 to index
        %swap3A_212 = arith.constant 0 : index
        %swap3A_213 = tpu.vector_load %arg10[%swap3A_211, %swap3A_212] {strides = array<i32>} : memref<3x64xi32, #tpu.memory_space<vmem>>, vector<1x16xi32>,
        %swap3A_214 = vector.shape_cast %swap3A_213 : vector<1x16xi32> to vector<16xi32>
        %swap3A_215 = vector.shape_cast %add3A_209 : vector<16xi32> to vector<1x16xi32>
        tpu.vector_store %arg10[%swap3A_211, %swap3A_212], %swap3A_215 {strides = array<i32>} : memref<3x64xi32, #tpu.memory_space<vmem>>, vector<1x16xi32>,
        %get3A_216 = arith.constant 0 : i32
        %get3A_217 = arith.index_cast %get3A_216 : i32 to index
        %get3A_218 = arith.constant 16 : index
        %get3A_219 = tpu.vector_load %arg10[%get3A_217, %get3A_218] {strides = array<i32>} : memref<3x64xi32, #tpu.memory_space<vmem>>, vector<1x16xi32>,
        %get3A_220 = vector.shape_cast %get3A_219 : vector<1x16xi32> to vector<16xi32>
        %add3A_221 = vector.broadcast %mul3A_1 : i32 to vector<16xi32>
        %add3A_222 = arith.addi %get3A_220, %add3A_221 : vector<16xi32>
        %swap3A_223 = arith.constant 0 : i32
        %swap3A_224 = arith.index_cast %swap3A_223 : i32 to index
        %swap3A_225 = arith.constant 16 : index
        %swap3A_226 = tpu.vector_load %arg10[%swap3A_224, %swap3A_225] {strides = array<i32>} : memref<3x64xi32, #tpu.memory_space<vmem>>, vector<1x16xi32>,
        %swap3A_227 = vector.shape_cast %swap3A_226 : vector<1x16xi32> to vector<16xi32>
        %swap3A_228 = vector.shape_cast %add3A_222 : vector<16xi32> to vector<1x16xi32>
        tpu.vector_store %arg10[%swap3A_224, %swap3A_225], %swap3A_228 {strides = array<i32>} : memref<3x64xi32, #tpu.memory_space<vmem>>, vector<1x16xi32>,
        %get3A_229 = arith.constant 0 : i32
        %get3A_230 = arith.index_cast %get3A_229 : i32 to index
        %get3A_231 = arith.constant 32 : index
        %get3A_232 = tpu.vector_load %arg10[%get3A_230, %get3A_231] {strides = array<i32>} : memref<3x64xi32, #tpu.memory_space<vmem>>, vector<1x16xi32>,
        %get3A_233 = vector.shape_cast %get3A_232 : vector<1x16xi32> to vector<16xi32>
        %add3A_234 = vector.broadcast %mul3A_1 : i32 to vector<16xi32>
        %add3A_235 = arith.addi %get3A_233, %add3A_234 : vector<16xi32>
        %swap3A_236 = arith.constant 0 : i32
        %swap3A_237 = arith.index_cast %swap3A_236 : i32 to index
        %swap3A_238 = arith.constant 32 : index
        %swap3A_239 = tpu.vector_load %arg10[%swap3A_237, %swap3A_238] {strides = array<i32>} : memref<3x64xi32, #tpu.memory_space<vmem>>, vector<1x16xi32>,
        %swap3A_240 = vector.shape_cast %swap3A_239 : vector<1x16xi32> to vector<16xi32>
        %swap3A_241 = vector.shape_cast %add3A_235 : vector<16xi32> to vector<1x16xi32>
        tpu.vector_store %arg10[%swap3A_237, %swap3A_238], %swap3A_241 {strides = array<i32>} : memref<3x64xi32, #tpu.memory_space<vmem>>, vector<1x16xi32>,
        %get3A_242 = arith.constant 0 : i32
        %get3A_243 = arith.index_cast %get3A_242 : i32 to index
        %get3A_244 = arith.constant 48 : index
        %get3A_245 = tpu.vector_load %arg10[%get3A_243, %get3A_244] {strides = array<i32>} : memref<3x64xi32, #tpu.memory_space<vmem>>, vector<1x16xi32>,
        %get3A_246 = vector.shape_cast %get3A_245 : vector<1x16xi32> to vector<16xi32>
        %add3A_247 = vector.broadcast %mul3A_1 : i32 to vector<16xi32>
        %add3A_248 = arith.addi %get3A_246, %add3A_247 : vector<16xi32>
        %swap3A_249 = arith.constant 0 : i32
        %swap3A_250 = arith.index_cast %swap3A_249 : i32 to index
        %swap3A_251 = arith.constant 48 : index
        %swap3A_252 = tpu.vector_load %arg10[%swap3A_250, %swap3A_251] {strides = array<i32>} : memref<3x64xi32, #tpu.memory_space<vmem>>, vector<1x16xi32>,
        %swap3A_253 = vector.shape_cast %swap3A_252 : vector<1x16xi32> to vector<16xi32>
        %swap3A_254 = vector.shape_cast %add3A_248 : vector<16xi32> to vector<1x16xi32>
        tpu.vector_store %arg10[%swap3A_250, %swap3A_251], %swap3A_254 {strides = array<i32>} : memref<3x64xi32, #tpu.memory_space<vmem>>, vector<1x16xi32>,
        %dma_start3A_255 = arith.constant 0 : i32
        %dma_start3A_256 = arith.constant 0 : i32
        %dma_start3A_257 = tpu.memref_slice %arg10[%dma_start3A_255, %dma_start3A_256] : memref<3x64xi32, #tpu.memory_space<vmem>> -> memref<1x64xi32, #tpu.memory_space<vmem>>
        %dma_start3A_258 = tpu.memref_squeeze %dma_start3A_257 : memref<1x64xi32, #tpu.memory_space<vmem>> -> memref<64xi32, #tpu.memory_space<vmem>>
        %dma_start3A_259 = arith.constant 0 : i32
        %dma_start3A_260 = arith.constant 0 : i32
        %dma_start3A_261 = tpu.memref_slice %arg2[%dma_start3A_259, %dma_start3A_260] : memref<20480x128xf32, #tpu.memory_space<hbm>> -> memref<20480x128xf32, #tpu.memory_space<hbm>>
        tpu.enqueue_indirect_dma source(%dma_start3A_261 : memref<20480x128xf32, #tpu.memory_space<hbm>>) target(%arg8 : memref<64x128xf32, #tpu.memory_space<vmem>>) offsets(%dma_start3A_258 : memref<64xi32, #tpu.memory_space<vmem>>) semaphore(%arg14 : memref<!tpu.dma_semaphore, #tpu.memory_space<semaphore_mem>>)
      } else {
      }
      %dma_wait3A_179 = arith.constant 0 : i32
      %dma_wait3A_180 = arith.constant 0 : i32
      %dma_wait3A_181 = tpu.memref_slice %arg11[%dma_wait3A_179, %dma_wait3A_180] : memref<3x64xi32, #tpu.memory_space<vmem>> -> memref<1x64xi32, #tpu.memory_space<vmem>>
      %dma_wait3A_182 = tpu.memref_squeeze %dma_wait3A_181 : memref<1x64xi32, #tpu.memory_space<vmem>> -> memref<64xi32, #tpu.memory_space<vmem>>
      %dma_wait3A_183 = arith.constant 0 : i32
      %dma_wait3A_184 = arith.constant 0 : i32
      %dma_wait3A_185 = tpu.memref_slice %arg2[%dma_wait3A_183, %dma_wait3A_184] : memref<20480x128xf32, #tpu.memory_space<hbm>> -> memref<20480x128xf32, #tpu.memory_space<hbm>>
      tpu.wait_indirect_dma semaphore(%arg15 : memref<!tpu.dma_semaphore, #tpu.memory_space<semaphore_mem>>) src(%dma_wait3A_185 : memref<20480x128xf32, #tpu.memory_space<hbm>>) dst(%arg9 : memref<64x128xf32, #tpu.memory_space<vmem>>)
      %run_scoped3A_186 = arith.constant 1 : i32
      "tpu.region"() ({
        %run_scoped3A_188 = tpu.sem_alloc : memref<!tpu.dma_semaphore, #tpu.memory_space<semaphore_mem>>
        %dma_start3A_189 = arith.constant 0 : i32
        %dma_start3A_190 = tpu.memref_slice %arg11[%run_scoped3A_186, %dma_start3A_189] : memref<3x64xi32, #tpu.memory_space<vmem>> -> memref<1x64xi32, #tpu.memory_space<vmem>>
        %dma_start3A_191 = tpu.memref_squeeze %dma_start3A_190 : memref<1x64xi32, #tpu.memory_space<vmem>> -> memref<64xi32, #tpu.memory_space<vmem>>
        %dma_start3A_192 = arith.constant 0 : i32
        %dma_start3A_193 = arith.constant 0 : i32
        %dma_start3A_194 = tpu.memref_slice %arg7[%dma_start3A_192, %dma_start3A_193] : memref<10240x128xf32, #tpu.memory_space<vmem_shared>> -> memref<10240x128xf32, #tpu.memory_space<vmem_shared>>
        tpu.enqueue_indirect_dma source(%arg9 : memref<64x128xf32, #tpu.memory_space<vmem>>) target(%dma_start3A_194 : memref<10240x128xf32, #tpu.memory_space<vmem_shared>>) offsets(%dma_start3A_191 : memref<64xi32, #tpu.memory_space<vmem>>) semaphore(%run_scoped3A_188 : memref<!tpu.dma_semaphore, #tpu.memory_space<semaphore_mem>>) {add = true}
        %dma_wait3A_195 = arith.constant 0 : i32
        %dma_wait3A_196 = tpu.memref_slice %arg11[%run_scoped3A_186, %dma_wait3A_195] : memref<3x64xi32, #tpu.memory_space<vmem>> -> memref<1x64xi32, #tpu.memory_space<vmem>>
        %dma_wait3A_197 = tpu.memref_squeeze %dma_wait3A_196 : memref<1x64xi32, #tpu.memory_space<vmem>> -> memref<64xi32, #tpu.memory_space<vmem>>
        %dma_wait3A_198 = arith.constant 0 : i32
        %dma_wait3A_199 = arith.constant 0 : i32
        %dma_wait3A_200 = tpu.memref_slice %arg7[%dma_wait3A_198, %dma_wait3A_199] : memref<10240x128xf32, #tpu.memory_space<vmem_shared>> -> memref<10240x128xf32, #tpu.memory_space<vmem_shared>>
        tpu.wait_indirect_dma semaphore(%run_scoped3A_188 : memref<!tpu.dma_semaphore, #tpu.memory_space<semaphore_mem>>) src(%arg9 : memref<64x128xf32, #tpu.memory_space<vmem>>) dst(%dma_wait3A_200 : memref<10240x128xf32, #tpu.memory_space<vmem_shared>>)
        tpu.yield
      }) : () -> ()
      %scan3A_187 = arith.constant 0 : i32
      scf.yield %scan3A_187 : i32
    }
    %scan3A_83 = arith.constant 158 : i32
    %barrier3A_84 = arith.constant 0 : index
    tpu.barrier barrier_id(%barrier3A_84)
    %scan3A_85 = arith.constant 0 : i32
    %scan3A_86 = arith.constant 0 : i32
    %scan3A_87 = arith.constant 10 : i32
    %scan3A_88 = arith.addi %scan3A_86, %scan3A_87 : i32
    %scan3A_89 = arith.constant 1 : i32
    %scan3A_90 = scf.for %scan3A_92 = %scan3A_86 to %scan3A_88 step %scan3A_89 iter_args(%scan3A_93 = %scan3A_85) -> (i32)  : i32 {
      %mul3A_94 = arith.constant 640 : i32
      %mul3A_95 = arith.muli %arg1, %mul3A_94 : i32
      %mul3A_96 = arith.constant 64 : i32
      %mul3A_97 = arith.muli %scan3A_92, %mul3A_96 : i32
      %add3A_98 = arith.addi %mul3A_95, %mul3A_97 : i32
      %eq3A_99 = arith.constant 0 : i32
      %eq3A_100 = arith.cmpi eq, %arg0, %eq3A_99 : i32
      %convert_element_type3A_101 = arith.extui %eq3A_100 : i1 to i32
      %cond3A_102 = arith.constant 0 : i32
      %cond3A_103 = arith.cmpi ne, %convert_element_type3A_101, %cond3A_102 : i32
      scf.if %cond3A_103 {
        "tpu.region"() ({
          %run_scoped3A = tpu.sem_alloc : memref<!tpu.dma_semaphore, #tpu.memory_space<semaphore_mem>>
          %dma_start3A_110 = arith.constant 0 : i32
          %dma_start3A_111 = tpu.memref_slice %arg5[%add3A_98, %dma_start3A_110] : memref<10240x128xf32, #tpu.memory_space<hbm>> -> memref<64x128xf32, #tpu.memory_space<hbm>>
          %dma_start3A_112 = arith.constant 0 : i32
          %dma_start3A_113 = tpu.memref_slice %arg7[%add3A_98, %dma_start3A_112] : memref<10240x128xf32, #tpu.memory_space<vmem_shared>> -> memref<64x128xf32, #tpu.memory_space<vmem_shared>>
          tpu.enqueue_dma source(%dma_start3A_113 : memref<64x128xf32, #tpu.memory_space<vmem_shared>>) target(%dma_start3A_111 : memref<64x128xf32, #tpu.memory_space<hbm>>) target_semaphore(%run_scoped3A : memref<!tpu.dma_semaphore, #tpu.memory_space<semaphore_mem>>)
          %dma_wait3A = arith.constant 0 : i32
          %dma_wait3A_114 = tpu.memref_slice %arg5[%add3A_98, %dma_wait3A] : memref<10240x128xf32, #tpu.memory_space<hbm>> -> memref<64x128xf32, #tpu.memory_space<hbm>>
          %dma_wait3A_115 = arith.constant 0 : i32
          %dma_wait3A_116 = tpu.memref_slice %arg7[%add3A_98, %dma_wait3A_115] : memref<10240x128xf32, #tpu.memory_space<vmem_shared>> -> memref<64x128xf32, #tpu.memory_space<vmem_shared>>
          tpu.wait_dma2 semaphore(%run_scoped3A : memref<!tpu.dma_semaphore, #tpu.memory_space<semaphore_mem>>) src(%dma_wait3A_116 : memref<64x128xf32, #tpu.memory_space<vmem_shared>>) dst(%dma_wait3A_114 : memref<64x128xf32, #tpu.memory_space<hbm>>)
          tpu.yield
        }) : () -> ()
      } else {
      }
      %eq3A_104 = arith.constant 1 : i32
      %eq3A_105 = arith.cmpi eq, %arg0, %eq3A_104 : i32
      %convert_element_type3A_106 = arith.extui %eq3A_105 : i1 to i32
      %cond3A_107 = arith.constant 0 : i32
      %cond3A_108 = arith.cmpi ne, %convert_element_type3A_106, %cond3A_107 : i32
      scf.if %cond3A_108 {
        "tpu.region"() ({
          %run_scoped3A = tpu.sem_alloc : memref<!tpu.dma_semaphore, #tpu.memory_space<semaphore_mem>>
          %dma_start3A_110 = arith.constant 0 : i32
          %dma_start3A_111 = tpu.memref_slice %arg6[%add3A_98, %dma_start3A_110] : memref<10240x128xf32, #tpu.memory_space<hbm>> -> memref<64x128xf32, #tpu.memory_space<hbm>>
          %dma_start3A_112 = arith.constant 0 : i32
          %dma_start3A_113 = tpu.memref_slice %arg7[%add3A_98, %dma_start3A_112] : memref<10240x128xf32, #tpu.memory_space<vmem_shared>> -> memref<64x128xf32, #tpu.memory_space<vmem_shared>>
          tpu.enqueue_dma source(%dma_start3A_113 : memref<64x128xf32, #tpu.memory_space<vmem_shared>>) target(%dma_start3A_111 : memref<64x128xf32, #tpu.memory_space<hbm>>) target_semaphore(%run_scoped3A : memref<!tpu.dma_semaphore, #tpu.memory_space<semaphore_mem>>)
          %dma_wait3A = arith.constant 0 : i32
          %dma_wait3A_114 = tpu.memref_slice %arg6[%add3A_98, %dma_wait3A] : memref<10240x128xf32, #tpu.memory_space<hbm>> -> memref<64x128xf32, #tpu.memory_space<hbm>>
          %dma_wait3A_115 = arith.constant 0 : i32
          %dma_wait3A_116 = tpu.memref_slice %arg7[%add3A_98, %dma_wait3A_115] : memref<10240x128xf32, #tpu.memory_space<vmem_shared>> -> memref<64x128xf32, #tpu.memory_space<vmem_shared>>
          tpu.wait_dma2 semaphore(%run_scoped3A : memref<!tpu.dma_semaphore, #tpu.memory_space<semaphore_mem>>) src(%dma_wait3A_116 : memref<64x128xf32, #tpu.memory_space<vmem_shared>>) dst(%dma_wait3A_114 : memref<64x128xf32, #tpu.memory_space<hbm>>)
          tpu.yield
        }) : () -> ()
      } else {
      }
      %scan3A_109 = arith.constant 0 : i32
      scf.yield %scan3A_109 : i32
    }
    %scan3A_91 = arith.constant 10 : i32
    return
  }
}

module attributes {stable_mosaic.version = 14 : i64} {
  func.func @_k1_body(%arg0: i32, %arg1: memref<1280x5xf32, #tpu.memory_space<vmem>>, %arg2: memref<5x128xf32, #tpu.memory_space<vmem>>, %arg3: memref<5x64xf32, #tpu.memory_space<vmem>>, %arg4: memref<1280x128xf32, #tpu.memory_space<vmem>>) attributes {dimension_semantics = [#tpu.dimension_semantics<arbitrary>], iteration_bounds = array<i64: 16>, scalar_prefetch = 0 : i64, scratch_operands = 0 : i64, tpu.core_type = #tpu.core_type<tc>, window_params = [{transform_indices = @transform_0, window_bounds = array<i64: 1280, 5>}, {pipeline_mode = #tpu.pipeline_mode<synchronous>, transform_indices = @transform_1, window_bounds = array<i64: 5, 128>}, {pipeline_mode = #tpu.pipeline_mode<synchronous>, transform_indices = @transform_2, window_bounds = array<i64: 5, 64>}, {transform_indices = @transform_3, window_bounds = array<i64: 1280, 128>}]} {
    %get3A = arith.constant 0 : index
    %get3A_0 = arith.constant 0 : index
    %get3A_1 = vector.load %arg1[%get3A, %get3A_0] : memref<1280x5xf32, #tpu.memory_space<vmem>>, vector<1280x5xf32>
    %get3A_2 = arith.constant 0 : index
    %get3A_3 = arith.constant 0 : index
    %get3A_4 = vector.load %arg2[%get3A_2, %get3A_3] : memref<5x128xf32, #tpu.memory_space<vmem>>, vector<5x128xf32>
    %dot_general3A = arith.constant dense<0.000000e+00> : vector<1280x128xf32>
    %dot_general3A_5 = tpu.matmul %get3A_1, %get3A_4, %dot_general3A {dimension_numbers = #tpu.dot_dimension_numbers<[1], [0], [0], [1], [0, 0, 1, 1], [], []>, transpose_lhs_hint = false} : vector<1280x5xf32>, vector<5x128xf32>, vector<1280x128xf32> -> vector<1280x128xf32>
    %get3A_6 = arith.constant 0 : index
    %get3A_7 = arith.constant 0 : index
    %get3A_8 = vector.load %arg3[%get3A_6, %get3A_7] : memref<5x64xf32, #tpu.memory_space<vmem>>, vector<5x64xf32>
    %dot_general3A_9 = arith.constant dense<0.000000e+00> : vector<1280x64xf32>
    %dot_general3A_10 = tpu.matmul %get3A_1, %get3A_8, %dot_general3A_9 {dimension_numbers = #tpu.dot_dimension_numbers<[1], [0], [0], [1], [0, 0, 1, 1], [], []>, transpose_lhs_hint = false} : vector<1280x5xf32>, vector<5x64xf32>, vector<1280x64xf32> -> vector<1280x64xf32>
    %slice3A = vector.extract_strided_slice %dot_general3A_5 {offsets = [0, 0], sizes = [1280, 112], strides = [1, 1]} : vector<1280x128xf32> to vector<1280x112xf32>
    %broadcast_in_dim3A = arith.constant 0.000000e+00 : f32
    %broadcast_in_dim3A_11 = vector.broadcast %broadcast_in_dim3A : f32 to vector<1280x16xf32>
    %concatenate3A = tpu.concatenate %slice3A, %broadcast_in_dim3A_11 in 1 : vector<1280x112xf32>, vector<1280x16xf32> -> vector<1280x128xf32>
    %slice3A_12 = vector.extract_strided_slice %dot_general3A_5 {offsets = [0, 112], sizes = [1280, 16], strides = [1, 1]} : vector<1280x128xf32> to vector<1280x16xf32>
    %broadcast_in_dim3A_13 = arith.constant 1.000000e+00 : f32
    %broadcast_in_dim3A_14 = vector.broadcast %broadcast_in_dim3A_13 : f32 to vector<1280x1xf32>
    %broadcast_in_dim3A_15 = arith.constant 0.000000e+00 : f32
    %broadcast_in_dim3A_16 = vector.broadcast %broadcast_in_dim3A_15 : f32 to vector<1280x47xf32>
    %concatenate3A_17 = tpu.concatenate %slice3A_12, %dot_general3A_10, %broadcast_in_dim3A_14, %broadcast_in_dim3A_16 in 1 : vector<1280x16xf32>, vector<1280x64xf32>, vector<1280x1xf32>, vector<1280x47xf32> -> vector<1280x128xf32>
    %lt3A = arith.constant 8 : i32
    %lt3A_18 = arith.cmpi slt, %arg0, %lt3A : i32
    %select_n3A = arith.select %lt3A_18, %concatenate3A, %concatenate3A_17 : vector<1280x128xf32>
    %swap3A = arith.constant 0 : index
    %swap3A_19 = arith.constant 0 : index
    %swap3A_20 = vector.load %arg4[%swap3A, %swap3A_19] : memref<1280x128xf32, #tpu.memory_space<vmem>>, vector<1280x128xf32>
    tpu.vector_store %arg4[%swap3A, %swap3A_19], %select_n3A {strides = array<i32>} : memref<1280x128xf32, #tpu.memory_space<vmem>>, vector<1280x128xf32>,
    return
  }
  func.func @transform_0(%arg0: i32) -> (i32, i32) {
    %rem3A = arith.constant 8 : i32
    %rem3A_0 = arith.remsi %arg0, %rem3A : i32
    %c0_i32 = arith.constant 0 : i32
    %c0_i32_1 = arith.constant 0 : i32
    return %rem3A_0, %c0_i32 : i32, i32
  }
  func.func @transform_1(%arg0: i32) -> (i32, i32) {
    %c0_i32 = arith.constant 0 : i32
    %c0_i32_0 = arith.constant 0 : i32
    %c0_i32_1 = arith.constant 0 : i32
    return %c0_i32, %c0_i32_0 : i32, i32
  }
  func.func @transform_2(%arg0: i32) -> (i32, i32) {
    %c0_i32 = arith.constant 0 : i32
    %c0_i32_0 = arith.constant 0 : i32
    %c0_i32_1 = arith.constant 0 : i32
    return %c0_i32, %c0_i32_0 : i32, i32
  }
  func.func @transform_3(%arg0: i32) -> (i32, i32) {
    %c0_i32 = arith.constant 0 : i32
    %c0_i32_0 = arith.constant 0 : i32
    return %arg0, %c0_i32 : i32, i32
  }
}

module attributes {stable_mosaic.version = 14 : i64} {
  func.func @_k2_body(%arg0: i32, %arg1: memref<1000x128xf32, #tpu.memory_space<vmem>>, %arg2: memref<1000x128xf32, #tpu.memory_space<vmem>>, %arg3: memref<1000x5xf32, #tpu.memory_space<vmem>>, %arg4: memref<5x128xf32, #tpu.memory_space<vmem>>, %arg5: memref<1x128xf32, #tpu.memory_space<vmem>>, %arg6: memref<5x64xf32, #tpu.memory_space<vmem>>, %arg7: memref<1x64xf32, #tpu.memory_space<vmem>>, %arg8: memref<1000x128xf32, #tpu.memory_space<vmem>>, %arg9: memref<128x64xf32, #tpu.memory_space<vmem>>, %arg10: memref<1x1xf32, #tpu.memory_space<smem>>) attributes {dimension_semantics = [#tpu.dimension_semantics<arbitrary>], iteration_bounds = array<i64: 10>, scalar_prefetch = 0 : i64, scratch_operands = 0 : i64, tpu.core_type = #tpu.core_type<tc>, window_params = [{transform_indices = @transform_0, window_bounds = array<i64: 1000, 128>}, {transform_indices = @transform_1, window_bounds = array<i64: 1000, 128>}, {transform_indices = @transform_2, window_bounds = array<i64: 1000, 5>}, {pipeline_mode = #tpu.pipeline_mode<synchronous>, transform_indices = @transform_3, window_bounds = array<i64: 5, 128>}, {pipeline_mode = #tpu.pipeline_mode<synchronous>, transform_indices = @transform_4, window_bounds = array<i64: 1, 128>}, {pipeline_mode = #tpu.pipeline_mode<synchronous>, transform_indices = @transform_5, window_bounds = array<i64: 5, 64>}, {pipeline_mode = #tpu.pipeline_mode<synchronous>, transform_indices = @transform_6, window_bounds = array<i64: 1, 64>}, {transform_indices = @transform_7, window_bounds = array<i64: 1000, 128>}, {pipeline_mode = #tpu.pipeline_mode<synchronous>, transform_indices = @transform_8, window_bounds = array<i64: 128, 64>}, {transform_indices = @transform_9, window_bounds = array<i64: 1, 1>}]} {
    %get3A = arith.constant 0 : index
    %get3A_0 = arith.constant 0 : index
    %get3A_1 = vector.load %arg1[%get3A, %get3A_0] : memref<1000x128xf32, #tpu.memory_space<vmem>>, vector<1000x128xf32>
    %get3A_2 = arith.constant 0 : index
    %get3A_3 = arith.constant 0 : index
    %get3A_4 = vector.load %arg2[%get3A_2, %get3A_3] : memref<1000x128xf32, #tpu.memory_space<vmem>>, vector<1000x128xf32>
    %get3A_5 = arith.constant 0 : index
    %get3A_6 = arith.constant 0 : index
    %get3A_7 = vector.load %arg3[%get3A_5, %get3A_6] : memref<1000x5xf32, #tpu.memory_space<vmem>>, vector<1000x5xf32>
    %slice3A = vector.extract_strided_slice %get3A_4 {offsets = [0, 80], sizes = [1000, 1], strides = [1, 1]} : vector<1000x128xf32> to vector<1000x1xf32>
    %slice3A_8 = vector.extract_strided_slice %get3A_1 {offsets = [0, 112], sizes = [1000, 1], strides = [1, 1]} : vector<1000x128xf32> to vector<1000x1xf32>
    %slice3A_9 = vector.extract_strided_slice %get3A_4 {offsets = [0, 112], sizes = [1000, 1], strides = [1, 1]} : vector<1000x128xf32> to vector<1000x1xf32>
    %add3A = arith.addf %slice3A_8, %slice3A_9 : vector<1000x1xf32>
    %max3A = arith.constant 1.000000e+00 : f32
    %max3A_10 = vector.broadcast %max3A : f32 to vector<1000x1xf32>
    %max3A_11 = arith.maximumf %slice3A, %max3A_10 : vector<1000x1xf32>
    %slice3A_12 = vector.extract_strided_slice %get3A_1 {offsets = [0, 0], sizes = [1000, 112], strides = [1, 1]} : vector<1000x128xf32> to vector<1000x112xf32>
    %slice3A_13 = vector.extract_strided_slice %get3A_4 {offsets = [0, 0], sizes = [1000, 16], strides = [1, 1]} : vector<1000x128xf32> to vector<1000x16xf32>
    %concatenate3A = tpu.concatenate %slice3A_12, %slice3A_13 in 1 : vector<1000x112xf32>, vector<1000x16xf32> -> vector<1000x128xf32>
    %div3A = vector.broadcast %max3A_11 : vector<1000x1xf32> to vector<1000x128xf32>
    %div3A_14 = arith.divf %concatenate3A, %div3A : vector<1000x128xf32>
    %get3A_15 = arith.constant 0 : index
    %get3A_16 = arith.constant 0 : index
    %get3A_17 = vector.load %arg4[%get3A_15, %get3A_16] : memref<5x128xf32, #tpu.memory_space<vmem>>, vector<5x128xf32>
    %dot_general3A = arith.constant dense<0.000000e+00> : vector<1000x128xf32>
    %dot_general3A_18 = tpu.matmul %get3A_7, %get3A_17, %dot_general3A {dimension_numbers = #tpu.dot_dimension_numbers<[1], [0], [0], [1], [0, 0, 1, 1], [], []>, transpose_lhs_hint = false} : vector<1000x5xf32>, vector<5x128xf32>, vector<1000x128xf32> -> vector<1000x128xf32>
    %add3A_19 = arith.addf %div3A_14, %dot_general3A_18 : vector<1000x128xf32>
    %get3A_20 = arith.constant 0 : index
    %get3A_21 = arith.constant 0 : index
    %get3A_22 = vector.load %arg5[%get3A_20, %get3A_21] : memref<1x128xf32, #tpu.memory_space<vmem>>, vector<1x128xf32>
    %add3A_23 = vector.broadcast %get3A_22 : vector<1x128xf32> to vector<1000x128xf32>
    %add3A_24 = arith.addf %add3A_19, %add3A_23 : vector<1000x128xf32>
    %reduce_max3A = arith.constant dense<0xFF800000> : vector<1000xf32>
    %reduce_max3A_25 = vector.multi_reduction <maximumf>, %add3A_24, %reduce_max3A [1] : vector<1000x128xf32> to vector<1000xf32>
    %broadcast_in_dim3A = vector.shape_cast %reduce_max3A_25 : vector<1000xf32> to vector<1000x1xf32>
    %sub3A = vector.broadcast %broadcast_in_dim3A : vector<1000x1xf32> to vector<1000x128xf32>
    %sub3A_26 = arith.subf %add3A_24, %sub3A : vector<1000x128xf32>
    %exp3A = math.exp %sub3A_26 : vector<1000x128xf32>
    %reduce_sum3A = arith.constant dense<0.000000e+00> : vector<1000xf32>
    %reduce_sum3A_27 = vector.multi_reduction <add>, %exp3A, %reduce_sum3A [1] : vector<1000x128xf32> to vector<1000xf32>
    %broadcast_in_dim3A_28 = vector.shape_cast %reduce_sum3A_27 : vector<1000xf32> to vector<1000x1xf32>
    %div3A_29 = vector.broadcast %broadcast_in_dim3A_28 : vector<1000x1xf32> to vector<1000x128xf32>
    %div3A_30 = arith.divf %exp3A, %div3A_29 : vector<1000x128xf32>
    %slice3A_31 = vector.extract_strided_slice %get3A_4 {offsets = [0, 16], sizes = [1000, 64], strides = [1, 1]} : vector<1000x128xf32> to vector<1000x64xf32>
    %div3A_32 = vector.broadcast %max3A_11 : vector<1000x1xf32> to vector<1000x64xf32>
    %div3A_33 = arith.divf %slice3A_31, %div3A_32 : vector<1000x64xf32>
    %get3A_34 = arith.constant 0 : index
    %get3A_35 = arith.constant 0 : index
    %get3A_36 = vector.load %arg6[%get3A_34, %get3A_35] : memref<5x64xf32, #tpu.memory_space<vmem>>, vector<5x64xf32>
    %dot_general3A_37 = arith.constant dense<0.000000e+00> : vector<1000x64xf32>
    %dot_general3A_38 = tpu.matmul %get3A_7, %get3A_36, %dot_general3A_37 {dimension_numbers = #tpu.dot_dimension_numbers<[1], [0], [0], [1], [0, 0, 1, 1], [], []>, transpose_lhs_hint = false} : vector<1000x5xf32>, vector<5x64xf32>, vector<1000x64xf32> -> vector<1000x64xf32>
    %add3A_39 = arith.addf %div3A_33, %dot_general3A_38 : vector<1000x64xf32>
    %get3A_40 = arith.constant 0 : index
    %get3A_41 = arith.constant 0 : index
    %get3A_42 = vector.load %arg7[%get3A_40, %get3A_41] : memref<1x64xf32, #tpu.memory_space<vmem>>, vector<1x64xf32>
    %add3A_43 = vector.broadcast %get3A_42 : vector<1x64xf32> to vector<1000x64xf32>
    %add3A_44 = arith.addf %add3A_39, %add3A_43 : vector<1000x64xf32>
    %max3A_45 = arith.constant 0.000000e+00 : f32
    %max3A_46 = vector.broadcast %max3A_45 : f32 to vector<1000x64xf32>
    %max3A_47 = arith.maximumf %add3A_44, %max3A_46 : vector<1000x64xf32>
    %gt3A = arith.constant 0.000000e+00 : f32
    %gt3A_48 = vector.broadcast %gt3A : f32 to vector<1000x1xf32>
    %gt3A_49 = arith.cmpf ogt, %add3A, %gt3A_48 : vector<1000x1xf32>
    %max3A_50 = arith.constant 9.99999996E-13 : f32
    %max3A_51 = vector.broadcast %max3A_50 : f32 to vector<1000x1xf32>
    %max3A_52 = arith.maximumf %add3A, %max3A_51 : vector<1000x1xf32>
    %sqrt3A = math.sqrt %max3A_52 : vector<1000x1xf32>
    %div3A_53 = arith.constant 1.000000e+00 : f32
    %div3A_54 = vector.broadcast %div3A_53 : f32 to vector<1000x1xf32>
    %div3A_55 = arith.divf %div3A_54, %sqrt3A : vector<1000x1xf32>
    %jit3A = arith.constant 0.000000e+00 : f32
    %broadcast_in_dim3A_56 = vector.broadcast %jit3A : f32 to vector<1000x1xf32>
    %select_n3A = arith.select %gt3A_49, %div3A_55, %broadcast_in_dim3A_56 : vector<1000x1xi1>, vector<1000x1xf32>
    %mul3A = vector.broadcast %select_n3A : vector<1000x1xf32> to vector<1000x128xf32>
    %mul3A_57 = arith.mulf %mul3A, %div3A_30 : vector<1000x128xf32>
    %swap3A = arith.constant 0 : index
    %swap3A_58 = arith.constant 0 : index
    %swap3A_59 = vector.load %arg8[%swap3A, %swap3A_58] : memref<1000x128xf32, #tpu.memory_space<vmem>>, vector<1000x128xf32>
    tpu.vector_store %arg8[%swap3A, %swap3A_58], %mul3A_57 {strides = array<i32>} : memref<1000x128xf32, #tpu.memory_space<vmem>>, vector<1000x128xf32>,
    %eq3A = arith.constant 0 : i32
    %eq3A_60 = arith.cmpi eq, %arg0, %eq3A : i32
    %convert_element_type3A = arith.extui %eq3A_60 : i1 to i32
    %cond3A = arith.constant 0 : i32
    %cond3A_61 = arith.cmpi ne, %convert_element_type3A, %cond3A : i32
    scf.if %cond3A_61 {
      %broadcast_in_dim3A_84 = arith.constant 0.000000e+00 : f32
      %broadcast_in_dim3A_85 = vector.broadcast %broadcast_in_dim3A_84 : f32 to vector<128x64xf32>
      %swap3A_86 = arith.constant 0 : index
      %swap3A_87 = arith.constant 0 : index
      %swap3A_88 = vector.load %arg9[%swap3A_86, %swap3A_87] : memref<128x64xf32, #tpu.memory_space<vmem>>, vector<128x64xf32>
      tpu.vector_store %arg9[%swap3A_86, %swap3A_87], %broadcast_in_dim3A_85 {strides = array<i32>} : memref<128x64xf32, #tpu.memory_space<vmem>>, vector<128x64xf32>,
      %swap3A_89 = arith.constant 0.000000e+00 : f32
      %swap3A_90 = arith.constant 0 : index
      %swap3A_91 = arith.constant 0 : index
      %swap3A_92 = memref.load %arg10[%swap3A_90, %swap3A_91] : memref<1x1xf32, #tpu.memory_space<smem>>
      memref.store %swap3A_89, %arg10[%swap3A_90, %swap3A_91] : memref<1x1xf32, #tpu.memory_space<smem>>
    } else {
    }
    %get3A_62 = arith.constant 0 : index
    %get3A_63 = arith.constant 0 : index
    %get3A_64 = vector.load %arg9[%get3A_62, %get3A_63] : memref<128x64xf32, #tpu.memory_space<vmem>>, vector<128x64xf32>
    %dot_general3A_65 = arith.constant dense<0.000000e+00> : vector<128x64xf32>
    %dot_general3A_66 = tpu.matmul %div3A_30, %max3A_47, %dot_general3A_65 {dimension_numbers = #tpu.dot_dimension_numbers<[0], [0], [1], [1], [0, 1, 1, 1], [], []>, transpose_lhs_hint = false} : vector<1000x128xf32>, vector<1000x64xf32>, vector<128x64xf32> -> vector<128x64xf32>
    %add3A_67 = arith.addf %get3A_64, %dot_general3A_66 : vector<128x64xf32>
    %swap3A_68 = arith.constant 0 : index
    %swap3A_69 = arith.constant 0 : index
    %swap3A_70 = vector.load %arg9[%swap3A_68, %swap3A_69] : memref<128x64xf32, #tpu.memory_space<vmem>>, vector<128x64xf32>
    tpu.vector_store %arg9[%swap3A_68, %swap3A_69], %add3A_67 {strides = array<i32>} : memref<128x64xf32, #tpu.memory_space<vmem>>, vector<128x64xf32>,
    %get3A_71 = arith.constant 0 : index
    %get3A_72 = arith.constant 0 : index
    %get3A_73 = memref.load %arg10[%get3A_71, %get3A_72] : memref<1x1xf32, #tpu.memory_space<smem>>
    %mul3A_74 = arith.mulf %div3A_30, %div3A_30 : vector<1000x128xf32>
    %reduce_sum3A_75 = vector.shape_cast %mul3A_74 : vector<1000x128xf32> to vector<1x1000x128xf32>
    %reduce_sum3A_76 = arith.constant dense<0.000000e+00> : vector<1xf32>
    %reduce_sum3A_77 = vector.multi_reduction <add>, %reduce_sum3A_75, %reduce_sum3A_76 [1, 2] : vector<1x1000x128xf32> to vector<1xf32>
    %reduce_sum3A_78 = vector.shape_cast %reduce_sum3A_77 : vector<1xf32> to vector<1x1x1xf32>
    %reduce_sum3A_79 = vector.extract %reduce_sum3A_78[0, 0, 0] : f32 from vector<1x1x1xf32>
    %add3A_80 = arith.addf %get3A_73, %reduce_sum3A_79 : f32
    %swap3A_81 = arith.constant 0 : index
    %swap3A_82 = arith.constant 0 : index
    %swap3A_83 = memref.load %arg10[%swap3A_81, %swap3A_82] : memref<1x1xf32, #tpu.memory_space<smem>>
    memref.store %add3A_80, %arg10[%swap3A_81, %swap3A_82] : memref<1x1xf32, #tpu.memory_space<smem>>
    return
  }
  func.func @transform_0(%arg0: i32) -> (i32, i32) {
    %c0_i32 = arith.constant 0 : i32
    %c0_i32_0 = arith.constant 0 : i32
    return %arg0, %c0_i32 : i32, i32
  }
  func.func @transform_1(%arg0: i32) -> (i32, i32) {
    %c0_i32 = arith.constant 0 : i32
    %c0_i32_0 = arith.constant 0 : i32
    return %arg0, %c0_i32 : i32, i32
  }
  func.func @transform_2(%arg0: i32) -> (i32, i32) {
    %c0_i32 = arith.constant 0 : i32
    %c0_i32_0 = arith.constant 0 : i32
    return %arg0, %c0_i32 : i32, i32
  }
  func.func @transform_3(%arg0: i32) -> (i32, i32) {
    %c0_i32 = arith.constant 0 : i32
    %c0_i32_0 = arith.constant 0 : i32
    %c0_i32_1 = arith.constant 0 : i32
    return %c0_i32, %c0_i32_0 : i32, i32
  }
  func.func @transform_4(%arg0: i32) -> (i32, i32) {
    %c0_i32 = arith.constant 0 : i32
    %c0_i32_0 = arith.constant 0 : i32
    %c0_i32_1 = arith.constant 0 : i32
    return %c0_i32, %c0_i32_0 : i32, i32
  }
  func.func @transform_5(%arg0: i32) -> (i32, i32) {
    %c0_i32 = arith.constant 0 : i32
    %c0_i32_0 = arith.constant 0 : i32
    %c0_i32_1 = arith.constant 0 : i32
    return %c0_i32, %c0_i32_0 : i32, i32
  }
  func.func @transform_6(%arg0: i32) -> (i32, i32) {
    %c0_i32 = arith.constant 0 : i32
    %c0_i32_0 = arith.constant 0 : i32
    %c0_i32_1 = arith.constant 0 : i32
    return %c0_i32, %c0_i32_0 : i32, i32
  }
  func.func @transform_7(%arg0: i32) -> (i32, i32) {
    %c0_i32 = arith.constant 0 : i32
    %c0_i32_0 = arith.constant 0 : i32
    return %arg0, %c0_i32 : i32, i32
  }
  func.func @transform_8(%arg0: i32) -> (i32, i32) {
    %c0_i32 = arith.constant 0 : i32
    %c0_i32_0 = arith.constant 0 : i32
    %c0_i32_1 = arith.constant 0 : i32
    return %c0_i32, %c0_i32_0 : i32, i32
  }
  func.func @transform_9(%arg0: i32) -> (i32, i32) {
    %c0_i32 = arith.constant 0 : i32
    %c0_i32_0 = arith.constant 0 : i32
    %c0_i32_1 = arith.constant 0 : i32
    return %c0_i32, %c0_i32_0 : i32, i32
  }
}

module attributes {stable_mosaic.version = 14 : i64} {
  func.func @_k3_body(%arg0: i32, %arg1: memref<1000x128xf32, #tpu.memory_space<vmem>>, %arg2: memref<1000x128xf32, #tpu.memory_space<vmem>>, %arg3: memref<1000x128xf32, #tpu.memory_space<vmem>>, %arg4: memref<128x64xf32, #tpu.memory_space<vmem>>, %arg5: memref<1x1xf32, #tpu.memory_space<smem>>, %arg6: memref<64x64xf32, #tpu.memory_space<vmem>>, %arg7: memref<64x64xf32, #tpu.memory_space<vmem>>, %arg8: memref<1x64xf32, #tpu.memory_space<vmem>>, %arg9: memref<64x256xf32, #tpu.memory_space<vmem>>, %arg10: memref<1x256xf32, #tpu.memory_space<vmem>>, %arg11: memref<256x8xf32, #tpu.memory_space<vmem>>, %arg12: memref<1x8xf32, #tpu.memory_space<vmem>>, %arg13: memref<1x8xf32, #tpu.memory_space<vmem>>, %arg14: memref<1x1xf32, #tpu.memory_space<smem>>) attributes {dimension_semantics = [#tpu.dimension_semantics<arbitrary>], iteration_bounds = array<i64: 10>, scalar_prefetch = 0 : i64, scratch_operands = 0 : i64, tpu.core_type = #tpu.core_type<tc>, window_params = [{transform_indices = @transform_0, window_bounds = array<i64: 1000, 128>}, {transform_indices = @transform_1, window_bounds = array<i64: 1000, 128>}, {transform_indices = @transform_2, window_bounds = array<i64: 1000, 128>}, {pipeline_mode = #tpu.pipeline_mode<synchronous>, transform_indices = @transform_3, window_bounds = array<i64: 128, 64>}, {transform_indices = @transform_4, window_bounds = array<i64: 1, 1>}, {pipeline_mode = #tpu.pipeline_mode<synchronous>, transform_indices = @transform_5, window_bounds = array<i64: 64, 64>}, {pipeline_mode = #tpu.pipeline_mode<synchronous>, transform_indices = @transform_6, window_bounds = array<i64: 64, 64>}, {pipeline_mode = #tpu.pipeline_mode<synchronous>, transform_indices = @transform_7, window_bounds = array<i64: 1, 64>}, {pipeline_mode = #tpu.pipeline_mode<synchronous>, transform_indices = @transform_8, window_bounds = array<i64: 64, 256>}, {pipeline_mode = #tpu.pipeline_mode<synchronous>, transform_indices = @transform_9, window_bounds = array<i64: 1, 256>}, {pipeline_mode = #tpu.pipeline_mode<synchronous>, transform_indices = @transform_10, window_bounds = array<i64: 256, 8>}, {pipeline_mode = #tpu.pipeline_mode<synchronous>, transform_indices = @transform_11, window_bounds = array<i64: 1, 8>}, {pipeline_mode = #tpu.pipeline_mode<synchronous>, transform_indices = @transform_12, window_bounds = array<i64: 1, 8>}, {transform_indices = @transform_13, window_bounds = array<i64: 1, 1>}]} {
    %eq3A = arith.constant 0 : i32
    %eq3A_0 = arith.cmpi eq, %arg0, %eq3A : i32
    %convert_element_type3A = arith.extui %eq3A_0 : i1 to i32
    %cond3A = arith.constant 0 : i32
    %cond3A_1 = arith.cmpi ne, %convert_element_type3A, %cond3A : i32
    scf.if %cond3A_1 {
      %swap3A_25 = arith.constant 0.000000e+00 : f32
      %swap3A_26 = arith.constant 0 : index
      %swap3A_27 = arith.constant 0 : index
      %swap3A_28 = memref.load %arg14[%swap3A_26, %swap3A_27] : memref<1x1xf32, #tpu.memory_space<smem>>
      memref.store %swap3A_25, %arg14[%swap3A_26, %swap3A_27] : memref<1x1xf32, #tpu.memory_space<smem>>
    } else {
    }
    %get3A = arith.constant 0 : index
    %get3A_2 = arith.constant 0 : index
    %get3A_3 = memref.load %arg14[%get3A, %get3A_2] : memref<1x1xf32, #tpu.memory_space<smem>>
    %get3A_4 = arith.constant 0 : index
    %get3A_5 = arith.constant 0 : index
    %get3A_6 = vector.load %arg1[%get3A_4, %get3A_5] : memref<1000x128xf32, #tpu.memory_space<vmem>>, vector<1000x128xf32>
    %get3A_7 = arith.constant 0 : index
    %get3A_8 = arith.constant 0 : index
    %get3A_9 = vector.load %arg2[%get3A_7, %get3A_8] : memref<1000x128xf32, #tpu.memory_space<vmem>>, vector<1000x128xf32>
    %get3A_10 = arith.constant 0 : index
    %get3A_11 = arith.constant 0 : index
    %get3A_12 = vector.load %arg3[%get3A_10, %get3A_11] : memref<1000x128xf32, #tpu.memory_space<vmem>>, vector<1000x128xf32>
    %add3A = arith.addf %get3A_9, %get3A_12 : vector<1000x128xf32>
    %mul3A = arith.mulf %get3A_6, %add3A : vector<1000x128xf32>
    %reduce_sum3A = vector.shape_cast %mul3A : vector<1000x128xf32> to vector<1x1000x128xf32>
    %reduce_sum3A_13 = arith.constant dense<0.000000e+00> : vector<1xf32>
    %reduce_sum3A_14 = vector.multi_reduction <add>, %reduce_sum3A, %reduce_sum3A_13 [1, 2] : vector<1x1000x128xf32> to vector<1xf32>
    %reduce_sum3A_15 = vector.shape_cast %reduce_sum3A_14 : vector<1xf32> to vector<1x1x1xf32>
    %reduce_sum3A_16 = vector.extract %reduce_sum3A_15[0, 0, 0] : f32 from vector<1x1x1xf32>
    %add3A_17 = arith.addf %get3A_3, %reduce_sum3A_16 : f32
    %swap3A = arith.constant 0 : index
    %swap3A_18 = arith.constant 0 : index
    %swap3A_19 = memref.load %arg14[%swap3A, %swap3A_18] : memref<1x1xf32, #tpu.memory_space<smem>>
    memref.store %add3A_17, %arg14[%swap3A, %swap3A_18] : memref<1x1xf32, #tpu.memory_space<smem>>
    %eq3A_20 = arith.constant 9 : i32
    %eq3A_21 = arith.cmpi eq, %arg0, %eq3A_20 : i32
    %convert_element_type3A_22 = arith.extui %eq3A_21 : i1 to i32
    %cond3A_23 = arith.constant 0 : i32
    %cond3A_24 = arith.cmpi ne, %convert_element_type3A_22, %cond3A_23 : i32
    scf.if %cond3A_24 {
      %get3A_25 = arith.constant 0 : index
      %get3A_26 = arith.constant 0 : index
      %get3A_27 = memref.load %arg5[%get3A_25, %get3A_26] : memref<1x1xf32, #tpu.memory_space<smem>>
      %get3A_28 = arith.constant 0 : index
      %get3A_29 = arith.constant 0 : index
      %get3A_30 = memref.load %arg14[%get3A_28, %get3A_29] : memref<1x1xf32, #tpu.memory_space<smem>>
      %sub3A = arith.subf %get3A_27, %get3A_30 : f32
      %div3A = arith.constant 1.000000e+04 : f32
      %div3A_31 = arith.divf %sub3A, %div3A : f32
      %swap3A_32 = arith.constant 0 : index
      %swap3A_33 = arith.constant 0 : index
      %swap3A_34 = memref.load %arg14[%swap3A_32, %swap3A_33] : memref<1x1xf32, #tpu.memory_space<smem>>
      memref.store %div3A_31, %arg14[%swap3A_32, %swap3A_33] : memref<1x1xf32, #tpu.memory_space<smem>>
      %get3A_35 = arith.constant 0 : index
      %get3A_36 = arith.constant 0 : index
      %get3A_37 = vector.load %arg4[%get3A_35, %get3A_36] : memref<128x64xf32, #tpu.memory_space<vmem>>, vector<128x64xf32>
      %get3A_38 = arith.constant 0 : index
      %get3A_39 = arith.constant 0 : index
      %get3A_40 = vector.load %arg6[%get3A_38, %get3A_39] : memref<64x64xf32, #tpu.memory_space<vmem>>, vector<64x64xf32>
      %dot_general3A = arith.constant dense<0.000000e+00> : vector<128x64xf32>
      %dot_general3A_41 = tpu.matmul %get3A_37, %get3A_40, %dot_general3A {dimension_numbers = #tpu.dot_dimension_numbers<[1], [0], [0], [1], [0, 0, 1, 1], [], []>, transpose_lhs_hint = false} : vector<128x64xf32>, vector<64x64xf32>, vector<128x64xf32> -> vector<128x64xf32>
      %reduce_sum3A_42 = arith.constant dense<0.000000e+00> : vector<64xf32>
      %reduce_sum3A_43 = vector.multi_reduction <add>, %dot_general3A_41, %reduce_sum3A_42 [0] : vector<128x64xf32> to vector<64xf32>
      %broadcast_in_dim3A = vector.shape_cast %reduce_sum3A_43 : vector<64xf32> to vector<1x64xf32>
      %div3A_44 = arith.constant 1.280000e+02 : f32
      %div3A_45 = vector.broadcast %div3A_44 : f32 to vector<1x64xf32>
      %div3A_46 = arith.divf %broadcast_in_dim3A, %div3A_45 : vector<1x64xf32>
      %get3A_47 = arith.constant 0 : index
      %get3A_48 = arith.constant 0 : index
      %get3A_49 = vector.load %arg7[%get3A_47, %get3A_48] : memref<64x64xf32, #tpu.memory_space<vmem>>, vector<64x64xf32>
      %dot_general3A_50 = arith.constant dense<0.000000e+00> : vector<128x64xf32>
      %dot_general3A_51 = tpu.matmul %get3A_37, %get3A_49, %dot_general3A_50 {dimension_numbers = #tpu.dot_dimension_numbers<[1], [0], [0], [1], [0, 0, 1, 1], [], []>, transpose_lhs_hint = false} : vector<128x64xf32>, vector<64x64xf32>, vector<128x64xf32> -> vector<128x64xf32>
      %add3A_52 = vector.broadcast %div3A_46 : vector<1x64xf32> to vector<128x64xf32>
      %add3A_53 = arith.addf %add3A_52, %dot_general3A_51 : vector<128x64xf32>
      %get3A_54 = arith.constant 0 : index
      %get3A_55 = arith.constant 0 : index
      %get3A_56 = vector.load %arg8[%get3A_54, %get3A_55] : memref<1x64xf32, #tpu.memory_space<vmem>>, vector<1x64xf32>
      %add3A_57 = vector.broadcast %get3A_56 : vector<1x64xf32> to vector<128x64xf32>
      %add3A_58 = arith.addf %add3A_53, %add3A_57 : vector<128x64xf32>
      %max3A = arith.constant 0.000000e+00 : f32
      %max3A_59 = vector.broadcast %max3A : f32 to vector<128x64xf32>
      %max3A_60 = arith.maximumf %add3A_58, %max3A_59 : vector<128x64xf32>
      %reduce_sum3A_61 = arith.constant dense<0.000000e+00> : vector<64xf32>
      %reduce_sum3A_62 = vector.multi_reduction <add>, %max3A_60, %reduce_sum3A_61 [0] : vector<128x64xf32> to vector<64xf32>
      %broadcast_in_dim3A_63 = vector.shape_cast %reduce_sum3A_62 : vector<64xf32> to vector<1x64xf32>
      %get3A_64 = arith.constant 0 : index
      %get3A_65 = arith.constant 0 : index
      %get3A_66 = vector.load %arg9[%get3A_64, %get3A_65] : memref<64x256xf32, #tpu.memory_space<vmem>>, vector<64x256xf32>
      %dot_general3A_67 = arith.constant dense<0.000000e+00> : vector<1x256xf32>
      %dot_general3A_68 = tpu.matmul %broadcast_in_dim3A_63, %get3A_66, %dot_general3A_67 {dimension_numbers = #tpu.dot_dimension_numbers<[1], [0], [0], [1], [0, 0, 1, 1], [], []>, transpose_lhs_hint = false} : vector<1x64xf32>, vector<64x256xf32>, vector<1x256xf32> -> vector<1x256xf32>
      %get3A_69 = arith.constant 0 : index
      %get3A_70 = arith.constant 0 : index
      %get3A_71 = vector.load %arg10[%get3A_69, %get3A_70] : memref<1x256xf32, #tpu.memory_space<vmem>>, vector<1x256xf32>
      %add3A_72 = arith.addf %dot_general3A_68, %get3A_71 : vector<1x256xf32>
      %max3A_73 = arith.constant 0.000000e+00 : f32
      %max3A_74 = vector.broadcast %max3A_73 : f32 to vector<1x256xf32>
      %max3A_75 = arith.maximumf %add3A_72, %max3A_74 : vector<1x256xf32>
      %get3A_76 = arith.constant 0 : index
      %get3A_77 = arith.constant 0 : index
      %get3A_78 = vector.load %arg11[%get3A_76, %get3A_77] : memref<256x8xf32, #tpu.memory_space<vmem>>, vector<256x8xf32>
      %dot_general3A_79 = arith.constant dense<0.000000e+00> : vector<1x8xf32>
      %dot_general3A_80 = tpu.matmul %max3A_75, %get3A_78, %dot_general3A_79 {dimension_numbers = #tpu.dot_dimension_numbers<[1], [0], [0], [1], [0, 0, 1, 1], [], []>, transpose_lhs_hint = false} : vector<1x256xf32>, vector<256x8xf32>, vector<1x8xf32> -> vector<1x8xf32>
      %get3A_81 = arith.constant 0 : index
      %get3A_82 = arith.constant 0 : index
      %get3A_83 = vector.load %arg12[%get3A_81, %get3A_82] : memref<1x8xf32, #tpu.memory_space<vmem>>, vector<1x8xf32>
      %add3A_84 = arith.addf %dot_general3A_80, %get3A_83 : vector<1x8xf32>
      %reduce_max3A = vector.shape_cast %add3A_84 : vector<1x8xf32> to vector<1x1x8xf32>
      %reduce_max3A_85 = arith.constant dense<0xFF800000> : vector<1xf32>
      %reduce_max3A_86 = vector.multi_reduction <maximumf>, %reduce_max3A, %reduce_max3A_85 [1, 2] : vector<1x1x8xf32> to vector<1xf32>
      %reduce_max3A_87 = vector.shape_cast %reduce_max3A_86 : vector<1xf32> to vector<1x1x1xf32>
      %reduce_max3A_88 = vector.extract %reduce_max3A_87[0, 0, 0] : f32 from vector<1x1x1xf32>
      %sub3A_89 = vector.broadcast %reduce_max3A_88 : f32 to vector<1x8xf32>
      %sub3A_90 = arith.subf %add3A_84, %sub3A_89 : vector<1x8xf32>
      %exp3A = math.exp %sub3A_90 : vector<1x8xf32>
      %reduce_sum3A_91 = vector.shape_cast %exp3A : vector<1x8xf32> to vector<1x1x8xf32>
      %reduce_sum3A_92 = arith.constant dense<0.000000e+00> : vector<1xf32>
      %reduce_sum3A_93 = vector.multi_reduction <add>, %reduce_sum3A_91, %reduce_sum3A_92 [1, 2] : vector<1x1x8xf32> to vector<1xf32>
      %reduce_sum3A_94 = vector.shape_cast %reduce_sum3A_93 : vector<1xf32> to vector<1x1x1xf32>
      %reduce_sum3A_95 = vector.extract %reduce_sum3A_94[0, 0, 0] : f32 from vector<1x1x1xf32>
      %log3A = math.log %reduce_sum3A_95 : f32
      %add3A_96 = arith.addf %reduce_max3A_88, %log3A : f32
      %sub3A_97 = vector.broadcast %add3A_96 : f32 to vector<1x8xf32>
      %sub3A_98 = arith.subf %add3A_84, %sub3A_97 : vector<1x8xf32>
      %swap3A_99 = arith.constant 0 : index
      %swap3A_100 = arith.constant 0 : index
      %swap3A_101 = vector.load %arg13[%swap3A_99, %swap3A_100] : memref<1x8xf32, #tpu.memory_space<vmem>>, vector<1x8xf32>
      tpu.vector_store %arg13[%swap3A_99, %swap3A_100], %sub3A_98 {strides = array<i32>} : memref<1x8xf32, #tpu.memory_space<vmem>>, vector<1x8xf32>,
    } else {
    }
    return
  }
  func.func @transform_0(%arg0: i32) -> (i32, i32) {
    %c0_i32 = arith.constant 0 : i32
    %c0_i32_0 = arith.constant 0 : i32
    return %arg0, %c0_i32 : i32, i32
  }
  func.func @transform_1(%arg0: i32) -> (i32, i32) {
    %c0_i32 = arith.constant 0 : i32
    %c0_i32_0 = arith.constant 0 : i32
    return %arg0, %c0_i32 : i32, i32
  }
  func.func @transform_2(%arg0: i32) -> (i32, i32) {
    %c0_i32 = arith.constant 0 : i32
    %c0_i32_0 = arith.constant 0 : i32
    return %arg0, %c0_i32 : i32, i32
  }
  func.func @transform_3(%arg0: i32) -> (i32, i32) {
    %c0_i32 = arith.constant 0 : i32
    %c0_i32_0 = arith.constant 0 : i32
    %c0_i32_1 = arith.constant 0 : i32
    return %c0_i32, %c0_i32_0 : i32, i32
  }
  func.func @transform_4(%arg0: i32) -> (i32, i32) {
    %c0_i32 = arith.constant 0 : i32
    %c0_i32_0 = arith.constant 0 : i32
    %c0_i32_1 = arith.constant 0 : i32
    return %c0_i32, %c0_i32_0 : i32, i32
  }
  func.func @transform_5(%arg0: i32) -> (i32, i32) {
    %c0_i32 = arith.constant 0 : i32
    %c0_i32_0 = arith.constant 0 : i32
    %c0_i32_1 = arith.constant 0 : i32
    return %c0_i32, %c0_i32_0 : i32, i32
  }
  func.func @transform_6(%arg0: i32) -> (i32, i32) {
    %c0_i32 = arith.constant 0 : i32
    %c0_i32_0 = arith.constant 0 : i32
    %c0_i32_1 = arith.constant 0 : i32
    return %c0_i32, %c0_i32_0 : i32, i32
  }
  func.func @transform_7(%arg0: i32) -> (i32, i32) {
    %c0_i32 = arith.constant 0 : i32
    %c0_i32_0 = arith.constant 0 : i32
    %c0_i32_1 = arith.constant 0 : i32
    return %c0_i32, %c0_i32_0 : i32, i32
  }
  func.func @transform_8(%arg0: i32) -> (i32, i32) {
    %c0_i32 = arith.constant 0 : i32
    %c0_i32_0 = arith.constant 0 : i32
    %c0_i32_1 = arith.constant 0 : i32
    return %c0_i32, %c0_i32_0 : i32, i32
  }
  func.func @transform_9(%arg0: i32) -> (i32, i32) {
    %c0_i32 = arith.constant 0 : i32
    %c0_i32_0 = arith.constant 0 : i32
    %c0_i32_1 = arith.constant 0 : i32
    return %c0_i32, %c0_i32_0 : i32, i32
  }
  func.func @transform_10(%arg0: i32) -> (i32, i32) {
    %c0_i32 = arith.constant 0 : i32
    %c0_i32_0 = arith.constant 0 : i32
    %c0_i32_1 = arith.constant 0 : i32
    return %c0_i32, %c0_i32_0 : i32, i32
  }
  func.func @transform_11(%arg0: i32) -> (i32, i32) {
    %c0_i32 = arith.constant 0 : i32
    %c0_i32_0 = arith.constant 0 : i32
    %c0_i32_1 = arith.constant 0 : i32
    return %c0_i32, %c0_i32_0 : i32, i32
  }
  func.func @transform_12(%arg0: i32) -> (i32, i32) {
    %c0_i32 = arith.constant 0 : i32
    %c0_i32_0 = arith.constant 0 : i32
    %c0_i32_1 = arith.constant 0 : i32
    return %c0_i32, %c0_i32_0 : i32, i32
  }
  func.func @transform_13(%arg0: i32) -> (i32, i32) {
    %c0_i32 = arith.constant 0 : i32
    %c0_i32_0 = arith.constant 0 : i32
    %c0_i32_1 = arith.constant 0 : i32
    return %c0_i32, %c0_i32_0 : i32, i32
  }
}

</mosaic_0001>

<sc_bundles>
// kernel: kernel.10.cloned.1.call-start
scs
__scs_entry_jumppad:
0x0: {  	(pc) =	sbr.rel $0x88, $3  }
0x1: {  	(tag) =	ssettag $0x0;
	lr =	simm.s32 $0x1  }
0x2: {  	[smem:$0x3F91] =	sst lr;
	_ =	strace $0xD0000000  }
0x3: {  	_ = 	snop  }
0x4: {  	_ = 	snop  }
0x5: {  	_ = 	snop  }
0x6: {  	_ = 	snop  }
0x7: {  	_ = 	snop  }
__scs_overlays_trampoline_lowered:
0x8: {  	[smem:$0x3FA0] =	sst s0  }
0x9: {  	[smem:$0x3FA1] =	sst s1  }
0xa: {  	[smem:$0x3FA2] =	sst s2  }
0xb: {  	[smem:$0x3FA3] =	sst s3  }
0xc: {  	[smem:$0x3FA4] =	sst s4  }
0xd: {  	[smem:$0x3FA5] =	sst s5  }
0xe: {  	[smem:$0x3FA6] =	sst s6  }
0xf: {  	[smem:$0x3FA7] =	sst s7  }
0x10: {  	[smem:$0x3FA8] =	sst s8  }
0x11: {  	[smem:$0x3FA9] =	sst s9;
	s0 =	simm.s32 @!p0 $0x0  }
0x12: {  	s1 =	sld [smem:$0x3F8F];
	s0 =	simm.s32 @p0 $0x1  }
0x13: {  	[smem:$0x3FAA] =	sst s0;
	s0 =	simm.s32 @!p1 $0x0  }
0x14: {  	s2 =	sld [smem:$0x3F8E];
	s0 =	simm.s32 @p1 $0x1  }
0x15: {  	[smem:$0x3FAB] =	sst s0;
	s0 =	simm.s32 @!p2 $0x0  }
0x16: {  	s3 =	sld [smem:$0x3FDB];
	s0 =	simm.s32 @p2 $0x1  }
0x17: {  	s4 =	simm.s32 $0x1BF5;
	[smem:$0x3FAD] =	sst s0  }
0x18: {  	s0 =	sld [smem:$0x3F90];
	_ =	swait.ge [sflag:s4], $0x0  }
0x19: {  	s7 =	sld [smem:$0x3F91]  }
0x1a: {  	s8 =	sadd.s32 $0xFFFFE003, lr  }
0x1b: {  	s9 =	sadd.s32 $0xFFFFFEF7, lr;
	s5 =	simm.s32 $0xFFFFFFFF;
	p2 =	slt.u32 s8, $0xFFFFF086  }
0x1c: {  	p1 =	slt.u32 s9, $0xF7A;
	s5 =	simm.s32 @!p2 $0x0  }
0x1d: {  	s5 =	simm.s32 @p1 $0x1;
	p0 =	seq.s32 s7, s2  }
0x1e: {  	s7 =	smul.u32 @!p0 $0xF7A, s2;
	p2 =	seq.s32 @!p0 s5, $0x0  }
0x1f: {  	s9 =	smul.u32 $0xF7A, s1;
	s8 =	simm.s32 @!p0 $0x1BF5;
	p2 =	por !p2, p0  }
0x20: {  	[sflag:s8] =	ssyncset.s32 @!p0 $0xFFFFF086;
	s6 =	sadd.s32 @!p0 s3, s7;
	s7 =	simm.s32 @!p0 $0x108  }
0x21: {  	s3 =	sadd.s32 s3, s9;
	s6 =	sadd.s32 @!p0 $0x88, s6;
	s7 =	simm.s32 @p2 $0x1082  }
0x22: {  	[simem:s7], [sflag:s8] =	dma.local @!p0 [hbm:s6], $0xF7A  }
0x23: {  	s9 =	sor.u32 $0xD0000000, s2;
	s6 =	simm.s32 $0x108;
	_ =	swait.ge @!p0 [sflag:s8], $0x0  }
0x24: {  	s3 =	sadd.s32 $0x88, s3;
	s6 =	simm.s32 @!p1 $0x1082;
	[sflag:s4] =	ssyncset.s32 $0xFFFFF086  }
0x25: {  	[simem:s6], [sflag:s4] =	dma.local [hbm:s3], $0xF7A  }
0x26: {  	[smem:$0x3F91] =	sst s1;
	(tag) =	ssettag s2;
	_ =	strace s9  }
0x27: {  	s1 =	sld [smem:$0x3FA1]  }
0x28: {  	s2 =	sld [smem:$0x3FA2]  }
0x29: {  	s4 =	sld [smem:$0x3FA4]  }
0x2a: {  	p0 =	seq.s32 s5, $0x0;
	s5 =	sld [smem:$0x3FA5]  }
0x2b: {  	s6 =	sld [smem:$0x3FA6]  }
0x2c: {  	s7 =	sld [smem:$0x3FA7]  }
0x2d: {  	s3 =	simm.s32 $0x108;
	s8 =	sld [smem:$0x3FA8]  }
0x2e: {  	s3 =	simm.s32 @!p0 $0x1082;
	s9 =	sld [smem:$0x3FA9]  }
0x2f: {  	lr =	sadd.s32 s0, s3;
	s0 =	sld [smem:$0x3FA0]  }
0x30: {  	s3 =	sld [smem:$0x3FA3]  }
0x31: {  	[smem:$0x3FAC] =	sst s10  }
0x32: {  	s10 =	sld [smem:$0x3FAA];
	_ =	sdelay $0x3  }
0x33: {  	p0 =	seq.s32 s10, $0x1;
	s10 =	sld [smem:$0x3FAC];
	_ =	sdelay $0x3  }
0x34: {  	[smem:$0x3FAC] =	sst s10  }
0x35: {  	s10 =	sld [smem:$0x3FAB];
	_ =	sdelay $0x3  }
0x36: {  	p1 =	seq.s32 s10, $0x1;
	s10 =	sld [smem:$0x3FAC];
	_ =	sdelay $0x3  }
0x37: {  	[smem:$0x3FAC] =	sst s10  }
0x38: {  	s10 =	sld [smem:$0x3FAD]  }
0x39: {  	_ = 	snop;
	(pc) =	sbr.ind lr, $3  }
0x3a: {  	_ = 	snop  }
0x3b: {  	_ = 	snop  }
0x3c: {  	p2 =	seq.s32 s10, $0x1;
	s10 =	sld [smem:$0x3FAC]  }
0x3d: {  	_ =	shalt  }
0x3e: {  	_ =	shalt  }
0x3f: {  	_ =	shalt  }
0x40: {  	_ =	shalt  }
0x41: {  	_ =	shalt  }
0x42: {  	_ =	shalt  }
0x43: {  	_ =	shalt  }
0x44: {  	_ =	shalt  }
0x45: {  	_ =	shalt  }
0x46: {  	_ =	shalt  }
0x47: {  	_ =	shalt  }
0x48: {  	_ =	shalt  }
0x49: {  	_ =	shalt  }
0x4a: {  	_ =	shalt  }
0x4b: {  	_ =	shalt  }
0x4c: {  	_ =	shalt  }
0x4d: {  	_ =	shalt  }
0x4e: {  	_ =	shalt  }
0x4f: {  	_ =	shalt  }
0x50: {  	_ =	shalt  }
0x51: {  	_ =	shalt  }
0x52: {  	_ =	shalt  }
0x53: {  	_ =	shalt  }
0x54: {  	_ =	shalt  }
0x55: {  	_ =	shalt  }
0x56: {  	_ =	shalt  }
0x57: {  	_ =	shalt  }
0x58: {  	_ =	shalt  }
0x59: {  	_ =	shalt  }
0x5a: {  	_ =	shalt  }
0x5b: {  	_ =	shalt  }
0x5c: {  	_ =	shalt  }
0x5d: {  	_ =	shalt  }
0x5e: {  	_ =	shalt  }
0x5f: {  	_ =	shalt  }
0x60: {  	_ =	shalt  }
0x61: {  	_ =	shalt  }
0x62: {  	_ =	shalt  }
0x63: {  	_ =	shalt  }
0x64: {  	_ =	shalt  }
0x65: {  	_ =	shalt  }
0x66: {  	_ =	shalt  }
0x67: {  	_ =	shalt  }
0x68: {  	_ =	shalt  }
0x69: {  	_ =	shalt  }
0x6a: {  	_ =	shalt  }
0x6b: {  	_ =	shalt  }
0x6c: {  	_ =	shalt  }
0x6d: {  	_ =	shalt  }
0x6e: {  	_ =	shalt  }
0x6f: {  	_ =	shalt  }
0x70: {  	_ =	shalt  }
0x71: {  	_ =	shalt  }
0x72: {  	_ =	shalt  }
0x73: {  	_ =	shalt  }
0x74: {  	_ =	shalt  }
0x75: {  	_ =	shalt  }
0x76: {  	_ =	shalt  }
0x77: {  	_ =	shalt  }
0x78: {  	_ =	shalt  }
0x79: {  	_ =	shalt  }
0x7a: {  	_ =	shalt  }
0x7b: {  	_ =	shalt  }
0x7c: {  	_ =	shalt  }
0x7d: {  	_ =	shalt  }
0x7e: {  	_ =	shalt  }
0x7f: {  	_ =	shalt  }
0x80: {  	_ =	shalt  }
0x81: {  	_ =	shalt  }
0x82: {  	_ =	shalt  }
0x83: {  	_ =	shalt  }
0x84: {  	_ =	shalt  }
0x85: {  	_ =	shalt  }
0x86: {  	_ =	shalt  }
0x87: {  	_ =	shalt  }
.Lfunc_end0:
.L_simem_size_0:
called_computation.1_lowered:
.L_overlay_start_0:
0x88: {  	s2 =	sld [smem:$0x3FD9]  }
0x89: {  	s3 =	sld [smem:$0x3FFE];
	_ =	sdelay $0x1  }
0x8a: {  	s1 =	srdreg.scid  }
0x8b: {  	s0 =	sand.u32 $0x1, s1  }
0x8c: {  	s16 =	sshll.u32 s0, $0xA;
	s2 =	sadd.s32 s3, s2  }
0x8d: {  	s2 =	sadd.s32 s2, s16  }
0x8e: {  	[smem:$0x3FB8] =	sst s2  }
0x8f: {  	_ = 	snop  }
0x90: {  	(tm) =	ssettm $0x1  }
0x91: {  	s17 =	sld [smem:$0x3FFB];
	_ =	sdelay $0x3  }
0x92: {  	_ =	strace s17  }
0x93: {  	s2 =	sld [smem:$0x3FFC];
	_ =	sdelay $0x3  }
0x94: {  	_ =	strace s2  }
0x95: {  	s2 =	sld [smem:$0x3FFD];
	_ =	sdelay $0x3  }
0x96: {  	_ =	strace s2  }
0x97: {  	_ =	strace $0x8FFFFFFF  }
0x98: {  	s18 =	sld [smem:$0x3FDB];
	_ =	sdelay $0x1  }
0x99: {  	s19 =	simm.s32 $_scs_section_size  }
0x9a: {  	s4 =	simm.s32 $_size__tile_overlayer_lowered;
	s5 =	simm.s32 $_tile_overlayer_lowered  }
0x9b: {  	s22 =	simm.s32 $0x1BFF;
	s21 =	sshll.u32 s5, $0x1;
	s2 =	sadd.s32 s19, s18  }
0x9c: {  	s6 =	simm.s32 $0x0;
	s20 =	sshll.u32 s4, $0x1;
	s4 =	sadd.s32 s21, s2  }
0x9d: {  	[timem:s6], [sflag:s22] =	dma.local [hbm:s4], s20  }
0x9e: {  	_ =	swait.ge [sflag:s22], s20  }
0x9f: {  	s3 =	ssub.s32 $0x0, s20;
	[sflag:s22] =	ssyncset.done $0x0  }
0xa0: {  	[sflag:s22] =	ssyncadd.s32 s3;
	_ =	sdelay $0x1  }
0xa1: {  	s23 =	simm.s32 $0x1B8B  }
0xa2: {  	_ =	swait.ge [sflag:s23], $0x1  }
0xa3: {  	[sflag:s23] =	ssyncset.done $0x0  }
0xa4: {  	s25 =	simm.s32 $0x1B8E;
	s24 =	sld [smem:$0x3FFE];
	[sflag:s23] =	ssyncadd.s32 $0xFFFFFFFF  }
0xa5: {  	s26 =	simm.s32 $execute0_lowered;
	[smem:$0x3FD2] =	sst s25  }
0xa6: {  	s4 =	sshll.u32 s26, $0x1;
	_ =	strace $0x80000049;
	[dreg:$0x1] =	wrdreg $0xFFFFFFFF  }
0xa7: {  	s28 =	simm.s32 $_size_execute0_lowered;
	s2 =	sadd.s32 s2, s4;
	[dreg:$0x0] =	wrdreg $0x0  }
0xa8: {  	s4 =	sshll.u32 s28, $0x1;
	[dreg:$0x2] =	wrdreg s2  }
0xa9: {  	[dreg:$0x3] =	wrdreg s4  }
0xaa: {  	[dreg:$0x4] =	wrdreg $0xC0  }
0xab: {  	_ =	task [dreg:s6], $0x5FFFF  }
0xac: {  	[dreg:$0x1] =	wrdreg $0xFFFFFFFF  }
0xad: {  	[dreg:$0x0] =	wrdreg $0x60  }
0xae: {  	[dreg:$0x2] =	wrdreg s24  }
0xaf: {  	[dreg:$0x3] =	wrdreg $0x0  }
0xb0: {  	[dreg:$0x4] =	wrdreg $0x9  }
0xb1: {  	_ =	task.clear_ibuf [dreg:s6], $0x5FFFF;
	_ =	strace $0x90000049  }
0xb2: {  	s29 =	simm.s32 $0x9;
	_ =	strace $0x8000004B  }
0xb3: {  	_ =	swait.ge [sflag:s29], $0x1  }
0xb4: {  	[sflag:s29] =	ssyncadd.s32 $0xFFFFFFFF  }
0xb5: {  	_ =	strace $0x9000004B  }
0xb6: {  	_ =	sfence  }
0xb7: {  	s30 =	sld [smem:$0x0];
	_ =	sdelay $0x2  }
0xb8: {  	s31 =	sshll.u32 s1, $0xD;
	s1 =	sshrl.u32 s1, $0x2  }
0xb9: {  	s3 =	sand.u32 $0x4000, s31;
	s1 =	sadd.s32 s1, s30  }
0xba: {  	s0 =	sor.u32 s3, s0;
	s1 =	sshll.u32 s1, $0x11  }
0xbb: {  	s0 =	sor.u32 s1, s0  }
0xbc: {  	s0 =	sadd.s32 $0x8F2B, s0  }
0xbd: {  	[sflag:s0] =	ssyncadd.remote.s32 $0x1  }
0xbe: {  	_ =	sfence.sel $0xFFFF  }
0xbf: {  	[dreg:$0x0] =	wrdreg $0xFFFFFFFF;
	(pc) =	sbr.abs _section_cstart, $3  }
0xc0: {  	[dreg:$0x1] =	wrdreg $0xFFFFFFFF  }
0xc1: {  	_ =	task.clear_ibuf [dreg:s6], $0x2FFFF;
	_ =	strace $0x9FFFFFFF  }
0xc2: {  	(tm) =	ssettm $0x7FFFFFFF  }
0xc3: {  	_ =	shalt  }
tec
execute0_lowered:
.L_overlay_start_1:
0x0: {  	(tag) =	ssettag $0x1  }
0x1: {  	s0 =	rddreg [dreg:$0x0]  }
0x2: {  	s1 =	rddreg [dreg:$0x1]  }
0x3: {  	s3 =	simm.s32 $0x0;
	s2 =	srdreg.scid;
	s16 =	stileid.u32  }
0x4: {  	s30 =	simm.s32 $0x14000;
	[smem:$0x7FF] =	sst s3;
	s4 =	sadd.s32 $0x7AC00, s0  }
0x5: {  	s2 =	sand.u32 $0x1, s2;
	s6 =	sshll.u32 s16, $0x1;
	s5 =	sadd.s32 $0x2BC00, s0  }
0x6: {  	s7 =	smul.u32 $0x50000, s16;
	s18 =	sadd.s32 $0xA2C00, s0;
	s8 =	sadd.s32 $0x5BAC00, s0  }
0x7: {  	s13 =	smul.u32 $0x280, s16;
	_ =	strace $0x8000004A;
	s10 =	sor.u32 s2, s6  }
0x8: {  	s6 =	sadd.s32 $0xCAC00, s0;
	s19 =	ssub.s32 $0x2, s2;
	s11 =	smul.u32 $0x2780, s10  }
0x9: {  	p0 =	sne.s32 s2, $0x0;
	s12 =	smul.u32 $0x27800, s10;
	s9 =	sshrl.u32 s19, $0x1  }
0xa: {  	s7 =	sshrl.u32 s7, $0x2;
	s22 =	sor.u32 $0x40, s13;
	s14 =	sadd.s32 $0xC0, s13  }
0xb: {  	s0 =	ssub.s32 s19, s9;
	s9 =	sadd.s32 s7, s1;
	s7 =	sshll.u32 s22, $0x4  }
0xc: {  	s24 =	sadd.s32 $0x80, s13;
	s15 =	sshll.u32 s14, $0x4;
	[dreg:$0x6] =	wrdreg s7  }
0xd: {  	s29 =	sadd.s32 $0x100, s13;
	s20 =	sadd.s32 s5, s11;
	[dreg:$0x9] =	wrdreg s15  }
0xe: {  	s23 =	sshll.u32 s22, $0x7;
	s21 =	sadd.s32 s6, s12;
	[dreg:$0x3] =	wrdreg s20  }
0xf: {  	s25 =	sshll.u32 s24, $0x7;
	s0 =	smax.u32 s0, $0x1;
	[dreg:$0x4] =	wrdreg s21  }
0x10: {  	s28 =	sshll.u32 s14, $0x7;
	s26 =	sadd.s32 s25, s1;
	[dreg:$0x5] =	wrdreg s0  }
0x11: {  	s17 =	sshll.u32 s29, $0x7;
	s11 =	sshll.u32 s24, $0x4;
	[dreg:$0x7] =	wrdreg s26  }
0x12: {  	s19 =	sadd.s32 $0x140, s13;
	s12 =	sadd.s32 s17, s1;
	[dreg:$0x8] =	wrdreg s11  }
0x13: {  	s22 =	sshll.u32 s19, $0x4;
	s24 =	sadd.s32 $0x1C0, s13;
	[dreg:$0xa] =	wrdreg s12  }
0x14: {  	s0 =	sadd.s32 s23, s1;
	s11 =	sshll.u32 s29, $0x4;
	[dreg:$0xc] =	wrdreg s22  }
0x15: {  	s20 =	sshll.u32 s19, $0x7;
	s14 =	sshll.u32 s24, $0x4;
	[dreg:$0xb] =	wrdreg s11  }
0x16: {  	s21 =	sadd.s32 $0x180, s13;
	s19 =	sadd.s32 $0x2000, s9;
	[dreg:$0xf] =	wrdreg s14  }
0x17: {  	s25 =	sshll.u32 s24, $0x7;
	s22 =	sadd.s32 $0x8000, s9;
	[dreg:$0x18] =	wrdreg s19  }
0x18: {  	s26 =	sadd.s32 $0x200, s13;
	s24 =	sadd.s32 $0xC000, s9;
	[dreg:$0x1b] =	wrdreg s22  }
0x19: {  	s13 =	sadd.s32 $0x240, s13;
	s2 =	sshll.u32 s21, $0x4;
	[dreg:$0x1d] =	wrdreg s24  }
0x1a: {  	s15 =	sshll.u32 s13, $0x7;
	s13 =	sshll.u32 s13, $0x4;
	[dreg:$0xe] =	wrdreg s2  }
0x1b: {  	s7 =	sadd.s32 s28, s1;
	s0 =	sshrl.u32 s0, $0x3;
	[dreg:$0x12] =	wrdreg s13  }
0x1c: {  	s11 =	sadd.s32 s20, s1;
	s20 =	sadd.s32 $0x4000, s9;
	[dreg:$0x13] =	wrdreg s0  }
0x1d: {  	s23 =	sshll.u32 s21, $0x7;
	s21 =	sadd.s32 $0x6000, s9;
	[dreg:$0x19] =	wrdreg s20  }
0x1e: {  	s28 =	sshll.u32 s26, $0x7;
	s12 =	sadd.s32 s23, s1;
	[dreg:$0x1a] =	wrdreg s21  }
0x1f: {  	s31 =	simm.s32 $0x5;
	s14 =	sadd.s32 s28, s1;
	[dreg:$0xd] =	wrdreg s12  }
0x20: {  	s10 =	smul.u32 $0x9E, s10;
	s13 =	sshrl.u32 s7, $0x3;
	[dreg:$0x10] =	wrdreg s14  }
0x21: {  	s24 =	stileid.u32;
	s23 =	sadd.s32 $0xA000, s9;
	[dreg:$0x14] =	wrdreg s13  }
0x22: {  	s2 =	sadd.s32 s25, s1;
	s25 =	sadd.s32 $0xE000, s9;
	[dreg:$0x1c] =	wrdreg s23  }
0x23: {  	s29 =	sadd.s32 s15, s1;
	s28 =	sadd.s32 $0x12000, s9;
	[dreg:$0x1e] =	wrdreg s25  }
0x24: {  	s0 =	simm.s32 $0x18000;
	s12 =	sshll.u32 s26, $0x4;
	[smem:$0x7FC] =	sst s28  }
0x25: {  	s20 =	simm.s32 $0x1;
	s14 =	sshrl.u32 s11, $0x3;
	[dreg:$0x11] =	wrdreg s12  }
0x26: {  	s15 =	sshrl.u32 s2, $0x3;
	s17 =	sshrl.u32 s29, $0x3;
	[dreg:$0x15] =	wrdreg s14  }
0x27: {  	s26 =	sadd.s32 $0x10000, s9;
	s29 =	smul.u32 $0x2800, s16;
	[dreg:$0x16] =	wrdreg s15  }
0x28: {  	s11 =	simm.s32 $0x40;
	s13 =	simm.s32 $0x1A400;
	[dreg:$0x17] =	wrdreg s17  }
0x29: {  	s23 =	simm.s32 $0x2;
	[dreg:$0x1f] =	wrdreg s26;
	s12 =	simm.s32 $0x18200  }
0x2a: {  	v0 =	vimm.f32 $0.0e+00;
	s14 =	simm.s32 $0x18280;
	s17 =	simm.s32 $0x16000;
	[smem:$0x7FD] =	sst s29  }
.LBB2_1:
0x2b: {  	s2 =	simm.s32 $0x0;
	s7 =	simm.s32 $0x200  }
.LBB2_2:
0x2c: {  	p1 =	sne.s32 s7, $0x7E00;
	[tilespmem:s2+$0x14070] =	vst v0  }
0x2d: {  	[tilespmem:s2+$0x14000] =	vst v0  }
0x2e: {  	[tilespmem:s2+$0x14010] =	vst v0  }
.Ltmp0:
0x2f: {  	[tilespmem:s2+$0x14020] =	vst v0;
	(pc) =	sbr.rel @p1 .LBB2_2-.Ltmp0, $4  }
0x30: {  	[tilespmem:s2+$0x14030] =	vst v0  }
0x31: {  	[tilespmem:s2+$0x14040] =	vst v0  }
0x32: {  	[tilespmem:s2+$0x14050] =	vst v0  }
0x33: {  	[tilespmem:s2+$0x14060] =	vst v0;
	s2 =	sshra.s32 s7, $0x2;
	s7 =	sadd.s32 $0x200, s7  }
0x34: {  	[tilespmem:s2+$0x14070] =	vst v0  }
0x35: {  	[tilespmem:s2+$0x14000] =	vst v0  }
0x36: {  	[tilespmem:s2+$0x14010] =	vst v0  }
0x37: {  	[tilespmem:s2+$0x14020] =	vst v0  }
0x38: {  	[tilespmem:s2+$0x14030] =	vst v0  }
0x39: {  	[tilespmem:s2+$0x14040] =	vst v0  }
0x3a: {  	[tilespmem:s2+$0x14050] =	vst v0  }
0x3b: {  	[tilespmem:s2+$0x14060] =	vst v0  }
0x3c: {  	[spmem:s9] =	stream.linear.scatter [tilespmem:s30], [sflag:$0x5], $0x2000, $0x38;
	[tilespmem:$0x1C400] =	vst v63  }
0x3d: {  	_ =	swait.ge [sflag:s31], $0x2000  }
0x3e: {  	[sflag:s31] =	ssyncset.done $0x0  }
0x3f: {  	s29 =	rddreg [dreg:$0x18];
	[sflag:s31] =	ssyncadd.s32 $0xFFFFE000  }
0x40: {  	[spmem:s29] =	stream.linear.scatter [tilespmem:s30], [sflag:$0x5], $0x2000, $0x38;
	[tilespmem:$0x1C400] =	vst v63  }
0x41: {  	_ =	swait.ge [sflag:s31], $0x2000  }
0x42: {  	[sflag:s31] =	ssyncset.done $0x0  }
0x43: {  	s7 =	rddreg [dreg:$0x19];
	[sflag:s31] =	ssyncadd.s32 $0xFFFFE000  }
0x44: {  	[spmem:s7] =	stream.linear.scatter [tilespmem:s30], [sflag:$0x5], $0x2000, $0x38;
	[tilespmem:$0x1C400] =	vst v63  }
0x45: {  	_ =	swait.ge [sflag:s31], $0x2000  }
0x46: {  	[sflag:s31] =	ssyncset.done $0x0  }
0x47: {  	s15 =	rddreg [dreg:$0x1a];
	[sflag:s31] =	ssyncadd.s32 $0xFFFFE000  }
0x48: {  	[spmem:s15] =	stream.linear.scatter [tilespmem:s30], [sflag:$0x5], $0x2000, $0x38;
	[tilespmem:$0x1C400] =	vst v63  }
0x49: {  	_ =	swait.ge [sflag:s31], $0x2000  }
0x4a: {  	[sflag:s31] =	ssyncset.done $0x0  }
0x4b: {  	s16 =	rddreg [dreg:$0x1b];
	[sflag:s31] =	ssyncadd.s32 $0xFFFFE000  }
0x4c: {  	[spmem:s16] =	stream.linear.scatter [tilespmem:s30], [sflag:$0x5], $0x2000, $0x38;
	[tilespmem:$0x1C400] =	vst v63  }
0x4d: {  	_ =	swait.ge [sflag:s31], $0x2000  }
0x4e: {  	[sflag:s31] =	ssyncset.done $0x0  }
0x4f: {  	s19 =	rddreg [dreg:$0x1c];
	[sflag:s31] =	ssyncadd.s32 $0xFFFFE000  }
0x50: {  	[spmem:s19] =	stream.linear.scatter [tilespmem:s30], [sflag:$0x5], $0x2000, $0x38;
	[tilespmem:$0x1C400] =	vst v63  }
0x51: {  	_ =	swait.ge [sflag:s31], $0x2000  }
0x52: {  	[sflag:s31] =	ssyncset.done $0x0  }
0x53: {  	s21 =	rddreg [dreg:$0x1d];
	[sflag:s31] =	ssyncadd.s32 $0xFFFFE000  }
0x54: {  	[spmem:s21] =	stream.linear.scatter [tilespmem:s30], [sflag:$0x5], $0x2000, $0x38;
	[tilespmem:$0x1C400] =	vst v63  }
0x55: {  	_ =	swait.ge [sflag:s31], $0x2000  }
0x56: {  	[sflag:s31] =	ssyncset.done $0x0  }
0x57: {  	s22 =	rddreg [dreg:$0x1e];
	[sflag:s31] =	ssyncadd.s32 $0xFFFFE000  }
0x58: {  	[spmem:s22] =	stream.linear.scatter [tilespmem:s30], [sflag:$0x5], $0x2000, $0x38;
	[tilespmem:$0x1C400] =	vst v63  }
0x59: {  	_ =	swait.ge [sflag:s31], $0x2000  }
0x5a: {  	[sflag:s31] =	ssyncset.done $0x0  }
0x5b: {  	s25 =	rddreg [dreg:$0x1f];
	[sflag:s31] =	ssyncadd.s32 $0xFFFFE000  }
0x5c: {  	[spmem:s25] =	stream.linear.scatter [tilespmem:s30], [sflag:$0x5], $0x2000, $0x38;
	[tilespmem:$0x1C400] =	vst v63  }
0x5d: {  	_ =	swait.ge [sflag:s31], $0x2000  }
0x5e: {  	s26 =	sld [smem:$0x7FC]  }
0x5f: {  	[sflag:s31] =	ssyncset.done $0x0  }
0x60: {  	[sflag:s31] =	ssyncadd.s32 $0xFFFFE000  }
0x61: {  	[spmem:s26] =	stream.linear.scatter [tilespmem:s30], [sflag:$0x5], $0x2000, $0x38;
	[tilespmem:$0x1C400] =	vst v63  }
0x62: {  	_ =	swait.ge [sflag:s31], $0x2000  }
0x63: {  	[sflag:s31] =	ssyncset.done $0x0  }
0x64: {  	[sflag:s31] =	ssyncadd.s32 $0xFFFFE000  }
0x65: {  	[bflag:$0x0] =	sbarrier.arrive $0xFFFF  }
0x66: {  	s2 =	simm.s32 $0x0;
	s7 =	rddreg [dreg:$0x3]  }
0x67: {  	[tilespmem:s0], [sflag:$0x5] =	stream.linear.gather [hbm4b:s7+s2], $0x180, $0x38;
	[tilespmem:$0x1C400] =	vst v63  }
0x68: {  	_ =	swait.ge [sflag:s31], $0x180  }
0x69: {  	[sflag:s31] =	ssyncset.done $0x0  }
0x6a: {  	s15 =	simm.s32 $0x18400;
	s28 =	rddreg [dreg:$0x4];
	[sflag:s31] =	ssyncadd.s32 $0xFFFFFE80  }
0x6b: {  	[tilespmem:s15], [sflag:$0x5] =	stream.linear.gather [hbm4b:s28+s2], $0x2000, $0x38;
	[tilespmem:$0x1C400] =	vst v63  }
0x6c: {  	_ =	swait.ge [sflag:s31], $0x2000  }
0x6d: {  	[sflag:s31] =	ssyncset.done $0x0  }
0x6e: {  	s29 =	simm.s32 $0x18080;
	s26 =	simm.s32 $0x0;
	[sflag:s31] =	ssyncadd.s32 $0xFFFFE000  }
0x6f: {  	[tilespmem:s30], [sflag:$0x1] =	stream.indirect.gather [hbm4b:s4+s11], $0x80, s29, s11, $0xb8;
	[tilespmem:$0x1C400] =	vst v63  }
.LBB2_4:
0x70: {  	s7 =	sshll.u32 s26, $0x1  }
0x71: {  	p1 =	seq.s32 s26, $0x0;
	s28 =	sadd.s32 s10, s7  }
0x72: {  	s7 =	simm.s32 @!p1 $0x4;
	s15 =	sor.u32 $0x1, s28  }
0x73: {  	_ =	swait.ge @!p1 [sflag:s7], $0x2000;
	s16 =	sshll.u32 s15, $0x6  }
0x74: {  	[sflag:s7] =	ssyncset.done @!p1 $0x0;
	s16 =	sand.u32 $0x1FFFFFC0, s16  }
0x75: {  	[sflag:s7] =	ssyncadd.s32 @!p1 $0xFFFFE000;
	s25 =	sadd.s32 s5, s16  }
0x76: {  	[tilespmem:s12], [sflag:$0x5] =	stream.linear.gather [hbm4b:s25+s2], $0x180, $0x38;
	[tilespmem:$0x1C400] =	vst v63  }
0x77: {  	s29 =	sshll.u32 s15, $0xA;
	_ =	swait.ge [sflag:s31], $0x180  }
0x78: {  	s7 =	sand.u32 $0x1FFFFC00, s29;
	[sflag:s31] =	ssyncset.done $0x0  }
0x79: {  	s7 =	sadd.s32 s6, s7;
	[sflag:s31] =	ssyncadd.s32 $0xFFFFFE80  }
0x7a: {  	[tilespmem:s13], [sflag:$0x5] =	stream.linear.gather [hbm4b:s7+s2], $0x2000, $0x38;
	[tilespmem:$0x1C400] =	vst v63  }
0x7b: {  	_ =	swait.ge [sflag:s31], $0x2000  }
0x7c: {  	[sflag:s31] =	ssyncset.done $0x0  }
0x7d: {  	[sflag:s31] =	ssyncadd.s32 $0xFFFFE000  }
0x7e: {  	[tilespmem:s17], [sflag:$0x2] =	stream.indirect.gather [hbm4b:s4+s11], $0x80, s14, s11, $0xb8;
	[tilespmem:$0x1C400] =	vst v63  }
0x7f: {  	_ =	swait.ge [sflag:s20], $0x2000  }
0x80: {  	[sflag:s20] =	ssyncset.done $0x0  }
0x81: {  	s15 =	simm.s32 $0x0;
	[sflag:s20] =	ssyncadd.s32 $0xFFFFE000  }
0x82: {  	v4 =	vld [tilespmem:s15+$0x18400]  }
0x83: {  	v5 =	vld [tilespmem:s15+$0x18480]  }
0x84: {  	v6 =	vld [tilespmem:s15+$0x18500]  }
0x85: {  	v7 =	vld [tilespmem:s15+$0x18580]  }
0x86: {  	v8 =	vld [tilespmem:s15+$0x18600]  }
0x87: {  	v9 =	vld [tilespmem:s15+$0x14000]  }
0x88: {  	v10 =	vld [tilespmem:s15+$0x14010]  }
0x89: {  	v11 =	vld [tilespmem:s15+$0x14020]  }
0x8a: {  	v12 =	vld [tilespmem:s15+$0x14030]  }
0x8b: {  	v13 =	vld [tilespmem:s15+$0x14040]  }
0x8c: {  	v14 =	vld [tilespmem:s15+$0x14050]  }
0x8d: {  	v15 =	vld [tilespmem:s15+$0x14060]  }
0x8e: {  	v52 =	vld [tilespmem:s15+$0x140A0];
	v9 =	vmul.f32 v9, v4  }
0x8f: {  	v53 =	vld [tilespmem:s15+$0x140B0];
	v10 =	vmul.f32 v10, v4  }
0x90: {  	v11 =	vmul.f32 v11, v4;
	[tilespmem:s15+$0x14000] =	vst v9;
	v9 =	vld [tilespmem:s15+$0x14070]  }
0x91: {  	[tilespmem:s15+$0x14010] =	vst v10;
	v10 =	vld [tilespmem:s15+$0x14080]  }
0x92: {  	v12 =	vmul.f32 v12, v4;
	[tilespmem:s15+$0x14020] =	vst v11;
	v11 =	vld [tilespmem:s15+$0x14090]  }
0x93: {  	v54 =	vld [tilespmem:s15+$0x140C0];
	v13 =	vmul.f32 v13, v4  }
0x94: {  	v56 =	vld [tilespmem:s15+$0x14120];
	v14 =	vmul.f32 v14, v4;
	[tilespmem:s15+$0x14030] =	vst v12  }
0x95: {  	v57 =	vld [tilespmem:s15+$0x14130];
	v15 =	vmul.f32 v15, v4;
	[tilespmem:s15+$0x14040] =	vst v13;
	v4 =	vmul.f32 v9, v4  }
0x96: {  	[tilespmem:s15+$0x14050] =	vst v14;
	v9 =	vld [tilespmem:s15+$0x140D0];
	v10 =	vmul.f32 v10, v5  }
0x97: {  	v11 =	vmul.f32 v11, v5;
	[tilespmem:s15+$0x14070] =	vst v4;
	v4 =	vld [tilespmem:s15+$0x140E0]  }
0x98: {  	[tilespmem:s15+$0x14080] =	vst v10;
	v10 =	vld [tilespmem:s15+$0x140F0]  }
0x99: {  	v58 =	vmul.f32 v56, v6;
	[tilespmem:s15+$0x14090] =	vst v11;
	v11 =	vld [tilespmem:s15+$0x14100]  }
0x9a: {  	v55 =	vld [tilespmem:s15+$0x14110];
	v59 =	vmul.f32 v57, v6;
	[tilespmem:s15+$0x14060] =	vst v15  }
0x9b: {  	v61 =	vld [tilespmem:s15+$0x141A0];
	v12 =	vmul.f32 v52, v5;
	[tilespmem:s15+$0x14120] =	vst v58;
	v9 =	vmul.f32 v9, v5  }
0x9c: {  	v3 =	vld [tilespmem:s15+$0x18680];
	v13 =	vmul.f32 v53, v5;
	[tilespmem:s15+$0x14130] =	vst v59;
	v4 =	vmul.f32 v4, v5  }
0x9d: {  	v14 =	vmul.f32 v54, v5;
	[tilespmem:s15+$0x140D0] =	vst v9;
	v9 =	vld [tilespmem:s15+$0x14140];
	v5 =	vmul.f32 v10, v5  }
0x9e: {  	v10 =	vmul.f32 v11, v6;
	[tilespmem:s15+$0x140E0] =	vst v4;
	v4 =	vld [tilespmem:s15+$0x14150]  }
0x9f: {  	v11 =	vmul.f32 v55, v6;
	[tilespmem:s15+$0x140F0] =	vst v5;
	v5 =	vld [tilespmem:s15+$0x14160]  }
0xa0: {  	v62 =	vmul.f32 v61, v7;
	[tilespmem:s15+$0x14100] =	vst v10;
	v10 =	vld [tilespmem:s15+$0x14170]  }
0xa1: {  	[tilespmem:s15+$0x14110] =	vst v11;
	v11 =	vld [tilespmem:s15+$0x14180]  }
0xa2: {  	v2 =	vld [tilespmem:s15+$0x18700];
	[tilespmem:s15+$0x141A0] =	vst v62;
	v9 =	vmul.f32 v9, v6  }
0xa3: {  	v60 =	vld [tilespmem:s15+$0x14190];
	[tilespmem:s15+$0x140A0] =	vst v12;
	v4 =	vmul.f32 v4, v6  }
0xa4: {  	[tilespmem:s15+$0x14140] =	vst v9;
	v9 =	vld [tilespmem:s15+$0x141B0];
	v5 =	vmul.f32 v5, v6  }
0xa5: {  	v6 =	vmul.f32 v10, v6;
	[tilespmem:s15+$0x14150] =	vst v4;
	v4 =	vld [tilespmem:s15+$0x141C0]  }
0xa6: {  	v10 =	vmul.f32 v11, v7;
	[tilespmem:s15+$0x14160] =	vst v5;
	v5 =	vld [tilespmem:s15+$0x141D0]  }
0xa7: {  	[tilespmem:s15+$0x14170] =	vst v6;
	v6 =	vld [tilespmem:s15+$0x141E0]  }
0xa8: {  	v11 =	vmul.f32 v60, v7;
	[tilespmem:s15+$0x14180] =	vst v10;
	v10 =	vld [tilespmem:s15+$0x141F0]  }
0xa9: {  	v1 =	vld [tilespmem:s15+$0x18780];
	[tilespmem:s15+$0x140B0] =	vst v13  }
0xaa: {  	[tilespmem:s15+$0x14190] =	vst v11;
	v11 =	vld [tilespmem:s15+$0x14200];
	v9 =	vmul.f32 v9, v7  }
0xab: {  	v63 =	vld [tilespmem:s15+$0x14210];
	[tilespmem:s15+$0x140C0] =	vst v14;
	v4 =	vmul.f32 v4, v7  }
0xac: {  	[tilespmem:s15+$0x141B0] =	vst v9;
	v9 =	vld [tilespmem:s15+$0x14220];
	v5 =	vmul.f32 v5, v7  }
0xad: {  	v6 =	vmul.f32 v6, v7;
	v7 =	vmul.f32 v10, v7;
	[tilespmem:s15+$0x141C0] =	vst v4;
	v4 =	vld [tilespmem:s15+$0x14230]  }
0xae: {  	[tilespmem:s15+$0x141D0] =	vst v5;
	v5 =	vld [tilespmem:s15+$0x14240]  }
0xaf: {  	v10 =	vmul.f32 v11, v8;
	[tilespmem:s15+$0x141F0] =	vst v7;
	v7 =	vld [tilespmem:s15+$0x14260]  }
0xb0: {  	v11 =	vmul.f32 v63, v8;
	[tilespmem:s15+$0x141E0] =	vst v6;
	v6 =	vld [tilespmem:s15+$0x14250]  }
0xb1: {  	[tilespmem:s15+$0x14200] =	vst v10;
	v10 =	vld [tilespmem:s15+$0x14270];
	v9 =	vmul.f32 v9, v8  }
0xb2: {  	[tilespmem:s15+$0x14210] =	vst v11;
	v11 =	vld [tilespmem:s15+$0x14280];
	v4 =	vmul.f32 v4, v8  }
0xb3: {  	[tilespmem:s15+$0x14220] =	vst v9;
	v9 =	vld [tilespmem:s15+$0x14290];
	v5 =	vmul.f32 v5, v8  }
0xb4: {  	v7 =	vmul.f32 v7, v8;
	[tilespmem:s15+$0x14230] =	vst v4;
	v4 =	vld [tilespmem:s15+$0x142A0]  }
0xb5: {  	v6 =	vmul.f32 v6, v8;
	[tilespmem:s15+$0x14240] =	vst v5;
	v5 =	vld [tilespmem:s15+$0x142B0]  }
0xb6: {  	v8 =	vmul.f32 v10, v8;
	[tilespmem:s15+$0x14260] =	vst v7;
	v7 =	vld [tilespmem:s15+$0x142D0]  }
0xb7: {  	v10 =	vmul.f32 v11, v3;
	[tilespmem:s15+$0x14250] =	vst v6;
	v6 =	vld [tilespmem:s15+$0x142C0]  }
0xb8: {  	[tilespmem:s15+$0x14270] =	vst v8;
	v8 =	vld [tilespmem:s15+$0x142E0];
	v9 =	vmul.f32 v9, v3  }
0xb9: {  	[tilespmem:s15+$0x14280] =	vst v10;
	v10 =	vld [tilespmem:s15+$0x142F0];
	v4 =	vmul.f32 v4, v3  }
0xba: {  	[tilespmem:s15+$0x14290] =	vst v9;
	v9 =	vld [tilespmem:s15+$0x14300];
	v5 =	vmul.f32 v5, v3  }
0xbb: {  	v7 =	vmul.f32 v7, v3;
	[tilespmem:s15+$0x142A0] =	vst v4;
	v4 =	vld [tilespmem:s15+$0x14310]  }
0xbc: {  	v6 =	vmul.f32 v6, v3;
	[tilespmem:s15+$0x142B0] =	vst v5;
	v5 =	vld [tilespmem:s15+$0x14320]  }
0xbd: {  	v8 =	vmul.f32 v8, v3;
	[tilespmem:s15+$0x142D0] =	vst v7;
	v7 =	vld [tilespmem:s15+$0x14340]  }
0xbe: {  	v3 =	vmul.f32 v10, v3;
	[tilespmem:s15+$0x142C0] =	vst v6;
	v6 =	vld [tilespmem:s15+$0x14330]  }
0xbf: {  	[tilespmem:s15+$0x142E0] =	vst v8;
	v8 =	vld [tilespmem:s15+$0x14350];
	v9 =	vmul.f32 v9, v2  }
0xc0: {  	v10 =	vld [tilespmem:s15+$0x14360];
	[tilespmem:s15+$0x142F0] =	vst v3;
	v3 =	vmul.f32 v4, v2  }
0xc1: {  	[tilespmem:s15+$0x14300] =	vst v9;
	v9 =	vld [tilespmem:s15+$0x14370];
	v4 =	vmul.f32 v5, v2  }
0xc2: {  	v11 =	vld [tilespmem:s15+$0x14380];
	v5 =	vmul.f32 v7, v2;
	[tilespmem:s15+$0x14310] =	vst v3  }
0xc3: {  	v3 =	vmul.f32 v6, v2;
	[tilespmem:s15+$0x14320] =	vst v4;
	v6 =	vld [tilespmem:s15+$0x14390]  }
0xc4: {  	v7 =	vmul.f32 v8, v2;
	v4 =	vld [tilespmem:s15+$0x143A0];
	[tilespmem:s15+$0x14340] =	vst v5  }
0xc5: {  	v8 =	vmul.f32 v10, v2;
	[tilespmem:s15+$0x14330] =	vst v3;
	v3 =	vld [tilespmem:s15+$0x143B0]  }
0xc6: {  	[tilespmem:s15+$0x14350] =	vst v7;
	v5 =	vld [tilespmem:s15+$0x143C0];
	v7 =	vmul.f32 v9, v2  }
0xc7: {  	[tilespmem:s15+$0x14360] =	vst v8;
	v8 =	vmul.f32 v11, v1;
	v2 =	vld [tilespmem:s15+$0x143D0]  }
0xc8: {  	s16 =	simm.s32 $0x1000;
	[tilespmem:s15+$0x14370] =	vst v7;
	v7 =	vmul.f32 v6, v1;
	v6 =	vld [tilespmem:s15+$0x143E0]  }
.LBB2_5:
0xc9: {  	s7 =	sshra.s32 s16, $0x2;
	p1 =	sne.s32 s16, $0x7000;
	[tilespmem:s15+$0x14380] =	vst v8;
	v4 =	vmul.f32 v4, v1;
	v8 =	vld [tilespmem:s15+$0x143F0]  }
0xca: {  	v9 =	vld [tilespmem:s7+$0x18400];
	[tilespmem:s15+$0x14390] =	vst v7;
	v3 =	vmul.f32 v3, v1  }
0xcb: {  	v7 =	vld [tilespmem:s7+$0x18480];
	[tilespmem:s15+$0x143A0] =	vst v4;
	v4 =	vmul.f32 v5, v1  }
0xcc: {  	v10 =	vld [tilespmem:s7+$0x18500];
	[tilespmem:s15+$0x143B0] =	vst v3;
	v2 =	vmul.f32 v2, v1  }
0xcd: {  	v5 =	vld [tilespmem:s7+$0x18580];
	[tilespmem:s15+$0x143C0] =	vst v4;
	v6 =	vmul.f32 v6, v1  }
0xce: {  	v4 =	vld [tilespmem:s7+$0x18600];
	[tilespmem:s15+$0x143D0] =	vst v2;
	v1 =	vmul.f32 v8, v1  }
0xcf: {  	v3 =	vld [tilespmem:s7+$0x18680];
	[tilespmem:s15+$0x143E0] =	vst v6  }
0xd0: {  	v2 =	vld [tilespmem:s7+$0x18700];
	[tilespmem:s15+$0x143F0] =	vst v1;
	s15 =	smov.u32 s7  }
0xd1: {  	v1 =	vld [tilespmem:s15+$0x18780]  }
0xd2: {  	v6 =	vld [tilespmem:s15+$0x14000]  }
0xd3: {  	v8 =	vld [tilespmem:s15+$0x14010]  }
0xd4: {  	v11 =	vld [tilespmem:s15+$0x14020]  }
0xd5: {  	v12 =	vld [tilespmem:s15+$0x14030]  }
0xd6: {  	v13 =	vld [tilespmem:s15+$0x14040]  }
0xd7: {  	v6 =	vmul.f32 v6, v9;
	v14 =	vld [tilespmem:s15+$0x14050]  }
0xd8: {  	v8 =	vmul.f32 v8, v9;
	v15 =	vld [tilespmem:s15+$0x14060]  }
0xd9: {  	[tilespmem:s15+$0x14000] =	vst v6;
	v6 =	vmul.f32 v11, v9;
	v11 =	vld [tilespmem:s15+$0x14070]  }
0xda: {  	[tilespmem:s15+$0x14010] =	vst v8;
	v8 =	vmul.f32 v12, v9;
	v12 =	vld [tilespmem:s15+$0x14080]  }
0xdb: {  	[tilespmem:s15+$0x14020] =	vst v6;
	v6 =	vmul.f32 v13, v9;
	v13 =	vld [tilespmem:s15+$0x14090]  }
0xdc: {  	[tilespmem:s15+$0x14030] =	vst v8;
	v8 =	vmul.f32 v14, v9;
	v14 =	vld [tilespmem:s15+$0x140A0]  }
0xdd: {  	[tilespmem:s15+$0x14040] =	vst v6;
	v6 =	vmul.f32 v15, v9;
	v15 =	vld [tilespmem:s15+$0x140B0]  }
0xde: {  	[tilespmem:s15+$0x14050] =	vst v8;
	v8 =	vmul.f32 v11, v9;
	v9 =	vld [tilespmem:s15+$0x140C0]  }
0xdf: {  	[tilespmem:s15+$0x14060] =	vst v6;
	v6 =	vmul.f32 v12, v7;
	v11 =	vld [tilespmem:s15+$0x140D0]  }
0xe0: {  	[tilespmem:s15+$0x14070] =	vst v8;
	v8 =	vmul.f32 v13, v7;
	v12 =	vld [tilespmem:s15+$0x140E0]  }
0xe1: {  	[tilespmem:s15+$0x14080] =	vst v6;
	v6 =	vmul.f32 v14, v7;
	v13 =	vld [tilespmem:s15+$0x140F0]  }
0xe2: {  	[tilespmem:s15+$0x14090] =	vst v8;
	v8 =	vmul.f32 v15, v7;
	v14 =	vld [tilespmem:s15+$0x14100]  }
0xe3: {  	[tilespmem:s15+$0x140A0] =	vst v6;
	v6 =	vmul.f32 v9, v7;
	v9 =	vld [tilespmem:s15+$0x14110]  }
0xe4: {  	[tilespmem:s15+$0x140B0] =	vst v8;
	v8 =	vmul.f32 v11, v7;
	v11 =	vld [tilespmem:s15+$0x14120]  }
0xe5: {  	[tilespmem:s15+$0x140C0] =	vst v6;
	v6 =	vmul.f32 v12, v7;
	v12 =	vld [tilespmem:s15+$0x14130]  }
0xe6: {  	[tilespmem:s15+$0x140D0] =	vst v8;
	v7 =	vmul.f32 v13, v7;
	v8 =	vld [tilespmem:s15+$0x14140]  }
0xe7: {  	[tilespmem:s15+$0x140E0] =	vst v6;
	v6 =	vmul.f32 v14, v10;
	v13 =	vld [tilespmem:s15+$0x14150]  }
0xe8: {  	[tilespmem:s15+$0x140F0] =	vst v7;
	v7 =	vmul.f32 v9, v10;
	v9 =	vld [tilespmem:s15+$0x14160]  }
0xe9: {  	[tilespmem:s15+$0x14100] =	vst v6;
	v6 =	vmul.f32 v11, v10;
	v11 =	vld [tilespmem:s15+$0x14170]  }
0xea: {  	[tilespmem:s15+$0x14110] =	vst v7;
	v7 =	vmul.f32 v12, v10;
	v12 =	vld [tilespmem:s15+$0x14180]  }
0xeb: {  	[tilespmem:s15+$0x14120] =	vst v6;
	v6 =	vmul.f32 v8, v10;
	v8 =	vld [tilespmem:s15+$0x14190]  }
0xec: {  	[tilespmem:s15+$0x14130] =	vst v7;
	v7 =	vmul.f32 v13, v10;
	v13 =	vld [tilespmem:s15+$0x141A0]  }
0xed: {  	[tilespmem:s15+$0x14140] =	vst v6;
	v6 =	vmul.f32 v9, v10;
	v9 =	vld [tilespmem:s15+$0x141B0]  }
0xee: {  	[tilespmem:s15+$0x14150] =	vst v7;
	v7 =	vmul.f32 v11, v10;
	v10 =	vld [tilespmem:s15+$0x141C0]  }
0xef: {  	[tilespmem:s15+$0x14160] =	vst v6;
	v6 =	vmul.f32 v12, v5;
	v11 =	vld [tilespmem:s15+$0x141D0]  }
0xf0: {  	[tilespmem:s15+$0x14170] =	vst v7;
	v7 =	vmul.f32 v8, v5;
	v8 =	vld [tilespmem:s15+$0x141E0]  }
0xf1: {  	[tilespmem:s15+$0x14180] =	vst v6;
	v6 =	vmul.f32 v13, v5;
	v12 =	vld [tilespmem:s15+$0x141F0]  }
0xf2: {  	[tilespmem:s15+$0x14190] =	vst v7;
	v7 =	vmul.f32 v9, v5;
	v9 =	vld [tilespmem:s15+$0x14200]  }
0xf3: {  	[tilespmem:s15+$0x141A0] =	vst v6;
	v6 =	vmul.f32 v10, v5;
	v10 =	vld [tilespmem:s15+$0x14210]  }
0xf4: {  	[tilespmem:s15+$0x141B0] =	vst v7;
	v7 =	vmul.f32 v11, v5;
	v11 =	vld [tilespmem:s15+$0x14220]  }
0xf5: {  	[tilespmem:s15+$0x141C0] =	vst v6;
	v6 =	vmul.f32 v8, v5;
	v8 =	vld [tilespmem:s15+$0x14230]  }
0xf6: {  	[tilespmem:s15+$0x141D0] =	vst v7;
	v5 =	vmul.f32 v12, v5;
	v7 =	vld [tilespmem:s15+$0x14240]  }
0xf7: {  	[tilespmem:s15+$0x141E0] =	vst v6;
	v6 =	vmul.f32 v9, v4;
	v9 =	vld [tilespmem:s15+$0x14250]  }
0xf8: {  	[tilespmem:s15+$0x141F0] =	vst v5;
	v5 =	vmul.f32 v10, v4;
	v10 =	vld [tilespmem:s15+$0x14260]  }
0xf9: {  	[tilespmem:s15+$0x14200] =	vst v6;
	v6 =	vmul.f32 v11, v4;
	v11 =	vld [tilespmem:s15+$0x14270]  }
0xfa: {  	[tilespmem:s15+$0x14210] =	vst v5;
	v5 =	vmul.f32 v8, v4;
	v8 =	vld [tilespmem:s15+$0x14280]  }
0xfb: {  	[tilespmem:s15+$0x14220] =	vst v6;
	v6 =	vmul.f32 v7, v4;
	v7 =	vld [tilespmem:s15+$0x14290]  }
0xfc: {  	[tilespmem:s15+$0x14230] =	vst v5;
	v5 =	vmul.f32 v9, v4;
	v9 =	vld [tilespmem:s15+$0x142A0]  }
0xfd: {  	[tilespmem:s15+$0x14240] =	vst v6;
	v6 =	vmul.f32 v10, v4;
	v10 =	vld [tilespmem:s15+$0x142B0]  }
0xfe: {  	[tilespmem:s15+$0x14250] =	vst v5;
	v4 =	vmul.f32 v11, v4;
	v5 =	vld [tilespmem:s15+$0x142C0]  }
0xff: {  	[tilespmem:s15+$0x14260] =	vst v6;
	v6 =	vmul.f32 v8, v3;
	v8 =	vld [tilespmem:s15+$0x142D0]  }
0x100: {  	[tilespmem:s15+$0x14270] =	vst v4;
	v4 =	vmul.f32 v7, v3;
	v7 =	vld [tilespmem:s15+$0x142E0]  }
0x101: {  	[tilespmem:s15+$0x14280] =	vst v6;
	v6 =	vmul.f32 v9, v3;
	v9 =	vld [tilespmem:s15+$0x142F0]  }
0x102: {  	[tilespmem:s15+$0x14290] =	vst v4;
	v4 =	vmul.f32 v10, v3;
	v10 =	vld [tilespmem:s15+$0x14300]  }
0x103: {  	[tilespmem:s15+$0x142A0] =	vst v6;
	v5 =	vmul.f32 v5, v3;
	v6 =	vld [tilespmem:s15+$0x14310]  }
0x104: {  	[tilespmem:s15+$0x142B0] =	vst v4;
	v4 =	vmul.f32 v8, v3;
	v8 =	vld [tilespmem:s15+$0x14320]  }
0x105: {  	[tilespmem:s15+$0x142C0] =	vst v5;
	v5 =	vmul.f32 v7, v3;
	v7 =	vld [tilespmem:s15+$0x14330]  }
0x106: {  	[tilespmem:s15+$0x142D0] =	vst v4;
	v3 =	vmul.f32 v9, v3;
	v4 =	vld [tilespmem:s15+$0x14340]  }
0x107: {  	[tilespmem:s15+$0x142E0] =	vst v5;
	v5 =	vmul.f32 v10, v2;
	v9 =	vld [tilespmem:s15+$0x14350]  }
0x108: {  	[tilespmem:s15+$0x142F0] =	vst v3;
	v3 =	vmul.f32 v6, v2;
	v6 =	vld [tilespmem:s15+$0x14360]  }
0x109: {  	[tilespmem:s15+$0x14300] =	vst v5;
	v5 =	vmul.f32 v8, v2;
	v8 =	vld [tilespmem:s15+$0x14370]  }
0x10a: {  	[tilespmem:s15+$0x14310] =	vst v3;
	v3 =	vmul.f32 v7, v2;
	v7 =	vld [tilespmem:s15+$0x14380]  }
0x10b: {  	[tilespmem:s15+$0x14320] =	vst v5;
	v5 =	vmul.f32 v4, v2;
	v10 =	vld [tilespmem:s15+$0x14390]  }
.Ltmp1:
0x10c: {  	[tilespmem:s15+$0x14330] =	vst v3;
	v9 =	vmul.f32 v9, v2;
	v4 =	vld [tilespmem:s15+$0x143A0];
	(pc) =	sbr.rel @p1 .LBB2_5-.Ltmp1, $4  }
0x10d: {  	[tilespmem:s15+$0x14340] =	vst v5;
	v6 =	vmul.f32 v6, v2;
	v3 =	vld [tilespmem:s15+$0x143B0]  }
0x10e: {  	[tilespmem:s15+$0x14350] =	vst v9;
	v9 =	vmul.f32 v8, v2;
	v5 =	vld [tilespmem:s15+$0x143C0]  }
0x10f: {  	[tilespmem:s15+$0x14360] =	vst v6;
	v8 =	vmul.f32 v7, v1;
	v2 =	vld [tilespmem:s15+$0x143D0]  }
0x110: {  	s16 =	sadd.s32 $0x1000, s16;
	[tilespmem:s15+$0x14370] =	vst v9;
	v7 =	vmul.f32 v10, v1;
	v6 =	vld [tilespmem:s15+$0x143E0]  }
0x111: {  	[tilespmem:s15+$0x14380] =	vst v8;
	v4 =	vmul.f32 v4, v1;
	v8 =	vld [tilespmem:s15+$0x143F0]  }
0x112: {  	[tilespmem:s15+$0x14390] =	vst v7;
	v3 =	vmul.f32 v3, v1  }
0x113: {  	[tilespmem:s15+$0x143A0] =	vst v4;
	v4 =	vmul.f32 v5, v1  }
0x114: {  	[tilespmem:s15+$0x143B0] =	vst v3;
	v2 =	vmul.f32 v2, v1  }
0x115: {  	[tilespmem:s15+$0x143C0] =	vst v4;
	v3 =	vmul.f32 v6, v1  }
0x116: {  	[tilespmem:s15+$0x143D0] =	vst v2;
	v1 =	vmul.f32 v8, v1  }
0x117: {  	[tilespmem:s15+$0x143E0] =	vst v3  }
0x118: {  	[tilespmem:s15+$0x143F0] =	vst v1  }
0x119: {  	[spmem:s1] =	stream.indirect.scatter.add.f32 [tilespmem:s30], [sflag:$0x3], $0x80, s0, s11, $0xb8;
	[tilespmem:$0x1C400] =	vst v63  }
0x11a: {  	_ =	swait.ge [sflag:s23], $0x2000  }
0x11b: {  	[sflag:s23] =	ssyncset.done $0x0  }
0x11c: {  	s15 =	simm.s32 $0x0;
	[sflag:s23] =	ssyncadd.s32 $0xFFFFE000  }
0x11d: {  	v4 =	vld [tilespmem:s15+$0x1A400]  }
0x11e: {  	v5 =	vld [tilespmem:s15+$0x1A480]  }
0x11f: {  	v6 =	vld [tilespmem:s15+$0x1A500]  }
0x120: {  	v7 =	vld [tilespmem:s15+$0x1A580]  }
0x121: {  	v8 =	vld [tilespmem:s15+$0x1A600]  }
0x122: {  	v9 =	vld [tilespmem:s15+$0x16000]  }
0x123: {  	v10 =	vld [tilespmem:s15+$0x16010]  }
0x124: {  	v11 =	vld [tilespmem:s15+$0x16020]  }
0x125: {  	v12 =	vld [tilespmem:s15+$0x16030]  }
0x126: {  	v13 =	vld [tilespmem:s15+$0x16040]  }
0x127: {  	v14 =	vld [tilespmem:s15+$0x16050]  }
0x128: {  	v15 =	vld [tilespmem:s15+$0x16060]  }
0x129: {  	v52 =	vld [tilespmem:s15+$0x160A0];
	v9 =	vmul.f32 v9, v4  }
0x12a: {  	v53 =	vld [tilespmem:s15+$0x160B0];
	v10 =	vmul.f32 v10, v4  }
0x12b: {  	v11 =	vmul.f32 v11, v4;
	[tilespmem:s15+$0x16000] =	vst v9;
	v9 =	vld [tilespmem:s15+$0x16070]  }
0x12c: {  	[tilespmem:s15+$0x16010] =	vst v10;
	v10 =	vld [tilespmem:s15+$0x16080]  }
0x12d: {  	v12 =	vmul.f32 v12, v4;
	[tilespmem:s15+$0x16020] =	vst v11;
	v11 =	vld [tilespmem:s15+$0x16090]  }
0x12e: {  	v54 =	vld [tilespmem:s15+$0x160C0];
	v13 =	vmul.f32 v13, v4  }
0x12f: {  	v56 =	vld [tilespmem:s15+$0x16120];
	v14 =	vmul.f32 v14, v4;
	[tilespmem:s15+$0x16030] =	vst v12  }
0x130: {  	v57 =	vld [tilespmem:s15+$0x16130];
	v15 =	vmul.f32 v15, v4;
	[tilespmem:s15+$0x16040] =	vst v13;
	v4 =	vmul.f32 v9, v4  }
0x131: {  	[tilespmem:s15+$0x16050] =	vst v14;
	v9 =	vld [tilespmem:s15+$0x160D0];
	v10 =	vmul.f32 v10, v5  }
0x132: {  	v11 =	vmul.f32 v11, v5;
	[tilespmem:s15+$0x16070] =	vst v4;
	v4 =	vld [tilespmem:s15+$0x160E0]  }
0x133: {  	[tilespmem:s15+$0x16080] =	vst v10;
	v10 =	vld [tilespmem:s15+$0x160F0]  }
0x134: {  	v58 =	vmul.f32 v56, v6;
	[tilespmem:s15+$0x16090] =	vst v11;
	v11 =	vld [tilespmem:s15+$0x16100]  }
0x135: {  	v55 =	vld [tilespmem:s15+$0x16110];
	v59 =	vmul.f32 v57, v6;
	[tilespmem:s15+$0x16060] =	vst v15  }
0x136: {  	v61 =	vld [tilespmem:s15+$0x161A0];
	v12 =	vmul.f32 v52, v5;
	[tilespmem:s15+$0x16120] =	vst v58;
	v9 =	vmul.f32 v9, v5  }
0x137: {  	v3 =	vld [tilespmem:s15+$0x1A680];
	v13 =	vmul.f32 v53, v5;
	[tilespmem:s15+$0x16130] =	vst v59;
	v4 =	vmul.f32 v4, v5  }
0x138: {  	v14 =	vmul.f32 v54, v5;
	[tilespmem:s15+$0x160D0] =	vst v9;
	v9 =	vld [tilespmem:s15+$0x16140];
	v5 =	vmul.f32 v10, v5  }
0x139: {  	v10 =	vmul.f32 v11, v6;
	[tilespmem:s15+$0x160E0] =	vst v4;
	v4 =	vld [tilespmem:s15+$0x16150]  }
0x13a: {  	v11 =	vmul.f32 v55, v6;
	[tilespmem:s15+$0x160F0] =	vst v5;
	v5 =	vld [tilespmem:s15+$0x16160]  }
0x13b: {  	v62 =	vmul.f32 v61, v7;
	[tilespmem:s15+$0x16100] =	vst v10;
	v10 =	vld [tilespmem:s15+$0x16170]  }
0x13c: {  	[tilespmem:s15+$0x16110] =	vst v11;
	v11 =	vld [tilespmem:s15+$0x16180]  }
0x13d: {  	v2 =	vld [tilespmem:s15+$0x1A700];
	[tilespmem:s15+$0x161A0] =	vst v62;
	v9 =	vmul.f32 v9, v6  }
0x13e: {  	v60 =	vld [tilespmem:s15+$0x16190];
	[tilespmem:s15+$0x160A0] =	vst v12;
	v4 =	vmul.f32 v4, v6  }
0x13f: {  	[tilespmem:s15+$0x16140] =	vst v9;
	v9 =	vld [tilespmem:s15+$0x161B0];
	v5 =	vmul.f32 v5, v6  }
0x140: {  	v6 =	vmul.f32 v10, v6;
	[tilespmem:s15+$0x16150] =	vst v4;
	v4 =	vld [tilespmem:s15+$0x161C0]  }
0x141: {  	v10 =	vmul.f32 v11, v7;
	[tilespmem:s15+$0x16160] =	vst v5;
	v5 =	vld [tilespmem:s15+$0x161D0]  }
0x142: {  	[tilespmem:s15+$0x16170] =	vst v6;
	v6 =	vld [tilespmem:s15+$0x161E0]  }
0x143: {  	v11 =	vmul.f32 v60, v7;
	[tilespmem:s15+$0x16180] =	vst v10;
	v10 =	vld [tilespmem:s15+$0x161F0]  }
0x144: {  	v1 =	vld [tilespmem:s15+$0x1A780];
	[tilespmem:s15+$0x160B0] =	vst v13  }
0x145: {  	[tilespmem:s15+$0x16190] =	vst v11;
	v11 =	vld [tilespmem:s15+$0x16200];
	v9 =	vmul.f32 v9, v7  }
0x146: {  	v63 =	vld [tilespmem:s15+$0x16210];
	[tilespmem:s15+$0x160C0] =	vst v14;
	v4 =	vmul.f32 v4, v7  }
0x147: {  	[tilespmem:s15+$0x161B0] =	vst v9;
	v9 =	vld [tilespmem:s15+$0x16220];
	v5 =	vmul.f32 v5, v7  }
0x148: {  	v6 =	vmul.f32 v6, v7;
	v7 =	vmul.f32 v10, v7;
	[tilespmem:s15+$0x161C0] =	vst v4;
	v4 =	vld [tilespmem:s15+$0x16230]  }
0x149: {  	[tilespmem:s15+$0x161D0] =	vst v5;
	v5 =	vld [tilespmem:s15+$0x16240]  }
0x14a: {  	v10 =	vmul.f32 v11, v8;
	[tilespmem:s15+$0x161F0] =	vst v7;
	v7 =	vld [tilespmem:s15+$0x16260]  }
0x14b: {  	v11 =	vmul.f32 v63, v8;
	[tilespmem:s15+$0x161E0] =	vst v6;
	v6 =	vld [tilespmem:s15+$0x16250]  }
0x14c: {  	[tilespmem:s15+$0x16200] =	vst v10;
	v10 =	vld [tilespmem:s15+$0x16270];
	v9 =	vmul.f32 v9, v8  }
0x14d: {  	[tilespmem:s15+$0x16210] =	vst v11;
	v11 =	vld [tilespmem:s15+$0x16280];
	v4 =	vmul.f32 v4, v8  }
0x14e: {  	[tilespmem:s15+$0x16220] =	vst v9;
	v9 =	vld [tilespmem:s15+$0x16290];
	v5 =	vmul.f32 v5, v8  }
0x14f: {  	v7 =	vmul.f32 v7, v8;
	[tilespmem:s15+$0x16230] =	vst v4;
	v4 =	vld [tilespmem:s15+$0x162A0]  }
0x150: {  	v6 =	vmul.f32 v6, v8;
	[tilespmem:s15+$0x16240] =	vst v5;
	v5 =	vld [tilespmem:s15+$0x162B0]  }
0x151: {  	v8 =	vmul.f32 v10, v8;
	[tilespmem:s15+$0x16260] =	vst v7;
	v7 =	vld [tilespmem:s15+$0x162D0]  }
0x152: {  	v10 =	vmul.f32 v11, v3;
	[tilespmem:s15+$0x16250] =	vst v6;
	v6 =	vld [tilespmem:s15+$0x162C0]  }
0x153: {  	[tilespmem:s15+$0x16270] =	vst v8;
	v8 =	vld [tilespmem:s15+$0x162E0];
	v9 =	vmul.f32 v9, v3  }
0x154: {  	[tilespmem:s15+$0x16280] =	vst v10;
	v10 =	vld [tilespmem:s15+$0x162F0];
	v4 =	vmul.f32 v4, v3  }
0x155: {  	[tilespmem:s15+$0x16290] =	vst v9;
	v9 =	vld [tilespmem:s15+$0x16300];
	v5 =	vmul.f32 v5, v3  }
0x156: {  	v7 =	vmul.f32 v7, v3;
	[tilespmem:s15+$0x162A0] =	vst v4;
	v4 =	vld [tilespmem:s15+$0x16310]  }
0x157: {  	v6 =	vmul.f32 v6, v3;
	[tilespmem:s15+$0x162B0] =	vst v5;
	v5 =	vld [tilespmem:s15+$0x16320]  }
0x158: {  	v8 =	vmul.f32 v8, v3;
	[tilespmem:s15+$0x162D0] =	vst v7;
	v7 =	vld [tilespmem:s15+$0x16340]  }
0x159: {  	v3 =	vmul.f32 v10, v3;
	[tilespmem:s15+$0x162C0] =	vst v6;
	v6 =	vld [tilespmem:s15+$0x16330]  }
0x15a: {  	[tilespmem:s15+$0x162E0] =	vst v8;
	v8 =	vld [tilespmem:s15+$0x16350];
	v9 =	vmul.f32 v9, v2  }
0x15b: {  	v10 =	vld [tilespmem:s15+$0x16360];
	[tilespmem:s15+$0x162F0] =	vst v3;
	v3 =	vmul.f32 v4, v2  }
0x15c: {  	[tilespmem:s15+$0x16300] =	vst v9;
	v9 =	vld [tilespmem:s15+$0x16370];
	v4 =	vmul.f32 v5, v2  }
0x15d: {  	v11 =	vld [tilespmem:s15+$0x16380];
	v5 =	vmul.f32 v7, v2;
	[tilespmem:s15+$0x16310] =	vst v3  }
0x15e: {  	v3 =	vmul.f32 v6, v2;
	[tilespmem:s15+$0x16320] =	vst v4;
	v6 =	vld [tilespmem:s15+$0x16390]  }
0x15f: {  	v7 =	vmul.f32 v8, v2;
	v4 =	vld [tilespmem:s15+$0x163A0];
	[tilespmem:s15+$0x16340] =	vst v5  }
0x160: {  	v8 =	vmul.f32 v10, v2;
	[tilespmem:s15+$0x16330] =	vst v3;
	v3 =	vld [tilespmem:s15+$0x163B0]  }
0x161: {  	[tilespmem:s15+$0x16350] =	vst v7;
	v5 =	vld [tilespmem:s15+$0x163C0];
	v7 =	vmul.f32 v9, v2  }
0x162: {  	[tilespmem:s15+$0x16360] =	vst v8;
	v8 =	vmul.f32 v11, v1;
	v2 =	vld [tilespmem:s15+$0x163D0]  }
0x163: {  	s16 =	simm.s32 $0x1000;
	[tilespmem:s15+$0x16370] =	vst v7;
	v7 =	vmul.f32 v6, v1;
	v6 =	vld [tilespmem:s15+$0x163E0]  }
.LBB2_7:
0x164: {  	s7 =	sshra.s32 s16, $0x2;
	p1 =	sne.s32 s16, $0x7000;
	[tilespmem:s15+$0x16380] =	vst v8;
	v4 =	vmul.f32 v4, v1;
	v8 =	vld [tilespmem:s15+$0x163F0]  }
0x165: {  	v9 =	vld [tilespmem:s7+$0x1A400];
	[tilespmem:s15+$0x16390] =	vst v7;
	v3 =	vmul.f32 v3, v1  }
0x166: {  	v7 =	vld [tilespmem:s7+$0x1A480];
	[tilespmem:s15+$0x163A0] =	vst v4;
	v4 =	vmul.f32 v5, v1  }
0x167: {  	v10 =	vld [tilespmem:s7+$0x1A500];
	[tilespmem:s15+$0x163B0] =	vst v3;
	v2 =	vmul.f32 v2, v1  }
0x168: {  	v5 =	vld [tilespmem:s7+$0x1A580];
	[tilespmem:s15+$0x163C0] =	vst v4;
	v6 =	vmul.f32 v6, v1  }
0x169: {  	v4 =	vld [tilespmem:s7+$0x1A600];
	[tilespmem:s15+$0x163D0] =	vst v2;
	v1 =	vmul.f32 v8, v1  }
0x16a: {  	v3 =	vld [tilespmem:s7+$0x1A680];
	[tilespmem:s15+$0x163E0] =	vst v6  }
0x16b: {  	v2 =	vld [tilespmem:s7+$0x1A700];
	[tilespmem:s15+$0x163F0] =	vst v1;
	s15 =	smov.u32 s7  }
0x16c: {  	v1 =	vld [tilespmem:s15+$0x1A780]  }
0x16d: {  	v6 =	vld [tilespmem:s15+$0x16000]  }
0x16e: {  	v8 =	vld [tilespmem:s15+$0x16010]  }
0x16f: {  	v11 =	vld [tilespmem:s15+$0x16020]  }
0x170: {  	v12 =	vld [tilespmem:s15+$0x16030]  }
0x171: {  	v13 =	vld [tilespmem:s15+$0x16040]  }
0x172: {  	v6 =	vmul.f32 v6, v9;
	v14 =	vld [tilespmem:s15+$0x16050]  }
0x173: {  	v8 =	vmul.f32 v8, v9;
	v15 =	vld [tilespmem:s15+$0x16060]  }
0x174: {  	[tilespmem:s15+$0x16000] =	vst v6;
	v6 =	vmul.f32 v11, v9;
	v11 =	vld [tilespmem:s15+$0x16070]  }
0x175: {  	[tilespmem:s15+$0x16010] =	vst v8;
	v8 =	vmul.f32 v12, v9;
	v12 =	vld [tilespmem:s15+$0x16080]  }
0x176: {  	[tilespmem:s15+$0x16020] =	vst v6;
	v6 =	vmul.f32 v13, v9;
	v13 =	vld [tilespmem:s15+$0x16090]  }
0x177: {  	[tilespmem:s15+$0x16030] =	vst v8;
	v8 =	vmul.f32 v14, v9;
	v14 =	vld [tilespmem:s15+$0x160A0]  }
0x178: {  	[tilespmem:s15+$0x16040] =	vst v6;
	v6 =	vmul.f32 v15, v9;
	v15 =	vld [tilespmem:s15+$0x160B0]  }
0x179: {  	[tilespmem:s15+$0x16050] =	vst v8;
	v8 =	vmul.f32 v11, v9;
	v9 =	vld [tilespmem:s15+$0x160C0]  }
0x17a: {  	[tilespmem:s15+$0x16060] =	vst v6;
	v6 =	vmul.f32 v12, v7;
	v11 =	vld [tilespmem:s15+$0x160D0]  }
0x17b: {  	[tilespmem:s15+$0x16070] =	vst v8;
	v8 =	vmul.f32 v13, v7;
	v12 =	vld [tilespmem:s15+$0x160E0]  }
0x17c: {  	[tilespmem:s15+$0x16080] =	vst v6;
	v6 =	vmul.f32 v14, v7;
	v13 =	vld [tilespmem:s15+$0x160F0]  }
0x17d: {  	[tilespmem:s15+$0x16090] =	vst v8;
	v8 =	vmul.f32 v15, v7;
	v14 =	vld [tilespmem:s15+$0x16100]  }
0x17e: {  	[tilespmem:s15+$0x160A0] =	vst v6;
	v6 =	vmul.f32 v9, v7;
	v9 =	vld [tilespmem:s15+$0x16110]  }
0x17f: {  	[tilespmem:s15+$0x160B0] =	vst v8;
	v8 =	vmul.f32 v11, v7;
	v11 =	vld [tilespmem:s15+$0x16120]  }
0x180: {  	[tilespmem:s15+$0x160C0] =	vst v6;
	v6 =	vmul.f32 v12, v7;
	v12 =	vld [tilespmem:s15+$0x16130]  }
0x181: {  	[tilespmem:s15+$0x160D0] =	vst v8;
	v7 =	vmul.f32 v13, v7;
	v8 =	vld [tilespmem:s15+$0x16140]  }
0x182: {  	[tilespmem:s15+$0x160E0] =	vst v6;
	v6 =	vmul.f32 v14, v10;
	v13 =	vld [tilespmem:s15+$0x16150]  }
0x183: {  	[tilespmem:s15+$0x160F0] =	vst v7;
	v7 =	vmul.f32 v9, v10;
	v9 =	vld [tilespmem:s15+$0x16160]  }
0x184: {  	[tilespmem:s15+$0x16100] =	vst v6;
	v6 =	vmul.f32 v11, v10;
	v11 =	vld [tilespmem:s15+$0x16170]  }
0x185: {  	[tilespmem:s15+$0x16110] =	vst v7;
	v7 =	vmul.f32 v12, v10;
	v12 =	vld [tilespmem:s15+$0x16180]  }
0x186: {  	[tilespmem:s15+$0x16120] =	vst v6;
	v6 =	vmul.f32 v8, v10;
	v8 =	vld [tilespmem:s15+$0x16190]  }
0x187: {  	[tilespmem:s15+$0x16130] =	vst v7;
	v7 =	vmul.f32 v13, v10;
	v13 =	vld [tilespmem:s15+$0x161A0]  }
0x188: {  	[tilespmem:s15+$0x16140] =	vst v6;
	v6 =	vmul.f32 v9, v10;
	v9 =	vld [tilespmem:s15+$0x161B0]  }
0x189: {  	[tilespmem:s15+$0x16150] =	vst v7;
	v7 =	vmul.f32 v11, v10;
	v10 =	vld [tilespmem:s15+$0x161C0]  }
0x18a: {  	[tilespmem:s15+$0x16160] =	vst v6;
	v6 =	vmul.f32 v12, v5;
	v11 =	vld [tilespmem:s15+$0x161D0]  }
0x18b: {  	[tilespmem:s15+$0x16170] =	vst v7;
	v7 =	vmul.f32 v8, v5;
	v8 =	vld [tilespmem:s15+$0x161E0]  }
0x18c: {  	[tilespmem:s15+$0x16180] =	vst v6;
	v6 =	vmul.f32 v13, v5;
	v12 =	vld [tilespmem:s15+$0x161F0]  }
0x18d: {  	[tilespmem:s15+$0x16190] =	vst v7;
	v7 =	vmul.f32 v9, v5;
	v9 =	vld [tilespmem:s15+$0x16200]  }
0x18e: {  	[tilespmem:s15+$0x161A0] =	vst v6;
	v6 =	vmul.f32 v10, v5;
	v10 =	vld [tilespmem:s15+$0x16210]  }
0x18f: {  	[tilespmem:s15+$0x161B0] =	vst v7;
	v7 =	vmul.f32 v11, v5;
	v11 =	vld [tilespmem:s15+$0x16220]  }
0x190: {  	[tilespmem:s15+$0x161C0] =	vst v6;
	v6 =	vmul.f32 v8, v5;
	v8 =	vld [tilespmem:s15+$0x16230]  }
0x191: {  	[tilespmem:s15+$0x161D0] =	vst v7;
	v5 =	vmul.f32 v12, v5;
	v7 =	vld [tilespmem:s15+$0x16240]  }
0x192: {  	[tilespmem:s15+$0x161E0] =	vst v6;
	v6 =	vmul.f32 v9, v4;
	v9 =	vld [tilespmem:s15+$0x16250]  }
0x193: {  	[tilespmem:s15+$0x161F0] =	vst v5;
	v5 =	vmul.f32 v10, v4;
	v10 =	vld [tilespmem:s15+$0x16260]  }
0x194: {  	[tilespmem:s15+$0x16200] =	vst v6;
	v6 =	vmul.f32 v11, v4;
	v11 =	vld [tilespmem:s15+$0x16270]  }
0x195: {  	[tilespmem:s15+$0x16210] =	vst v5;
	v5 =	vmul.f32 v8, v4;
	v8 =	vld [tilespmem:s15+$0x16280]  }
0x196: {  	[tilespmem:s15+$0x16220] =	vst v6;
	v6 =	vmul.f32 v7, v4;
	v7 =	vld [tilespmem:s15+$0x16290]  }
0x197: {  	[tilespmem:s15+$0x16230] =	vst v5;
	v5 =	vmul.f32 v9, v4;
	v9 =	vld [tilespmem:s15+$0x162A0]  }
0x198: {  	[tilespmem:s15+$0x16240] =	vst v6;
	v6 =	vmul.f32 v10, v4;
	v10 =	vld [tilespmem:s15+$0x162B0]  }
0x199: {  	[tilespmem:s15+$0x16250] =	vst v5;
	v4 =	vmul.f32 v11, v4;
	v5 =	vld [tilespmem:s15+$0x162C0]  }
0x19a: {  	[tilespmem:s15+$0x16260] =	vst v6;
	v6 =	vmul.f32 v8, v3;
	v8 =	vld [tilespmem:s15+$0x162D0]  }
0x19b: {  	[tilespmem:s15+$0x16270] =	vst v4;
	v4 =	vmul.f32 v7, v3;
	v7 =	vld [tilespmem:s15+$0x162E0]  }
0x19c: {  	[tilespmem:s15+$0x16280] =	vst v6;
	v6 =	vmul.f32 v9, v3;
	v9 =	vld [tilespmem:s15+$0x162F0]  }
0x19d: {  	[tilespmem:s15+$0x16290] =	vst v4;
	v4 =	vmul.f32 v10, v3;
	v10 =	vld [tilespmem:s15+$0x16300]  }
0x19e: {  	[tilespmem:s15+$0x162A0] =	vst v6;
	v5 =	vmul.f32 v5, v3;
	v6 =	vld [tilespmem:s15+$0x16310]  }
0x19f: {  	[tilespmem:s15+$0x162B0] =	vst v4;
	v4 =	vmul.f32 v8, v3;
	v8 =	vld [tilespmem:s15+$0x16320]  }
0x1a0: {  	[tilespmem:s15+$0x162C0] =	vst v5;
	v5 =	vmul.f32 v7, v3;
	v7 =	vld [tilespmem:s15+$0x16330]  }
0x1a1: {  	[tilespmem:s15+$0x162D0] =	vst v4;
	v3 =	vmul.f32 v9, v3;
	v4 =	vld [tilespmem:s15+$0x16340]  }
0x1a2: {  	[tilespmem:s15+$0x162E0] =	vst v5;
	v5 =	vmul.f32 v10, v2;
	v9 =	vld [tilespmem:s15+$0x16350]  }
0x1a3: {  	[tilespmem:s15+$0x162F0] =	vst v3;
	v3 =	vmul.f32 v6, v2;
	v6 =	vld [tilespmem:s15+$0x16360]  }
0x1a4: {  	[tilespmem:s15+$0x16300] =	vst v5;
	v5 =	vmul.f32 v8, v2;
	v8 =	vld [tilespmem:s15+$0x16370]  }
0x1a5: {  	[tilespmem:s15+$0x16310] =	vst v3;
	v3 =	vmul.f32 v7, v2;
	v7 =	vld [tilespmem:s15+$0x16380]  }
0x1a6: {  	[tilespmem:s15+$0x16320] =	vst v5;
	v5 =	vmul.f32 v4, v2;
	v10 =	vld [tilespmem:s15+$0x16390]  }
.Ltmp2:
0x1a7: {  	[tilespmem:s15+$0x16330] =	vst v3;
	v9 =	vmul.f32 v9, v2;
	v4 =	vld [tilespmem:s15+$0x163A0];
	(pc) =	sbr.rel @p1 .LBB2_7-.Ltmp2, $4  }
0x1a8: {  	[tilespmem:s15+$0x16340] =	vst v5;
	v6 =	vmul.f32 v6, v2;
	v3 =	vld [tilespmem:s15+$0x163B0]  }
0x1a9: {  	[tilespmem:s15+$0x16350] =	vst v9;
	v9 =	vmul.f32 v8, v2;
	v5 =	vld [tilespmem:s15+$0x163C0]  }
0x1aa: {  	[tilespmem:s15+$0x16360] =	vst v6;
	v8 =	vmul.f32 v7, v1;
	v2 =	vld [tilespmem:s15+$0x163D0]  }
0x1ab: {  	s16 =	sadd.s32 $0x1000, s16;
	[tilespmem:s15+$0x16370] =	vst v9;
	v7 =	vmul.f32 v10, v1;
	v6 =	vld [tilespmem:s15+$0x163E0]  }
0x1ac: {  	[tilespmem:s15+$0x16380] =	vst v8;
	v4 =	vmul.f32 v4, v1;
	v62 =	vld [tilespmem:s15+$0x163F0]  }
0x1ad: {  	[tilespmem:s15+$0x16390] =	vst v7;
	v3 =	vmul.f32 v3, v1  }
0x1ae: {  	[tilespmem:s15+$0x163A0] =	vst v4;
	v63 =	vmul.f32 v5, v1  }
0x1af: {  	[tilespmem:s15+$0x163B0] =	vst v3;
	v2 =	vmul.f32 v2, v1  }
0x1b0: {  	[tilespmem:s15+$0x163C0] =	vst v63;
	v3 =	vmul.f32 v6, v1  }
0x1b1: {  	[tilespmem:s15+$0x163D0] =	vst v2;
	v1 =	vmul.f32 v62, v1  }
0x1b2: {  	p1 =	seq.s32 s26, $0x4E;
	[tilespmem:s15+$0x163E0] =	vst v3  }
0x1b3: {  	s7 =	simm.s32 @!p1 $0x3;
	[tilespmem:s15+$0x163F0] =	vst v1  }
0x1b4: {  	[spmem:s1] =	stream.indirect.scatter.add.f32 [tilespmem:s17], [sflag:$0x4], $0x80, s12, s11, $0xb8;
	[tilespmem:$0x1C400] =	vst v63  }
0x1b5: {  	s15 =	sadd.s32 @!p1 $0x2, s28;
	_ =	swait.ge @!p1 [sflag:s7], $0x2000  }
0x1b6: {  	s16 =	sshll.u32 @!p1 s15, $0x6;
	[sflag:s7] =	ssyncset.done @!p1 $0x0  }
0x1b7: {  	[sflag:s7] =	ssyncadd.s32 @!p1 $0xFFFFE000;
	s7 =	sand.u32 @!p1 $0x1FFFFF80, s16  }
0x1b8: {  	s19 =	simm.s32 @!p1 $0x18000;
	s16 =	simm.s32 @!p1 $0x0;
	s7 =	sadd.s32 @!p1 s5, s7  }
0x1b9: {  	[tilespmem:s19], [sflag:$0x5] =	stream.linear.gather @!p1 [hbm4b:s7+s16], $0x180, $0x38;
	[tilespmem:$0x1C400] =	vst v63  }
0x1ba: {  	s7 =	simm.s32 @!p1 $0x5  }
0x1bb: {  	s15 =	sshll.u32 @!p1 s15, $0xA;
	_ =	swait.ge @!p1 [sflag:s7], $0x180  }
0x1bc: {  	s15 =	sand.u32 @!p1 $0x1FFFF800, s15;
	[sflag:s7] =	ssyncset.done @!p1 $0x0  }
0x1bd: {  	s15 =	sadd.s32 @!p1 s6, s15;
	s19 =	simm.s32 @!p1 $0x18400;
	[sflag:s7] =	ssyncadd.s32 @!p1 $0xFFFFFE80  }
0x1be: {  	[tilespmem:s19], [sflag:$0x5] =	stream.linear.gather @!p1 [hbm4b:s15+s16], $0x2000, $0x38;
	[tilespmem:$0x1C400] =	vst v63  }
0x1bf: {  	s26 =	sadd.s32 @!p1 $0x1, s26;
	_ =	swait.ge @!p1 [sflag:s7], $0x2000  }
0x1c0: {  	p2 =	sne.s32 @!p1 s26, $0x4F;
	s15 =	simm.s32 @!p1 $0x18080;
	[sflag:s7] =	ssyncset.done @!p1 $0x0  }
0x1c1: {  	s16 =	simm.s32 @!p1 $0x14000;
	[sflag:s7] =	ssyncadd.s32 @!p1 $0xFFFFE000;
	s7 =	simm.s32 @!p1 $0x40  }
0x1c2: {  	[tilespmem:s16], [sflag:$0x1] =	stream.indirect.gather @!p1 [hbm4b:s4+s7], $0x80, s15, s7, $0xb8;
	[tilespmem:$0x1C400] =	vst v63  }
0x1c3: {  	p1 =	por p1, !p2  }
.Ltmp3:
0x1c4: {  	_ = 	snop;
	(pc) =	sbr.rel @!p1 .LBB2_4-.Ltmp3, $1  }
0x1c5: {  	_ =	sdelay $0x3  }
0x1c6: {  	s2 =	simm.s32 $0x3  }
0x1c7: {  	_ =	swait.ge [sflag:s2], $0x2000  }
0x1c8: {  	[sflag:s2] =	ssyncset.done $0x0  }
0x1c9: {  	s21 =	simm.s32 $0x4;
	[sflag:s2] =	ssyncadd.s32 $0xFFFFE000  }
0x1ca: {  	_ =	swait.ge [sflag:s21], $0x2000  }
0x1cb: {  	[sflag:s21] =	ssyncset.done $0x0  }
0x1cc: {  	[sflag:s21] =	ssyncadd.s32 $0xFFFFE000  }
0x1cd: {  	[bflag:$0x0] =	sbarrier.arrive $0xFFFF  }
0x1ce: {  	s21 =	sld [smem:$0x7FD]  }
0x1cf: {  	s19 =	stileid.u32  }
0x1d0: {  	s15 =	simm.s32 @p0 $0x5;
	s2 =	sshll.u32 @p0 s19, $0x6  }
0x1d1: {  	s16 =	sor.u32 @p0 $0x1C05, s2;
	s2 =	sshrl.u32 @p0 s9, $0x3;
	s7 =	sadd.s32 @p0 s8, s21  }
0x1d2: {  	[hbm:s7], [sflag:s16] =	dma.local @p0 [spmem:s2], $0x400  }
0x1d3: {  	s26 =	simm.s32 @!p0 $0x6;
	s2 =	sshll.u32 @!p0 s19, $0x6;
	_ =	swait.ge @p0 [sflag:s15], $0x400  }
0x1d4: {  	s7 =	sadd.s32 @!p0 s18, s21;
	s19 =	sshll.u32 s19, $0x6;
	[sflag:s15] =	ssyncset.done @p0 $0x0  }
0x1d5: {  	s28 =	sor.u32 @!p0 $0x1C06, s2;
	s2 =	sshrl.u32 @!p0 s9, $0x3;
	[sflag:s15] =	ssyncadd.s32 @p0 $0xFFFFFC00  }
0x1d6: {  	[hbm:s7], [sflag:s28] =	dma.local @!p0 [spmem:s2], $0x400  }
0x1d7: {  	s2 =	simm.s32 @!p0 $0x6;
	s7 =	smov.u32 s18;
	_ =	swait.ge @!p0 [sflag:s26], $0x400  }
0x1d8: {  	s2 =	simm.s32 @p0 $0x5;
	s7 =	smov.u32 @p0 s8;
	[sflag:s26] =	ssyncset.done @!p0 $0x0  }
0x1d9: {  	s19 =	sadd.s32 s2, s19;
	s22 =	rddreg [dreg:$0x6];
	[sflag:s26] =	ssyncadd.s32 @!p0 $0xFFFFFC00  }
0x1da: {  	s21 =	sadd.s32 s7, s22;
	s19 =	sadd.s32 $0x1C00, s19;
	s22 =	rddreg [dreg:$0x13]  }
0x1db: {  	[hbm:s21], [sflag:s19] =	dma.local [spmem:s22], $0x400  }
0x1dc: {  	_ =	swait.ge [sflag:s2], $0x400  }
0x1dd: {  	s29 =	rddreg [dreg:$0x8]  }
0x1de: {  	[sflag:s2] =	ssyncset.done $0x0;
	s25 =	rddreg [dreg:$0x7]  }
0x1df: {  	[sflag:s2] =	ssyncadd.s32 $0xFFFFFC00;
	s21 =	sadd.s32 @p0 s8, s29;
	s22 =	sshrl.u32 @p0 s25, $0x3  }
0x1e0: {  	[hbm:s21], [sflag:s16] =	dma.local @p0 [spmem:s22], $0x400  }
0x1e1: {  	_ =	swait.ge @p0 [sflag:s15], $0x400  }
0x1e2: {  	[sflag:s15] =	ssyncset.done @p0 $0x0  }
0x1e3: {  	s21 =	sadd.s32 @!p0 s18, s29;
	s22 =	sshrl.u32 @!p0 s25, $0x3;
	[sflag:s15] =	ssyncadd.s32 @p0 $0xFFFFFC00  }
0x1e4: {  	[hbm:s21], [sflag:s28] =	dma.local @!p0 [spmem:s22], $0x400  }
0x1e5: {  	_ =	swait.ge @!p0 [sflag:s26], $0x400  }
0x1e6: {  	[sflag:s26] =	ssyncset.done @!p0 $0x0;
	s25 =	rddreg [dreg:$0x9]  }
0x1e7: {  	s29 =	rddreg [dreg:$0x14];
	[sflag:s26] =	ssyncadd.s32 @!p0 $0xFFFFFC00;
	s21 =	sadd.s32 s7, s25  }
0x1e8: {  	[hbm:s21], [sflag:s19] =	dma.local [spmem:s29], $0x400  }
0x1e9: {  	_ =	swait.ge [sflag:s2], $0x400  }
0x1ea: {  	s29 =	rddreg [dreg:$0xb]  }
0x1eb: {  	[sflag:s2] =	ssyncset.done $0x0;
	s25 =	rddreg [dreg:$0xa]  }
0x1ec: {  	[sflag:s2] =	ssyncadd.s32 $0xFFFFFC00;
	s21 =	sadd.s32 @p0 s8, s29;
	s22 =	sshrl.u32 @p0 s25, $0x3  }
0x1ed: {  	[hbm:s21], [sflag:s16] =	dma.local @p0 [spmem:s22], $0x400  }
0x1ee: {  	_ =	swait.ge @p0 [sflag:s15], $0x400  }
0x1ef: {  	[sflag:s15] =	ssyncset.done @p0 $0x0  }
0x1f0: {  	s21 =	sadd.s32 @!p0 s18, s29;
	s22 =	sshrl.u32 @!p0 s25, $0x3;
	[sflag:s15] =	ssyncadd.s32 @p0 $0xFFFFFC00  }
0x1f1: {  	[hbm:s21], [sflag:s28] =	dma.local @!p0 [spmem:s22], $0x400  }
0x1f2: {  	_ =	swait.ge @!p0 [sflag:s26], $0x400  }
0x1f3: {  	[sflag:s26] =	ssyncset.done @!p0 $0x0;
	s25 =	rddreg [dreg:$0xc]  }
0x1f4: {  	s29 =	rddreg [dreg:$0x15];
	[sflag:s26] =	ssyncadd.s32 @!p0 $0xFFFFFC00;
	s21 =	sadd.s32 s7, s25  }
0x1f5: {  	[hbm:s21], [sflag:s19] =	dma.local [spmem:s29], $0x400  }
0x1f6: {  	_ =	swait.ge [sflag:s2], $0x400  }
0x1f7: {  	s29 =	rddreg [dreg:$0xe]  }
0x1f8: {  	[sflag:s2] =	ssyncset.done $0x0;
	s25 =	rddreg [dreg:$0xd]  }
0x1f9: {  	[sflag:s2] =	ssyncadd.s32 $0xFFFFFC00;
	s21 =	sadd.s32 @p0 s8, s29;
	s22 =	sshrl.u32 @p0 s25, $0x3  }
0x1fa: {  	[hbm:s21], [sflag:s16] =	dma.local @p0 [spmem:s22], $0x400  }
0x1fb: {  	_ =	swait.ge @p0 [sflag:s15], $0x400  }
0x1fc: {  	[sflag:s15] =	ssyncset.done @p0 $0x0  }
0x1fd: {  	s21 =	sadd.s32 @!p0 s18, s29;
	s22 =	sshrl.u32 @!p0 s25, $0x3;
	[sflag:s15] =	ssyncadd.s32 @p0 $0xFFFFFC00  }
0x1fe: {  	[hbm:s21], [sflag:s28] =	dma.local @!p0 [spmem:s22], $0x400  }
0x1ff: {  	_ =	swait.ge @!p0 [sflag:s26], $0x400  }
0x200: {  	[sflag:s26] =	ssyncset.done @!p0 $0x0;
	s22 =	rddreg [dreg:$0xf]  }
0x201: {  	s25 =	rddreg [dreg:$0x16];
	[sflag:s26] =	ssyncadd.s32 @!p0 $0xFFFFFC00;
	s21 =	sadd.s32 s7, s22  }
0x202: {  	[hbm:s21], [sflag:s19] =	dma.local [spmem:s25], $0x400  }
0x203: {  	_ =	swait.ge [sflag:s2], $0x400  }
0x204: {  	s29 =	rddreg [dreg:$0x11]  }
0x205: {  	[sflag:s2] =	ssyncset.done $0x0;
	s25 =	rddreg [dreg:$0x10]  }
0x206: {  	[sflag:s2] =	ssyncadd.s32 $0xFFFFFC00;
	s21 =	sadd.s32 @p0 s8, s29;
	s22 =	sshrl.u32 @p0 s25, $0x3  }
0x207: {  	[hbm:s21], [sflag:s16] =	dma.local @p0 [spmem:s22], $0x400  }
0x208: {  	_ =	swait.ge @p0 [sflag:s15], $0x400  }
0x209: {  	[sflag:s15] =	ssyncset.done @p0 $0x0  }
0x20a: {  	s16 =	sshrl.u32 @!p0 s25, $0x3;
	[sflag:s15] =	ssyncadd.s32 @p0 $0xFFFFFC00;
	s15 =	sadd.s32 @!p0 s18, s29  }
0x20b: {  	[hbm:s15], [sflag:s28] =	dma.local @!p0 [spmem:s16], $0x400  }
0x20c: {  	_ =	swait.ge @!p0 [sflag:s26], $0x400  }
0x20d: {  	[sflag:s26] =	ssyncset.done @!p0 $0x0  }
0x20e: {  	[sflag:s26] =	ssyncadd.s32 @!p0 $0xFFFFFC00;
	s26 =	rddreg [dreg:$0x12]  }
0x20f: {  	s28 =	rddreg [dreg:$0x17];
	s7 =	sadd.s32 s7, s26  }
0x210: {  	[hbm:s7], [sflag:s19] =	dma.local [spmem:s28], $0x400  }
0x211: {  	_ =	swait.ge [sflag:s2], $0x400  }
0x212: {  	s3 =	sadd.s32 $0x1, s3;
	s29 =	rddreg [dreg:$0x5]  }
0x213: {  	p1 =	sne.s32 s3, s29  }
.Ltmp4:
0x214: {  	_ = 	snop;
	(pc) =	sbr.rel @p1 .LBB2_1-.Ltmp4, $3  }
0x215: {  	_ =	sdelay $0x1  }
0x216: {  	[sflag:s2] =	ssyncset.done $0x0  }
0x217: {  	[sflag:s2] =	ssyncadd.s32 $0xFFFFFC00  }
0x218: {  	_ =	sfence.sel $0x180000  }
0x219: {  	[bflag:$0x0] =	sbarrier.arrive $0xFFFF  }
0x21a: {  	_ =	strace $0x9000004A  }
0x21b: {  	[bflag:$0x2] =	sbarrier.arrive $0xFFFF  }
0x21c: {  	p0 =	sne.s32 s24, $0x0;
	s0 =	rddreg [dreg:$0x2]  }
0x21d: {  	s0 =	sadd.s32 @!p0 $0x100000, s0  }
0x21e: {  	[sflag:s0] =	ssyncadd.tile.s32 @!p0 $0x1;
	_ =	shalt  }
.Lfunc_end2:
_tile_overlayer_lowered:
.L_overlay_start_2:
0x21f: {  	(tag) =	ssettag $0x2  }
0x220: {  	s0 =	rddreg [dreg:$0x0];
	s2 =	stileid.u32  }
0x221: {  	s1 =	rddreg [dreg:$0x1];
	p0 =	sne.s32 s2, $0x0  }
0x222: {  	s3 =	rddreg [dreg:$0x2];
	[bflag:$0x3] =	sbarrier.arrive $0xFFFF;
	s2 =	simm.s32 @!p0 $0x1C05  }
0x223: {  	[timem:s3], [sflag:s2] =	dma.local @!p0 [hbm:s0], s1  }
0x224: {  	s0 =	simm.s32 @!p0 $0x5  }
0x225: {  	_ =	swait.ge @!p0 [sflag:s0], s1  }
0x226: {  	s1 =	ssub.s32 @!p0 $0x0, s1;
	[sflag:s0] =	ssyncset.done @!p0 $0x0  }
0x227: {  	[sflag:s0] =	ssyncadd.s32 @!p0 s1  }
0x228: {  	[bflag:$0x3] =	sbarrier.arrive $0xFFFF  }
0x229: {  	_ =	shalt  }

// kernel: kernel.7.cloned.1.call-start
scs
__scs_entry_jumppad:
0x0: {  	(pc) =	sbr.rel $0x88, $3  }
0x1: {  	(tag) =	ssettag $0x0;
	lr =	simm.s32 $0x1  }
0x2: {  	[smem:$0x3F91] =	sst lr;
	_ =	strace $0xD0000000  }
0x3: {  	_ = 	snop  }
0x4: {  	_ = 	snop  }
0x5: {  	_ = 	snop  }
0x6: {  	_ = 	snop  }
0x7: {  	_ = 	snop  }
__scs_overlays_trampoline_lowered:
0x8: {  	[smem:$0x3FA0] =	sst s0  }
0x9: {  	[smem:$0x3FA1] =	sst s1  }
0xa: {  	[smem:$0x3FA2] =	sst s2  }
0xb: {  	[smem:$0x3FA3] =	sst s3  }
0xc: {  	[smem:$0x3FA4] =	sst s4  }
0xd: {  	[smem:$0x3FA5] =	sst s5  }
0xe: {  	[smem:$0x3FA6] =	sst s6  }
0xf: {  	[smem:$0x3FA7] =	sst s7  }
0x10: {  	[smem:$0x3FA8] =	sst s8  }
0x11: {  	[smem:$0x3FA9] =	sst s9;
	s0 =	simm.s32 @!p0 $0x0  }
0x12: {  	s1 =	sld [smem:$0x3F8F];
	s0 =	simm.s32 @p0 $0x1  }
0x13: {  	[smem:$0x3FAA] =	sst s0;
	s0 =	simm.s32 @!p1 $0x0  }
0x14: {  	s2 =	sld [smem:$0x3F8E];
	s0 =	simm.s32 @p1 $0x1  }
0x15: {  	[smem:$0x3FAB] =	sst s0;
	s0 =	simm.s32 @!p2 $0x0  }
0x16: {  	s3 =	sld [smem:$0x3FDB];
	s0 =	simm.s32 @p2 $0x1  }
0x17: {  	s4 =	simm.s32 $0x1BF5;
	[smem:$0x3FAD] =	sst s0  }
0x18: {  	s0 =	sld [smem:$0x3F90];
	_ =	swait.ge [sflag:s4], $0x0  }
0x19: {  	s7 =	sld [smem:$0x3F91]  }
0x1a: {  	s8 =	sadd.s32 $0xFFFFE003, lr  }
0x1b: {  	s9 =	sadd.s32 $0xFFFFFEF7, lr;
	s5 =	simm.s32 $0xFFFFFFFF;
	p2 =	slt.u32 s8, $0xFFFFF086  }
0x1c: {  	p1 =	slt.u32 s9, $0xF7A;
	s5 =	simm.s32 @!p2 $0x0  }
0x1d: {  	s5 =	simm.s32 @p1 $0x1;
	p0 =	seq.s32 s7, s2  }
0x1e: {  	s7 =	smul.u32 @!p0 $0xF7A, s2;
	p2 =	seq.s32 @!p0 s5, $0x0  }
0x1f: {  	s9 =	smul.u32 $0xF7A, s1;
	s8 =	simm.s32 @!p0 $0x1BF5;
	p2 =	por !p2, p0  }
0x20: {  	[sflag:s8] =	ssyncset.s32 @!p0 $0xFFFFF086;
	s6 =	sadd.s32 @!p0 s3, s7;
	s7 =	simm.s32 @!p0 $0x108  }
0x21: {  	s3 =	sadd.s32 s3, s9;
	s6 =	sadd.s32 @!p0 $0x88, s6;
	s7 =	simm.s32 @p2 $0x1082  }
0x22: {  	[simem:s7], [sflag:s8] =	dma.local @!p0 [hbm:s6], $0xF7A  }
0x23: {  	s9 =	sor.u32 $0xD0000000, s2;
	s6 =	simm.s32 $0x108;
	_ =	swait.ge @!p0 [sflag:s8], $0x0  }
0x24: {  	s3 =	sadd.s32 $0x88, s3;
	s6 =	simm.s32 @!p1 $0x1082;
	[sflag:s4] =	ssyncset.s32 $0xFFFFF086  }
0x25: {  	[simem:s6], [sflag:s4] =	dma.local [hbm:s3], $0xF7A  }
0x26: {  	[smem:$0x3F91] =	sst s1;
	(tag) =	ssettag s2;
	_ =	strace s9  }
0x27: {  	s1 =	sld [smem:$0x3FA1]  }
0x28: {  	s2 =	sld [smem:$0x3FA2]  }
0x29: {  	s4 =	sld [smem:$0x3FA4]  }
0x2a: {  	p0 =	seq.s32 s5, $0x0;
	s5 =	sld [smem:$0x3FA5]  }
0x2b: {  	s6 =	sld [smem:$0x3FA6]  }
0x2c: {  	s7 =	sld [smem:$0x3FA7]  }
0x2d: {  	s3 =	simm.s32 $0x108;
	s8 =	sld [smem:$0x3FA8]  }
0x2e: {  	s3 =	simm.s32 @!p0 $0x1082;
	s9 =	sld [smem:$0x3FA9]  }
0x2f: {  	lr =	sadd.s32 s0, s3;
	s0 =	sld [smem:$0x3FA0]  }
0x30: {  	s3 =	sld [smem:$0x3FA3]  }
0x31: {  	[smem:$0x3FAC] =	sst s10  }
0x32: {  	s10 =	sld [smem:$0x3FAA];
	_ =	sdelay $0x3  }
0x33: {  	p0 =	seq.s32 s10, $0x1;
	s10 =	sld [smem:$0x3FAC];
	_ =	sdelay $0x3  }
0x34: {  	[smem:$0x3FAC] =	sst s10  }
0x35: {  	s10 =	sld [smem:$0x3FAB];
	_ =	sdelay $0x3  }
0x36: {  	p1 =	seq.s32 s10, $0x1;
	s10 =	sld [smem:$0x3FAC];
	_ =	sdelay $0x3  }
0x37: {  	[smem:$0x3FAC] =	sst s10  }
0x38: {  	s10 =	sld [smem:$0x3FAD]  }
0x39: {  	_ = 	snop;
	(pc) =	sbr.ind lr, $3  }
0x3a: {  	_ = 	snop  }
0x3b: {  	_ = 	snop  }
0x3c: {  	p2 =	seq.s32 s10, $0x1;
	s10 =	sld [smem:$0x3FAC]  }
0x3d: {  	_ =	shalt  }
0x3e: {  	_ =	shalt  }
0x3f: {  	_ =	shalt  }
0x40: {  	_ =	shalt  }
0x41: {  	_ =	shalt  }
0x42: {  	_ =	shalt  }
0x43: {  	_ =	shalt  }
0x44: {  	_ =	shalt  }
0x45: {  	_ =	shalt  }
0x46: {  	_ =	shalt  }
0x47: {  	_ =	shalt  }
0x48: {  	_ =	shalt  }
0x49: {  	_ =	shalt  }
0x4a: {  	_ =	shalt  }
0x4b: {  	_ =	shalt  }
0x4c: {  	_ =	shalt  }
0x4d: {  	_ =	shalt  }
0x4e: {  	_ =	shalt  }
0x4f: {  	_ =	shalt  }
0x50: {  	_ =	shalt  }
0x51: {  	_ =	shalt  }
0x52: {  	_ =	shalt  }
0x53: {  	_ =	shalt  }
0x54: {  	_ =	shalt  }
0x55: {  	_ =	shalt  }
0x56: {  	_ =	shalt  }
0x57: {  	_ =	shalt  }
0x58: {  	_ =	shalt  }
0x59: {  	_ =	shalt  }
0x5a: {  	_ =	shalt  }
0x5b: {  	_ =	shalt  }
0x5c: {  	_ =	shalt  }
0x5d: {  	_ =	shalt  }
0x5e: {  	_ =	shalt  }
0x5f: {  	_ =	shalt  }
0x60: {  	_ =	shalt  }
0x61: {  	_ =	shalt  }
0x62: {  	_ =	shalt  }
0x63: {  	_ =	shalt  }
0x64: {  	_ =	shalt  }
0x65: {  	_ =	shalt  }
0x66: {  	_ =	shalt  }
0x67: {  	_ =	shalt  }
0x68: {  	_ =	shalt  }
0x69: {  	_ =	shalt  }
0x6a: {  	_ =	shalt  }
0x6b: {  	_ =	shalt  }
0x6c: {  	_ =	shalt  }
0x6d: {  	_ =	shalt  }
0x6e: {  	_ =	shalt  }
0x6f: {  	_ =	shalt  }
0x70: {  	_ =	shalt  }
0x71: {  	_ =	shalt  }
0x72: {  	_ =	shalt  }
0x73: {  	_ =	shalt  }
0x74: {  	_ =	shalt  }
0x75: {  	_ =	shalt  }
0x76: {  	_ =	shalt  }
0x77: {  	_ =	shalt  }
0x78: {  	_ =	shalt  }
0x79: {  	_ =	shalt  }
0x7a: {  	_ =	shalt  }
0x7b: {  	_ =	shalt  }
0x7c: {  	_ =	shalt  }
0x7d: {  	_ =	shalt  }
0x7e: {  	_ =	shalt  }
0x7f: {  	_ =	shalt  }
0x80: {  	_ =	shalt  }
0x81: {  	_ =	shalt  }
0x82: {  	_ =	shalt  }
0x83: {  	_ =	shalt  }
0x84: {  	_ =	shalt  }
0x85: {  	_ =	shalt  }
0x86: {  	_ =	shalt  }
0x87: {  	_ =	shalt  }
.Lfunc_end0:
.L_simem_size_0:
called_computation_lowered:
.L_overlay_start_0:
0x88: {  	s2 =	sld [smem:$0x3FD9]  }
0x89: {  	s3 =	sld [smem:$0x3FFE];
	_ =	sdelay $0x1  }
0x8a: {  	s1 =	srdreg.scid  }
0x8b: {  	s0 =	sand.u32 $0x1, s1  }
0x8c: {  	s16 =	sshll.u32 s0, $0xA;
	s2 =	sadd.s32 s3, s2  }
0x8d: {  	s2 =	sadd.s32 s2, s16  }
0x8e: {  	[smem:$0x3FB8] =	sst s2  }
0x8f: {  	_ = 	snop  }
0x90: {  	(tm) =	ssettm $0x1  }
0x91: {  	s17 =	sld [smem:$0x3FFB];
	_ =	sdelay $0x3  }
0x92: {  	_ =	strace s17  }
0x93: {  	s2 =	sld [smem:$0x3FFC];
	_ =	sdelay $0x3  }
0x94: {  	_ =	strace s2  }
0x95: {  	s2 =	sld [smem:$0x3FFD];
	_ =	sdelay $0x3  }
0x96: {  	_ =	strace s2  }
0x97: {  	_ =	strace $0x8FFFFFFF  }
0x98: {  	s18 =	sld [smem:$0x3FDB];
	_ =	sdelay $0x1  }
0x99: {  	s19 =	simm.s32 $_scs_section_size  }
0x9a: {  	s4 =	simm.s32 $_size__tile_overlayer_lowered;
	s5 =	simm.s32 $_tile_overlayer_lowered  }
0x9b: {  	s22 =	simm.s32 $0x1BFF;
	s21 =	sshll.u32 s5, $0x1;
	s2 =	sadd.s32 s19, s18  }
0x9c: {  	s6 =	simm.s32 $0x0;
	s20 =	sshll.u32 s4, $0x1;
	s4 =	sadd.s32 s21, s2  }
0x9d: {  	[timem:s6], [sflag:s22] =	dma.local [hbm:s4], s20  }
0x9e: {  	_ =	swait.ge [sflag:s22], s20  }
0x9f: {  	s3 =	ssub.s32 $0x0, s20;
	[sflag:s22] =	ssyncset.done $0x0  }
0xa0: {  	[sflag:s22] =	ssyncadd.s32 s3;
	_ =	sdelay $0x1  }
0xa1: {  	s23 =	simm.s32 $0x1B8B  }
0xa2: {  	_ =	swait.ge [sflag:s23], $0x1  }
0xa3: {  	[sflag:s23] =	ssyncset.done $0x0  }
0xa4: {  	s25 =	simm.s32 $0x1B8E;
	s24 =	sld [smem:$0x3FFE];
	[sflag:s23] =	ssyncadd.s32 $0xFFFFFFFF  }
0xa5: {  	s26 =	simm.s32 $execute0_lowered;
	[smem:$0x3FD2] =	sst s25  }
0xa6: {  	s4 =	sshll.u32 s26, $0x1;
	_ =	strace $0x80000046;
	[dreg:$0x1] =	wrdreg $0xFFFFFFFF  }
0xa7: {  	s28 =	simm.s32 $_size_execute0_lowered;
	s2 =	sadd.s32 s2, s4;
	[dreg:$0x0] =	wrdreg $0x0  }
0xa8: {  	s4 =	sshll.u32 s28, $0x1;
	[dreg:$0x2] =	wrdreg s2  }
0xa9: {  	[dreg:$0x3] =	wrdreg s4  }
0xaa: {  	[dreg:$0x4] =	wrdreg $0xC0  }
0xab: {  	_ =	task [dreg:s6], $0x5FFFF  }
0xac: {  	[dreg:$0x1] =	wrdreg $0xFFFFFFFF  }
0xad: {  	[dreg:$0x0] =	wrdreg $0x60  }
0xae: {  	[dreg:$0x2] =	wrdreg s24  }
0xaf: {  	[dreg:$0x3] =	wrdreg $0x0  }
0xb0: {  	[dreg:$0x4] =	wrdreg $0x9  }
0xb1: {  	_ =	task.clear_ibuf [dreg:s6], $0x5FFFF;
	_ =	strace $0x90000046  }
0xb2: {  	s29 =	simm.s32 $0x9;
	_ =	strace $0x80000048  }
0xb3: {  	_ =	swait.ge [sflag:s29], $0x1  }
0xb4: {  	[sflag:s29] =	ssyncadd.s32 $0xFFFFFFFF  }
0xb5: {  	_ =	strace $0x90000048  }
0xb6: {  	_ =	sfence  }
0xb7: {  	s30 =	sld [smem:$0x0];
	_ =	sdelay $0x2  }
0xb8: {  	s31 =	sshll.u32 s1, $0xD;
	s1 =	sshrl.u32 s1, $0x2  }
0xb9: {  	s3 =	sand.u32 $0x4000, s31;
	s1 =	sadd.s32 s1, s30  }
0xba: {  	s0 =	sor.u32 s3, s0;
	s1 =	sshll.u32 s1, $0x11  }
0xbb: {  	s0 =	sor.u32 s1, s0  }
0xbc: {  	s0 =	sadd.s32 $0x8F2B, s0  }
0xbd: {  	[sflag:s0] =	ssyncadd.remote.s32 $0x1  }
0xbe: {  	_ =	sfence.sel $0xFFFF  }
0xbf: {  	[dreg:$0x0] =	wrdreg $0xFFFFFFFF;
	(pc) =	sbr.abs _section_cstart, $3  }
0xc0: {  	[dreg:$0x1] =	wrdreg $0xFFFFFFFF  }
0xc1: {  	_ =	task.clear_ibuf [dreg:s6], $0x2FFFF;
	_ =	strace $0x9FFFFFFF  }
0xc2: {  	(tm) =	ssettm $0x7FFFFFFF  }
0xc3: {  	_ =	shalt  }
tec
execute0_lowered:
.L_overlay_start_1:
0x0: {  	(tag) =	ssettag $0x1  }
0x1: {  	s0 =	rddreg [dreg:$0x0]  }
0x2: {  	s1 =	rddreg [dreg:$0x1]  }
0x3: {  	s2 =	simm.s32 $0x0;
	s3 =	srdreg.scid;
	s8 =	stileid.u32  }
0x4: {  	s31 =	simm.s32 $0x14000;
	s29 =	simm.s32 $0x16000;
	[smem:$0x7FF] =	sst s2  }
0x5: {  	s4 =	sadd.s32 $0x7AC00, s0;
	s5 =	sadd.s32 $0x2BC00, s0;
	s7 =	smul.u32 $0x50000, s8  }
0x6: {  	s6 =	sadd.s32 $0xCAC00, s0;
	s9 =	sadd.s32 $0x5BAC00, s0;
	s10 =	smul.u32 $0x4F00, s8  }
0x7: {  	s3 =	sand.u32 $0x1, s3;
	s0 =	sadd.s32 $0x5E2C00, s0;
	s11 =	smul.u32 $0x280, s8  }
0x8: {  	s12 =	smul.u32 $0x4F000, s8;
	_ =	strace $0x80000047;
	[dreg:$0x3] =	wrdreg s9  }
0x9: {  	s28 =	smul.u32 $0x13C, s8;
	s19 =	ssub.s32 $0x2, s3;
	[dreg:$0x4] =	wrdreg s0  }
0xa: {  	p0 =	sne.s32 s3, $0x0;
	p1 =	seq.s32 s3, $0x0;
	s20 =	sshrl.u32 s19, $0x1  }
0xb: {  	s21 =	sshrl.u32 s7, $0x2;
	s7 =	smul.u32 $0x2800, s3;
	s22 =	sor.u32 $0x40, s11  }
0xc: {  	s10 =	sadd.s32 s5, s10;
	s23 =	sadd.s32 s6, s12;
	s25 =	sadd.s32 $0x80, s11  }
0xd: {  	s30 =	sadd.s32 $0xC0, s11;
	s16 =	sadd.s32 $0x100, s11;
	[dreg:$0x6] =	wrdreg s10  }
0xe: {  	s0 =	ssub.s32 s19, s20;
	s15 =	sadd.s32 s21, s1;
	[dreg:$0x7] =	wrdreg s23  }
0xf: {  	s24 =	sshll.u32 s22, $0x7;
	s9 =	sshll.u32 s22, $0x4;
	s26 =	sshll.u32 s25, $0x7  }
0x10: {  	s13 =	sshll.u32 s25, $0x4;
	s14 =	sshll.u32 s30, $0x7;
	[dreg:$0x9] =	wrdreg s9  }
0x11: {  	s12 =	sshll.u32 s30, $0x4;
	s17 =	sshll.u32 s16, $0x7;
	[dreg:$0xb] =	wrdreg s13  }
0x12: {  	s10 =	sshll.u32 s16, $0x4;
	s19 =	sadd.s32 $0x180, s11;
	[dreg:$0xc] =	wrdreg s12  }
0x13: {  	s22 =	sadd.s32 $0x1C0, s11;
	s0 =	smax.u32 s0, $0x1;
	[dreg:$0xe] =	wrdreg s10  }
0x14: {  	s9 =	sadd.s32 s26, s1;
	s13 =	sadd.s32 $0x140, s11;
	[dreg:$0x5] =	wrdreg s15  }
0x15: {  	s12 =	sadd.s32 s17, s1;
	s21 =	sshll.u32 s19, $0x7;
	[dreg:$0x8] =	wrdreg s0  }
0x16: {  	s3 =	sshll.u32 s19, $0x4;
	s23 =	sshll.u32 s22, $0x7;
	[dreg:$0xa] =	wrdreg s9  }
0x17: {  	s19 =	sadd.s32 $0x4000, s15;
	s10 =	simm.s32 $0x18000;
	[dreg:$0xd] =	wrdreg s12  }
0x18: {  	s0 =	sadd.s32 s24, s1;
	s9 =	sadd.s32 s14, s1;
	[dreg:$0x11] =	wrdreg s3  }
0x19: {  	s14 =	sshll.u32 s13, $0x7;
	s20 =	sshll.u32 s13, $0x4;
	[dreg:$0x1c] =	wrdreg s19  }
0x1a: {  	s12 =	sadd.s32 s21, s1;
	s3 =	sadd.s32 s23, s1;
	[dreg:$0xf] =	wrdreg s20  }
0x1b: {  	s24 =	sadd.s32 $0x200, s11;
	s13 =	sshll.u32 s22, $0x4;
	[dreg:$0x10] =	wrdreg s12  }
0x1c: {  	s11 =	sadd.s32 $0x240, s11;
	s21 =	sadd.s32 $0x8000, s15;
	[dreg:$0x12] =	wrdreg s13  }
0x1d: {  	s22 =	sadd.s32 $0xA000, s15;
	s23 =	sadd.s32 $0xC000, s15;
	[dreg:$0x1e] =	wrdreg s21  }
0x1e: {  	s19 =	simm.s32 $0x1A400;
	s18 =	sadd.s32 s14, s1;
	[dreg:$0x1f] =	wrdreg s22  }
0x1f: {  	s25 =	sshll.u32 s24, $0x7;
	s12 =	sshll.u32 s24, $0x4;
	[smem:$0x7F9] =	sst s23  }
0x20: {  	s26 =	sshll.u32 s11, $0x7;
	s11 =	sshll.u32 s11, $0x4;
	[dreg:$0x14] =	wrdreg s12  }
0x21: {  	s0 =	sshrl.u32 s0, $0x3;
	s16 =	sshrl.u32 s3, $0x3;
	[dreg:$0x15] =	wrdreg s11  }
0x22: {  	s20 =	sadd.s32 $0x6000, s15;
	s24 =	sadd.s32 $0xE000, s15;
	[dreg:$0x16] =	wrdreg s0  }
0x23: {  	s22 =	simm.s32 $0x18200;
	s3 =	simm.s32 $0x18080;
	[dreg:$0x19] =	wrdreg s16  }
0x24: {  	s13 =	sadd.s32 s25, s1;
	s30 =	sadd.s32 s26, s1;
	[dreg:$0x1d] =	wrdreg s20  }
0x25: {  	s14 =	sshrl.u32 s18, $0x3;
	s11 =	sor.u32 $0x2, s28;
	[smem:$0x7FA] =	sst s24  }
0x26: {  	s18 =	sadd.s32 $0x2000, s15;
	s25 =	sadd.s32 $0x10000, s15;
	[dreg:$0x13] =	wrdreg s13  }
0x27: {  	s26 =	sadd.s32 $0x12000, s15;
	s0 =	simm.s32 $0x3;
	[dreg:$0x18] =	wrdreg s14  }
0x28: {  	s12 =	simm.s32 $0x18400;
	s16 =	simm.s32 $0x18100;
	[dreg:$0x1b] =	wrdreg s18  }
.Ltmp0:
0x29: {  	s15 =	simm.s32 $0x18280;
	[smem:$0x7FB] =	sst s25;
	(pc) =	sbr.rel .LBB2_1-.Ltmp0, $4  }
0x2a: {  	s13 =	sshrl.u32 s9, $0x3;
	s17 =	sshrl.u32 s30, $0x3;
	[smem:$0x7FC] =	sst s26  }
0x2b: {  	s30 =	smul.u32 $0x2800, s8;
	s25 =	simm.s32 $0x1;
	[dreg:$0x17] =	wrdreg s13  }
0x2c: {  	s14 =	simm.s32 $0x2;
	s8 =	simm.s32 $0x0;
	[dreg:$0x1a] =	wrdreg s17  }
0x2d: {  	v1 =	vimm.f32 $0.0e+00;
	v0 =	vmov s7;
	s13 =	simm.s32 $0x40;
	s17 =	simm.s32 $0x18300;
	[smem:$0x7FD] =	sst s30  }
.LBB2_19:
0x2e: {  	[bflag:$0x0] =	sbarrier.arrive $0xFFFF  }
0x2f: {  	s12 =	sld [smem:$0x7FD]  }
0x30: {  	s8 =	stileid.u32;
	s20 =	simm.s32 @p0 $0x3;
	s17 =	rddreg [dreg:$0x4]  }
0x31: {  	s23 =	simm.s32 @!p0 $0x4;
	s7 =	sshll.u32 @p0 s8, $0x6;
	s16 =	rddreg [dreg:$0x5]  }
0x32: {  	s21 =	sor.u32 @p0 $0x1C03, s7;
	s7 =	sshrl.u32 @p0 s16, $0x3;
	s9 =	sadd.s32 @p0 s17, s12  }
0x33: {  	[hbm:s9], [sflag:s21] =	dma.local @p0 [spmem:s7], $0x400  }
0x34: {  	s18 =	simm.s32 @!p0 $0x4;
	s7 =	sshll.u32 @!p0 s8, $0x6;
	_ =	swait.ge @p0 [sflag:s20], $0x400  }
0x35: {  	s24 =	sor.u32 @!p0 $0x1C04, s7;
	[sflag:s20] =	ssyncset.done @p0 $0x0;
	s30 =	rddreg [dreg:$0x3]  }
0x36: {  	s7 =	sshrl.u32 @!p0 s16, $0x3;
	[sflag:s20] =	ssyncadd.s32 @p0 $0xFFFFFC00;
	s9 =	sadd.s32 @!p0 s30, s12  }
0x37: {  	[hbm:s9], [sflag:s24] =	dma.local @!p0 [spmem:s7], $0x400  }
0x38: {  	s18 =	simm.s32 @p0 $0x3;
	s16 =	sshll.u32 s8, $0x6;
	s7 =	smov.u32 s30  }
0x39: {  	s9 =	sadd.s32 s18, s16;
	_ =	swait.ge @!p0 [sflag:s23], $0x400;
	s7 =	smov.u32 @p0 s17  }
0x3a: {  	s9 =	sadd.s32 $0x1C00, s9;
	[sflag:s23] =	ssyncset.done @!p0 $0x0;
	s26 =	rddreg [dreg:$0x9]  }
0x3b: {  	s12 =	rddreg [dreg:$0x16];
	[sflag:s23] =	ssyncadd.s32 @!p0 $0xFFFFFC00;
	s8 =	sadd.s32 s7, s26  }
0x3c: {  	[hbm:s8], [sflag:s9] =	dma.local [spmem:s12], $0x400  }
0x3d: {  	_ =	swait.ge [sflag:s18], $0x400  }
0x3e: {  	s12 =	rddreg [dreg:$0xb]  }
0x3f: {  	[sflag:s18] =	ssyncset.done $0x0;
	s26 =	rddreg [dreg:$0xa]  }
0x40: {  	[sflag:s18] =	ssyncadd.s32 $0xFFFFFC00;
	s16 =	sadd.s32 @p0 s17, s12;
	s8 =	sshrl.u32 @p0 s26, $0x3  }
0x41: {  	[hbm:s16], [sflag:s21] =	dma.local @p0 [spmem:s8], $0x400  }
0x42: {  	_ =	swait.ge @p0 [sflag:s20], $0x400  }
0x43: {  	[sflag:s20] =	ssyncset.done @p0 $0x0  }
0x44: {  	s8 =	sadd.s32 @!p0 s30, s12;
	s16 =	sshrl.u32 @!p0 s26, $0x3;
	[sflag:s20] =	ssyncadd.s32 @p0 $0xFFFFFC00  }
0x45: {  	[hbm:s8], [sflag:s24] =	dma.local @!p0 [spmem:s16], $0x400  }
0x46: {  	_ =	swait.ge @!p0 [sflag:s23], $0x400  }
0x47: {  	[sflag:s23] =	ssyncset.done @!p0 $0x0;
	s16 =	rddreg [dreg:$0xc]  }
0x48: {  	s26 =	rddreg [dreg:$0x17];
	[sflag:s23] =	ssyncadd.s32 @!p0 $0xFFFFFC00;
	s8 =	sadd.s32 s7, s16  }
0x49: {  	[hbm:s8], [sflag:s9] =	dma.local [spmem:s26], $0x400  }
0x4a: {  	_ =	swait.ge [sflag:s18], $0x400  }
0x4b: {  	s26 =	rddreg [dreg:$0xe]  }
0x4c: {  	[sflag:s18] =	ssyncset.done $0x0;
	s12 =	rddreg [dreg:$0xd]  }
0x4d: {  	[sflag:s18] =	ssyncadd.s32 $0xFFFFFC00;
	s8 =	sadd.s32 @p0 s17, s26;
	s16 =	sshrl.u32 @p0 s12, $0x3  }
0x4e: {  	[hbm:s8], [sflag:s21] =	dma.local @p0 [spmem:s16], $0x400  }
0x4f: {  	_ =	swait.ge @p0 [sflag:s20], $0x400  }
0x50: {  	[sflag:s20] =	ssyncset.done @p0 $0x0  }
0x51: {  	s8 =	sadd.s32 @!p0 s30, s26;
	s16 =	sshrl.u32 @!p0 s12, $0x3;
	[sflag:s20] =	ssyncadd.s32 @p0 $0xFFFFFC00  }
0x52: {  	[hbm:s8], [sflag:s24] =	dma.local @!p0 [spmem:s16], $0x400  }
0x53: {  	_ =	swait.ge @!p0 [sflag:s23], $0x400  }
0x54: {  	[sflag:s23] =	ssyncset.done @!p0 $0x0;
	s16 =	rddreg [dreg:$0xf]  }
0x55: {  	s26 =	rddreg [dreg:$0x18];
	[sflag:s23] =	ssyncadd.s32 @!p0 $0xFFFFFC00;
	s8 =	sadd.s32 s7, s16  }
0x56: {  	[hbm:s8], [sflag:s9] =	dma.local [spmem:s26], $0x400  }
0x57: {  	_ =	swait.ge [sflag:s18], $0x400  }
0x58: {  	s26 =	rddreg [dreg:$0x11]  }
0x59: {  	[sflag:s18] =	ssyncset.done $0x0;
	s12 =	rddreg [dreg:$0x10]  }
0x5a: {  	[sflag:s18] =	ssyncadd.s32 $0xFFFFFC00;
	s8 =	sadd.s32 @p0 s17, s26;
	s16 =	sshrl.u32 @p0 s12, $0x3  }
0x5b: {  	[hbm:s8], [sflag:s21] =	dma.local @p0 [spmem:s16], $0x400  }
0x5c: {  	_ =	swait.ge @p0 [sflag:s20], $0x400  }
0x5d: {  	[sflag:s20] =	ssyncset.done @p0 $0x0  }
0x5e: {  	s8 =	sadd.s32 @!p0 s30, s26;
	s16 =	sshrl.u32 @!p0 s12, $0x3;
	[sflag:s20] =	ssyncadd.s32 @p0 $0xFFFFFC00  }
0x5f: {  	[hbm:s8], [sflag:s24] =	dma.local @!p0 [spmem:s16], $0x400  }
0x60: {  	_ =	swait.ge @!p0 [sflag:s23], $0x400  }
0x61: {  	[sflag:s23] =	ssyncset.done @!p0 $0x0;
	s12 =	rddreg [dreg:$0x12]  }
0x62: {  	s16 =	rddreg [dreg:$0x19];
	[sflag:s23] =	ssyncadd.s32 @!p0 $0xFFFFFC00;
	s8 =	sadd.s32 s7, s12  }
0x63: {  	[hbm:s8], [sflag:s9] =	dma.local [spmem:s16], $0x400  }
0x64: {  	_ =	swait.ge [sflag:s18], $0x400  }
0x65: {  	s26 =	rddreg [dreg:$0x14]  }
0x66: {  	[sflag:s18] =	ssyncset.done $0x0;
	s12 =	rddreg [dreg:$0x13]  }
0x67: {  	[sflag:s18] =	ssyncadd.s32 $0xFFFFFC00;
	s8 =	sadd.s32 @p0 s17, s26;
	s16 =	sshrl.u32 @p0 s12, $0x3  }
0x68: {  	[hbm:s8], [sflag:s21] =	dma.local @p0 [spmem:s16], $0x400  }
0x69: {  	_ =	swait.ge @p0 [sflag:s20], $0x400  }
0x6a: {  	[sflag:s20] =	ssyncset.done @p0 $0x0  }
0x6b: {  	s8 =	sadd.s32 @!p0 s30, s26;
	s16 =	sshrl.u32 @!p0 s12, $0x3;
	[sflag:s20] =	ssyncadd.s32 @p0 $0xFFFFFC00  }
0x6c: {  	[hbm:s8], [sflag:s24] =	dma.local @!p0 [spmem:s16], $0x400  }
0x6d: {  	_ =	swait.ge @!p0 [sflag:s23], $0x400  }
0x6e: {  	[sflag:s23] =	ssyncset.done @!p0 $0x0  }
0x6f: {  	[sflag:s23] =	ssyncadd.s32 @!p0 $0xFFFFFC00;
	s23 =	rddreg [dreg:$0x15]  }
0x70: {  	s24 =	rddreg [dreg:$0x1a];
	s7 =	sadd.s32 s7, s23  }
0x71: {  	[hbm:s7], [sflag:s9] =	dma.local [spmem:s24], $0x400  }
0x72: {  	_ =	swait.ge [sflag:s18], $0x400  }
0x73: {  	s26 =	sld [smem:$0x7F8];
	_ =	sdelay $0x2  }
0x74: {  	s30 =	rddreg [dreg:$0x8];
	s8 =	sadd.s32 $0x1, s26  }
0x75: {  	p2 =	sne.s32 s8, s30  }
.Ltmp1:
0x76: {  	_ = 	snop;
	(pc) =	sbr.rel @!p2 .LBB2_20-.Ltmp1, $3  }
0x77: {  	_ =	sdelay $0x1  }
0x78: {  	s17 =	simm.s32 $0x18300;
	[sflag:s18] =	ssyncset.done $0x0  }
0x79: {  	s12 =	simm.s32 $0x18400;
	s16 =	simm.s32 $0x18100;
	[sflag:s18] =	ssyncadd.s32 $0xFFFFFC00  }
.LBB2_1:
0x7a: {  	[smem:$0x7F8] =	sst s8;
	s7 =	simm.s32 $0x0;
	s9 =	simm.s32 $0x200  }
.LBB2_2:
0x7b: {  	p2 =	sne.s32 s9, $0x7E00;
	[tilespmem:s7+$0x1A470] =	vst v1  }
0x7c: {  	[tilespmem:s7+$0x14000] =	vst v1  }
0x7d: {  	[tilespmem:s7+$0x1A400] =	vst v1  }
0x7e: {  	[tilespmem:s7+$0x14010] =	vst v1  }
0x7f: {  	[tilespmem:s7+$0x1A410] =	vst v1  }
0x80: {  	[tilespmem:s7+$0x14020] =	vst v1  }
0x81: {  	[tilespmem:s7+$0x1A420] =	vst v1  }
0x82: {  	[tilespmem:s7+$0x14030] =	vst v1  }
0x83: {  	[tilespmem:s7+$0x1A430] =	vst v1  }
0x84: {  	[tilespmem:s7+$0x14040] =	vst v1  }
0x85: {  	[tilespmem:s7+$0x1A440] =	vst v1  }
.Ltmp2:
0x86: {  	[tilespmem:s7+$0x14050] =	vst v1;
	(pc) =	sbr.rel @p2 .LBB2_2-.Ltmp2, $4  }
0x87: {  	[tilespmem:s7+$0x1A450] =	vst v1  }
0x88: {  	[tilespmem:s7+$0x14060] =	vst v1  }
0x89: {  	[tilespmem:s7+$0x1A460] =	vst v1  }
0x8a: {  	[tilespmem:s7+$0x14070] =	vst v1;
	s7 =	sshra.s32 s9, $0x2;
	s9 =	sadd.s32 $0x200, s9  }
0x8b: {  	[tilespmem:s7+$0x1A470] =	vst v1  }
0x8c: {  	[tilespmem:s7+$0x14000] =	vst v1  }
0x8d: {  	[tilespmem:s7+$0x1A400] =	vst v1  }
0x8e: {  	[tilespmem:s7+$0x14010] =	vst v1  }
0x8f: {  	[tilespmem:s7+$0x1A410] =	vst v1  }
0x90: {  	[tilespmem:s7+$0x14020] =	vst v1  }
0x91: {  	[tilespmem:s7+$0x1A420] =	vst v1  }
0x92: {  	[tilespmem:s7+$0x14030] =	vst v1  }
0x93: {  	[tilespmem:s7+$0x1A430] =	vst v1  }
0x94: {  	[tilespmem:s7+$0x14040] =	vst v1  }
0x95: {  	[tilespmem:s7+$0x1A440] =	vst v1  }
0x96: {  	[tilespmem:s7+$0x14050] =	vst v1  }
0x97: {  	[tilespmem:s7+$0x1A450] =	vst v1  }
0x98: {  	[tilespmem:s7+$0x14060] =	vst v1  }
0x99: {  	[tilespmem:s7+$0x1A460] =	vst v1  }
0x9a: {  	[tilespmem:s7+$0x14070] =	vst v1;
	s26 =	rddreg [dreg:$0x5]  }
0x9b: {  	[spmem:s26] =	stream.linear.scatter [tilespmem:s31], [sflag:$0x3], $0x2000, $0x38;
	[tilespmem:$0x1C400] =	vst v63  }
0x9c: {  	_ =	swait.ge [sflag:s0], $0x2000  }
0x9d: {  	[sflag:s0] =	ssyncset.done $0x0  }
0x9e: {  	s30 =	rddreg [dreg:$0x1b];
	[sflag:s0] =	ssyncadd.s32 $0xFFFFE000  }
0x9f: {  	[spmem:s30] =	stream.linear.scatter [tilespmem:s31], [sflag:$0x3], $0x2000, $0x38;
	[tilespmem:$0x1C400] =	vst v63  }
0xa0: {  	_ =	swait.ge [sflag:s0], $0x2000  }
0xa1: {  	[sflag:s0] =	ssyncset.done $0x0  }
0xa2: {  	s8 =	rddreg [dreg:$0x1c];
	[sflag:s0] =	ssyncadd.s32 $0xFFFFE000  }
0xa3: {  	[spmem:s8] =	stream.linear.scatter [tilespmem:s31], [sflag:$0x3], $0x2000, $0x38;
	[tilespmem:$0x1C400] =	vst v63  }
0xa4: {  	_ =	swait.ge [sflag:s0], $0x2000  }
0xa5: {  	[sflag:s0] =	ssyncset.done $0x0  }
0xa6: {  	s9 =	rddreg [dreg:$0x1d];
	[sflag:s0] =	ssyncadd.s32 $0xFFFFE000  }
0xa7: {  	[spmem:s9] =	stream.linear.scatter [tilespmem:s31], [sflag:$0x3], $0x2000, $0x38;
	[tilespmem:$0x1C400] =	vst v63  }
0xa8: {  	_ =	swait.ge [sflag:s0], $0x2000  }
0xa9: {  	[sflag:s0] =	ssyncset.done $0x0  }
0xaa: {  	s18 =	rddreg [dreg:$0x1e];
	[sflag:s0] =	ssyncadd.s32 $0xFFFFE000  }
0xab: {  	[spmem:s18] =	stream.linear.scatter [tilespmem:s31], [sflag:$0x3], $0x2000, $0x38;
	[tilespmem:$0x1C400] =	vst v63  }
0xac: {  	_ =	swait.ge [sflag:s0], $0x2000  }
0xad: {  	[sflag:s0] =	ssyncset.done $0x0  }
0xae: {  	s20 =	rddreg [dreg:$0x1f];
	[sflag:s0] =	ssyncadd.s32 $0xFFFFE000  }
0xaf: {  	[spmem:s20] =	stream.linear.scatter [tilespmem:s31], [sflag:$0x3], $0x2000, $0x38;
	[tilespmem:$0x1C400] =	vst v63  }
0xb0: {  	_ =	swait.ge [sflag:s0], $0x2000  }
0xb1: {  	s21 =	sld [smem:$0x7F9]  }
0xb2: {  	[sflag:s0] =	ssyncset.done $0x0  }
0xb3: {  	[sflag:s0] =	ssyncadd.s32 $0xFFFFE000  }
0xb4: {  	[spmem:s21] =	stream.linear.scatter [tilespmem:s31], [sflag:$0x3], $0x2000, $0x38;
	[tilespmem:$0x1C400] =	vst v63  }
0xb5: {  	_ =	swait.ge [sflag:s0], $0x2000  }
0xb6: {  	s23 =	sld [smem:$0x7FA]  }
0xb7: {  	[sflag:s0] =	ssyncset.done $0x0  }
0xb8: {  	[sflag:s0] =	ssyncadd.s32 $0xFFFFE000  }
0xb9: {  	[spmem:s23] =	stream.linear.scatter [tilespmem:s31], [sflag:$0x3], $0x2000, $0x38;
	[tilespmem:$0x1C400] =	vst v63  }
0xba: {  	_ =	swait.ge [sflag:s0], $0x2000  }
0xbb: {  	s24 =	sld [smem:$0x7FB]  }
0xbc: {  	[sflag:s0] =	ssyncset.done $0x0  }
0xbd: {  	[sflag:s0] =	ssyncadd.s32 $0xFFFFE000  }
0xbe: {  	[spmem:s24] =	stream.linear.scatter [tilespmem:s31], [sflag:$0x3], $0x2000, $0x38;
	[tilespmem:$0x1C400] =	vst v63  }
0xbf: {  	_ =	swait.ge [sflag:s0], $0x2000  }
0xc0: {  	s26 =	sld [smem:$0x7FC]  }
0xc1: {  	[sflag:s0] =	ssyncset.done $0x0  }
0xc2: {  	[sflag:s0] =	ssyncadd.s32 $0xFFFFE000  }
0xc3: {  	[spmem:s26] =	stream.linear.scatter [tilespmem:s31], [sflag:$0x3], $0x2000, $0x38;
	[tilespmem:$0x1C400] =	vst v63  }
0xc4: {  	_ =	swait.ge [sflag:s0], $0x2000  }
0xc5: {  	[sflag:s0] =	ssyncset.done $0x0  }
0xc6: {  	[sflag:s0] =	ssyncadd.s32 $0xFFFFE000  }
0xc7: {  	[bflag:$0x0] =	sbarrier.arrive $0xFFFF  }
.Ltmp3:
0xc8: {  	s30 =	rddreg [dreg:$0x6];
	(pc) =	sbr.rel @p0 .LBB2_7-.Ltmp3, $4  }
0xc9: {  	[tilespmem:s10], [sflag:$0x3] =	stream.linear.gather [hbm4b:s30+s2], $0x180, $0x38;
	[tilespmem:$0x1C400] =	vst v63  }
0xca: {  	_ =	swait.ge [sflag:s0], $0x180  }
0xcb: {  	[sflag:s0] =	ssyncset.done $0x0  }
0xcc: {  	[sflag:s0] =	ssyncadd.s32 $0xFFFFFE80  }
0xcd: {  	s7 =	simm.s32 $0x0;
	s8 =	rddreg [dreg:$0x7]  }
0xce: {  	[tilespmem:s12], [sflag:$0x3] =	stream.linear.gather [hbm4b:s8+s7], $0x2000, $0x38;
	[tilespmem:$0x1C400] =	vst v63  }
0xcf: {  	_ =	swait.ge [sflag:s0], $0x2000  }
0xd0: {  	[sflag:s0] =	ssyncset.done $0x0  }
0xd1: {  	s7 =	simm.s32 $0x0;
	[sflag:s0] =	ssyncadd.s32 $0xFFFFE000  }
0xd2: {  	v2 =	vld [tilespmem:s7+$0x18580]  }
0xd3: {  	v3 =	vld [tilespmem:s7+$0x18400]  }
0xd4: {  	v4 =	vld [tilespmem:s7+$0x18480]  }
0xd5: {  	s9 =	simm.s32 $0x800;
	v5 =	vld [tilespmem:s7+$0x18500]  }
.LBB2_5:
0xd6: {  	p2 =	sne.s32 s9, $0x7800  }
.Ltmp4:
0xd7: {  	s18 =	sshra.s32 s9, $0x2;
	s9 =	sadd.s32 $0x800, s9;
	[tilespmem:s7+$0x1A5F0] =	vst v2;
	(pc) =	sbr.rel @p2 .LBB2_5-.Ltmp4, $4  }
0xd8: {  	v2 =	vld [tilespmem:s18+$0x18580];
	[tilespmem:s7+$0x1A470] =	vst v3  }
0xd9: {  	v3 =	vld [tilespmem:s18+$0x18400];
	[tilespmem:s7+$0x1A4F0] =	vst v4  }
0xda: {  	v4 =	vld [tilespmem:s18+$0x18480];
	[tilespmem:s7+$0x1A570] =	vst v5;
	s7 =	smov.u32 s18  }
0xdb: {  	v5 =	vld [tilespmem:s7+$0x18500]  }
0xdc: {  	_ = 	snop  }
0xdd: {  	[tilespmem:s7+$0x1A5F0] =	vst v2  }
0xde: {  	[tilespmem:s7+$0x1A470] =	vst v3  }
0xdf: {  	[tilespmem:s7+$0x1A4F0] =	vst v4  }
0xe0: {  	[tilespmem:s7+$0x1A570] =	vst v5  }
0xe1: {  	[spmem:s1] =	stream.indirect.scatter.add.f32 [tilespmem:s19], [sflag:$0x3], $0x80, s16, s13, $0xb8;
	[tilespmem:$0x1C400] =	vst v63  }
0xe2: {  	_ =	swait.ge [sflag:s0], $0x2000  }
0xe3: {  	[sflag:s0] =	ssyncset.done $0x0  }
0xe4: {  	[sflag:s0] =	ssyncadd.s32 $0xFFFFE000  }
.LBB2_7:
0xe5: {  	v2 =	vld [tilespmem:$0x18000]  }
0xe6: {  	v3 =	vld [tilespmem:$0x18010]  }
0xe7: {  	v4 =	vld [tilespmem:$0x18020]  }
0xe8: {  	v5 =	vld [tilespmem:$0x18030];
	_ =	sdelay $0x1  }
0xe9: {  	v2 =	vadd.s32 v0, v2  }
.Ltmp5:
0xea: {  	[tilespmem:$0x18000] =	vst v2;
	v2 =	vadd.s32 v0, v3;
	(pc) =	sbr.rel .LBB2_8-.Ltmp5, $4  }
0xeb: {  	[tilespmem:$0x18010] =	vst v2;
	v2 =	vadd.s32 v0, v4  }
0xec: {  	[tilespmem:$0x18020] =	vst v2;
	v2 =	vadd.s32 v0, v5  }
0xed: {  	s18 =	simm.s32 $0x0;
	[tilespmem:$0x18030] =	vst v2  }
0xee: {  	[tilespmem:s31], [sflag:$0x1] =	stream.indirect.gather [hbm4b:s4+s13], $0x80, s10, s13, $0xb8;
	[tilespmem:$0x1C400] =	vst v63  }
.LBB2_17:
0xef: {  	v2 =	vld [tilespmem:$0x18000]  }
0xf0: {  	v3 =	vld [tilespmem:$0x18010]  }
0xf1: {  	v4 =	vld [tilespmem:$0x18020]  }
0xf2: {  	v5 =	vld [tilespmem:$0x18030];
	_ =	sdelay $0x1  }
0xf3: {  	v2 =	vadd.s32 v0, v2  }
0xf4: {  	[tilespmem:$0x18000] =	vst v2;
	v2 =	vadd.s32 v0, v3  }
0xf5: {  	[tilespmem:$0x18010] =	vst v2;
	v2 =	vadd.s32 v0, v4  }
0xf6: {  	[tilespmem:$0x18020] =	vst v2;
	v2 =	vadd.s32 v0, v5  }
0xf7: {  	[tilespmem:$0x18030] =	vst v2  }
0xf8: {  	[tilespmem:s31], [sflag:$0x1] =	stream.indirect.gather [hbm4b:s4+s13], $0x80, s10, s13, $0xb8;
	[tilespmem:$0x1C400] =	vst v63  }
.LBB2_18:
0xf9: {  	_ =	swait.ge [sflag:s14], $0x2000;
	s18 =	sadd.s32 $0x1, s18  }
0xfa: {  	[sflag:s14] =	ssyncset.done $0x0;
	p2 =	sne.s32 s18, $0x9E  }
.Ltmp6:
0xfb: {  	[sflag:s14] =	ssyncadd.s32 $0xFFFFE000;
	(pc) =	sbr.rel @!p2 .LBB2_19-.Ltmp6, $4  }
0xfc: {  	[spmem:s1] =	stream.indirect.scatter.add.f32 [tilespmem:s29], [sflag:$0x3], $0x80, s15, s13, $0xb8;
	[tilespmem:$0x1C400] =	vst v63  }
0xfd: {  	_ =	swait.ge [sflag:s0], $0x2000  }
0xfe: {  	[sflag:s0] =	ssyncset.done $0x0  }
0xff: {  	[sflag:s0] =	ssyncadd.s32 $0xFFFFE000  }
.LBB2_8:
0x100: {  	s21 =	sshll.u32 s18, $0x1  }
0x101: {  	s7 =	sadd.s32 s21, s28  }
0x102: {  	s7 =	sadd.s32 $0x1, s7  }
0x103: {  	s9 =	sshll.u32 s7, $0x6  }
0x104: {  	s9 =	sadd.s32 s5, s9  }
0x105: {  	[tilespmem:s22], [sflag:$0x3] =	stream.linear.gather [hbm4b:s9+s2], $0x180, $0x38;
	[tilespmem:$0x1C400] =	vst v63  }
0x106: {  	p2 =	sgt.u32 s18, $0x4E;
	s20 =	simm.s32 $0x1;
	s9 =	simm.s32 $0x1  }
0x107: {  	s20 =	simm.s32 @!p1 $0x0;
	s9 =	simm.s32 @!p2 $0x0  }
0x108: {  	p2 =	seq.s32 s20, s9  }
.Ltmp7:
0x109: {  	_ = 	snop;
	(pc) =	sbr.rel @p2 .LBB2_12-.Ltmp7, $4  }
0x10a: {  	_ = 	snop  }
0x10b: {  	_ =	swait.ge [sflag:s0], $0x180  }
0x10c: {  	[sflag:s0] =	ssyncset.done $0x0  }
0x10d: {  	[sflag:s0] =	ssyncadd.s32 $0xFFFFFE80  }
0x10e: {  	s7 =	sshll.u32 s7, $0xA  }
0x10f: {  	s9 =	simm.s32 $0x0;
	s7 =	sadd.s32 s6, s7  }
0x110: {  	[tilespmem:s12], [sflag:$0x3] =	stream.linear.gather [hbm4b:s7+s9], $0x2000, $0x38;
	[tilespmem:$0x1C400] =	vst v63  }
0x111: {  	_ =	swait.ge [sflag:s0], $0x2000  }
0x112: {  	[sflag:s0] =	ssyncset.done $0x0  }
0x113: {  	s7 =	simm.s32 $0x0;
	[sflag:s0] =	ssyncadd.s32 $0xFFFFE000  }
0x114: {  	v2 =	vld [tilespmem:s7+$0x18580]  }
0x115: {  	v3 =	vld [tilespmem:s7+$0x18400]  }
0x116: {  	v4 =	vld [tilespmem:s7+$0x18480]  }
0x117: {  	s9 =	simm.s32 $0x800;
	v5 =	vld [tilespmem:s7+$0x18500]  }
.LBB2_10:
0x118: {  	p2 =	sne.s32 s9, $0x7800  }
.Ltmp8:
0x119: {  	s23 =	sshra.s32 s9, $0x2;
	s9 =	sadd.s32 $0x800, s9;
	[tilespmem:s7+$0x1A5F0] =	vst v2;
	(pc) =	sbr.rel @p2 .LBB2_10-.Ltmp8, $4  }
0x11a: {  	v2 =	vld [tilespmem:s23+$0x18580];
	[tilespmem:s7+$0x1A470] =	vst v3  }
0x11b: {  	v3 =	vld [tilespmem:s23+$0x18400];
	[tilespmem:s7+$0x1A4F0] =	vst v4  }
0x11c: {  	v4 =	vld [tilespmem:s23+$0x18480];
	[tilespmem:s7+$0x1A570] =	vst v5;
	s7 =	smov.u32 s23  }
0x11d: {  	v5 =	vld [tilespmem:s7+$0x18500]  }
0x11e: {  	_ = 	snop  }
0x11f: {  	[tilespmem:s7+$0x1A5F0] =	vst v2  }
0x120: {  	[tilespmem:s7+$0x1A470] =	vst v3  }
0x121: {  	[tilespmem:s7+$0x1A4F0] =	vst v4  }
0x122: {  	[tilespmem:s7+$0x1A570] =	vst v5  }
0x123: {  	[spmem:s1] =	stream.indirect.scatter.add.f32 [tilespmem:s19], [sflag:$0x3], $0x80, s17, s13, $0xb8;
	[tilespmem:$0x1C400] =	vst v63  }
0x124: {  	_ =	swait.ge [sflag:s0], $0x2000  }
0x125: {  	[sflag:s0] =	ssyncset.done $0x0  }
0x126: {  	[sflag:s0] =	ssyncadd.s32 $0xFFFFE000  }
.LBB2_12:
0x127: {  	v2 =	vld [tilespmem:$0x18200]  }
0x128: {  	v3 =	vld [tilespmem:$0x18210]  }
0x129: {  	v4 =	vld [tilespmem:$0x18220]  }
0x12a: {  	v5 =	vld [tilespmem:$0x18230];
	_ =	sdelay $0x1  }
0x12b: {  	v2 =	vadd.s32 v0, v2  }
0x12c: {  	[tilespmem:$0x18200] =	vst v2;
	v2 =	vadd.s32 v0, v3  }
0x12d: {  	[tilespmem:$0x18210] =	vst v2;
	v2 =	vadd.s32 v0, v4  }
0x12e: {  	[tilespmem:$0x18220] =	vst v2;
	v2 =	vadd.s32 v0, v5  }
0x12f: {  	[tilespmem:$0x18230] =	vst v2  }
0x130: {  	[tilespmem:s29], [sflag:$0x2] =	stream.indirect.gather [hbm4b:s4+s13], $0x80, s22, s13, $0xb8;
	[tilespmem:$0x1C400] =	vst v63  }
0x131: {  	_ =	swait.ge [sflag:s25], $0x2000  }
0x132: {  	p2 =	seq.s32 s18, $0x9D;
	[sflag:s25] =	ssyncset.done $0x0  }
.Ltmp9:
0x133: {  	[sflag:s25] =	ssyncadd.s32 $0xFFFFE000;
	(pc) =	sbr.rel @p2 .LBB2_18-.Ltmp9, $4  }
0x134: {  	[spmem:s1] =	stream.indirect.scatter.add.f32 [tilespmem:s31], [sflag:$0x3], $0x80, s3, s13, $0xb8;
	[tilespmem:$0x1C400] =	vst v63  }
0x135: {  	_ =	swait.ge [sflag:s0], $0x2000  }
0x136: {  	[sflag:s0] =	ssyncset.done $0x0  }
0x137: {  	[sflag:s0] =	ssyncadd.s32 $0xFFFFE000  }
0x138: {  	s7 =	sadd.s32 s21, s11  }
0x139: {  	s9 =	sshll.u32 s7, $0x6  }
0x13a: {  	s9 =	sadd.s32 s5, s9  }
0x13b: {  	[tilespmem:s10], [sflag:$0x3] =	stream.linear.gather [hbm4b:s9+s2], $0x180, $0x38;
	[tilespmem:$0x1C400] =	vst v63  }
0x13c: {  	p2 =	sgt.u32 s18, $0x4D;
	s9 =	simm.s32 $0x1  }
0x13d: {  	s9 =	simm.s32 @!p2 $0x0  }
0x13e: {  	p2 =	seq.s32 s20, s9  }
.Ltmp10:
0x13f: {  	_ = 	snop;
	(pc) =	sbr.rel @p2 .LBB2_17-.Ltmp10, $4  }
0x140: {  	_ = 	snop  }
0x141: {  	_ =	swait.ge [sflag:s0], $0x180  }
0x142: {  	[sflag:s0] =	ssyncset.done $0x0  }
0x143: {  	[sflag:s0] =	ssyncadd.s32 $0xFFFFFE80  }
0x144: {  	s7 =	sshll.u32 s7, $0xA  }
0x145: {  	s9 =	simm.s32 $0x0;
	s7 =	sadd.s32 s6, s7  }
0x146: {  	[tilespmem:s12], [sflag:$0x3] =	stream.linear.gather [hbm4b:s7+s9], $0x2000, $0x38;
	[tilespmem:$0x1C400] =	vst v63  }
0x147: {  	_ =	swait.ge [sflag:s0], $0x2000  }
0x148: {  	[sflag:s0] =	ssyncset.done $0x0  }
0x149: {  	s7 =	simm.s32 $0x0;
	[sflag:s0] =	ssyncadd.s32 $0xFFFFE000  }
0x14a: {  	v2 =	vld [tilespmem:s7+$0x18580]  }
0x14b: {  	v3 =	vld [tilespmem:s7+$0x18400]  }
0x14c: {  	v4 =	vld [tilespmem:s7+$0x18480]  }
0x14d: {  	s9 =	simm.s32 $0x800;
	v5 =	vld [tilespmem:s7+$0x18500]  }
.LBB2_15:
0x14e: {  	p2 =	sne.s32 s9, $0x7800  }
.Ltmp11:
0x14f: {  	s20 =	sshra.s32 s9, $0x2;
	s9 =	sadd.s32 $0x800, s9;
	[tilespmem:s7+$0x1A5F0] =	vst v2;
	(pc) =	sbr.rel @p2 .LBB2_15-.Ltmp11, $4  }
0x150: {  	v2 =	vld [tilespmem:s20+$0x18580];
	[tilespmem:s7+$0x1A470] =	vst v3  }
0x151: {  	v3 =	vld [tilespmem:s20+$0x18400];
	[tilespmem:s7+$0x1A4F0] =	vst v4  }
0x152: {  	v4 =	vld [tilespmem:s20+$0x18480];
	[tilespmem:s7+$0x1A570] =	vst v5;
	s7 =	smov.u32 s20  }
0x153: {  	v5 =	vld [tilespmem:s7+$0x18500]  }
0x154: {  	_ = 	snop  }
0x155: {  	[tilespmem:s7+$0x1A5F0] =	vst v2  }
0x156: {  	[tilespmem:s7+$0x1A470] =	vst v3  }
0x157: {  	[tilespmem:s7+$0x1A4F0] =	vst v4  }
.Ltmp12:
0x158: {  	[tilespmem:s7+$0x1A570] =	vst v5;
	(pc) =	sbr.rel .LBB2_17-.Ltmp12, $4  }
0x159: {  	[spmem:s1] =	stream.indirect.scatter.add.f32 [tilespmem:s19], [sflag:$0x3], $0x80, s16, s13, $0xb8;
	[tilespmem:$0x1C400] =	vst v63  }
0x15a: {  	_ =	swait.ge [sflag:s0], $0x2000  }
0x15b: {  	[sflag:s0] =	ssyncset.done $0x0  }
0x15c: {  	[sflag:s0] =	ssyncadd.s32 $0xFFFFE000  }
.LBB2_20:
0x15d: {  	_ =	sfence.sel $0x180000  }
0x15e: {  	[bflag:$0x0] =	sbarrier.arrive $0xFFFF  }
0x15f: {  	_ =	strace $0x90000047  }
0x160: {  	s0 =	stileid.u32;
	[bflag:$0x2] =	sbarrier.arrive $0xFFFF  }
0x161: {  	p0 =	sne.s32 s0, $0x0;
	s0 =	rddreg [dreg:$0x2]  }
0x162: {  	s0 =	sadd.s32 @!p0 $0x100000, s0  }
0x163: {  	[sflag:s0] =	ssyncadd.tile.s32 @!p0 $0x1;
	_ =	shalt  }
.Lfunc_end2:
_tile_overlayer_lowered:
.L_overlay_start_2:
0x164: {  	(tag) =	ssettag $0x2  }
0x165: {  	s0 =	rddreg [dreg:$0x0];
	s2 =	stileid.u32  }
0x166: {  	s1 =	rddreg [dreg:$0x1];
	p0 =	sne.s32 s2, $0x0  }
0x167: {  	s3 =	rddreg [dreg:$0x2];
	[bflag:$0x3] =	sbarrier.arrive $0xFFFF;
	s2 =	simm.s32 @!p0 $0x1C03  }
0x168: {  	[timem:s3], [sflag:s2] =	dma.local @!p0 [hbm:s0], s1  }
0x169: {  	s0 =	simm.s32 @!p0 $0x3  }
0x16a: {  	_ =	swait.ge @!p0 [sflag:s0], s1  }
0x16b: {  	s1 =	ssub.s32 @!p0 $0x0, s1;
	[sflag:s0] =	ssyncset.done @!p0 $0x0  }
0x16c: {  	[sflag:s0] =	ssyncadd.s32 @!p0 s1  }
0x16d: {  	[bflag:$0x3] =	sbarrier.arrive $0xFFFF  }
0x16e: {  	_ =	shalt  }

</sc_bundles>
